<compile_context>
chip_gen: v7x
topology: tpu7x:2x2x1
jax: 0.10.2.dev20260603
libtpu: 0.0.44.dev20260713+nightly
codegen_flags: <defaults>
</compile_context>

<pallas_src>
import functools

import jax
import jax.numpy as jnp
from jax import lax
from jax.experimental import pallas as pl
from jax.experimental.pallas import tpu as pltpu
from jax.experimental.pallas import tpu_sc as plsc

NN = 10000
EE = 320000
DD = 128
HH = 64

NC = 2
NS = 16
NW = NC * NS
N_PAD = 10240
SL = N_PAD // NS
CW = 128
NCHUNK = EE // CW
CH_LO = NCHUNK // NW
NHI = NCHUNK - NW * CH_LO
CH_BUF = CH_LO + 1

_SC_MESH = plsc.VectorSubcoreMesh(core_axis_name="c", subcore_axis_name="s")
_SC_PARAMS = pltpu.CompilerParams(use_tc_tiling_on_sc=False)


@functools.partial(
    pl.kernel,
    out_type=jax.ShapeDtypeStruct((NC, N_PAD, 16), jnp.float32),
    mesh=_SC_MESH,
    compiler_params=_SC_PARAMS,
    scratch_types=[
        pltpu.VMEM((CH_BUF, CW), jnp.int32),
        pltpu.VMEM((CW, 16), jnp.float32),
        pltpu.VMEM_SHARED((N_PAD, 16), jnp.float32),
        pltpu.SemaphoreType.DMA,
    ],
)
def _deg_kernel(e3_hbm, ones_hbm, zeros_hbm, out_hbm, dstv, onesv, acc, ssem):
    c = lax.axis_index("c")
    s = lax.axis_index("s")
    wid = c * NS + s
    base = CH_LO * wid + jnp.maximum(wid - (NW - NHI), 0)
    nch = CH_LO + jnp.where(wid >= NW - NHI, 1, 0)
    pltpu.sync_copy(e3_hbm.at[1, pl.ds(base, CH_BUF)], dstv)
    pltpu.sync_copy(ones_hbm, onesv)
    pltpu.sync_copy(zeros_hbm, acc.at[pl.ds(s * SL, SL)])
    plsc.subcore_barrier()

    LAG = 16

    def ss(j):
        pltpu.async_copy(onesv, acc.at[dstv.at[j]], ssem, add=True)

    def sw(j):
        pltpu.make_async_copy(onesv, acc.at[dstv.at[j]], ssem).wait()

    for j in range(LAG):
        ss(j)

    def body(k, carry):
        ss(k + LAG)
        sw(k)
        return carry

    lax.fori_loop(0, nch - LAG, body, 0)
    for t in range(LAG):
        sw(nch - LAG + t)
    plsc.subcore_barrier()
    pltpu.sync_copy(acc.at[pl.ds(s * SL, SL)], out_hbm.at[c, pl.ds(s * SL, SL)])


def _make_agg(write_dinvp):
    out_types = [
        jax.ShapeDtypeStruct((NC, N_PAD, HH), jnp.float32),
        jax.ShapeDtypeStruct((NC, N_PAD, HH), jnp.float32),
    ]
    scratch = [
        pltpu.VMEM((CH_BUF, CW), jnp.int32),
        pltpu.VMEM((CH_BUF, CW), jnp.int32),
        pltpu.VMEM((4, CW, HH), jnp.float32),
        pltpu.VMEM((2, 128, HH), jnp.float32),
        pltpu.VMEM((2, 128, 16), jnp.float32),
        pltpu.VMEM_SHARED((N_PAD, HH), jnp.float32),
        pltpu.SemaphoreType.DMA,
        pltpu.SemaphoreType.DMA,
    ]
    if write_dinvp:
        out_types = out_types + [jax.ShapeDtypeStruct((N_PAD, HH), jnp.float32)]
        scratch = scratch + [pltpu.VMEM((128, HH), jnp.float32)]
    return pl.kernel(
        functools.partial(_agg_body, write_dinvp),
        out_type=out_types,
        mesh=_SC_MESH,
        compiler_params=_SC_PARAMS,
        scratch_types=scratch,
    )


def _agg_body(write_dinvp, u_hbm, dinv_hbm, e3_hbm, zeros_hbm, out_hbm,
              ytmp_hbm, *rest):
    if write_dinvp:
        dinvp_hbm, srcv, dstv, rows, ybuf, dbuf, acc, gsem, ssem, dpbuf = rest
    else:
        srcv, dstv, rows, ybuf, dbuf, acc, gsem, ssem = rest
    c = lax.axis_index("c")
    s = lax.axis_index("s")
    wid = c * NS + s
    base = CH_LO * wid + jnp.maximum(wid - (NW - NHI), 0)
    nch = CH_LO + jnp.where(wid >= NW - NHI, 1, 0)
    pltpu.sync_copy(e3_hbm.at[0, pl.ds(base, CH_BUF)], srcv)
    pltpu.sync_copy(e3_hbm.at[1, pl.ds(base, CH_BUF)], dstv)

    NT = SL // 128

    def p1_load(t):
        r0 = s * SL + t * 128
        b = t % 2
        pltpu.async_copy(u_hbm.at[pl.ds(r0, 128)], ybuf.at[b], gsem)
        pltpu.async_copy(dinv_hbm.at[pl.ds(r0, 128)], dbuf.at[b], gsem)

    def p1_wait(t):
        r0 = s * SL + t * 128
        b = t % 2
        pltpu.make_async_copy(u_hbm.at[pl.ds(r0, 128)], ybuf.at[b], gsem).wait()
        pltpu.make_async_copy(dinv_hbm.at[pl.ds(r0, 128)], dbuf.at[b], gsem).wait()

    p1_load(0)
    for t in range(NT):
        b = t % 2
        r0 = s * SL + t * 128
        if t + 1 < NT:
            p1_load(t + 1)
        p1_wait(t)

        def scale_row(i, carry, b=b):
            dv = dbuf[b, i, :]
            for q in range(HH // 16):
                ybuf[b, i, pl.ds(q * 16, 16)] = ybuf[b, i, pl.ds(q * 16, 16)] * dv
                if write_dinvp:
                    dpbuf[i, pl.ds(q * 16, 16)] = dv
            return carry

        lax.fori_loop(0, 128, scale_row, 0)
        pltpu.sync_copy(ybuf.at[b], ytmp_hbm.at[c, pl.ds(r0, 128)])

        @pl.when(c == 0)
        def _(b=b, r0=r0):
            pltpu.sync_copy(ybuf.at[b], acc.at[pl.ds(r0, 128)])
            if write_dinvp:
                pltpu.sync_copy(dpbuf, dinvp_hbm.at[pl.ds(r0, 128)])

    @pl.when(c != 0)
    def _():
        pltpu.sync_copy(zeros_hbm, acc.at[pl.ds(s * SL, SL)])

    plsc.subcore_barrier()

    def gs(j):
        pltpu.async_copy(ytmp_hbm.at[c].at[srcv.at[j]], rows.at[lax.rem(j, 4)],
                         gsem)

    def gw(j):
        pltpu.make_async_copy(
            ytmp_hbm.at[c].at[srcv.at[j]], rows.at[lax.rem(j, 4)], gsem).wait()

    def ss(j):
        pltpu.async_copy(rows.at[lax.rem(j, 4)], acc.at[dstv.at[j]], ssem,
                         add=True)

    def sw(j):
        pltpu.make_async_copy(
            rows.at[lax.rem(j, 4)], acc.at[dstv.at[j]], ssem).wait()

    gs(0)
    gs(1)
    gw(0)
    ss(0)
    gs(2)
    gw(1)
    ss(1)
    gs(3)

    def body(k, carry):
        j = k + 2
        gw(j)
        ss(j)
        sw(j - 2)
        gs(j + 2)
        return carry

    lax.fori_loop(0, nch - 4, body, 0)
    for t in range(2):
        j = nch - 2 + t
        gw(j)
        ss(j)
        sw(j - 2)
    sw(nch - 2)
    sw(nch - 1)
    plsc.subcore_barrier()

    pltpu.sync_copy(acc.at[pl.ds(s * SL, SL)], out_hbm.at[c, pl.ds(s * SL, SL)])


_agg1 = _make_agg(True)
_agg2 = _make_agg(False)


R = 5120
GRID = N_PAD // R
RP = R // 2


def _blockdiag2(w):
    a, b = w.shape
    z = jnp.zeros((a, b), w.dtype)
    return jnp.concatenate(
        [jnp.concatenate([w, z], axis=1), jnp.concatenate([z, w], axis=1)],
        axis=0)


def _t1_body(x_ref, w1_ref, dp_ref, u_ref, dinv_ref):
    dp = dp_ref[...]
    deg = dp[0] + dp[1] + 1.0
    dinv_ref[...] = lax.rsqrt(deg)
    u_ref[...] = jnp.dot(x_ref[...], w1_ref[...],
                         preferred_element_type=jnp.float32)


_t1 = pl.pallas_call(
    _t1_body,
    grid=(GRID,),
    in_specs=[
        pl.BlockSpec((RP, 2 * DD), lambda i: (i, 0)),
        pl.BlockSpec((2 * DD, 2 * HH), lambda i: (0, 0)),
        pl.BlockSpec((NC, R // 8, 128), lambda i: (0, i, 0)),
    ],
    out_specs=[
        pl.BlockSpec((RP, 2 * HH), lambda i: (i, 0)),
        pl.BlockSpec((R // 8, 128), lambda i: (i, 0)),
    ],
    out_shape=[
        jax.ShapeDtypeStruct((N_PAD // 2, 2 * HH), jnp.float32),
        jax.ShapeDtypeStruct((N_PAD // 8, 128), jnp.float32),
    ],
)


def _t2_body(q_ref, dp_ref, b1_ref, w2_ref, u2_ref):
    q = q_ref[...]
    h = jnp.maximum((q[0] + q[1]) * dp_ref[...] + b1_ref[...], 0.0)
    u2_ref[...] = jnp.dot(h, w2_ref[...], preferred_element_type=jnp.float32)


_t2 = pl.pallas_call(
    _t2_body,
    grid=(GRID,),
    in_specs=[
        pl.BlockSpec((NC, RP, 2 * HH), lambda i: (0, i, 0)),
        pl.BlockSpec((RP, 2 * HH), lambda i: (i, 0)),
        pl.BlockSpec((1, 2 * HH), lambda i: (0, 0)),
        pl.BlockSpec((2 * HH, 2 * HH), lambda i: (0, 0)),
    ],
    out_specs=pl.BlockSpec((RP, 2 * HH), lambda i: (i, 0)),
    out_shape=jax.ShapeDtypeStruct((N_PAD // 2, 2 * HH), jnp.float32),
)


def _t3_body(q_ref, dp_ref, b2_ref, fw1_ref, fb1_ref, fw2_ref, fb2_ref,
             fw3_ref, fb3_ref, out_ref):
    q = q_ref[...]
    h = jnp.maximum((q[0] + q[1]) * dp_ref[...] + b2_ref[...], 0.0)
    h = jnp.maximum(
        jnp.dot(h, fw1_ref[...], preferred_element_type=jnp.float32) + fb1_ref[...], 0.0)
    h = jnp.maximum(
        jnp.dot(h, fw2_ref[...], preferred_element_type=jnp.float32) + fb2_ref[...], 0.0)
    out_t = lax.dot_general(fw3_ref[...], h, (((0,), (1,)), ((), ())),
                            preferred_element_type=jnp.float32)
    out_ref[...] = out_t + fb3_ref[...]


_t3 = pl.pallas_call(
    _t3_body,
    grid=(GRID,),
    in_specs=[
        pl.BlockSpec((NC, RP, 2 * HH), lambda i: (0, i, 0)),
        pl.BlockSpec((RP, 2 * HH), lambda i: (i, 0)),
        pl.BlockSpec((1, 2 * HH), lambda i: (0, 0)),
        pl.BlockSpec((2 * HH, 2 * HH), lambda i: (0, 0)),
        pl.BlockSpec((1, 2 * HH), lambda i: (0, 0)),
        pl.BlockSpec((2 * HH, 2 * HH), lambda i: (0, 0)),
        pl.BlockSpec((1, 2 * HH), lambda i: (0, 0)),
        pl.BlockSpec((2 * HH, 8), lambda i: (0, 0)),
        pl.BlockSpec((8, 1), lambda i: (0, 0)),
    ],
    out_specs=pl.BlockSpec((8, RP), lambda i: (0, i)),
    out_shape=jax.ShapeDtypeStruct((8, N_PAD // 2), jnp.float32),
)


def kernel(x, edge_index, W1, b1, W2, b2, fW1, fb1, fW2, fb2, fW3, fb3):
    xp = jnp.pad(x, ((0, N_PAD - NN), (0, 0))).reshape(N_PAD // 2, 2 * DD)
    e3 = edge_index.reshape(2, NCHUNK, CW)
    ones16 = jnp.ones((CW, 16), jnp.float32)
    z16 = jnp.zeros((SL, 16), jnp.float32)
    z64 = jnp.zeros((SL, HH), jnp.float32)

    W1d = _blockdiag2(W1)
    W2d = _blockdiag2(W2)
    fW1d = _blockdiag2(fW1)
    fW2d = _blockdiag2(fW2)
    b1_2 = jnp.concatenate([b1, b1]).reshape(1, 2 * HH)
    b2_2 = jnp.concatenate([b2, b2]).reshape(1, 2 * HH)
    fb1_2 = jnp.concatenate([fb1, fb1]).reshape(1, 2 * HH)
    fb2_2 = jnp.concatenate([fb2, fb2]).reshape(1, 2 * HH)
    fW3d = jnp.zeros((2 * HH, 8), jnp.float32)
    fW3d = fW3d.at[:HH, 0:1].set(fW3).at[HH:, 1:2].set(fW3)
    fb3d = jnp.zeros((8, 1), jnp.float32).at[0:2, 0].set(fb3[0])

    degp = _deg_kernel(e3, ones16, z16)
    u1p, dinv8 = _t1(xp, W1d, degp.reshape(NC, N_PAD // 8, 128))
    dinv16 = dinv8.reshape(N_PAD, 16)
    q1, _yt1, dinvp = _agg1(u1p.reshape(N_PAD, HH), dinv16, e3, z64)
    dpk = dinvp.reshape(N_PAD // 2, 2 * HH)
    u2p = _t2(q1.reshape(NC, N_PAD // 2, 2 * HH), dpk, b1_2, W2d)
    q2, _yt2 = _agg2(u2p.reshape(N_PAD, HH), dinv16, e3, z64)
    outt = _t3(q2.reshape(NC, N_PAD // 2, 2 * HH), dpk, b2_2, fW1d, fb1_2,
               fW2d, fb2_2, fW3d, fb3d)
    out = jnp.stack([outt[0], outt[1]], axis=-1).reshape(N_PAD)
    return out[:NN]

# --- scband reference (transcript-rebuilt; emitter-appended) ---
"""Pipeline reference for scband-gnnactor-90701119357780 (READ-ONLY COPY).

The authoritative reference and input builder live on the scoring server;
editing this copy changes nothing except your own understanding.
"""

import jax, jax.numpy as jnp
import numpy as np

N = 10000
E = 320000
D = 128
H = 64
A = 1


def _init_linear(key, fan_in, fan_out):
    kw, kb = jax.random.split(key)
    lim = 1.0 / np.sqrt(fan_in)
    W = jax.random.uniform(kw, (fan_in, fan_out), minval=-lim, maxval=lim, dtype=jnp.float32)
    b = jax.random.uniform(kb, (fan_out,), minval=-lim, maxval=lim, dtype=jnp.float32)
    return W, b


def setup_inputs(seed: int = 0) -> dict:
    key = jax.random.key(seed)
    ks = jax.random.split(key, 8)
    x = jax.random.normal(ks[0], (N, D), dtype=jnp.float32)
    edge_index = jax.random.randint(ks[1], (2, E), 0, N, dtype=jnp.int32)
    W1, b1 = _init_linear(ks[2], D, H)
    W2, b2 = _init_linear(ks[3], H, H)
    fW1, fb1 = _init_linear(ks[4], H, H)
    fW2, fb2 = _init_linear(ks[5], H, H)
    fW3, fb3 = _init_linear(ks[6], H, A)
    return {"x": x, "edge_index": edge_index,
            "W1": W1, "b1": b1, "W2": W2, "b2": b2,
            "fW1": fW1, "fb1": fb1, "fW2": fW2, "fb2": fb2,
            "fW3": fW3, "fb3": fb3}


def _gcn_conv(x, edge_index, W, b):
    # Faithful PyG GCNConv: add self loops, symmetric normalization, scatter-add aggregation at dst.
    n = x.shape[0]
    loop = jnp.arange(n, dtype=edge_index.dtype)
    src = jnp.concatenate([edge_index[0], loop])
    dst = jnp.concatenate([edge_index[1], loop])
    deg = jnp.zeros((n,), dtype=x.dtype).at[dst].add(1.0)
    dinv = jnp.where(deg > 0, 1.0 / jnp.sqrt(deg), 0.0)
    norm = dinv[src] * dinv[dst]
    xw = x @ W
    msg = xw[src] * norm[:, None]
    out = jnp.zeros((n, W.shape[1]), dtype=x.dtype).at[dst].add(msg)
    return out + b


def reference(x, edge_index, W1, b1, W2, b2, fW1, fb1, fW2, fb2, fW3, fb3):
    h = jax.nn.relu(_gcn_conv(x, edge_index, W1, b1))
    h = jax.nn.relu(_gcn_conv(h, edge_index, W2, b2))
    h = jax.nn.relu(h @ fW1 + fb1)
    h = jax.nn.relu(h @ fW2 + fb2)
    action_value = (h @ fW3 + fb3).squeeze(-1)
    return action_value

if __name__ == "__main__":
    import jax
    _d = setup_inputs()
    print(jax.jit(kernel)(*tuple(_d.values())))

</pallas_src>

<mosaic_0001>
#map = affine_map<(d0, d1) -> (0, 0)>
#map1 = affine_map<(d0, d1) -> (0, 0, 0)>
module attributes {stable_mosaic.version = 14 : i64} {
  func.func @_agg_body(%arg0: i32, %arg1: i32, %arg2: memref<10240x64xf32, #tpu.memory_space<hbm>>, %arg3: memref<10240x16xf32, #tpu.memory_space<hbm>>, %arg4: memref<2x2500x128xi32, #tpu.memory_space<hbm>>, %arg5: memref<640x64xf32, #tpu.memory_space<hbm>>, %arg6: memref<2x10240x64xf32, #tpu.memory_space<hbm>>, %arg7: memref<2x10240x64xf32, #tpu.memory_space<hbm>>, %arg8: memref<10240x64xf32, #tpu.memory_space<hbm>>, %arg9: memref<79x128xi32, #tpu.memory_space<vmem>>, %arg10: memref<79x128xi32, #tpu.memory_space<vmem>>, %arg11: memref<4x128x64xf32, #tpu.memory_space<vmem>>, %arg12: memref<2x128x64xf32, #tpu.memory_space<vmem>>, %arg13: memref<2x128x16xf32, #tpu.memory_space<vmem>>, %arg14: memref<10240x64xf32, #tpu.memory_space<vmem_shared>>, %arg15: memref<!tpu.dma_semaphore, #tpu.memory_space<semaphore_mem>>, %arg16: memref<!tpu.dma_semaphore, #tpu.memory_space<semaphore_mem>>, %arg17: memref<128x64xf32, #tpu.memory_space<vmem>>) attributes {dimension_semantics = [#tpu.dimension_semantics<core_parallel>, #tpu.dimension_semantics<subcore_parallel>], iteration_bounds = array<i64: 2, 16>, scalar_prefetch = 0 : i64, scratch_operands = 9 : i64, tpu.core_type = #tpu.core_type<sc_vector_subcore>, window_params = [{transform_indices = #map}, {transform_indices = #map}, {transform_indices = #map1}, {transform_indices = #map}, {transform_indices = #map1}, {transform_indices = #map1}, {transform_indices = #map}]} {
    %mul3A = arith.constant 16 : i32
    %mul3A_0 = arith.muli %arg0, %mul3A : i32
    %add3A = arith.addi %mul3A_0, %arg1 : i32
    %mul3A_1 = arith.constant 78 : i32
    %mul3A_2 = arith.muli %mul3A_1, %add3A : i32
    %sub3A = arith.constant 28 : i32
    %sub3A_3 = arith.subi %add3A, %sub3A : i32
    %max3A = arith.constant 0 : i32
    %max3A_4 = arith.maxsi %sub3A_3, %max3A : i32
    %add3A_5 = arith.addi %mul3A_2, %max3A_4 : i32
    %ge3A = arith.constant 28 : i32
    %ge3A_6 = arith.cmpi sge, %add3A, %ge3A : i32
    %jit3A = arith.constant 1 : i32
    %jit3A_7 = arith.constant 0 : i32
    %select_n3A = arith.select %ge3A_6, %jit3A, %jit3A_7 : i32
    %add3A_8 = arith.constant 78 : i32
    %add3A_9 = arith.addi %add3A_8, %select_n3A : i32
    %run_scoped3A = arith.constant 0 : i32
    "tpu.region"() ({
      %run_scoped3A_660 = tpu.sem_alloc : memref<!tpu.dma_semaphore, #tpu.memory_space<semaphore_mem>>
      %dma_start3A_661 = arith.constant 0 : i32
      %dma_start3A_662 = tpu.memref_slice %arg4[%run_scoped3A, %add3A_5, %dma_start3A_661] : memref<2x2500x128xi32, #tpu.memory_space<hbm>> -> memref<1x79x128xi32, #tpu.memory_space<hbm>>
      %dma_start3A_663 = tpu.memref_squeeze %dma_start3A_662 : memref<1x79x128xi32, #tpu.memory_space<hbm>> -> memref<79x128xi32, #tpu.memory_space<hbm>>
      %dma_start3A_664 = arith.constant 0 : i32
      %dma_start3A_665 = tpu.memref_slice %arg4[%run_scoped3A, %add3A_5, %dma_start3A_664] : memref<2x2500x128xi32, #tpu.memory_space<hbm>> -> memref<1x79x128xi32, #tpu.memory_space<hbm>>
      %dma_start3A_666 = tpu.memref_squeeze %dma_start3A_665 : memref<1x79x128xi32, #tpu.memory_space<hbm>> -> memref<79x128xi32, #tpu.memory_space<hbm>>
      tpu.enqueue_dma source(%dma_start3A_666 : memref<79x128xi32, #tpu.memory_space<hbm>>) target(%arg9 : memref<79x128xi32, #tpu.memory_space<vmem>>) target_semaphore(%run_scoped3A_660 : memref<!tpu.dma_semaphore, #tpu.memory_space<semaphore_mem>>)
      %dma_wait3A_667 = arith.constant 0 : i32
      %dma_wait3A_668 = tpu.memref_slice %arg4[%run_scoped3A, %add3A_5, %dma_wait3A_667] : memref<2x2500x128xi32, #tpu.memory_space<hbm>> -> memref<1x79x128xi32, #tpu.memory_space<hbm>>
      %dma_wait3A_669 = tpu.memref_squeeze %dma_wait3A_668 : memref<1x79x128xi32, #tpu.memory_space<hbm>> -> memref<79x128xi32, #tpu.memory_space<hbm>>
      %dma_wait3A_670 = arith.constant 0 : i32
      %dma_wait3A_671 = tpu.memref_slice %arg4[%run_scoped3A, %add3A_5, %dma_wait3A_670] : memref<2x2500x128xi32, #tpu.memory_space<hbm>> -> memref<1x79x128xi32, #tpu.memory_space<hbm>>
      %dma_wait3A_672 = tpu.memref_squeeze %dma_wait3A_671 : memref<1x79x128xi32, #tpu.memory_space<hbm>> -> memref<79x128xi32, #tpu.memory_space<hbm>>
      tpu.wait_dma2 semaphore(%run_scoped3A_660 : memref<!tpu.dma_semaphore, #tpu.memory_space<semaphore_mem>>) src(%dma_wait3A_672 : memref<79x128xi32, #tpu.memory_space<hbm>>) dst(%arg9 : memref<79x128xi32, #tpu.memory_space<vmem>>)
      tpu.yield
    }) : () -> ()
    %run_scoped3A_10 = arith.constant 1 : i32
    "tpu.region"() ({
      %run_scoped3A_660 = tpu.sem_alloc : memref<!tpu.dma_semaphore, #tpu.memory_space<semaphore_mem>>
      %dma_start3A_661 = arith.constant 0 : i32
      %dma_start3A_662 = tpu.memref_slice %arg4[%run_scoped3A_10, %add3A_5, %dma_start3A_661] : memref<2x2500x128xi32, #tpu.memory_space<hbm>> -> memref<1x79x128xi32, #tpu.memory_space<hbm>>
      %dma_start3A_663 = tpu.memref_squeeze %dma_start3A_662 : memref<1x79x128xi32, #tpu.memory_space<hbm>> -> memref<79x128xi32, #tpu.memory_space<hbm>>
      %dma_start3A_664 = arith.constant 0 : i32
      %dma_start3A_665 = tpu.memref_slice %arg4[%run_scoped3A_10, %add3A_5, %dma_start3A_664] : memref<2x2500x128xi32, #tpu.memory_space<hbm>> -> memref<1x79x128xi32, #tpu.memory_space<hbm>>
      %dma_start3A_666 = tpu.memref_squeeze %dma_start3A_665 : memref<1x79x128xi32, #tpu.memory_space<hbm>> -> memref<79x128xi32, #tpu.memory_space<hbm>>
      tpu.enqueue_dma source(%dma_start3A_666 : memref<79x128xi32, #tpu.memory_space<hbm>>) target(%arg10 : memref<79x128xi32, #tpu.memory_space<vmem>>) target_semaphore(%run_scoped3A_660 : memref<!tpu.dma_semaphore, #tpu.memory_space<semaphore_mem>>)
      %dma_wait3A_667 = arith.constant 0 : i32
      %dma_wait3A_668 = tpu.memref_slice %arg4[%run_scoped3A_10, %add3A_5, %dma_wait3A_667] : memref<2x2500x128xi32, #tpu.memory_space<hbm>> -> memref<1x79x128xi32, #tpu.memory_space<hbm>>
      %dma_wait3A_669 = tpu.memref_squeeze %dma_wait3A_668 : memref<1x79x128xi32, #tpu.memory_space<hbm>> -> memref<79x128xi32, #tpu.memory_space<hbm>>
      %dma_wait3A_670 = arith.constant 0 : i32
      %dma_wait3A_671 = tpu.memref_slice %arg4[%run_scoped3A_10, %add3A_5, %dma_wait3A_670] : memref<2x2500x128xi32, #tpu.memory_space<hbm>> -> memref<1x79x128xi32, #tpu.memory_space<hbm>>
      %dma_wait3A_672 = tpu.memref_squeeze %dma_wait3A_671 : memref<1x79x128xi32, #tpu.memory_space<hbm>> -> memref<79x128xi32, #tpu.memory_space<hbm>>
      tpu.wait_dma2 semaphore(%run_scoped3A_660 : memref<!tpu.dma_semaphore, #tpu.memory_space<semaphore_mem>>) src(%dma_wait3A_672 : memref<79x128xi32, #tpu.memory_space<hbm>>) dst(%arg10 : memref<79x128xi32, #tpu.memory_space<vmem>>)
      tpu.yield
    }) : () -> ()
    %mul3A_11 = arith.constant 640 : i32
    %mul3A_12 = arith.muli %arg1, %mul3A_11 : i32
    %add3A_13 = arith.constant 0 : i32
    %add3A_14 = arith.addi %mul3A_12, %add3A_13 : i32
    %dma_start3A = arith.constant 0 : i32
    %dma_start3A_15 = arith.constant 0 : i32
    %dma_start3A_16 = arith.constant 0 : i32
    %dma_start3A_17 = tpu.memref_slice %arg12[%dma_start3A, %dma_start3A_15, %dma_start3A_16] : memref<2x128x64xf32, #tpu.memory_space<vmem>> -> memref<1x128x64xf32, #tpu.memory_space<vmem>>
    %dma_start3A_18 = tpu.memref_squeeze %dma_start3A_17 : memref<1x128x64xf32, #tpu.memory_space<vmem>> -> memref<128x64xf32, #tpu.memory_space<vmem>>
    %dma_start3A_19 = arith.constant 0 : i32
    %dma_start3A_20 = tpu.memref_slice %arg2[%add3A_14, %dma_start3A_19] : memref<10240x64xf32, #tpu.memory_space<hbm>> -> memref<128x64xf32, #tpu.memory_space<hbm>>
    %dma_start3A_21 = arith.constant 0 : i32
    %dma_start3A_22 = arith.constant 0 : i32
    %dma_start3A_23 = tpu.memref_slice %arg12[%dma_start3A, %dma_start3A_21, %dma_start3A_22] : memref<2x128x64xf32, #tpu.memory_space<vmem>> -> memref<1x128x64xf32, #tpu.memory_space<vmem>>
    %dma_start3A_24 = tpu.memref_squeeze %dma_start3A_23 : memref<1x128x64xf32, #tpu.memory_space<vmem>> -> memref<128x64xf32, #tpu.memory_space<vmem>>
    %dma_start3A_25 = arith.constant 0 : i32
    %dma_start3A_26 = tpu.memref_slice %arg2[%add3A_14, %dma_start3A_25] : memref<10240x64xf32, #tpu.memory_space<hbm>> -> memref<128x64xf32, #tpu.memory_space<hbm>>
    tpu.enqueue_dma source(%dma_start3A_26 : memref<128x64xf32, #tpu.memory_space<hbm>>) target(%dma_start3A_24 : memref<128x64xf32, #tpu.memory_space<vmem>>) target_semaphore(%arg15 : memref<!tpu.dma_semaphore, #tpu.memory_space<semaphore_mem>>)
    %dma_start3A_27 = arith.constant 0 : i32
    %dma_start3A_28 = arith.constant 0 : i32
    %dma_start3A_29 = arith.constant 0 : i32
    %dma_start3A_30 = tpu.memref_slice %arg13[%dma_start3A_27, %dma_start3A_28, %dma_start3A_29] : memref<2x128x16xf32, #tpu.memory_space<vmem>> -> memref<1x128x16xf32, #tpu.memory_space<vmem>>
    %dma_start3A_31 = tpu.memref_squeeze %dma_start3A_30 : memref<1x128x16xf32, #tpu.memory_space<vmem>> -> memref<128x16xf32, #tpu.memory_space<vmem>>
    %dma_start3A_32 = arith.constant 0 : i32
    %dma_start3A_33 = tpu.memref_slice %arg3[%add3A_14, %dma_start3A_32] : memref<10240x16xf32, #tpu.memory_space<hbm>> -> memref<128x16xf32, #tpu.memory_space<hbm>>
    %dma_start3A_34 = arith.constant 0 : i32
    %dma_start3A_35 = arith.constant 0 : i32
    %dma_start3A_36 = tpu.memref_slice %arg13[%dma_start3A_27, %dma_start3A_34, %dma_start3A_35] : memref<2x128x16xf32, #tpu.memory_space<vmem>> -> memref<1x128x16xf32, #tpu.memory_space<vmem>>
    %dma_start3A_37 = tpu.memref_squeeze %dma_start3A_36 : memref<1x128x16xf32, #tpu.memory_space<vmem>> -> memref<128x16xf32, #tpu.memory_space<vmem>>
    %dma_start3A_38 = arith.constant 0 : i32
    %dma_start3A_39 = tpu.memref_slice %arg3[%add3A_14, %dma_start3A_38] : memref<10240x16xf32, #tpu.memory_space<hbm>> -> memref<128x16xf32, #tpu.memory_space<hbm>>
    tpu.enqueue_dma source(%dma_start3A_39 : memref<128x16xf32, #tpu.memory_space<hbm>>) target(%dma_start3A_37 : memref<128x16xf32, #tpu.memory_space<vmem>>) target_semaphore(%arg15 : memref<!tpu.dma_semaphore, #tpu.memory_space<semaphore_mem>>)
    %mul3A_40 = arith.constant 640 : i32
    %mul3A_41 = arith.muli %arg1, %mul3A_40 : i32
    %add3A_42 = arith.constant 0 : i32
    %add3A_43 = arith.addi %mul3A_41, %add3A_42 : i32
    %mul3A_44 = arith.constant 640 : i32
    %mul3A_45 = arith.muli %arg1, %mul3A_44 : i32
    %add3A_46 = arith.constant 128 : i32
    %add3A_47 = arith.addi %mul3A_45, %add3A_46 : i32
    %dma_start3A_48 = arith.constant 1 : i32
    %dma_start3A_49 = arith.constant 0 : i32
    %dma_start3A_50 = arith.constant 0 : i32
    %dma_start3A_51 = tpu.memref_slice %arg12[%dma_start3A_48, %dma_start3A_49, %dma_start3A_50] : memref<2x128x64xf32, #tpu.memory_space<vmem>> -> memref<1x128x64xf32, #tpu.memory_space<vmem>>
    %dma_start3A_52 = tpu.memref_squeeze %dma_start3A_51 : memref<1x128x64xf32, #tpu.memory_space<vmem>> -> memref<128x64xf32, #tpu.memory_space<vmem>>
    %dma_start3A_53 = arith.constant 0 : i32
    %dma_start3A_54 = tpu.memref_slice %arg2[%add3A_47, %dma_start3A_53] : memref<10240x64xf32, #tpu.memory_space<hbm>> -> memref<128x64xf32, #tpu.memory_space<hbm>>
    %dma_start3A_55 = arith.constant 0 : i32
    %dma_start3A_56 = arith.constant 0 : i32
    %dma_start3A_57 = tpu.memref_slice %arg12[%dma_start3A_48, %dma_start3A_55, %dma_start3A_56] : memref<2x128x64xf32, #tpu.memory_space<vmem>> -> memref<1x128x64xf32, #tpu.memory_space<vmem>>
    %dma_start3A_58 = tpu.memref_squeeze %dma_start3A_57 : memref<1x128x64xf32, #tpu.memory_space<vmem>> -> memref<128x64xf32, #tpu.memory_space<vmem>>
    %dma_start3A_59 = arith.constant 0 : i32
    %dma_start3A_60 = tpu.memref_slice %arg2[%add3A_47, %dma_start3A_59] : memref<10240x64xf32, #tpu.memory_space<hbm>> -> memref<128x64xf32, #tpu.memory_space<hbm>>
    tpu.enqueue_dma source(%dma_start3A_60 : memref<128x64xf32, #tpu.memory_space<hbm>>) target(%dma_start3A_58 : memref<128x64xf32, #tpu.memory_space<vmem>>) target_semaphore(%arg15 : memref<!tpu.dma_semaphore, #tpu.memory_space<semaphore_mem>>)
    %dma_start3A_61 = arith.constant 1 : i32
    %dma_start3A_62 = arith.constant 0 : i32
    %dma_start3A_63 = arith.constant 0 : i32
    %dma_start3A_64 = tpu.memref_slice %arg13[%dma_start3A_61, %dma_start3A_62, %dma_start3A_63] : memref<2x128x16xf32, #tpu.memory_space<vmem>> -> memref<1x128x16xf32, #tpu.memory_space<vmem>>
    %dma_start3A_65 = tpu.memref_squeeze %dma_start3A_64 : memref<1x128x16xf32, #tpu.memory_space<vmem>> -> memref<128x16xf32, #tpu.memory_space<vmem>>
    %dma_start3A_66 = arith.constant 0 : i32
    %dma_start3A_67 = tpu.memref_slice %arg3[%add3A_47, %dma_start3A_66] : memref<10240x16xf32, #tpu.memory_space<hbm>> -> memref<128x16xf32, #tpu.memory_space<hbm>>
    %dma_start3A_68 = arith.constant 0 : i32
    %dma_start3A_69 = arith.constant 0 : i32
    %dma_start3A_70 = tpu.memref_slice %arg13[%dma_start3A_61, %dma_start3A_68, %dma_start3A_69] : memref<2x128x16xf32, #tpu.memory_space<vmem>> -> memref<1x128x16xf32, #tpu.memory_space<vmem>>
    %dma_start3A_71 = tpu.memref_squeeze %dma_start3A_70 : memref<1x128x16xf32, #tpu.memory_space<vmem>> -> memref<128x16xf32, #tpu.memory_space<vmem>>
    %dma_start3A_72 = arith.constant 0 : i32
    %dma_start3A_73 = tpu.memref_slice %arg3[%add3A_47, %dma_start3A_72] : memref<10240x16xf32, #tpu.memory_space<hbm>> -> memref<128x16xf32, #tpu.memory_space<hbm>>
    tpu.enqueue_dma source(%dma_start3A_73 : memref<128x16xf32, #tpu.memory_space<hbm>>) target(%dma_start3A_71 : memref<128x16xf32, #tpu.memory_space<vmem>>) target_semaphore(%arg15 : memref<!tpu.dma_semaphore, #tpu.memory_space<semaphore_mem>>)
    %mul3A_74 = arith.constant 640 : i32
    %mul3A_75 = arith.muli %arg1, %mul3A_74 : i32
    %add3A_76 = arith.constant 0 : i32
    %add3A_77 = arith.addi %mul3A_75, %add3A_76 : i32
    %dma_wait3A = arith.constant 0 : i32
    %dma_wait3A_78 = arith.constant 0 : i32
    %dma_wait3A_79 = arith.constant 0 : i32
    %dma_wait3A_80 = tpu.memref_slice %arg12[%dma_wait3A, %dma_wait3A_78, %dma_wait3A_79] : memref<2x128x64xf32, #tpu.memory_space<vmem>> -> memref<1x128x64xf32, #tpu.memory_space<vmem>>
    %dma_wait3A_81 = tpu.memref_squeeze %dma_wait3A_80 : memref<1x128x64xf32, #tpu.memory_space<vmem>> -> memref<128x64xf32, #tpu.memory_space<vmem>>
    %dma_wait3A_82 = arith.constant 0 : i32
    %dma_wait3A_83 = tpu.memref_slice %arg2[%add3A_77, %dma_wait3A_82] : memref<10240x64xf32, #tpu.memory_space<hbm>> -> memref<128x64xf32, #tpu.memory_space<hbm>>
    %dma_wait3A_84 = arith.constant 0 : i32
    %dma_wait3A_85 = arith.constant 0 : i32
    %dma_wait3A_86 = tpu.memref_slice %arg12[%dma_wait3A, %dma_wait3A_84, %dma_wait3A_85] : memref<2x128x64xf32, #tpu.memory_space<vmem>> -> memref<1x128x64xf32, #tpu.memory_space<vmem>>
    %dma_wait3A_87 = tpu.memref_squeeze %dma_wait3A_86 : memref<1x128x64xf32, #tpu.memory_space<vmem>> -> memref<128x64xf32, #tpu.memory_space<vmem>>
    %dma_wait3A_88 = arith.constant 0 : i32
    %dma_wait3A_89 = tpu.memref_slice %arg2[%add3A_77, %dma_wait3A_88] : memref<10240x64xf32, #tpu.memory_space<hbm>> -> memref<128x64xf32, #tpu.memory_space<hbm>>
    tpu.wait_dma2 semaphore(%arg15 : memref<!tpu.dma_semaphore, #tpu.memory_space<semaphore_mem>>) src(%dma_wait3A_89 : memref<128x64xf32, #tpu.memory_space<hbm>>) dst(%dma_wait3A_87 : memref<128x64xf32, #tpu.memory_space<vmem>>)
    %dma_wait3A_90 = arith.constant 0 : i32
    %dma_wait3A_91 = arith.constant 0 : i32
    %dma_wait3A_92 = arith.constant 0 : i32
    %dma_wait3A_93 = tpu.memref_slice %arg13[%dma_wait3A_90, %dma_wait3A_91, %dma_wait3A_92] : memref<2x128x16xf32, #tpu.memory_space<vmem>> -> memref<1x128x16xf32, #tpu.memory_space<vmem>>
    %dma_wait3A_94 = tpu.memref_squeeze %dma_wait3A_93 : memref<1x128x16xf32, #tpu.memory_space<vmem>> -> memref<128x16xf32, #tpu.memory_space<vmem>>
    %dma_wait3A_95 = arith.constant 0 : i32
    %dma_wait3A_96 = tpu.memref_slice %arg3[%add3A_77, %dma_wait3A_95] : memref<10240x16xf32, #tpu.memory_space<hbm>> -> memref<128x16xf32, #tpu.memory_space<hbm>>
    %dma_wait3A_97 = arith.constant 0 : i32
    %dma_wait3A_98 = arith.constant 0 : i32
    %dma_wait3A_99 = tpu.memref_slice %arg13[%dma_wait3A_90, %dma_wait3A_97, %dma_wait3A_98] : memref<2x128x16xf32, #tpu.memory_space<vmem>> -> memref<1x128x16xf32, #tpu.memory_space<vmem>>
    %dma_wait3A_100 = tpu.memref_squeeze %dma_wait3A_99 : memref<1x128x16xf32, #tpu.memory_space<vmem>> -> memref<128x16xf32, #tpu.memory_space<vmem>>
    %dma_wait3A_101 = arith.constant 0 : i32
    %dma_wait3A_102 = tpu.memref_slice %arg3[%add3A_77, %dma_wait3A_101] : memref<10240x16xf32, #tpu.memory_space<hbm>> -> memref<128x16xf32, #tpu.memory_space<hbm>>
    tpu.wait_dma2 semaphore(%arg15 : memref<!tpu.dma_semaphore, #tpu.memory_space<semaphore_mem>>) src(%dma_wait3A_102 : memref<128x16xf32, #tpu.memory_space<hbm>>) dst(%dma_wait3A_100 : memref<128x16xf32, #tpu.memory_space<vmem>>)
    %scan3A = arith.constant 0 : i32
    %scan3A_103 = arith.constant 0 : i32
    %scan3A_104 = arith.constant 128 : i32
    %scan3A_105 = arith.addi %scan3A_103, %scan3A_104 : i32
    %scan3A_106 = arith.constant 1 : i32
    scf.for %scan3A_660 = %scan3A_103 to %scan3A_105 step %scan3A_106  : i32 {
      %get3A = arith.constant 0 : i32
      %get3A_661 = arith.index_cast %get3A : i32 to index
      %get3A_662 = arith.index_cast %scan3A_660 : i32 to index
      %get3A_663 = arith.constant 0 : index
      %get3A_664 = tpu.vector_load %arg13[%get3A_661, %get3A_662, %get3A_663] {strides = array<i32>} : memref<2x128x16xf32, #tpu.memory_space<vmem>>, vector<1x1x16xf32>,
      %get3A_665 = vector.shape_cast %get3A_664 : vector<1x1x16xf32> to vector<16xf32>
      %get3A_666 = arith.constant 0 : i32
      %get3A_667 = arith.index_cast %get3A_666 : i32 to index
      %get3A_668 = arith.index_cast %scan3A_660 : i32 to index
      %get3A_669 = arith.constant 0 : index
      %get3A_670 = tpu.vector_load %arg12[%get3A_667, %get3A_668, %get3A_669] {strides = array<i32>} : memref<2x128x64xf32, #tpu.memory_space<vmem>>, vector<1x1x16xf32>,
      %get3A_671 = vector.shape_cast %get3A_670 : vector<1x1x16xf32> to vector<16xf32>
      %mul3A_672 = arith.mulf %get3A_671, %get3A_665 : vector<16xf32>
      %swap3A = arith.constant 0 : i32
      %swap3A_673 = arith.index_cast %swap3A : i32 to index
      %swap3A_674 = arith.index_cast %scan3A_660 : i32 to index
      %swap3A_675 = arith.constant 0 : index
      %swap3A_676 = tpu.vector_load %arg12[%swap3A_673, %swap3A_674, %swap3A_675] {strides = array<i32>} : memref<2x128x64xf32, #tpu.memory_space<vmem>>, vector<1x1x16xf32>,
      %swap3A_677 = vector.shape_cast %swap3A_676 : vector<1x1x16xf32> to vector<16xf32>
      %swap3A_678 = vector.shape_cast %mul3A_672 : vector<16xf32> to vector<1x1x16xf32>
      tpu.vector_store %arg12[%swap3A_673, %swap3A_674, %swap3A_675], %swap3A_678 {strides = array<i32>} : memref<2x128x64xf32, #tpu.memory_space<vmem>>, vector<1x1x16xf32>,
      %swap3A_679 = arith.index_cast %scan3A_660 : i32 to index
      %swap3A_680 = arith.constant 0 : index
      %swap3A_681 = tpu.vector_load %arg17[%swap3A_679, %swap3A_680] {strides = array<i32>} : memref<128x64xf32, #tpu.memory_space<vmem>>, vector<1x16xf32>,
      %swap3A_682 = vector.shape_cast %swap3A_681 : vector<1x16xf32> to vector<16xf32>
      %swap3A_683 = vector.shape_cast %get3A_665 : vector<16xf32> to vector<1x16xf32>
      tpu.vector_store %arg17[%swap3A_679, %swap3A_680], %swap3A_683 {strides = array<i32>} : memref<128x64xf32, #tpu.memory_space<vmem>>, vector<1x16xf32>,
      %get3A_684 = arith.constant 0 : i32
      %get3A_685 = arith.index_cast %get3A_684 : i32 to index
      %get3A_686 = arith.index_cast %scan3A_660 : i32 to index
      %get3A_687 = arith.constant 16 : index
      %get3A_688 = tpu.vector_load %arg12[%get3A_685, %get3A_686, %get3A_687] {strides = array<i32>} : memref<2x128x64xf32, #tpu.memory_space<vmem>>, vector<1x1x16xf32>,
      %get3A_689 = vector.shape_cast %get3A_688 : vector<1x1x16xf32> to vector<16xf32>
      %mul3A_690 = arith.mulf %get3A_689, %get3A_665 : vector<16xf32>
      %swap3A_691 = arith.constant 0 : i32
      %swap3A_692 = arith.index_cast %swap3A_691 : i32 to index
      %swap3A_693 = arith.index_cast %scan3A_660 : i32 to index
      %swap3A_694 = arith.constant 16 : index
      %swap3A_695 = tpu.vector_load %arg12[%swap3A_692, %swap3A_693, %swap3A_694] {strides = array<i32>} : memref<2x128x64xf32, #tpu.memory_space<vmem>>, vector<1x1x16xf32>,
      %swap3A_696 = vector.shape_cast %swap3A_695 : vector<1x1x16xf32> to vector<16xf32>
      %swap3A_697 = vector.shape_cast %mul3A_690 : vector<16xf32> to vector<1x1x16xf32>
      tpu.vector_store %arg12[%swap3A_692, %swap3A_693, %swap3A_694], %swap3A_697 {strides = array<i32>} : memref<2x128x64xf32, #tpu.memory_space<vmem>>, vector<1x1x16xf32>,
      %swap3A_698 = arith.index_cast %scan3A_660 : i32 to index
      %swap3A_699 = arith.constant 16 : index
      %swap3A_700 = tpu.vector_load %arg17[%swap3A_698, %swap3A_699] {strides = array<i32>} : memref<128x64xf32, #tpu.memory_space<vmem>>, vector<1x16xf32>,
      %swap3A_701 = vector.shape_cast %swap3A_700 : vector<1x16xf32> to vector<16xf32>
      %swap3A_702 = vector.shape_cast %get3A_665 : vector<16xf32> to vector<1x16xf32>
      tpu.vector_store %arg17[%swap3A_698, %swap3A_699], %swap3A_702 {strides = array<i32>} : memref<128x64xf32, #tpu.memory_space<vmem>>, vector<1x16xf32>,
      %get3A_703 = arith.constant 0 : i32
      %get3A_704 = arith.index_cast %get3A_703 : i32 to index
      %get3A_705 = arith.index_cast %scan3A_660 : i32 to index
      %get3A_706 = arith.constant 32 : index
      %get3A_707 = tpu.vector_load %arg12[%get3A_704, %get3A_705, %get3A_706] {strides = array<i32>} : memref<2x128x64xf32, #tpu.memory_space<vmem>>, vector<1x1x16xf32>,
      %get3A_708 = vector.shape_cast %get3A_707 : vector<1x1x16xf32> to vector<16xf32>
      %mul3A_709 = arith.mulf %get3A_708, %get3A_665 : vector<16xf32>
      %swap3A_710 = arith.constant 0 : i32
      %swap3A_711 = arith.index_cast %swap3A_710 : i32 to index
      %swap3A_712 = arith.index_cast %scan3A_660 : i32 to index
      %swap3A_713 = arith.constant 32 : index
      %swap3A_714 = tpu.vector_load %arg12[%swap3A_711, %swap3A_712, %swap3A_713] {strides = array<i32>} : memref<2x128x64xf32, #tpu.memory_space<vmem>>, vector<1x1x16xf32>,
      %swap3A_715 = vector.shape_cast %swap3A_714 : vector<1x1x16xf32> to vector<16xf32>
      %swap3A_716 = vector.shape_cast %mul3A_709 : vector<16xf32> to vector<1x1x16xf32>
      tpu.vector_store %arg12[%swap3A_711, %swap3A_712, %swap3A_713], %swap3A_716 {strides = array<i32>} : memref<2x128x64xf32, #tpu.memory_space<vmem>>, vector<1x1x16xf32>,
      %swap3A_717 = arith.index_cast %scan3A_660 : i32 to index
      %swap3A_718 = arith.constant 32 : index
      %swap3A_719 = tpu.vector_load %arg17[%swap3A_717, %swap3A_718] {strides = array<i32>} : memref<128x64xf32, #tpu.memory_space<vmem>>, vector<1x16xf32>,
      %swap3A_720 = vector.shape_cast %swap3A_719 : vector<1x16xf32> to vector<16xf32>
      %swap3A_721 = vector.shape_cast %get3A_665 : vector<16xf32> to vector<1x16xf32>
      tpu.vector_store %arg17[%swap3A_717, %swap3A_718], %swap3A_721 {strides = array<i32>} : memref<128x64xf32, #tpu.memory_space<vmem>>, vector<1x16xf32>,
      %get3A_722 = arith.constant 0 : i32
      %get3A_723 = arith.index_cast %get3A_722 : i32 to index
      %get3A_724 = arith.index_cast %scan3A_660 : i32 to index
      %get3A_725 = arith.constant 48 : index
      %get3A_726 = tpu.vector_load %arg12[%get3A_723, %get3A_724, %get3A_725] {strides = array<i32>} : memref<2x128x64xf32, #tpu.memory_space<vmem>>, vector<1x1x16xf32>,
      %get3A_727 = vector.shape_cast %get3A_726 : vector<1x1x16xf32> to vector<16xf32>
      %mul3A_728 = arith.mulf %get3A_727, %get3A_665 : vector<16xf32>
      %swap3A_729 = arith.constant 0 : i32
      %swap3A_730 = arith.index_cast %swap3A_729 : i32 to index
      %swap3A_731 = arith.index_cast %scan3A_660 : i32 to index
      %swap3A_732 = arith.constant 48 : index
      %swap3A_733 = tpu.vector_load %arg12[%swap3A_730, %swap3A_731, %swap3A_732] {strides = array<i32>} : memref<2x128x64xf32, #tpu.memory_space<vmem>>, vector<1x1x16xf32>,
      %swap3A_734 = vector.shape_cast %swap3A_733 : vector<1x1x16xf32> to vector<16xf32>
      %swap3A_735 = vector.shape_cast %mul3A_728 : vector<16xf32> to vector<1x1x16xf32>
      tpu.vector_store %arg12[%swap3A_730, %swap3A_731, %swap3A_732], %swap3A_735 {strides = array<i32>} : memref<2x128x64xf32, #tpu.memory_space<vmem>>, vector<1x1x16xf32>,
      %swap3A_736 = arith.index_cast %scan3A_660 : i32 to index
      %swap3A_737 = arith.constant 48 : index
      %swap3A_738 = tpu.vector_load %arg17[%swap3A_736, %swap3A_737] {strides = array<i32>} : memref<128x64xf32, #tpu.memory_space<vmem>>, vector<1x16xf32>,
      %swap3A_739 = vector.shape_cast %swap3A_738 : vector<1x16xf32> to vector<16xf32>
      %swap3A_740 = vector.shape_cast %get3A_665 : vector<16xf32> to vector<1x16xf32>
      tpu.vector_store %arg17[%swap3A_736, %swap3A_737], %swap3A_740 {strides = array<i32>} : memref<128x64xf32, #tpu.memory_space<vmem>>, vector<1x16xf32>,
    }
    %scan3A_107 = arith.constant 128 : i32
    %run_scoped3A_108 = arith.constant 0 : i32
    "tpu.region"() ({
      %run_scoped3A_660 = tpu.sem_alloc : memref<!tpu.dma_semaphore, #tpu.memory_space<semaphore_mem>>
      %dma_start3A_661 = arith.constant 0 : i32
      %dma_start3A_662 = arith.constant 0 : i32
      %dma_start3A_663 = tpu.memref_slice %arg12[%run_scoped3A_108, %dma_start3A_661, %dma_start3A_662] : memref<2x128x64xf32, #tpu.memory_space<vmem>> -> memref<1x128x64xf32, #tpu.memory_space<vmem>>
      %dma_start3A_664 = tpu.memref_squeeze %dma_start3A_663 : memref<1x128x64xf32, #tpu.memory_space<vmem>> -> memref<128x64xf32, #tpu.memory_space<vmem>>
      %dma_start3A_665 = arith.constant 0 : i32
      %dma_start3A_666 = tpu.memref_slice %arg7[%arg0, %add3A_43, %dma_start3A_665] : memref<2x10240x64xf32, #tpu.memory_space<hbm>> -> memref<1x128x64xf32, #tpu.memory_space<hbm>>
      %dma_start3A_667 = tpu.memref_squeeze %dma_start3A_666 : memref<1x128x64xf32, #tpu.memory_space<hbm>> -> memref<128x64xf32, #tpu.memory_space<hbm>>
      %dma_start3A_668 = arith.constant 0 : i32
      %dma_start3A_669 = tpu.memref_slice %arg7[%arg0, %add3A_43, %dma_start3A_668] : memref<2x10240x64xf32, #tpu.memory_space<hbm>> -> memref<1x128x64xf32, #tpu.memory_space<hbm>>
      %dma_start3A_670 = tpu.memref_squeeze %dma_start3A_669 : memref<1x128x64xf32, #tpu.memory_space<hbm>> -> memref<128x64xf32, #tpu.memory_space<hbm>>
      %dma_start3A_671 = arith.constant 0 : i32
      %dma_start3A_672 = arith.constant 0 : i32
      %dma_start3A_673 = tpu.memref_slice %arg12[%run_scoped3A_108, %dma_start3A_671, %dma_start3A_672] : memref<2x128x64xf32, #tpu.memory_space<vmem>> -> memref<1x128x64xf32, #tpu.memory_space<vmem>>
      %dma_start3A_674 = tpu.memref_squeeze %dma_start3A_673 : memref<1x128x64xf32, #tpu.memory_space<vmem>> -> memref<128x64xf32, #tpu.memory_space<vmem>>
      tpu.enqueue_dma source(%dma_start3A_674 : memref<128x64xf32, #tpu.memory_space<vmem>>) target(%dma_start3A_670 : memref<128x64xf32, #tpu.memory_space<hbm>>) target_semaphore(%run_scoped3A_660 : memref<!tpu.dma_semaphore, #tpu.memory_space<semaphore_mem>>)
      %dma_wait3A_675 = arith.constant 0 : i32
      %dma_wait3A_676 = arith.constant 0 : i32
      %dma_wait3A_677 = tpu.memref_slice %arg12[%run_scoped3A_108, %dma_wait3A_675, %dma_wait3A_676] : memref<2x128x64xf32, #tpu.memory_space<vmem>> -> memref<1x128x64xf32, #tpu.memory_space<vmem>>
      %dma_wait3A_678 = tpu.memref_squeeze %dma_wait3A_677 : memref<1x128x64xf32, #tpu.memory_space<vmem>> -> memref<128x64xf32, #tpu.memory_space<vmem>>
      %dma_wait3A_679 = arith.constant 0 : i32
      %dma_wait3A_680 = tpu.memref_slice %arg7[%arg0, %add3A_43, %dma_wait3A_679] : memref<2x10240x64xf32, #tpu.memory_space<hbm>> -> memref<1x128x64xf32, #tpu.memory_space<hbm>>
      %dma_wait3A_681 = tpu.memref_squeeze %dma_wait3A_680 : memref<1x128x64xf32, #tpu.memory_space<hbm>> -> memref<128x64xf32, #tpu.memory_space<hbm>>
      %dma_wait3A_682 = arith.constant 0 : i32
      %dma_wait3A_683 = tpu.memref_slice %arg7[%arg0, %add3A_43, %dma_wait3A_682] : memref<2x10240x64xf32, #tpu.memory_space<hbm>> -> memref<1x128x64xf32, #tpu.memory_space<hbm>>
      %dma_wait3A_684 = tpu.memref_squeeze %dma_wait3A_683 : memref<1x128x64xf32, #tpu.memory_space<hbm>> -> memref<128x64xf32, #tpu.memory_space<hbm>>
      %dma_wait3A_685 = arith.constant 0 : i32
      %dma_wait3A_686 = arith.constant 0 : i32
      %dma_wait3A_687 = tpu.memref_slice %arg12[%run_scoped3A_108, %dma_wait3A_685, %dma_wait3A_686] : memref<2x128x64xf32, #tpu.memory_space<vmem>> -> memref<1x128x64xf32, #tpu.memory_space<vmem>>
      %dma_wait3A_688 = tpu.memref_squeeze %dma_wait3A_687 : memref<1x128x64xf32, #tpu.memory_space<vmem>> -> memref<128x64xf32, #tpu.memory_space<vmem>>
      tpu.wait_dma2 semaphore(%run_scoped3A_660 : memref<!tpu.dma_semaphore, #tpu.memory_space<semaphore_mem>>) src(%dma_wait3A_688 : memref<128x64xf32, #tpu.memory_space<vmem>>) dst(%dma_wait3A_684 : memref<128x64xf32, #tpu.memory_space<hbm>>)
      tpu.yield
    }) : () -> ()
    %eq3A = arith.constant 0 : i32
    %eq3A_109 = arith.cmpi eq, %arg0, %eq3A : i32
    %convert_element_type3A = arith.extui %eq3A_109 : i1 to i32
    %cond3A = arith.constant 0 : i32
    %cond3A_110 = arith.cmpi ne, %convert_element_type3A, %cond3A : i32
    scf.if %cond3A_110 {
      %run_scoped3A_660 = arith.constant 0 : i32
      "tpu.region"() ({
        %run_scoped3A_661 = tpu.sem_alloc : memref<!tpu.dma_semaphore, #tpu.memory_space<semaphore_mem>>
        %dma_start3A_662 = arith.constant 0 : i32
        %dma_start3A_663 = arith.constant 0 : i32
        %dma_start3A_664 = tpu.memref_slice %arg12[%run_scoped3A_660, %dma_start3A_662, %dma_start3A_663] : memref<2x128x64xf32, #tpu.memory_space<vmem>> -> memref<1x128x64xf32, #tpu.memory_space<vmem>>
        %dma_start3A_665 = tpu.memref_squeeze %dma_start3A_664 : memref<1x128x64xf32, #tpu.memory_space<vmem>> -> memref<128x64xf32, #tpu.memory_space<vmem>>
        %dma_start3A_666 = arith.constant 0 : i32
        %dma_start3A_667 = tpu.memref_slice %arg14[%add3A_43, %dma_start3A_666] : memref<10240x64xf32, #tpu.memory_space<vmem_shared>> -> memref<128x64xf32, #tpu.memory_space<vmem_shared>>
        %dma_start3A_668 = arith.constant 0 : i32
        %dma_start3A_669 = tpu.memref_slice %arg14[%add3A_43, %dma_start3A_668] : memref<10240x64xf32, #tpu.memory_space<vmem_shared>> -> memref<128x64xf32, #tpu.memory_space<vmem_shared>>
        %dma_start3A_670 = arith.constant 0 : i32
        %dma_start3A_671 = arith.constant 0 : i32
        %dma_start3A_672 = tpu.memref_slice %arg12[%run_scoped3A_660, %dma_start3A_670, %dma_start3A_671] : memref<2x128x64xf32, #tpu.memory_space<vmem>> -> memref<1x128x64xf32, #tpu.memory_space<vmem>>
        %dma_start3A_673 = tpu.memref_squeeze %dma_start3A_672 : memref<1x128x64xf32, #tpu.memory_space<vmem>> -> memref<128x64xf32, #tpu.memory_space<vmem>>
        tpu.enqueue_dma source(%dma_start3A_673 : memref<128x64xf32, #tpu.memory_space<vmem>>) target(%dma_start3A_669 : memref<128x64xf32, #tpu.memory_space<vmem_shared>>) target_semaphore(%run_scoped3A_661 : memref<!tpu.dma_semaphore, #tpu.memory_space<semaphore_mem>>)
        %dma_wait3A_674 = arith.constant 0 : i32
        %dma_wait3A_675 = arith.constant 0 : i32
        %dma_wait3A_676 = tpu.memref_slice %arg12[%run_scoped3A_660, %dma_wait3A_674, %dma_wait3A_675] : memref<2x128x64xf32, #tpu.memory_space<vmem>> -> memref<1x128x64xf32, #tpu.memory_space<vmem>>
        %dma_wait3A_677 = tpu.memref_squeeze %dma_wait3A_676 : memref<1x128x64xf32, #tpu.memory_space<vmem>> -> memref<128x64xf32, #tpu.memory_space<vmem>>
        %dma_wait3A_678 = arith.constant 0 : i32
        %dma_wait3A_679 = tpu.memref_slice %arg14[%add3A_43, %dma_wait3A_678] : memref<10240x64xf32, #tpu.memory_space<vmem_shared>> -> memref<128x64xf32, #tpu.memory_space<vmem_shared>>
        %dma_wait3A_680 = arith.constant 0 : i32
        %dma_wait3A_681 = tpu.memref_slice %arg14[%add3A_43, %dma_wait3A_680] : memref<10240x64xf32, #tpu.memory_space<vmem_shared>> -> memref<128x64xf32, #tpu.memory_space<vmem_shared>>
        %dma_wait3A_682 = arith.constant 0 : i32
        %dma_wait3A_683 = arith.constant 0 : i32
        %dma_wait3A_684 = tpu.memref_slice %arg12[%run_scoped3A_660, %dma_wait3A_682, %dma_wait3A_683] : memref<2x128x64xf32, #tpu.memory_space<vmem>> -> memref<1x128x64xf32, #tpu.memory_space<vmem>>
        %dma_wait3A_685 = tpu.memref_squeeze %dma_wait3A_684 : memref<1x128x64xf32, #tpu.memory_space<vmem>> -> memref<128x64xf32, #tpu.memory_space<vmem>>
        tpu.wait_dma2 semaphore(%run_scoped3A_661 : memref<!tpu.dma_semaphore, #tpu.memory_space<semaphore_mem>>) src(%dma_wait3A_685 : memref<128x64xf32, #tpu.memory_space<vmem>>) dst(%dma_wait3A_681 : memref<128x64xf32, #tpu.memory_space<vmem_shared>>)
        tpu.yield
      }) : () -> ()
      "tpu.region"() ({
        %run_scoped3A_661 = tpu.sem_alloc : memref<!tpu.dma_semaphore, #tpu.memory_space<semaphore_mem>>
        %dma_start3A_662 = arith.constant 0 : i32
        %dma_start3A_663 = tpu.memref_slice %arg8[%add3A_43, %dma_start3A_662] : memref<10240x64xf32, #tpu.memory_space<hbm>> -> memref<128x64xf32, #tpu.memory_space<hbm>>
        %dma_start3A_664 = arith.constant 0 : i32
        %dma_start3A_665 = tpu.memref_slice %arg8[%add3A_43, %dma_start3A_664] : memref<10240x64xf32, #tpu.memory_space<hbm>> -> memref<128x64xf32, #tpu.memory_space<hbm>>
        tpu.enqueue_dma source(%arg17 : memref<128x64xf32, #tpu.memory_space<vmem>>) target(%dma_start3A_665 : memref<128x64xf32, #tpu.memory_space<hbm>>) target_semaphore(%run_scoped3A_661 : memref<!tpu.dma_semaphore, #tpu.memory_space<semaphore_mem>>)
        %dma_wait3A_666 = arith.constant 0 : i32
        %dma_wait3A_667 = tpu.memref_slice %arg8[%add3A_43, %dma_wait3A_666] : memref<10240x64xf32, #tpu.memory_space<hbm>> -> memref<128x64xf32, #tpu.memory_space<hbm>>
        %dma_wait3A_668 = arith.constant 0 : i32
        %dma_wait3A_669 = tpu.memref_slice %arg8[%add3A_43, %dma_wait3A_668] : memref<10240x64xf32, #tpu.memory_space<hbm>> -> memref<128x64xf32, #tpu.memory_space<hbm>>
        tpu.wait_dma2 semaphore(%run_scoped3A_661 : memref<!tpu.dma_semaphore, #tpu.memory_space<semaphore_mem>>) src(%arg17 : memref<128x64xf32, #tpu.memory_space<vmem>>) dst(%dma_wait3A_669 : memref<128x64xf32, #tpu.memory_space<hbm>>)
        tpu.yield
      }) : () -> ()
    } else {
    }
    %mul3A_111 = arith.constant 640 : i32
    %mul3A_112 = arith.muli %arg1, %mul3A_111 : i32
    %add3A_113 = arith.constant 128 : i32
    %add3A_114 = arith.addi %mul3A_112, %add3A_113 : i32
    %mul3A_115 = arith.constant 640 : i32
    %mul3A_116 = arith.muli %arg1, %mul3A_115 : i32
    %add3A_117 = arith.constant 256 : i32
    %add3A_118 = arith.addi %mul3A_116, %add3A_117 : i32
    %dma_start3A_119 = arith.constant 0 : i32
    %dma_start3A_120 = arith.constant 0 : i32
    %dma_start3A_121 = arith.constant 0 : i32
    %dma_start3A_122 = tpu.memref_slice %arg12[%dma_start3A_119, %dma_start3A_120, %dma_start3A_121] : memref<2x128x64xf32, #tpu.memory_space<vmem>> -> memref<1x128x64xf32, #tpu.memory_space<vmem>>
    %dma_start3A_123 = tpu.memref_squeeze %dma_start3A_122 : memref<1x128x64xf32, #tpu.memory_space<vmem>> -> memref<128x64xf32, #tpu.memory_space<vmem>>
    %dma_start3A_124 = arith.constant 0 : i32
    %dma_start3A_125 = tpu.memref_slice %arg2[%add3A_118, %dma_start3A_124] : memref<10240x64xf32, #tpu.memory_space<hbm>> -> memref<128x64xf32, #tpu.memory_space<hbm>>
    %dma_start3A_126 = arith.constant 0 : i32
    %dma_start3A_127 = arith.constant 0 : i32
    %dma_start3A_128 = tpu.memref_slice %arg12[%dma_start3A_119, %dma_start3A_126, %dma_start3A_127] : memref<2x128x64xf32, #tpu.memory_space<vmem>> -> memref<1x128x64xf32, #tpu.memory_space<vmem>>
    %dma_start3A_129 = tpu.memref_squeeze %dma_start3A_128 : memref<1x128x64xf32, #tpu.memory_space<vmem>> -> memref<128x64xf32, #tpu.memory_space<vmem>>
    %dma_start3A_130 = arith.constant 0 : i32
    %dma_start3A_131 = tpu.memref_slice %arg2[%add3A_118, %dma_start3A_130] : memref<10240x64xf32, #tpu.memory_space<hbm>> -> memref<128x64xf32, #tpu.memory_space<hbm>>
    tpu.enqueue_dma source(%dma_start3A_131 : memref<128x64xf32, #tpu.memory_space<hbm>>) target(%dma_start3A_129 : memref<128x64xf32, #tpu.memory_space<vmem>>) target_semaphore(%arg15 : memref<!tpu.dma_semaphore, #tpu.memory_space<semaphore_mem>>)
    %dma_start3A_132 = arith.constant 0 : i32
    %dma_start3A_133 = arith.constant 0 : i32
    %dma_start3A_134 = arith.constant 0 : i32
    %dma_start3A_135 = tpu.memref_slice %arg13[%dma_start3A_132, %dma_start3A_133, %dma_start3A_134] : memref<2x128x16xf32, #tpu.memory_space<vmem>> -> memref<1x128x16xf32, #tpu.memory_space<vmem>>
    %dma_start3A_136 = tpu.memref_squeeze %dma_start3A_135 : memref<1x128x16xf32, #tpu.memory_space<vmem>> -> memref<128x16xf32, #tpu.memory_space<vmem>>
    %dma_start3A_137 = arith.constant 0 : i32
    %dma_start3A_138 = tpu.memref_slice %arg3[%add3A_118, %dma_start3A_137] : memref<10240x16xf32, #tpu.memory_space<hbm>> -> memref<128x16xf32, #tpu.memory_space<hbm>>
    %dma_start3A_139 = arith.constant 0 : i32
    %dma_start3A_140 = arith.constant 0 : i32
    %dma_start3A_141 = tpu.memref_slice %arg13[%dma_start3A_132, %dma_start3A_139, %dma_start3A_140] : memref<2x128x16xf32, #tpu.memory_space<vmem>> -> memref<1x128x16xf32, #tpu.memory_space<vmem>>
    %dma_start3A_142 = tpu.memref_squeeze %dma_start3A_141 : memref<1x128x16xf32, #tpu.memory_space<vmem>> -> memref<128x16xf32, #tpu.memory_space<vmem>>
    %dma_start3A_143 = arith.constant 0 : i32
    %dma_start3A_144 = tpu.memref_slice %arg3[%add3A_118, %dma_start3A_143] : memref<10240x16xf32, #tpu.memory_space<hbm>> -> memref<128x16xf32, #tpu.memory_space<hbm>>
    tpu.enqueue_dma source(%dma_start3A_144 : memref<128x16xf32, #tpu.memory_space<hbm>>) target(%dma_start3A_142 : memref<128x16xf32, #tpu.memory_space<vmem>>) target_semaphore(%arg15 : memref<!tpu.dma_semaphore, #tpu.memory_space<semaphore_mem>>)
    %mul3A_145 = arith.constant 640 : i32
    %mul3A_146 = arith.muli %arg1, %mul3A_145 : i32
    %add3A_147 = arith.constant 128 : i32
    %add3A_148 = arith.addi %mul3A_146, %add3A_147 : i32
    %dma_wait3A_149 = arith.constant 1 : i32
    %dma_wait3A_150 = arith.constant 0 : i32
    %dma_wait3A_151 = arith.constant 0 : i32
    %dma_wait3A_152 = tpu.memref_slice %arg12[%dma_wait3A_149, %dma_wait3A_150, %dma_wait3A_151] : memref<2x128x64xf32, #tpu.memory_space<vmem>> -> memref<1x128x64xf32, #tpu.memory_space<vmem>>
    %dma_wait3A_153 = tpu.memref_squeeze %dma_wait3A_152 : memref<1x128x64xf32, #tpu.memory_space<vmem>> -> memref<128x64xf32, #tpu.memory_space<vmem>>
    %dma_wait3A_154 = arith.constant 0 : i32
    %dma_wait3A_155 = tpu.memref_slice %arg2[%add3A_148, %dma_wait3A_154] : memref<10240x64xf32, #tpu.memory_space<hbm>> -> memref<128x64xf32, #tpu.memory_space<hbm>>
    %dma_wait3A_156 = arith.constant 0 : i32
    %dma_wait3A_157 = arith.constant 0 : i32
    %dma_wait3A_158 = tpu.memref_slice %arg12[%dma_wait3A_149, %dma_wait3A_156, %dma_wait3A_157] : memref<2x128x64xf32, #tpu.memory_space<vmem>> -> memref<1x128x64xf32, #tpu.memory_space<vmem>>
    %dma_wait3A_159 = tpu.memref_squeeze %dma_wait3A_158 : memref<1x128x64xf32, #tpu.memory_space<vmem>> -> memref<128x64xf32, #tpu.memory_space<vmem>>
    %dma_wait3A_160 = arith.constant 0 : i32
    %dma_wait3A_161 = tpu.memref_slice %arg2[%add3A_148, %dma_wait3A_160] : memref<10240x64xf32, #tpu.memory_space<hbm>> -> memref<128x64xf32, #tpu.memory_space<hbm>>
    tpu.wait_dma2 semaphore(%arg15 : memref<!tpu.dma_semaphore, #tpu.memory_space<semaphore_mem>>) src(%dma_wait3A_161 : memref<128x64xf32, #tpu.memory_space<hbm>>) dst(%dma_wait3A_159 : memref<128x64xf32, #tpu.memory_space<vmem>>)
    %dma_wait3A_162 = arith.constant 1 : i32
    %dma_wait3A_163 = arith.constant 0 : i32
    %dma_wait3A_164 = arith.constant 0 : i32
    %dma_wait3A_165 = tpu.memref_slice %arg13[%dma_wait3A_162, %dma_wait3A_163, %dma_wait3A_164] : memref<2x128x16xf32, #tpu.memory_space<vmem>> -> memref<1x128x16xf32, #tpu.memory_space<vmem>>
    %dma_wait3A_166 = tpu.memref_squeeze %dma_wait3A_165 : memref<1x128x16xf32, #tpu.memory_space<vmem>> -> memref<128x16xf32, #tpu.memory_space<vmem>>
    %dma_wait3A_167 = arith.constant 0 : i32
    %dma_wait3A_168 = tpu.memref_slice %arg3[%add3A_148, %dma_wait3A_167] : memref<10240x16xf32, #tpu.memory_space<hbm>> -> memref<128x16xf32, #tpu.memory_space<hbm>>
    %dma_wait3A_169 = arith.constant 0 : i32
    %dma_wait3A_170 = arith.constant 0 : i32
    %dma_wait3A_171 = tpu.memref_slice %arg13[%dma_wait3A_162, %dma_wait3A_169, %dma_wait3A_170] : memref<2x128x16xf32, #tpu.memory_space<vmem>> -> memref<1x128x16xf32, #tpu.memory_space<vmem>>
    %dma_wait3A_172 = tpu.memref_squeeze %dma_wait3A_171 : memref<1x128x16xf32, #tpu.memory_space<vmem>> -> memref<128x16xf32, #tpu.memory_space<vmem>>
    %dma_wait3A_173 = arith.constant 0 : i32
    %dma_wait3A_174 = tpu.memref_slice %arg3[%add3A_148, %dma_wait3A_173] : memref<10240x16xf32, #tpu.memory_space<hbm>> -> memref<128x16xf32, #tpu.memory_space<hbm>>
    tpu.wait_dma2 semaphore(%arg15 : memref<!tpu.dma_semaphore, #tpu.memory_space<semaphore_mem>>) src(%dma_wait3A_174 : memref<128x16xf32, #tpu.memory_space<hbm>>) dst(%dma_wait3A_172 : memref<128x16xf32, #tpu.memory_space<vmem>>)
    %scan3A_175 = arith.constant 0 : i32
    %scan3A_176 = arith.constant 0 : i32
    %scan3A_177 = arith.constant 128 : i32
    %scan3A_178 = arith.addi %scan3A_176, %scan3A_177 : i32
    %scan3A_179 = arith.constant 1 : i32
    scf.for %scan3A_660 = %scan3A_176 to %scan3A_178 step %scan3A_179  : i32 {
      %get3A = arith.constant 1 : i32
      %get3A_661 = arith.index_cast %get3A : i32 to index
      %get3A_662 = arith.index_cast %scan3A_660 : i32 to index
      %get3A_663 = arith.constant 0 : index
      %get3A_664 = tpu.vector_load %arg13[%get3A_661, %get3A_662, %get3A_663] {strides = array<i32>} : memref<2x128x16xf32, #tpu.memory_space<vmem>>, vector<1x1x16xf32>,
      %get3A_665 = vector.shape_cast %get3A_664 : vector<1x1x16xf32> to vector<16xf32>
      %get3A_666 = arith.constant 1 : i32
      %get3A_667 = arith.index_cast %get3A_666 : i32 to index
      %get3A_668 = arith.index_cast %scan3A_660 : i32 to index
      %get3A_669 = arith.constant 0 : index
      %get3A_670 = tpu.vector_load %arg12[%get3A_667, %get3A_668, %get3A_669] {strides = array<i32>} : memref<2x128x64xf32, #tpu.memory_space<vmem>>, vector<1x1x16xf32>,
      %get3A_671 = vector.shape_cast %get3A_670 : vector<1x1x16xf32> to vector<16xf32>
      %mul3A_672 = arith.mulf %get3A_671, %get3A_665 : vector<16xf32>
      %swap3A = arith.constant 1 : i32
      %swap3A_673 = arith.index_cast %swap3A : i32 to index
      %swap3A_674 = arith.index_cast %scan3A_660 : i32 to index
      %swap3A_675 = arith.constant 0 : index
      %swap3A_676 = tpu.vector_load %arg12[%swap3A_673, %swap3A_674, %swap3A_675] {strides = array<i32>} : memref<2x128x64xf32, #tpu.memory_space<vmem>>, vector<1x1x16xf32>,
      %swap3A_677 = vector.shape_cast %swap3A_676 : vector<1x1x16xf32> to vector<16xf32>
      %swap3A_678 = vector.shape_cast %mul3A_672 : vector<16xf32> to vector<1x1x16xf32>
      tpu.vector_store %arg12[%swap3A_673, %swap3A_674, %swap3A_675], %swap3A_678 {strides = array<i32>} : memref<2x128x64xf32, #tpu.memory_space<vmem>>, vector<1x1x16xf32>,
      %swap3A_679 = arith.index_cast %scan3A_660 : i32 to index
      %swap3A_680 = arith.constant 0 : index
      %swap3A_681 = tpu.vector_load %arg17[%swap3A_679, %swap3A_680] {strides = array<i32>} : memref<128x64xf32, #tpu.memory_space<vmem>>, vector<1x16xf32>,
      %swap3A_682 = vector.shape_cast %swap3A_681 : vector<1x16xf32> to vector<16xf32>
      %swap3A_683 = vector.shape_cast %get3A_665 : vector<16xf32> to vector<1x16xf32>
      tpu.vector_store %arg17[%swap3A_679, %swap3A_680], %swap3A_683 {strides = array<i32>} : memref<128x64xf32, #tpu.memory_space<vmem>>, vector<1x16xf32>,
      %get3A_684 = arith.constant 1 : i32
      %get3A_685 = arith.index_cast %get3A_684 : i32 to index
      %get3A_686 = arith.index_cast %scan3A_660 : i32 to index
      %get3A_687 = arith.constant 16 : index
      %get3A_688 = tpu.vector_load %arg12[%get3A_685, %get3A_686, %get3A_687] {strides = array<i32>} : memref<2x128x64xf32, #tpu.memory_space<vmem>>, vector<1x1x16xf32>,
      %get3A_689 = vector.shape_cast %get3A_688 : vector<1x1x16xf32> to vector<16xf32>
      %mul3A_690 = arith.mulf %get3A_689, %get3A_665 : vector<16xf32>
      %swap3A_691 = arith.constant 1 : i32
      %swap3A_692 = arith.index_cast %swap3A_691 : i32 to index
      %swap3A_693 = arith.index_cast %scan3A_660 : i32 to index
      %swap3A_694 = arith.constant 16 : index
      %swap3A_695 = tpu.vector_load %arg12[%swap3A_692, %swap3A_693, %swap3A_694] {strides = array<i32>} : memref<2x128x64xf32, #tpu.memory_space<vmem>>, vector<1x1x16xf32>,
      %swap3A_696 = vector.shape_cast %swap3A_695 : vector<1x1x16xf32> to vector<16xf32>
      %swap3A_697 = vector.shape_cast %mul3A_690 : vector<16xf32> to vector<1x1x16xf32>
      tpu.vector_store %arg12[%swap3A_692, %swap3A_693, %swap3A_694], %swap3A_697 {strides = array<i32>} : memref<2x128x64xf32, #tpu.memory_space<vmem>>, vector<1x1x16xf32>,
      %swap3A_698 = arith.index_cast %scan3A_660 : i32 to index
      %swap3A_699 = arith.constant 16 : index
      %swap3A_700 = tpu.vector_load %arg17[%swap3A_698, %swap3A_699] {strides = array<i32>} : memref<128x64xf32, #tpu.memory_space<vmem>>, vector<1x16xf32>,
      %swap3A_701 = vector.shape_cast %swap3A_700 : vector<1x16xf32> to vector<16xf32>
      %swap3A_702 = vector.shape_cast %get3A_665 : vector<16xf32> to vector<1x16xf32>
      tpu.vector_store %arg17[%swap3A_698, %swap3A_699], %swap3A_702 {strides = array<i32>} : memref<128x64xf32, #tpu.memory_space<vmem>>, vector<1x16xf32>,
      %get3A_703 = arith.constant 1 : i32
      %get3A_704 = arith.index_cast %get3A_703 : i32 to index
      %get3A_705 = arith.index_cast %scan3A_660 : i32 to index
      %get3A_706 = arith.constant 32 : index
      %get3A_707 = tpu.vector_load %arg12[%get3A_704, %get3A_705, %get3A_706] {strides = array<i32>} : memref<2x128x64xf32, #tpu.memory_space<vmem>>, vector<1x1x16xf32>,
      %get3A_708 = vector.shape_cast %get3A_707 : vector<1x1x16xf32> to vector<16xf32>
      %mul3A_709 = arith.mulf %get3A_708, %get3A_665 : vector<16xf32>
      %swap3A_710 = arith.constant 1 : i32
      %swap3A_711 = arith.index_cast %swap3A_710 : i32 to index
      %swap3A_712 = arith.index_cast %scan3A_660 : i32 to index
      %swap3A_713 = arith.constant 32 : index
      %swap3A_714 = tpu.vector_load %arg12[%swap3A_711, %swap3A_712, %swap3A_713] {strides = array<i32>} : memref<2x128x64xf32, #tpu.memory_space<vmem>>, vector<1x1x16xf32>,
      %swap3A_715 = vector.shape_cast %swap3A_714 : vector<1x1x16xf32> to vector<16xf32>
      %swap3A_716 = vector.shape_cast %mul3A_709 : vector<16xf32> to vector<1x1x16xf32>
      tpu.vector_store %arg12[%swap3A_711, %swap3A_712, %swap3A_713], %swap3A_716 {strides = array<i32>} : memref<2x128x64xf32, #tpu.memory_space<vmem>>, vector<1x1x16xf32>,
      %swap3A_717 = arith.index_cast %scan3A_660 : i32 to index
      %swap3A_718 = arith.constant 32 : index
      %swap3A_719 = tpu.vector_load %arg17[%swap3A_717, %swap3A_718] {strides = array<i32>} : memref<128x64xf32, #tpu.memory_space<vmem>>, vector<1x16xf32>,
      %swap3A_720 = vector.shape_cast %swap3A_719 : vector<1x16xf32> to vector<16xf32>
      %swap3A_721 = vector.shape_cast %get3A_665 : vector<16xf32> to vector<1x16xf32>
      tpu.vector_store %arg17[%swap3A_717, %swap3A_718], %swap3A_721 {strides = array<i32>} : memref<128x64xf32, #tpu.memory_space<vmem>>, vector<1x16xf32>,
      %get3A_722 = arith.constant 1 : i32
      %get3A_723 = arith.index_cast %get3A_722 : i32 to index
      %get3A_724 = arith.index_cast %scan3A_660 : i32 to index
      %get3A_725 = arith.constant 48 : index
      %get3A_726 = tpu.vector_load %arg12[%get3A_723, %get3A_724, %get3A_725] {strides = array<i32>} : memref<2x128x64xf32, #tpu.memory_space<vmem>>, vector<1x1x16xf32>,
      %get3A_727 = vector.shape_cast %get3A_726 : vector<1x1x16xf32> to vector<16xf32>
      %mul3A_728 = arith.mulf %get3A_727, %get3A_665 : vector<16xf32>
      %swap3A_729 = arith.constant 1 : i32
      %swap3A_730 = arith.index_cast %swap3A_729 : i32 to index
      %swap3A_731 = arith.index_cast %scan3A_660 : i32 to index
      %swap3A_732 = arith.constant 48 : index
      %swap3A_733 = tpu.vector_load %arg12[%swap3A_730, %swap3A_731, %swap3A_732] {strides = array<i32>} : memref<2x128x64xf32, #tpu.memory_space<vmem>>, vector<1x1x16xf32>,
      %swap3A_734 = vector.shape_cast %swap3A_733 : vector<1x1x16xf32> to vector<16xf32>
      %swap3A_735 = vector.shape_cast %mul3A_728 : vector<16xf32> to vector<1x1x16xf32>
      tpu.vector_store %arg12[%swap3A_730, %swap3A_731, %swap3A_732], %swap3A_735 {strides = array<i32>} : memref<2x128x64xf32, #tpu.memory_space<vmem>>, vector<1x1x16xf32>,
      %swap3A_736 = arith.index_cast %scan3A_660 : i32 to index
      %swap3A_737 = arith.constant 48 : index
      %swap3A_738 = tpu.vector_load %arg17[%swap3A_736, %swap3A_737] {strides = array<i32>} : memref<128x64xf32, #tpu.memory_space<vmem>>, vector<1x16xf32>,
      %swap3A_739 = vector.shape_cast %swap3A_738 : vector<1x16xf32> to vector<16xf32>
      %swap3A_740 = vector.shape_cast %get3A_665 : vector<16xf32> to vector<1x16xf32>
      tpu.vector_store %arg17[%swap3A_736, %swap3A_737], %swap3A_740 {strides = array<i32>} : memref<128x64xf32, #tpu.memory_space<vmem>>, vector<1x16xf32>,
    }
    %scan3A_180 = arith.constant 128 : i32
    %run_scoped3A_181 = arith.constant 1 : i32
    "tpu.region"() ({
      %run_scoped3A_660 = tpu.sem_alloc : memref<!tpu.dma_semaphore, #tpu.memory_space<semaphore_mem>>
      %dma_start3A_661 = arith.constant 0 : i32
      %dma_start3A_662 = arith.constant 0 : i32
      %dma_start3A_663 = tpu.memref_slice %arg12[%run_scoped3A_181, %dma_start3A_661, %dma_start3A_662] : memref<2x128x64xf32, #tpu.memory_space<vmem>> -> memref<1x128x64xf32, #tpu.memory_space<vmem>>
      %dma_start3A_664 = tpu.memref_squeeze %dma_start3A_663 : memref<1x128x64xf32, #tpu.memory_space<vmem>> -> memref<128x64xf32, #tpu.memory_space<vmem>>
      %dma_start3A_665 = arith.constant 0 : i32
      %dma_start3A_666 = tpu.memref_slice %arg7[%arg0, %add3A_114, %dma_start3A_665] : memref<2x10240x64xf32, #tpu.memory_space<hbm>> -> memref<1x128x64xf32, #tpu.memory_space<hbm>>
      %dma_start3A_667 = tpu.memref_squeeze %dma_start3A_666 : memref<1x128x64xf32, #tpu.memory_space<hbm>> -> memref<128x64xf32, #tpu.memory_space<hbm>>
      %dma_start3A_668 = arith.constant 0 : i32
      %dma_start3A_669 = tpu.memref_slice %arg7[%arg0, %add3A_114, %dma_start3A_668] : memref<2x10240x64xf32, #tpu.memory_space<hbm>> -> memref<1x128x64xf32, #tpu.memory_space<hbm>>
      %dma_start3A_670 = tpu.memref_squeeze %dma_start3A_669 : memref<1x128x64xf32, #tpu.memory_space<hbm>> -> memref<128x64xf32, #tpu.memory_space<hbm>>
      %dma_start3A_671 = arith.constant 0 : i32
      %dma_start3A_672 = arith.constant 0 : i32
      %dma_start3A_673 = tpu.memref_slice %arg12[%run_scoped3A_181, %dma_start3A_671, %dma_start3A_672] : memref<2x128x64xf32, #tpu.memory_space<vmem>> -> memref<1x128x64xf32, #tpu.memory_space<vmem>>
      %dma_start3A_674 = tpu.memref_squeeze %dma_start3A_673 : memref<1x128x64xf32, #tpu.memory_space<vmem>> -> memref<128x64xf32, #tpu.memory_space<vmem>>
      tpu.enqueue_dma source(%dma_start3A_674 : memref<128x64xf32, #tpu.memory_space<vmem>>) target(%dma_start3A_670 : memref<128x64xf32, #tpu.memory_space<hbm>>) target_semaphore(%run_scoped3A_660 : memref<!tpu.dma_semaphore, #tpu.memory_space<semaphore_mem>>)
      %dma_wait3A_675 = arith.constant 0 : i32
      %dma_wait3A_676 = arith.constant 0 : i32
      %dma_wait3A_677 = tpu.memref_slice %arg12[%run_scoped3A_181, %dma_wait3A_675, %dma_wait3A_676] : memref<2x128x64xf32, #tpu.memory_space<vmem>> -> memref<1x128x64xf32, #tpu.memory_space<vmem>>
      %dma_wait3A_678 = tpu.memref_squeeze %dma_wait3A_677 : memref<1x128x64xf32, #tpu.memory_space<vmem>> -> memref<128x64xf32, #tpu.memory_space<vmem>>
      %dma_wait3A_679 = arith.constant 0 : i32
      %dma_wait3A_680 = tpu.memref_slice %arg7[%arg0, %add3A_114, %dma_wait3A_679] : memref<2x10240x64xf32, #tpu.memory_space<hbm>> -> memref<1x128x64xf32, #tpu.memory_space<hbm>>
      %dma_wait3A_681 = tpu.memref_squeeze %dma_wait3A_680 : memref<1x128x64xf32, #tpu.memory_space<hbm>> -> memref<128x64xf32, #tpu.memory_space<hbm>>
      %dma_wait3A_682 = arith.constant 0 : i32
      %dma_wait3A_683 = tpu.memref_slice %arg7[%arg0, %add3A_114, %dma_wait3A_682] : memref<2x10240x64xf32, #tpu.memory_space<hbm>> -> memref<1x128x64xf32, #tpu.memory_space<hbm>>
      %dma_wait3A_684 = tpu.memref_squeeze %dma_wait3A_683 : memref<1x128x64xf32, #tpu.memory_space<hbm>> -> memref<128x64xf32, #tpu.memory_space<hbm>>
      %dma_wait3A_685 = arith.constant 0 : i32
      %dma_wait3A_686 = arith.constant 0 : i32
      %dma_wait3A_687 = tpu.memref_slice %arg12[%run_scoped3A_181, %dma_wait3A_685, %dma_wait3A_686] : memref<2x128x64xf32, #tpu.memory_space<vmem>> -> memref<1x128x64xf32, #tpu.memory_space<vmem>>
      %dma_wait3A_688 = tpu.memref_squeeze %dma_wait3A_687 : memref<1x128x64xf32, #tpu.memory_space<vmem>> -> memref<128x64xf32, #tpu.memory_space<vmem>>
      tpu.wait_dma2 semaphore(%run_scoped3A_660 : memref<!tpu.dma_semaphore, #tpu.memory_space<semaphore_mem>>) src(%dma_wait3A_688 : memref<128x64xf32, #tpu.memory_space<vmem>>) dst(%dma_wait3A_684 : memref<128x64xf32, #tpu.memory_space<hbm>>)
      tpu.yield
    }) : () -> ()
    %eq3A_182 = arith.constant 0 : i32
    %eq3A_183 = arith.cmpi eq, %arg0, %eq3A_182 : i32
    %convert_element_type3A_184 = arith.extui %eq3A_183 : i1 to i32
    %cond3A_185 = arith.constant 0 : i32
    %cond3A_186 = arith.cmpi ne, %convert_element_type3A_184, %cond3A_185 : i32
    scf.if %cond3A_186 {
      %run_scoped3A_660 = arith.constant 1 : i32
      "tpu.region"() ({
        %run_scoped3A_661 = tpu.sem_alloc : memref<!tpu.dma_semaphore, #tpu.memory_space<semaphore_mem>>
        %dma_start3A_662 = arith.constant 0 : i32
        %dma_start3A_663 = arith.constant 0 : i32
        %dma_start3A_664 = tpu.memref_slice %arg12[%run_scoped3A_660, %dma_start3A_662, %dma_start3A_663] : memref<2x128x64xf32, #tpu.memory_space<vmem>> -> memref<1x128x64xf32, #tpu.memory_space<vmem>>
        %dma_start3A_665 = tpu.memref_squeeze %dma_start3A_664 : memref<1x128x64xf32, #tpu.memory_space<vmem>> -> memref<128x64xf32, #tpu.memory_space<vmem>>
        %dma_start3A_666 = arith.constant 0 : i32
        %dma_start3A_667 = tpu.memref_slice %arg14[%add3A_114, %dma_start3A_666] : memref<10240x64xf32, #tpu.memory_space<vmem_shared>> -> memref<128x64xf32, #tpu.memory_space<vmem_shared>>
        %dma_start3A_668 = arith.constant 0 : i32
        %dma_start3A_669 = tpu.memref_slice %arg14[%add3A_114, %dma_start3A_668] : memref<10240x64xf32, #tpu.memory_space<vmem_shared>> -> memref<128x64xf32, #tpu.memory_space<vmem_shared>>
        %dma_start3A_670 = arith.constant 0 : i32
        %dma_start3A_671 = arith.constant 0 : i32
        %dma_start3A_672 = tpu.memref_slice %arg12[%run_scoped3A_660, %dma_start3A_670, %dma_start3A_671] : memref<2x128x64xf32, #tpu.memory_space<vmem>> -> memref<1x128x64xf32, #tpu.memory_space<vmem>>
        %dma_start3A_673 = tpu.memref_squeeze %dma_start3A_672 : memref<1x128x64xf32, #tpu.memory_space<vmem>> -> memref<128x64xf32, #tpu.memory_space<vmem>>
        tpu.enqueue_dma source(%dma_start3A_673 : memref<128x64xf32, #tpu.memory_space<vmem>>) target(%dma_start3A_669 : memref<128x64xf32, #tpu.memory_space<vmem_shared>>) target_semaphore(%run_scoped3A_661 : memref<!tpu.dma_semaphore, #tpu.memory_space<semaphore_mem>>)
        %dma_wait3A_674 = arith.constant 0 : i32
        %dma_wait3A_675 = arith.constant 0 : i32
        %dma_wait3A_676 = tpu.memref_slice %arg12[%run_scoped3A_660, %dma_wait3A_674, %dma_wait3A_675] : memref<2x128x64xf32, #tpu.memory_space<vmem>> -> memref<1x128x64xf32, #tpu.memory_space<vmem>>
        %dma_wait3A_677 = tpu.memref_squeeze %dma_wait3A_676 : memref<1x128x64xf32, #tpu.memory_space<vmem>> -> memref<128x64xf32, #tpu.memory_space<vmem>>
        %dma_wait3A_678 = arith.constant 0 : i32
        %dma_wait3A_679 = tpu.memref_slice %arg14[%add3A_114, %dma_wait3A_678] : memref<10240x64xf32, #tpu.memory_space<vmem_shared>> -> memref<128x64xf32, #tpu.memory_space<vmem_shared>>
        %dma_wait3A_680 = arith.constant 0 : i32
        %dma_wait3A_681 = tpu.memref_slice %arg14[%add3A_114, %dma_wait3A_680] : memref<10240x64xf32, #tpu.memory_space<vmem_shared>> -> memref<128x64xf32, #tpu.memory_space<vmem_shared>>
        %dma_wait3A_682 = arith.constant 0 : i32
        %dma_wait3A_683 = arith.constant 0 : i32
        %dma_wait3A_684 = tpu.memref_slice %arg12[%run_scoped3A_660, %dma_wait3A_682, %dma_wait3A_683] : memref<2x128x64xf32, #tpu.memory_space<vmem>> -> memref<1x128x64xf32, #tpu.memory_space<vmem>>
        %dma_wait3A_685 = tpu.memref_squeeze %dma_wait3A_684 : memref<1x128x64xf32, #tpu.memory_space<vmem>> -> memref<128x64xf32, #tpu.memory_space<vmem>>
        tpu.wait_dma2 semaphore(%run_scoped3A_661 : memref<!tpu.dma_semaphore, #tpu.memory_space<semaphore_mem>>) src(%dma_wait3A_685 : memref<128x64xf32, #tpu.memory_space<vmem>>) dst(%dma_wait3A_681 : memref<128x64xf32, #tpu.memory_space<vmem_shared>>)
        tpu.yield
      }) : () -> ()
      "tpu.region"() ({
        %run_scoped3A_661 = tpu.sem_alloc : memref<!tpu.dma_semaphore, #tpu.memory_space<semaphore_mem>>
        %dma_start3A_662 = arith.constant 0 : i32
        %dma_start3A_663 = tpu.memref_slice %arg8[%add3A_114, %dma_start3A_662] : memref<10240x64xf32, #tpu.memory_space<hbm>> -> memref<128x64xf32, #tpu.memory_space<hbm>>
        %dma_start3A_664 = arith.constant 0 : i32
        %dma_start3A_665 = tpu.memref_slice %arg8[%add3A_114, %dma_start3A_664] : memref<10240x64xf32, #tpu.memory_space<hbm>> -> memref<128x64xf32, #tpu.memory_space<hbm>>
        tpu.enqueue_dma source(%arg17 : memref<128x64xf32, #tpu.memory_space<vmem>>) target(%dma_start3A_665 : memref<128x64xf32, #tpu.memory_space<hbm>>) target_semaphore(%run_scoped3A_661 : memref<!tpu.dma_semaphore, #tpu.memory_space<semaphore_mem>>)
        %dma_wait3A_666 = arith.constant 0 : i32
        %dma_wait3A_667 = tpu.memref_slice %arg8[%add3A_114, %dma_wait3A_666] : memref<10240x64xf32, #tpu.memory_space<hbm>> -> memref<128x64xf32, #tpu.memory_space<hbm>>
        %dma_wait3A_668 = arith.constant 0 : i32
        %dma_wait3A_669 = tpu.memref_slice %arg8[%add3A_114, %dma_wait3A_668] : memref<10240x64xf32, #tpu.memory_space<hbm>> -> memref<128x64xf32, #tpu.memory_space<hbm>>
        tpu.wait_dma2 semaphore(%run_scoped3A_661 : memref<!tpu.dma_semaphore, #tpu.memory_space<semaphore_mem>>) src(%arg17 : memref<128x64xf32, #tpu.memory_space<vmem>>) dst(%dma_wait3A_669 : memref<128x64xf32, #tpu.memory_space<hbm>>)
        tpu.yield
      }) : () -> ()
    } else {
    }
    %mul3A_187 = arith.constant 640 : i32
    %mul3A_188 = arith.muli %arg1, %mul3A_187 : i32
    %add3A_189 = arith.constant 256 : i32
    %add3A_190 = arith.addi %mul3A_188, %add3A_189 : i32
    %mul3A_191 = arith.constant 640 : i32
    %mul3A_192 = arith.muli %arg1, %mul3A_191 : i32
    %add3A_193 = arith.constant 384 : i32
    %add3A_194 = arith.addi %mul3A_192, %add3A_193 : i32
    %dma_start3A_195 = arith.constant 1 : i32
    %dma_start3A_196 = arith.constant 0 : i32
    %dma_start3A_197 = arith.constant 0 : i32
    %dma_start3A_198 = tpu.memref_slice %arg12[%dma_start3A_195, %dma_start3A_196, %dma_start3A_197] : memref<2x128x64xf32, #tpu.memory_space<vmem>> -> memref<1x128x64xf32, #tpu.memory_space<vmem>>
    %dma_start3A_199 = tpu.memref_squeeze %dma_start3A_198 : memref<1x128x64xf32, #tpu.memory_space<vmem>> -> memref<128x64xf32, #tpu.memory_space<vmem>>
    %dma_start3A_200 = arith.constant 0 : i32
    %dma_start3A_201 = tpu.memref_slice %arg2[%add3A_194, %dma_start3A_200] : memref<10240x64xf32, #tpu.memory_space<hbm>> -> memref<128x64xf32, #tpu.memory_space<hbm>>
    %dma_start3A_202 = arith.constant 0 : i32
    %dma_start3A_203 = arith.constant 0 : i32
    %dma_start3A_204 = tpu.memref_slice %arg12[%dma_start3A_195, %dma_start3A_202, %dma_start3A_203] : memref<2x128x64xf32, #tpu.memory_space<vmem>> -> memref<1x128x64xf32, #tpu.memory_space<vmem>>
    %dma_start3A_205 = tpu.memref_squeeze %dma_start3A_204 : memref<1x128x64xf32, #tpu.memory_space<vmem>> -> memref<128x64xf32, #tpu.memory_space<vmem>>
    %dma_start3A_206 = arith.constant 0 : i32
    %dma_start3A_207 = tpu.memref_slice %arg2[%add3A_194, %dma_start3A_206] : memref<10240x64xf32, #tpu.memory_space<hbm>> -> memref<128x64xf32, #tpu.memory_space<hbm>>
    tpu.enqueue_dma source(%dma_start3A_207 : memref<128x64xf32, #tpu.memory_space<hbm>>) target(%dma_start3A_205 : memref<128x64xf32, #tpu.memory_space<vmem>>) target_semaphore(%arg15 : memref<!tpu.dma_semaphore, #tpu.memory_space<semaphore_mem>>)
    %dma_start3A_208 = arith.constant 1 : i32
    %dma_start3A_209 = arith.constant 0 : i32
    %dma_start3A_210 = arith.constant 0 : i32
    %dma_start3A_211 = tpu.memref_slice %arg13[%dma_start3A_208, %dma_start3A_209, %dma_start3A_210] : memref<2x128x16xf32, #tpu.memory_space<vmem>> -> memref<1x128x16xf32, #tpu.memory_space<vmem>>
    %dma_start3A_212 = tpu.memref_squeeze %dma_start3A_211 : memref<1x128x16xf32, #tpu.memory_space<vmem>> -> memref<128x16xf32, #tpu.memory_space<vmem>>
    %dma_start3A_213 = arith.constant 0 : i32
    %dma_start3A_214 = tpu.memref_slice %arg3[%add3A_194, %dma_start3A_213] : memref<10240x16xf32, #tpu.memory_space<hbm>> -> memref<128x16xf32, #tpu.memory_space<hbm>>
    %dma_start3A_215 = arith.constant 0 : i32
    %dma_start3A_216 = arith.constant 0 : i32
    %dma_start3A_217 = tpu.memref_slice %arg13[%dma_start3A_208, %dma_start3A_215, %dma_start3A_216] : memref<2x128x16xf32, #tpu.memory_space<vmem>> -> memref<1x128x16xf32, #tpu.memory_space<vmem>>
    %dma_start3A_218 = tpu.memref_squeeze %dma_start3A_217 : memref<1x128x16xf32, #tpu.memory_space<vmem>> -> memref<128x16xf32, #tpu.memory_space<vmem>>
    %dma_start3A_219 = arith.constant 0 : i32
    %dma_start3A_220 = tpu.memref_slice %arg3[%add3A_194, %dma_start3A_219] : memref<10240x16xf32, #tpu.memory_space<hbm>> -> memref<128x16xf32, #tpu.memory_space<hbm>>
    tpu.enqueue_dma source(%dma_start3A_220 : memref<128x16xf32, #tpu.memory_space<hbm>>) target(%dma_start3A_218 : memref<128x16xf32, #tpu.memory_space<vmem>>) target_semaphore(%arg15 : memref<!tpu.dma_semaphore, #tpu.memory_space<semaphore_mem>>)
    %mul3A_221 = arith.constant 640 : i32
    %mul3A_222 = arith.muli %arg1, %mul3A_221 : i32
    %add3A_223 = arith.constant 256 : i32
    %add3A_224 = arith.addi %mul3A_222, %add3A_223 : i32
    %dma_wait3A_225 = arith.constant 0 : i32
    %dma_wait3A_226 = arith.constant 0 : i32
    %dma_wait3A_227 = arith.constant 0 : i32
    %dma_wait3A_228 = tpu.memref_slice %arg12[%dma_wait3A_225, %dma_wait3A_226, %dma_wait3A_227] : memref<2x128x64xf32, #tpu.memory_space<vmem>> -> memref<1x128x64xf32, #tpu.memory_space<vmem>>
    %dma_wait3A_229 = tpu.memref_squeeze %dma_wait3A_228 : memref<1x128x64xf32, #tpu.memory_space<vmem>> -> memref<128x64xf32, #tpu.memory_space<vmem>>
    %dma_wait3A_230 = arith.constant 0 : i32
    %dma_wait3A_231 = tpu.memref_slice %arg2[%add3A_224, %dma_wait3A_230] : memref<10240x64xf32, #tpu.memory_space<hbm>> -> memref<128x64xf32, #tpu.memory_space<hbm>>
    %dma_wait3A_232 = arith.constant 0 : i32
    %dma_wait3A_233 = arith.constant 0 : i32
    %dma_wait3A_234 = tpu.memref_slice %arg12[%dma_wait3A_225, %dma_wait3A_232, %dma_wait3A_233] : memref<2x128x64xf32, #tpu.memory_space<vmem>> -> memref<1x128x64xf32, #tpu.memory_space<vmem>>
    %dma_wait3A_235 = tpu.memref_squeeze %dma_wait3A_234 : memref<1x128x64xf32, #tpu.memory_space<vmem>> -> memref<128x64xf32, #tpu.memory_space<vmem>>
    %dma_wait3A_236 = arith.constant 0 : i32
    %dma_wait3A_237 = tpu.memref_slice %arg2[%add3A_224, %dma_wait3A_236] : memref<10240x64xf32, #tpu.memory_space<hbm>> -> memref<128x64xf32, #tpu.memory_space<hbm>>
    tpu.wait_dma2 semaphore(%arg15 : memref<!tpu.dma_semaphore, #tpu.memory_space<semaphore_mem>>) src(%dma_wait3A_237 : memref<128x64xf32, #tpu.memory_space<hbm>>) dst(%dma_wait3A_235 : memref<128x64xf32, #tpu.memory_space<vmem>>)
    %dma_wait3A_238 = arith.constant 0 : i32
    %dma_wait3A_239 = arith.constant 0 : i32
    %dma_wait3A_240 = arith.constant 0 : i32
    %dma_wait3A_241 = tpu.memref_slice %arg13[%dma_wait3A_238, %dma_wait3A_239, %dma_wait3A_240] : memref<2x128x16xf32, #tpu.memory_space<vmem>> -> memref<1x128x16xf32, #tpu.memory_space<vmem>>
    %dma_wait3A_242 = tpu.memref_squeeze %dma_wait3A_241 : memref<1x128x16xf32, #tpu.memory_space<vmem>> -> memref<128x16xf32, #tpu.memory_space<vmem>>
    %dma_wait3A_243 = arith.constant 0 : i32
    %dma_wait3A_244 = tpu.memref_slice %arg3[%add3A_224, %dma_wait3A_243] : memref<10240x16xf32, #tpu.memory_space<hbm>> -> memref<128x16xf32, #tpu.memory_space<hbm>>
    %dma_wait3A_245 = arith.constant 0 : i32
    %dma_wait3A_246 = arith.constant 0 : i32
    %dma_wait3A_247 = tpu.memref_slice %arg13[%dma_wait3A_238, %dma_wait3A_245, %dma_wait3A_246] : memref<2x128x16xf32, #tpu.memory_space<vmem>> -> memref<1x128x16xf32, #tpu.memory_space<vmem>>
    %dma_wait3A_248 = tpu.memref_squeeze %dma_wait3A_247 : memref<1x128x16xf32, #tpu.memory_space<vmem>> -> memref<128x16xf32, #tpu.memory_space<vmem>>
    %dma_wait3A_249 = arith.constant 0 : i32
    %dma_wait3A_250 = tpu.memref_slice %arg3[%add3A_224, %dma_wait3A_249] : memref<10240x16xf32, #tpu.memory_space<hbm>> -> memref<128x16xf32, #tpu.memory_space<hbm>>
    tpu.wait_dma2 semaphore(%arg15 : memref<!tpu.dma_semaphore, #tpu.memory_space<semaphore_mem>>) src(%dma_wait3A_250 : memref<128x16xf32, #tpu.memory_space<hbm>>) dst(%dma_wait3A_248 : memref<128x16xf32, #tpu.memory_space<vmem>>)
    %scan3A_251 = arith.constant 0 : i32
    %scan3A_252 = arith.constant 0 : i32
    %scan3A_253 = arith.constant 128 : i32
    %scan3A_254 = arith.addi %scan3A_252, %scan3A_253 : i32
    %scan3A_255 = arith.constant 1 : i32
    scf.for %scan3A_660 = %scan3A_252 to %scan3A_254 step %scan3A_255  : i32 {
      %get3A = arith.constant 0 : i32
      %get3A_661 = arith.index_cast %get3A : i32 to index
      %get3A_662 = arith.index_cast %scan3A_660 : i32 to index
      %get3A_663 = arith.constant 0 : index
      %get3A_664 = tpu.vector_load %arg13[%get3A_661, %get3A_662, %get3A_663] {strides = array<i32>} : memref<2x128x16xf32, #tpu.memory_space<vmem>>, vector<1x1x16xf32>,
      %get3A_665 = vector.shape_cast %get3A_664 : vector<1x1x16xf32> to vector<16xf32>
      %get3A_666 = arith.constant 0 : i32
      %get3A_667 = arith.index_cast %get3A_666 : i32 to index
      %get3A_668 = arith.index_cast %scan3A_660 : i32 to index
      %get3A_669 = arith.constant 0 : index
      %get3A_670 = tpu.vector_load %arg12[%get3A_667, %get3A_668, %get3A_669] {strides = array<i32>} : memref<2x128x64xf32, #tpu.memory_space<vmem>>, vector<1x1x16xf32>,
      %get3A_671 = vector.shape_cast %get3A_670 : vector<1x1x16xf32> to vector<16xf32>
      %mul3A_672 = arith.mulf %get3A_671, %get3A_665 : vector<16xf32>
      %swap3A = arith.constant 0 : i32
      %swap3A_673 = arith.index_cast %swap3A : i32 to index
      %swap3A_674 = arith.index_cast %scan3A_660 : i32 to index
      %swap3A_675 = arith.constant 0 : index
      %swap3A_676 = tpu.vector_load %arg12[%swap3A_673, %swap3A_674, %swap3A_675] {strides = array<i32>} : memref<2x128x64xf32, #tpu.memory_space<vmem>>, vector<1x1x16xf32>,
      %swap3A_677 = vector.shape_cast %swap3A_676 : vector<1x1x16xf32> to vector<16xf32>
      %swap3A_678 = vector.shape_cast %mul3A_672 : vector<16xf32> to vector<1x1x16xf32>
      tpu.vector_store %arg12[%swap3A_673, %swap3A_674, %swap3A_675], %swap3A_678 {strides = array<i32>} : memref<2x128x64xf32, #tpu.memory_space<vmem>>, vector<1x1x16xf32>,
      %swap3A_679 = arith.index_cast %scan3A_660 : i32 to index
      %swap3A_680 = arith.constant 0 : index
      %swap3A_681 = tpu.vector_load %arg17[%swap3A_679, %swap3A_680] {strides = array<i32>} : memref<128x64xf32, #tpu.memory_space<vmem>>, vector<1x16xf32>,
      %swap3A_682 = vector.shape_cast %swap3A_681 : vector<1x16xf32> to vector<16xf32>
      %swap3A_683 = vector.shape_cast %get3A_665 : vector<16xf32> to vector<1x16xf32>
      tpu.vector_store %arg17[%swap3A_679, %swap3A_680], %swap3A_683 {strides = array<i32>} : memref<128x64xf32, #tpu.memory_space<vmem>>, vector<1x16xf32>,
      %get3A_684 = arith.constant 0 : i32
      %get3A_685 = arith.index_cast %get3A_684 : i32 to index
      %get3A_686 = arith.index_cast %scan3A_660 : i32 to index
      %get3A_687 = arith.constant 16 : index
      %get3A_688 = tpu.vector_load %arg12[%get3A_685, %get3A_686, %get3A_687] {strides = array<i32>} : memref<2x128x64xf32, #tpu.memory_space<vmem>>, vector<1x1x16xf32>,
      %get3A_689 = vector.shape_cast %get3A_688 : vector<1x1x16xf32> to vector<16xf32>
      %mul3A_690 = arith.mulf %get3A_689, %get3A_665 : vector<16xf32>
      %swap3A_691 = arith.constant 0 : i32
      %swap3A_692 = arith.index_cast %swap3A_691 : i32 to index
      %swap3A_693 = arith.index_cast %scan3A_660 : i32 to index
      %swap3A_694 = arith.constant 16 : index
      %swap3A_695 = tpu.vector_load %arg12[%swap3A_692, %swap3A_693, %swap3A_694] {strides = array<i32>} : memref<2x128x64xf32, #tpu.memory_space<vmem>>, vector<1x1x16xf32>,
      %swap3A_696 = vector.shape_cast %swap3A_695 : vector<1x1x16xf32> to vector<16xf32>
      %swap3A_697 = vector.shape_cast %mul3A_690 : vector<16xf32> to vector<1x1x16xf32>
      tpu.vector_store %arg12[%swap3A_692, %swap3A_693, %swap3A_694], %swap3A_697 {strides = array<i32>} : memref<2x128x64xf32, #tpu.memory_space<vmem>>, vector<1x1x16xf32>,
      %swap3A_698 = arith.index_cast %scan3A_660 : i32 to index
      %swap3A_699 = arith.constant 16 : index
      %swap3A_700 = tpu.vector_load %arg17[%swap3A_698, %swap3A_699] {strides = array<i32>} : memref<128x64xf32, #tpu.memory_space<vmem>>, vector<1x16xf32>,
      %swap3A_701 = vector.shape_cast %swap3A_700 : vector<1x16xf32> to vector<16xf32>
      %swap3A_702 = vector.shape_cast %get3A_665 : vector<16xf32> to vector<1x16xf32>
      tpu.vector_store %arg17[%swap3A_698, %swap3A_699], %swap3A_702 {strides = array<i32>} : memref<128x64xf32, #tpu.memory_space<vmem>>, vector<1x16xf32>,
      %get3A_703 = arith.constant 0 : i32
      %get3A_704 = arith.index_cast %get3A_703 : i32 to index
      %get3A_705 = arith.index_cast %scan3A_660 : i32 to index
      %get3A_706 = arith.constant 32 : index
      %get3A_707 = tpu.vector_load %arg12[%get3A_704, %get3A_705, %get3A_706] {strides = array<i32>} : memref<2x128x64xf32, #tpu.memory_space<vmem>>, vector<1x1x16xf32>,
      %get3A_708 = vector.shape_cast %get3A_707 : vector<1x1x16xf32> to vector<16xf32>
      %mul3A_709 = arith.mulf %get3A_708, %get3A_665 : vector<16xf32>
      %swap3A_710 = arith.constant 0 : i32
      %swap3A_711 = arith.index_cast %swap3A_710 : i32 to index
      %swap3A_712 = arith.index_cast %scan3A_660 : i32 to index
      %swap3A_713 = arith.constant 32 : index
      %swap3A_714 = tpu.vector_load %arg12[%swap3A_711, %swap3A_712, %swap3A_713] {strides = array<i32>} : memref<2x128x64xf32, #tpu.memory_space<vmem>>, vector<1x1x16xf32>,
      %swap3A_715 = vector.shape_cast %swap3A_714 : vector<1x1x16xf32> to vector<16xf32>
      %swap3A_716 = vector.shape_cast %mul3A_709 : vector<16xf32> to vector<1x1x16xf32>
      tpu.vector_store %arg12[%swap3A_711, %swap3A_712, %swap3A_713], %swap3A_716 {strides = array<i32>} : memref<2x128x64xf32, #tpu.memory_space<vmem>>, vector<1x1x16xf32>,
      %swap3A_717 = arith.index_cast %scan3A_660 : i32 to index
      %swap3A_718 = arith.constant 32 : index
      %swap3A_719 = tpu.vector_load %arg17[%swap3A_717, %swap3A_718] {strides = array<i32>} : memref<128x64xf32, #tpu.memory_space<vmem>>, vector<1x16xf32>,
      %swap3A_720 = vector.shape_cast %swap3A_719 : vector<1x16xf32> to vector<16xf32>
      %swap3A_721 = vector.shape_cast %get3A_665 : vector<16xf32> to vector<1x16xf32>
      tpu.vector_store %arg17[%swap3A_717, %swap3A_718], %swap3A_721 {strides = array<i32>} : memref<128x64xf32, #tpu.memory_space<vmem>>, vector<1x16xf32>,
      %get3A_722 = arith.constant 0 : i32
      %get3A_723 = arith.index_cast %get3A_722 : i32 to index
      %get3A_724 = arith.index_cast %scan3A_660 : i32 to index
      %get3A_725 = arith.constant 48 : index
      %get3A_726 = tpu.vector_load %arg12[%get3A_723, %get3A_724, %get3A_725] {strides = array<i32>} : memref<2x128x64xf32, #tpu.memory_space<vmem>>, vector<1x1x16xf32>,
      %get3A_727 = vector.shape_cast %get3A_726 : vector<1x1x16xf32> to vector<16xf32>
      %mul3A_728 = arith.mulf %get3A_727, %get3A_665 : vector<16xf32>
      %swap3A_729 = arith.constant 0 : i32
      %swap3A_730 = arith.index_cast %swap3A_729 : i32 to index
      %swap3A_731 = arith.index_cast %scan3A_660 : i32 to index
      %swap3A_732 = arith.constant 48 : index
      %swap3A_733 = tpu.vector_load %arg12[%swap3A_730, %swap3A_731, %swap3A_732] {strides = array<i32>} : memref<2x128x64xf32, #tpu.memory_space<vmem>>, vector<1x1x16xf32>,
      %swap3A_734 = vector.shape_cast %swap3A_733 : vector<1x1x16xf32> to vector<16xf32>
      %swap3A_735 = vector.shape_cast %mul3A_728 : vector<16xf32> to vector<1x1x16xf32>
      tpu.vector_store %arg12[%swap3A_730, %swap3A_731, %swap3A_732], %swap3A_735 {strides = array<i32>} : memref<2x128x64xf32, #tpu.memory_space<vmem>>, vector<1x1x16xf32>,
      %swap3A_736 = arith.index_cast %scan3A_660 : i32 to index
      %swap3A_737 = arith.constant 48 : index
      %swap3A_738 = tpu.vector_load %arg17[%swap3A_736, %swap3A_737] {strides = array<i32>} : memref<128x64xf32, #tpu.memory_space<vmem>>, vector<1x16xf32>,
      %swap3A_739 = vector.shape_cast %swap3A_738 : vector<1x16xf32> to vector<16xf32>
      %swap3A_740 = vector.shape_cast %get3A_665 : vector<16xf32> to vector<1x16xf32>
      tpu.vector_store %arg17[%swap3A_736, %swap3A_737], %swap3A_740 {strides = array<i32>} : memref<128x64xf32, #tpu.memory_space<vmem>>, vector<1x16xf32>,
    }
    %scan3A_256 = arith.constant 128 : i32
    %run_scoped3A_257 = arith.constant 0 : i32
    "tpu.region"() ({
      %run_scoped3A_660 = tpu.sem_alloc : memref<!tpu.dma_semaphore, #tpu.memory_space<semaphore_mem>>
      %dma_start3A_661 = arith.constant 0 : i32
      %dma_start3A_662 = arith.constant 0 : i32
      %dma_start3A_663 = tpu.memref_slice %arg12[%run_scoped3A_257, %dma_start3A_661, %dma_start3A_662] : memref<2x128x64xf32, #tpu.memory_space<vmem>> -> memref<1x128x64xf32, #tpu.memory_space<vmem>>
      %dma_start3A_664 = tpu.memref_squeeze %dma_start3A_663 : memref<1x128x64xf32, #tpu.memory_space<vmem>> -> memref<128x64xf32, #tpu.memory_space<vmem>>
      %dma_start3A_665 = arith.constant 0 : i32
      %dma_start3A_666 = tpu.memref_slice %arg7[%arg0, %add3A_190, %dma_start3A_665] : memref<2x10240x64xf32, #tpu.memory_space<hbm>> -> memref<1x128x64xf32, #tpu.memory_space<hbm>>
      %dma_start3A_667 = tpu.memref_squeeze %dma_start3A_666 : memref<1x128x64xf32, #tpu.memory_space<hbm>> -> memref<128x64xf32, #tpu.memory_space<hbm>>
      %dma_start3A_668 = arith.constant 0 : i32
      %dma_start3A_669 = tpu.memref_slice %arg7[%arg0, %add3A_190, %dma_start3A_668] : memref<2x10240x64xf32, #tpu.memory_space<hbm>> -> memref<1x128x64xf32, #tpu.memory_space<hbm>>
      %dma_start3A_670 = tpu.memref_squeeze %dma_start3A_669 : memref<1x128x64xf32, #tpu.memory_space<hbm>> -> memref<128x64xf32, #tpu.memory_space<hbm>>
      %dma_start3A_671 = arith.constant 0 : i32
      %dma_start3A_672 = arith.constant 0 : i32
      %dma_start3A_673 = tpu.memref_slice %arg12[%run_scoped3A_257, %dma_start3A_671, %dma_start3A_672] : memref<2x128x64xf32, #tpu.memory_space<vmem>> -> memref<1x128x64xf32, #tpu.memory_space<vmem>>
      %dma_start3A_674 = tpu.memref_squeeze %dma_start3A_673 : memref<1x128x64xf32, #tpu.memory_space<vmem>> -> memref<128x64xf32, #tpu.memory_space<vmem>>
      tpu.enqueue_dma source(%dma_start3A_674 : memref<128x64xf32, #tpu.memory_space<vmem>>) target(%dma_start3A_670 : memref<128x64xf32, #tpu.memory_space<hbm>>) target_semaphore(%run_scoped3A_660 : memref<!tpu.dma_semaphore, #tpu.memory_space<semaphore_mem>>)
      %dma_wait3A_675 = arith.constant 0 : i32
      %dma_wait3A_676 = arith.constant 0 : i32
      %dma_wait3A_677 = tpu.memref_slice %arg12[%run_scoped3A_257, %dma_wait3A_675, %dma_wait3A_676] : memref<2x128x64xf32, #tpu.memory_space<vmem>> -> memref<1x128x64xf32, #tpu.memory_space<vmem>>
      %dma_wait3A_678 = tpu.memref_squeeze %dma_wait3A_677 : memref<1x128x64xf32, #tpu.memory_space<vmem>> -> memref<128x64xf32, #tpu.memory_space<vmem>>
      %dma_wait3A_679 = arith.constant 0 : i32
      %dma_wait3A_680 = tpu.memref_slice %arg7[%arg0, %add3A_190, %dma_wait3A_679] : memref<2x10240x64xf32, #tpu.memory_space<hbm>> -> memref<1x128x64xf32, #tpu.memory_space<hbm>>
      %dma_wait3A_681 = tpu.memref_squeeze %dma_wait3A_680 : memref<1x128x64xf32, #tpu.memory_space<hbm>> -> memref<128x64xf32, #tpu.memory_space<hbm>>
      %dma_wait3A_682 = arith.constant 0 : i32
      %dma_wait3A_683 = tpu.memref_slice %arg7[%arg0, %add3A_190, %dma_wait3A_682] : memref<2x10240x64xf32, #tpu.memory_space<hbm>> -> memref<1x128x64xf32, #tpu.memory_space<hbm>>
      %dma_wait3A_684 = tpu.memref_squeeze %dma_wait3A_683 : memref<1x128x64xf32, #tpu.memory_space<hbm>> -> memref<128x64xf32, #tpu.memory_space<hbm>>
      %dma_wait3A_685 = arith.constant 0 : i32
      %dma_wait3A_686 = arith.constant 0 : i32
      %dma_wait3A_687 = tpu.memref_slice %arg12[%run_scoped3A_257, %dma_wait3A_685, %dma_wait3A_686] : memref<2x128x64xf32, #tpu.memory_space<vmem>> -> memref<1x128x64xf32, #tpu.memory_space<vmem>>
      %dma_wait3A_688 = tpu.memref_squeeze %dma_wait3A_687 : memref<1x128x64xf32, #tpu.memory_space<vmem>> -> memref<128x64xf32, #tpu.memory_space<vmem>>
      tpu.wait_dma2 semaphore(%run_scoped3A_660 : memref<!tpu.dma_semaphore, #tpu.memory_space<semaphore_mem>>) src(%dma_wait3A_688 : memref<128x64xf32, #tpu.memory_space<vmem>>) dst(%dma_wait3A_684 : memref<128x64xf32, #tpu.memory_space<hbm>>)
      tpu.yield
    }) : () -> ()
    %eq3A_258 = arith.constant 0 : i32
    %eq3A_259 = arith.cmpi eq, %arg0, %eq3A_258 : i32
    %convert_element_type3A_260 = arith.extui %eq3A_259 : i1 to i32
    %cond3A_261 = arith.constant 0 : i32
    %cond3A_262 = arith.cmpi ne, %convert_element_type3A_260, %cond3A_261 : i32
    scf.if %cond3A_262 {
      %run_scoped3A_660 = arith.constant 0 : i32
      "tpu.region"() ({
        %run_scoped3A_661 = tpu.sem_alloc : memref<!tpu.dma_semaphore, #tpu.memory_space<semaphore_mem>>
        %dma_start3A_662 = arith.constant 0 : i32
        %dma_start3A_663 = arith.constant 0 : i32
        %dma_start3A_664 = tpu.memref_slice %arg12[%run_scoped3A_660, %dma_start3A_662, %dma_start3A_663] : memref<2x128x64xf32, #tpu.memory_space<vmem>> -> memref<1x128x64xf32, #tpu.memory_space<vmem>>
        %dma_start3A_665 = tpu.memref_squeeze %dma_start3A_664 : memref<1x128x64xf32, #tpu.memory_space<vmem>> -> memref<128x64xf32, #tpu.memory_space<vmem>>
        %dma_start3A_666 = arith.constant 0 : i32
        %dma_start3A_667 = tpu.memref_slice %arg14[%add3A_190, %dma_start3A_666] : memref<10240x64xf32, #tpu.memory_space<vmem_shared>> -> memref<128x64xf32, #tpu.memory_space<vmem_shared>>
        %dma_start3A_668 = arith.constant 0 : i32
        %dma_start3A_669 = tpu.memref_slice %arg14[%add3A_190, %dma_start3A_668] : memref<10240x64xf32, #tpu.memory_space<vmem_shared>> -> memref<128x64xf32, #tpu.memory_space<vmem_shared>>
        %dma_start3A_670 = arith.constant 0 : i32
        %dma_start3A_671 = arith.constant 0 : i32
        %dma_start3A_672 = tpu.memref_slice %arg12[%run_scoped3A_660, %dma_start3A_670, %dma_start3A_671] : memref<2x128x64xf32, #tpu.memory_space<vmem>> -> memref<1x128x64xf32, #tpu.memory_space<vmem>>
        %dma_start3A_673 = tpu.memref_squeeze %dma_start3A_672 : memref<1x128x64xf32, #tpu.memory_space<vmem>> -> memref<128x64xf32, #tpu.memory_space<vmem>>
        tpu.enqueue_dma source(%dma_start3A_673 : memref<128x64xf32, #tpu.memory_space<vmem>>) target(%dma_start3A_669 : memref<128x64xf32, #tpu.memory_space<vmem_shared>>) target_semaphore(%run_scoped3A_661 : memref<!tpu.dma_semaphore, #tpu.memory_space<semaphore_mem>>)
        %dma_wait3A_674 = arith.constant 0 : i32
        %dma_wait3A_675 = arith.constant 0 : i32
        %dma_wait3A_676 = tpu.memref_slice %arg12[%run_scoped3A_660, %dma_wait3A_674, %dma_wait3A_675] : memref<2x128x64xf32, #tpu.memory_space<vmem>> -> memref<1x128x64xf32, #tpu.memory_space<vmem>>
        %dma_wait3A_677 = tpu.memref_squeeze %dma_wait3A_676 : memref<1x128x64xf32, #tpu.memory_space<vmem>> -> memref<128x64xf32, #tpu.memory_space<vmem>>
        %dma_wait3A_678 = arith.constant 0 : i32
        %dma_wait3A_679 = tpu.memref_slice %arg14[%add3A_190, %dma_wait3A_678] : memref<10240x64xf32, #tpu.memory_space<vmem_shared>> -> memref<128x64xf32, #tpu.memory_space<vmem_shared>>
        %dma_wait3A_680 = arith.constant 0 : i32
        %dma_wait3A_681 = tpu.memref_slice %arg14[%add3A_190, %dma_wait3A_680] : memref<10240x64xf32, #tpu.memory_space<vmem_shared>> -> memref<128x64xf32, #tpu.memory_space<vmem_shared>>
        %dma_wait3A_682 = arith.constant 0 : i32
        %dma_wait3A_683 = arith.constant 0 : i32
        %dma_wait3A_684 = tpu.memref_slice %arg12[%run_scoped3A_660, %dma_wait3A_682, %dma_wait3A_683] : memref<2x128x64xf32, #tpu.memory_space<vmem>> -> memref<1x128x64xf32, #tpu.memory_space<vmem>>
        %dma_wait3A_685 = tpu.memref_squeeze %dma_wait3A_684 : memref<1x128x64xf32, #tpu.memory_space<vmem>> -> memref<128x64xf32, #tpu.memory_space<vmem>>
        tpu.wait_dma2 semaphore(%run_scoped3A_661 : memref<!tpu.dma_semaphore, #tpu.memory_space<semaphore_mem>>) src(%dma_wait3A_685 : memref<128x64xf32, #tpu.memory_space<vmem>>) dst(%dma_wait3A_681 : memref<128x64xf32, #tpu.memory_space<vmem_shared>>)
        tpu.yield
      }) : () -> ()
      "tpu.region"() ({
        %run_scoped3A_661 = tpu.sem_alloc : memref<!tpu.dma_semaphore, #tpu.memory_space<semaphore_mem>>
        %dma_start3A_662 = arith.constant 0 : i32
        %dma_start3A_663 = tpu.memref_slice %arg8[%add3A_190, %dma_start3A_662] : memref<10240x64xf32, #tpu.memory_space<hbm>> -> memref<128x64xf32, #tpu.memory_space<hbm>>
        %dma_start3A_664 = arith.constant 0 : i32
        %dma_start3A_665 = tpu.memref_slice %arg8[%add3A_190, %dma_start3A_664] : memref<10240x64xf32, #tpu.memory_space<hbm>> -> memref<128x64xf32, #tpu.memory_space<hbm>>
        tpu.enqueue_dma source(%arg17 : memref<128x64xf32, #tpu.memory_space<vmem>>) target(%dma_start3A_665 : memref<128x64xf32, #tpu.memory_space<hbm>>) target_semaphore(%run_scoped3A_661 : memref<!tpu.dma_semaphore, #tpu.memory_space<semaphore_mem>>)
        %dma_wait3A_666 = arith.constant 0 : i32
        %dma_wait3A_667 = tpu.memref_slice %arg8[%add3A_190, %dma_wait3A_666] : memref<10240x64xf32, #tpu.memory_space<hbm>> -> memref<128x64xf32, #tpu.memory_space<hbm>>
        %dma_wait3A_668 = arith.constant 0 : i32
        %dma_wait3A_669 = tpu.memref_slice %arg8[%add3A_190, %dma_wait3A_668] : memref<10240x64xf32, #tpu.memory_space<hbm>> -> memref<128x64xf32, #tpu.memory_space<hbm>>
        tpu.wait_dma2 semaphore(%run_scoped3A_661 : memref<!tpu.dma_semaphore, #tpu.memory_space<semaphore_mem>>) src(%arg17 : memref<128x64xf32, #tpu.memory_space<vmem>>) dst(%dma_wait3A_669 : memref<128x64xf32, #tpu.memory_space<hbm>>)
        tpu.yield
      }) : () -> ()
    } else {
    }
    %mul3A_263 = arith.constant 640 : i32
    %mul3A_264 = arith.muli %arg1, %mul3A_263 : i32
    %add3A_265 = arith.constant 384 : i32
    %add3A_266 = arith.addi %mul3A_264, %add3A_265 : i32
    %mul3A_267 = arith.constant 640 : i32
    %mul3A_268 = arith.muli %arg1, %mul3A_267 : i32
    %add3A_269 = arith.constant 512 : i32
    %add3A_270 = arith.addi %mul3A_268, %add3A_269 : i32
    %dma_start3A_271 = arith.constant 0 : i32
    %dma_start3A_272 = arith.constant 0 : i32
    %dma_start3A_273 = arith.constant 0 : i32
    %dma_start3A_274 = tpu.memref_slice %arg12[%dma_start3A_271, %dma_start3A_272, %dma_start3A_273] : memref<2x128x64xf32, #tpu.memory_space<vmem>> -> memref<1x128x64xf32, #tpu.memory_space<vmem>>
    %dma_start3A_275 = tpu.memref_squeeze %dma_start3A_274 : memref<1x128x64xf32, #tpu.memory_space<vmem>> -> memref<128x64xf32, #tpu.memory_space<vmem>>
    %dma_start3A_276 = arith.constant 0 : i32
    %dma_start3A_277 = tpu.memref_slice %arg2[%add3A_270, %dma_start3A_276] : memref<10240x64xf32, #tpu.memory_space<hbm>> -> memref<128x64xf32, #tpu.memory_space<hbm>>
    %dma_start3A_278 = arith.constant 0 : i32
    %dma_start3A_279 = arith.constant 0 : i32
    %dma_start3A_280 = tpu.memref_slice %arg12[%dma_start3A_271, %dma_start3A_278, %dma_start3A_279] : memref<2x128x64xf32, #tpu.memory_space<vmem>> -> memref<1x128x64xf32, #tpu.memory_space<vmem>>
    %dma_start3A_281 = tpu.memref_squeeze %dma_start3A_280 : memref<1x128x64xf32, #tpu.memory_space<vmem>> -> memref<128x64xf32, #tpu.memory_space<vmem>>
    %dma_start3A_282 = arith.constant 0 : i32
    %dma_start3A_283 = tpu.memref_slice %arg2[%add3A_270, %dma_start3A_282] : memref<10240x64xf32, #tpu.memory_space<hbm>> -> memref<128x64xf32, #tpu.memory_space<hbm>>
    tpu.enqueue_dma source(%dma_start3A_283 : memref<128x64xf32, #tpu.memory_space<hbm>>) target(%dma_start3A_281 : memref<128x64xf32, #tpu.memory_space<vmem>>) target_semaphore(%arg15 : memref<!tpu.dma_semaphore, #tpu.memory_space<semaphore_mem>>)
    %dma_start3A_284 = arith.constant 0 : i32
    %dma_start3A_285 = arith.constant 0 : i32
    %dma_start3A_286 = arith.constant 0 : i32
    %dma_start3A_287 = tpu.memref_slice %arg13[%dma_start3A_284, %dma_start3A_285, %dma_start3A_286] : memref<2x128x16xf32, #tpu.memory_space<vmem>> -> memref<1x128x16xf32, #tpu.memory_space<vmem>>
    %dma_start3A_288 = tpu.memref_squeeze %dma_start3A_287 : memref<1x128x16xf32, #tpu.memory_space<vmem>> -> memref<128x16xf32, #tpu.memory_space<vmem>>
    %dma_start3A_289 = arith.constant 0 : i32
    %dma_start3A_290 = tpu.memref_slice %arg3[%add3A_270, %dma_start3A_289] : memref<10240x16xf32, #tpu.memory_space<hbm>> -> memref<128x16xf32, #tpu.memory_space<hbm>>
    %dma_start3A_291 = arith.constant 0 : i32
    %dma_start3A_292 = arith.constant 0 : i32
    %dma_start3A_293 = tpu.memref_slice %arg13[%dma_start3A_284, %dma_start3A_291, %dma_start3A_292] : memref<2x128x16xf32, #tpu.memory_space<vmem>> -> memref<1x128x16xf32, #tpu.memory_space<vmem>>
    %dma_start3A_294 = tpu.memref_squeeze %dma_start3A_293 : memref<1x128x16xf32, #tpu.memory_space<vmem>> -> memref<128x16xf32, #tpu.memory_space<vmem>>
    %dma_start3A_295 = arith.constant 0 : i32
    %dma_start3A_296 = tpu.memref_slice %arg3[%add3A_270, %dma_start3A_295] : memref<10240x16xf32, #tpu.memory_space<hbm>> -> memref<128x16xf32, #tpu.memory_space<hbm>>
    tpu.enqueue_dma source(%dma_start3A_296 : memref<128x16xf32, #tpu.memory_space<hbm>>) target(%dma_start3A_294 : memref<128x16xf32, #tpu.memory_space<vmem>>) target_semaphore(%arg15 : memref<!tpu.dma_semaphore, #tpu.memory_space<semaphore_mem>>)
    %mul3A_297 = arith.constant 640 : i32
    %mul3A_298 = arith.muli %arg1, %mul3A_297 : i32
    %add3A_299 = arith.constant 384 : i32
    %add3A_300 = arith.addi %mul3A_298, %add3A_299 : i32
    %dma_wait3A_301 = arith.constant 1 : i32
    %dma_wait3A_302 = arith.constant 0 : i32
    %dma_wait3A_303 = arith.constant 0 : i32
    %dma_wait3A_304 = tpu.memref_slice %arg12[%dma_wait3A_301, %dma_wait3A_302, %dma_wait3A_303] : memref<2x128x64xf32, #tpu.memory_space<vmem>> -> memref<1x128x64xf32, #tpu.memory_space<vmem>>
    %dma_wait3A_305 = tpu.memref_squeeze %dma_wait3A_304 : memref<1x128x64xf32, #tpu.memory_space<vmem>> -> memref<128x64xf32, #tpu.memory_space<vmem>>
    %dma_wait3A_306 = arith.constant 0 : i32
    %dma_wait3A_307 = tpu.memref_slice %arg2[%add3A_300, %dma_wait3A_306] : memref<10240x64xf32, #tpu.memory_space<hbm>> -> memref<128x64xf32, #tpu.memory_space<hbm>>
    %dma_wait3A_308 = arith.constant 0 : i32
    %dma_wait3A_309 = arith.constant 0 : i32
    %dma_wait3A_310 = tpu.memref_slice %arg12[%dma_wait3A_301, %dma_wait3A_308, %dma_wait3A_309] : memref<2x128x64xf32, #tpu.memory_space<vmem>> -> memref<1x128x64xf32, #tpu.memory_space<vmem>>
    %dma_wait3A_311 = tpu.memref_squeeze %dma_wait3A_310 : memref<1x128x64xf32, #tpu.memory_space<vmem>> -> memref<128x64xf32, #tpu.memory_space<vmem>>
    %dma_wait3A_312 = arith.constant 0 : i32
    %dma_wait3A_313 = tpu.memref_slice %arg2[%add3A_300, %dma_wait3A_312] : memref<10240x64xf32, #tpu.memory_space<hbm>> -> memref<128x64xf32, #tpu.memory_space<hbm>>
    tpu.wait_dma2 semaphore(%arg15 : memref<!tpu.dma_semaphore, #tpu.memory_space<semaphore_mem>>) src(%dma_wait3A_313 : memref<128x64xf32, #tpu.memory_space<hbm>>) dst(%dma_wait3A_311 : memref<128x64xf32, #tpu.memory_space<vmem>>)
    %dma_wait3A_314 = arith.constant 1 : i32
    %dma_wait3A_315 = arith.constant 0 : i32
    %dma_wait3A_316 = arith.constant 0 : i32
    %dma_wait3A_317 = tpu.memref_slice %arg13[%dma_wait3A_314, %dma_wait3A_315, %dma_wait3A_316] : memref<2x128x16xf32, #tpu.memory_space<vmem>> -> memref<1x128x16xf32, #tpu.memory_space<vmem>>
    %dma_wait3A_318 = tpu.memref_squeeze %dma_wait3A_317 : memref<1x128x16xf32, #tpu.memory_space<vmem>> -> memref<128x16xf32, #tpu.memory_space<vmem>>
    %dma_wait3A_319 = arith.constant 0 : i32
    %dma_wait3A_320 = tpu.memref_slice %arg3[%add3A_300, %dma_wait3A_319] : memref<10240x16xf32, #tpu.memory_space<hbm>> -> memref<128x16xf32, #tpu.memory_space<hbm>>
    %dma_wait3A_321 = arith.constant 0 : i32
    %dma_wait3A_322 = arith.constant 0 : i32
    %dma_wait3A_323 = tpu.memref_slice %arg13[%dma_wait3A_314, %dma_wait3A_321, %dma_wait3A_322] : memref<2x128x16xf32, #tpu.memory_space<vmem>> -> memref<1x128x16xf32, #tpu.memory_space<vmem>>
    %dma_wait3A_324 = tpu.memref_squeeze %dma_wait3A_323 : memref<1x128x16xf32, #tpu.memory_space<vmem>> -> memref<128x16xf32, #tpu.memory_space<vmem>>
    %dma_wait3A_325 = arith.constant 0 : i32
    %dma_wait3A_326 = tpu.memref_slice %arg3[%add3A_300, %dma_wait3A_325] : memref<10240x16xf32, #tpu.memory_space<hbm>> -> memref<128x16xf32, #tpu.memory_space<hbm>>
    tpu.wait_dma2 semaphore(%arg15 : memref<!tpu.dma_semaphore, #tpu.memory_space<semaphore_mem>>) src(%dma_wait3A_326 : memref<128x16xf32, #tpu.memory_space<hbm>>) dst(%dma_wait3A_324 : memref<128x16xf32, #tpu.memory_space<vmem>>)
    %scan3A_327 = arith.constant 0 : i32
    %scan3A_328 = arith.constant 0 : i32
    %scan3A_329 = arith.constant 128 : i32
    %scan3A_330 = arith.addi %scan3A_328, %scan3A_329 : i32
    %scan3A_331 = arith.constant 1 : i32
    scf.for %scan3A_660 = %scan3A_328 to %scan3A_330 step %scan3A_331  : i32 {
      %get3A = arith.constant 1 : i32
      %get3A_661 = arith.index_cast %get3A : i32 to index
      %get3A_662 = arith.index_cast %scan3A_660 : i32 to index
      %get3A_663 = arith.constant 0 : index
      %get3A_664 = tpu.vector_load %arg13[%get3A_661, %get3A_662, %get3A_663] {strides = array<i32>} : memref<2x128x16xf32, #tpu.memory_space<vmem>>, vector<1x1x16xf32>,
      %get3A_665 = vector.shape_cast %get3A_664 : vector<1x1x16xf32> to vector<16xf32>
      %get3A_666 = arith.constant 1 : i32
      %get3A_667 = arith.index_cast %get3A_666 : i32 to index
      %get3A_668 = arith.index_cast %scan3A_660 : i32 to index
      %get3A_669 = arith.constant 0 : index
      %get3A_670 = tpu.vector_load %arg12[%get3A_667, %get3A_668, %get3A_669] {strides = array<i32>} : memref<2x128x64xf32, #tpu.memory_space<vmem>>, vector<1x1x16xf32>,
      %get3A_671 = vector.shape_cast %get3A_670 : vector<1x1x16xf32> to vector<16xf32>
      %mul3A_672 = arith.mulf %get3A_671, %get3A_665 : vector<16xf32>
      %swap3A = arith.constant 1 : i32
      %swap3A_673 = arith.index_cast %swap3A : i32 to index
      %swap3A_674 = arith.index_cast %scan3A_660 : i32 to index
      %swap3A_675 = arith.constant 0 : index
      %swap3A_676 = tpu.vector_load %arg12[%swap3A_673, %swap3A_674, %swap3A_675] {strides = array<i32>} : memref<2x128x64xf32, #tpu.memory_space<vmem>>, vector<1x1x16xf32>,
      %swap3A_677 = vector.shape_cast %swap3A_676 : vector<1x1x16xf32> to vector<16xf32>
      %swap3A_678 = vector.shape_cast %mul3A_672 : vector<16xf32> to vector<1x1x16xf32>
      tpu.vector_store %arg12[%swap3A_673, %swap3A_674, %swap3A_675], %swap3A_678 {strides = array<i32>} : memref<2x128x64xf32, #tpu.memory_space<vmem>>, vector<1x1x16xf32>,
      %swap3A_679 = arith.index_cast %scan3A_660 : i32 to index
      %swap3A_680 = arith.constant 0 : index
      %swap3A_681 = tpu.vector_load %arg17[%swap3A_679, %swap3A_680] {strides = array<i32>} : memref<128x64xf32, #tpu.memory_space<vmem>>, vector<1x16xf32>,
      %swap3A_682 = vector.shape_cast %swap3A_681 : vector<1x16xf32> to vector<16xf32>
      %swap3A_683 = vector.shape_cast %get3A_665 : vector<16xf32> to vector<1x16xf32>
      tpu.vector_store %arg17[%swap3A_679, %swap3A_680], %swap3A_683 {strides = array<i32>} : memref<128x64xf32, #tpu.memory_space<vmem>>, vector<1x16xf32>,
      %get3A_684 = arith.constant 1 : i32
      %get3A_685 = arith.index_cast %get3A_684 : i32 to index
      %get3A_686 = arith.index_cast %scan3A_660 : i32 to index
      %get3A_687 = arith.constant 16 : index
      %get3A_688 = tpu.vector_load %arg12[%get3A_685, %get3A_686, %get3A_687] {strides = array<i32>} : memref<2x128x64xf32, #tpu.memory_space<vmem>>, vector<1x1x16xf32>,
      %get3A_689 = vector.shape_cast %get3A_688 : vector<1x1x16xf32> to vector<16xf32>
      %mul3A_690 = arith.mulf %get3A_689, %get3A_665 : vector<16xf32>
      %swap3A_691 = arith.constant 1 : i32
      %swap3A_692 = arith.index_cast %swap3A_691 : i32 to index
      %swap3A_693 = arith.index_cast %scan3A_660 : i32 to index
      %swap3A_694 = arith.constant 16 : index
      %swap3A_695 = tpu.vector_load %arg12[%swap3A_692, %swap3A_693, %swap3A_694] {strides = array<i32>} : memref<2x128x64xf32, #tpu.memory_space<vmem>>, vector<1x1x16xf32>,
      %swap3A_696 = vector.shape_cast %swap3A_695 : vector<1x1x16xf32> to vector<16xf32>
      %swap3A_697 = vector.shape_cast %mul3A_690 : vector<16xf32> to vector<1x1x16xf32>
      tpu.vector_store %arg12[%swap3A_692, %swap3A_693, %swap3A_694], %swap3A_697 {strides = array<i32>} : memref<2x128x64xf32, #tpu.memory_space<vmem>>, vector<1x1x16xf32>,
      %swap3A_698 = arith.index_cast %scan3A_660 : i32 to index
      %swap3A_699 = arith.constant 16 : index
      %swap3A_700 = tpu.vector_load %arg17[%swap3A_698, %swap3A_699] {strides = array<i32>} : memref<128x64xf32, #tpu.memory_space<vmem>>, vector<1x16xf32>,
      %swap3A_701 = vector.shape_cast %swap3A_700 : vector<1x16xf32> to vector<16xf32>
      %swap3A_702 = vector.shape_cast %get3A_665 : vector<16xf32> to vector<1x16xf32>
      tpu.vector_store %arg17[%swap3A_698, %swap3A_699], %swap3A_702 {strides = array<i32>} : memref<128x64xf32, #tpu.memory_space<vmem>>, vector<1x16xf32>,
      %get3A_703 = arith.constant 1 : i32
      %get3A_704 = arith.index_cast %get3A_703 : i32 to index
      %get3A_705 = arith.index_cast %scan3A_660 : i32 to index
      %get3A_706 = arith.constant 32 : index
      %get3A_707 = tpu.vector_load %arg12[%get3A_704, %get3A_705, %get3A_706] {strides = array<i32>} : memref<2x128x64xf32, #tpu.memory_space<vmem>>, vector<1x1x16xf32>,
      %get3A_708 = vector.shape_cast %get3A_707 : vector<1x1x16xf32> to vector<16xf32>
      %mul3A_709 = arith.mulf %get3A_708, %get3A_665 : vector<16xf32>
      %swap3A_710 = arith.constant 1 : i32
      %swap3A_711 = arith.index_cast %swap3A_710 : i32 to index
      %swap3A_712 = arith.index_cast %scan3A_660 : i32 to index
      %swap3A_713 = arith.constant 32 : index
      %swap3A_714 = tpu.vector_load %arg12[%swap3A_711, %swap3A_712, %swap3A_713] {strides = array<i32>} : memref<2x128x64xf32, #tpu.memory_space<vmem>>, vector<1x1x16xf32>,
      %swap3A_715 = vector.shape_cast %swap3A_714 : vector<1x1x16xf32> to vector<16xf32>
      %swap3A_716 = vector.shape_cast %mul3A_709 : vector<16xf32> to vector<1x1x16xf32>
      tpu.vector_store %arg12[%swap3A_711, %swap3A_712, %swap3A_713], %swap3A_716 {strides = array<i32>} : memref<2x128x64xf32, #tpu.memory_space<vmem>>, vector<1x1x16xf32>,
      %swap3A_717 = arith.index_cast %scan3A_660 : i32 to index
      %swap3A_718 = arith.constant 32 : index
      %swap3A_719 = tpu.vector_load %arg17[%swap3A_717, %swap3A_718] {strides = array<i32>} : memref<128x64xf32, #tpu.memory_space<vmem>>, vector<1x16xf32>,
      %swap3A_720 = vector.shape_cast %swap3A_719 : vector<1x16xf32> to vector<16xf32>
      %swap3A_721 = vector.shape_cast %get3A_665 : vector<16xf32> to vector<1x16xf32>
      tpu.vector_store %arg17[%swap3A_717, %swap3A_718], %swap3A_721 {strides = array<i32>} : memref<128x64xf32, #tpu.memory_space<vmem>>, vector<1x16xf32>,
      %get3A_722 = arith.constant 1 : i32
      %get3A_723 = arith.index_cast %get3A_722 : i32 to index
      %get3A_724 = arith.index_cast %scan3A_660 : i32 to index
      %get3A_725 = arith.constant 48 : index
      %get3A_726 = tpu.vector_load %arg12[%get3A_723, %get3A_724, %get3A_725] {strides = array<i32>} : memref<2x128x64xf32, #tpu.memory_space<vmem>>, vector<1x1x16xf32>,
      %get3A_727 = vector.shape_cast %get3A_726 : vector<1x1x16xf32> to vector<16xf32>
      %mul3A_728 = arith.mulf %get3A_727, %get3A_665 : vector<16xf32>
      %swap3A_729 = arith.constant 1 : i32
      %swap3A_730 = arith.index_cast %swap3A_729 : i32 to index
      %swap3A_731 = arith.index_cast %scan3A_660 : i32 to index
      %swap3A_732 = arith.constant 48 : index
      %swap3A_733 = tpu.vector_load %arg12[%swap3A_730, %swap3A_731, %swap3A_732] {strides = array<i32>} : memref<2x128x64xf32, #tpu.memory_space<vmem>>, vector<1x1x16xf32>,
      %swap3A_734 = vector.shape_cast %swap3A_733 : vector<1x1x16xf32> to vector<16xf32>
      %swap3A_735 = vector.shape_cast %mul3A_728 : vector<16xf32> to vector<1x1x16xf32>
      tpu.vector_store %arg12[%swap3A_730, %swap3A_731, %swap3A_732], %swap3A_735 {strides = array<i32>} : memref<2x128x64xf32, #tpu.memory_space<vmem>>, vector<1x1x16xf32>,
      %swap3A_736 = arith.index_cast %scan3A_660 : i32 to index
      %swap3A_737 = arith.constant 48 : index
      %swap3A_738 = tpu.vector_load %arg17[%swap3A_736, %swap3A_737] {strides = array<i32>} : memref<128x64xf32, #tpu.memory_space<vmem>>, vector<1x16xf32>,
      %swap3A_739 = vector.shape_cast %swap3A_738 : vector<1x16xf32> to vector<16xf32>
      %swap3A_740 = vector.shape_cast %get3A_665 : vector<16xf32> to vector<1x16xf32>
      tpu.vector_store %arg17[%swap3A_736, %swap3A_737], %swap3A_740 {strides = array<i32>} : memref<128x64xf32, #tpu.memory_space<vmem>>, vector<1x16xf32>,
    }
    %scan3A_332 = arith.constant 128 : i32
    %run_scoped3A_333 = arith.constant 1 : i32
    "tpu.region"() ({
      %run_scoped3A_660 = tpu.sem_alloc : memref<!tpu.dma_semaphore, #tpu.memory_space<semaphore_mem>>
      %dma_start3A_661 = arith.constant 0 : i32
      %dma_start3A_662 = arith.constant 0 : i32
      %dma_start3A_663 = tpu.memref_slice %arg12[%run_scoped3A_333, %dma_start3A_661, %dma_start3A_662] : memref<2x128x64xf32, #tpu.memory_space<vmem>> -> memref<1x128x64xf32, #tpu.memory_space<vmem>>
      %dma_start3A_664 = tpu.memref_squeeze %dma_start3A_663 : memref<1x128x64xf32, #tpu.memory_space<vmem>> -> memref<128x64xf32, #tpu.memory_space<vmem>>
      %dma_start3A_665 = arith.constant 0 : i32
      %dma_start3A_666 = tpu.memref_slice %arg7[%arg0, %add3A_266, %dma_start3A_665] : memref<2x10240x64xf32, #tpu.memory_space<hbm>> -> memref<1x128x64xf32, #tpu.memory_space<hbm>>
      %dma_start3A_667 = tpu.memref_squeeze %dma_start3A_666 : memref<1x128x64xf32, #tpu.memory_space<hbm>> -> memref<128x64xf32, #tpu.memory_space<hbm>>
      %dma_start3A_668 = arith.constant 0 : i32
      %dma_start3A_669 = tpu.memref_slice %arg7[%arg0, %add3A_266, %dma_start3A_668] : memref<2x10240x64xf32, #tpu.memory_space<hbm>> -> memref<1x128x64xf32, #tpu.memory_space<hbm>>
      %dma_start3A_670 = tpu.memref_squeeze %dma_start3A_669 : memref<1x128x64xf32, #tpu.memory_space<hbm>> -> memref<128x64xf32, #tpu.memory_space<hbm>>
      %dma_start3A_671 = arith.constant 0 : i32
      %dma_start3A_672 = arith.constant 0 : i32
      %dma_start3A_673 = tpu.memref_slice %arg12[%run_scoped3A_333, %dma_start3A_671, %dma_start3A_672] : memref<2x128x64xf32, #tpu.memory_space<vmem>> -> memref<1x128x64xf32, #tpu.memory_space<vmem>>
      %dma_start3A_674 = tpu.memref_squeeze %dma_start3A_673 : memref<1x128x64xf32, #tpu.memory_space<vmem>> -> memref<128x64xf32, #tpu.memory_space<vmem>>
      tpu.enqueue_dma source(%dma_start3A_674 : memref<128x64xf32, #tpu.memory_space<vmem>>) target(%dma_start3A_670 : memref<128x64xf32, #tpu.memory_space<hbm>>) target_semaphore(%run_scoped3A_660 : memref<!tpu.dma_semaphore, #tpu.memory_space<semaphore_mem>>)
      %dma_wait3A_675 = arith.constant 0 : i32
      %dma_wait3A_676 = arith.constant 0 : i32
      %dma_wait3A_677 = tpu.memref_slice %arg12[%run_scoped3A_333, %dma_wait3A_675, %dma_wait3A_676] : memref<2x128x64xf32, #tpu.memory_space<vmem>> -> memref<1x128x64xf32, #tpu.memory_space<vmem>>
      %dma_wait3A_678 = tpu.memref_squeeze %dma_wait3A_677 : memref<1x128x64xf32, #tpu.memory_space<vmem>> -> memref<128x64xf32, #tpu.memory_space<vmem>>
      %dma_wait3A_679 = arith.constant 0 : i32
      %dma_wait3A_680 = tpu.memref_slice %arg7[%arg0, %add3A_266, %dma_wait3A_679] : memref<2x10240x64xf32, #tpu.memory_space<hbm>> -> memref<1x128x64xf32, #tpu.memory_space<hbm>>
      %dma_wait3A_681 = tpu.memref_squeeze %dma_wait3A_680 : memref<1x128x64xf32, #tpu.memory_space<hbm>> -> memref<128x64xf32, #tpu.memory_space<hbm>>
      %dma_wait3A_682 = arith.constant 0 : i32
      %dma_wait3A_683 = tpu.memref_slice %arg7[%arg0, %add3A_266, %dma_wait3A_682] : memref<2x10240x64xf32, #tpu.memory_space<hbm>> -> memref<1x128x64xf32, #tpu.memory_space<hbm>>
      %dma_wait3A_684 = tpu.memref_squeeze %dma_wait3A_683 : memref<1x128x64xf32, #tpu.memory_space<hbm>> -> memref<128x64xf32, #tpu.memory_space<hbm>>
      %dma_wait3A_685 = arith.constant 0 : i32
      %dma_wait3A_686 = arith.constant 0 : i32
      %dma_wait3A_687 = tpu.memref_slice %arg12[%run_scoped3A_333, %dma_wait3A_685, %dma_wait3A_686] : memref<2x128x64xf32, #tpu.memory_space<vmem>> -> memref<1x128x64xf32, #tpu.memory_space<vmem>>
      %dma_wait3A_688 = tpu.memref_squeeze %dma_wait3A_687 : memref<1x128x64xf32, #tpu.memory_space<vmem>> -> memref<128x64xf32, #tpu.memory_space<vmem>>
      tpu.wait_dma2 semaphore(%run_scoped3A_660 : memref<!tpu.dma_semaphore, #tpu.memory_space<semaphore_mem>>) src(%dma_wait3A_688 : memref<128x64xf32, #tpu.memory_space<vmem>>) dst(%dma_wait3A_684 : memref<128x64xf32, #tpu.memory_space<hbm>>)
      tpu.yield
    }) : () -> ()
    %eq3A_334 = arith.constant 0 : i32
    %eq3A_335 = arith.cmpi eq, %arg0, %eq3A_334 : i32
    %convert_element_type3A_336 = arith.extui %eq3A_335 : i1 to i32
    %cond3A_337 = arith.constant 0 : i32
    %cond3A_338 = arith.cmpi ne, %convert_element_type3A_336, %cond3A_337 : i32
    scf.if %cond3A_338 {
      %run_scoped3A_660 = arith.constant 1 : i32
      "tpu.region"() ({
        %run_scoped3A_661 = tpu.sem_alloc : memref<!tpu.dma_semaphore, #tpu.memory_space<semaphore_mem>>
        %dma_start3A_662 = arith.constant 0 : i32
        %dma_start3A_663 = arith.constant 0 : i32
        %dma_start3A_664 = tpu.memref_slice %arg12[%run_scoped3A_660, %dma_start3A_662, %dma_start3A_663] : memref<2x128x64xf32, #tpu.memory_space<vmem>> -> memref<1x128x64xf32, #tpu.memory_space<vmem>>
        %dma_start3A_665 = tpu.memref_squeeze %dma_start3A_664 : memref<1x128x64xf32, #tpu.memory_space<vmem>> -> memref<128x64xf32, #tpu.memory_space<vmem>>
        %dma_start3A_666 = arith.constant 0 : i32
        %dma_start3A_667 = tpu.memref_slice %arg14[%add3A_266, %dma_start3A_666] : memref<10240x64xf32, #tpu.memory_space<vmem_shared>> -> memref<128x64xf32, #tpu.memory_space<vmem_shared>>
        %dma_start3A_668 = arith.constant 0 : i32
        %dma_start3A_669 = tpu.memref_slice %arg14[%add3A_266, %dma_start3A_668] : memref<10240x64xf32, #tpu.memory_space<vmem_shared>> -> memref<128x64xf32, #tpu.memory_space<vmem_shared>>
        %dma_start3A_670 = arith.constant 0 : i32
        %dma_start3A_671 = arith.constant 0 : i32
        %dma_start3A_672 = tpu.memref_slice %arg12[%run_scoped3A_660, %dma_start3A_670, %dma_start3A_671] : memref<2x128x64xf32, #tpu.memory_space<vmem>> -> memref<1x128x64xf32, #tpu.memory_space<vmem>>
        %dma_start3A_673 = tpu.memref_squeeze %dma_start3A_672 : memref<1x128x64xf32, #tpu.memory_space<vmem>> -> memref<128x64xf32, #tpu.memory_space<vmem>>
        tpu.enqueue_dma source(%dma_start3A_673 : memref<128x64xf32, #tpu.memory_space<vmem>>) target(%dma_start3A_669 : memref<128x64xf32, #tpu.memory_space<vmem_shared>>) target_semaphore(%run_scoped3A_661 : memref<!tpu.dma_semaphore, #tpu.memory_space<semaphore_mem>>)
        %dma_wait3A_674 = arith.constant 0 : i32
        %dma_wait3A_675 = arith.constant 0 : i32
        %dma_wait3A_676 = tpu.memref_slice %arg12[%run_scoped3A_660, %dma_wait3A_674, %dma_wait3A_675] : memref<2x128x64xf32, #tpu.memory_space<vmem>> -> memref<1x128x64xf32, #tpu.memory_space<vmem>>
        %dma_wait3A_677 = tpu.memref_squeeze %dma_wait3A_676 : memref<1x128x64xf32, #tpu.memory_space<vmem>> -> memref<128x64xf32, #tpu.memory_space<vmem>>
        %dma_wait3A_678 = arith.constant 0 : i32
        %dma_wait3A_679 = tpu.memref_slice %arg14[%add3A_266, %dma_wait3A_678] : memref<10240x64xf32, #tpu.memory_space<vmem_shared>> -> memref<128x64xf32, #tpu.memory_space<vmem_shared>>
        %dma_wait3A_680 = arith.constant 0 : i32
        %dma_wait3A_681 = tpu.memref_slice %arg14[%add3A_266, %dma_wait3A_680] : memref<10240x64xf32, #tpu.memory_space<vmem_shared>> -> memref<128x64xf32, #tpu.memory_space<vmem_shared>>
        %dma_wait3A_682 = arith.constant 0 : i32
        %dma_wait3A_683 = arith.constant 0 : i32
        %dma_wait3A_684 = tpu.memref_slice %arg12[%run_scoped3A_660, %dma_wait3A_682, %dma_wait3A_683] : memref<2x128x64xf32, #tpu.memory_space<vmem>> -> memref<1x128x64xf32, #tpu.memory_space<vmem>>
        %dma_wait3A_685 = tpu.memref_squeeze %dma_wait3A_684 : memref<1x128x64xf32, #tpu.memory_space<vmem>> -> memref<128x64xf32, #tpu.memory_space<vmem>>
        tpu.wait_dma2 semaphore(%run_scoped3A_661 : memref<!tpu.dma_semaphore, #tpu.memory_space<semaphore_mem>>) src(%dma_wait3A_685 : memref<128x64xf32, #tpu.memory_space<vmem>>) dst(%dma_wait3A_681 : memref<128x64xf32, #tpu.memory_space<vmem_shared>>)
        tpu.yield
      }) : () -> ()
      "tpu.region"() ({
        %run_scoped3A_661 = tpu.sem_alloc : memref<!tpu.dma_semaphore, #tpu.memory_space<semaphore_mem>>
        %dma_start3A_662 = arith.constant 0 : i32
        %dma_start3A_663 = tpu.memref_slice %arg8[%add3A_266, %dma_start3A_662] : memref<10240x64xf32, #tpu.memory_space<hbm>> -> memref<128x64xf32, #tpu.memory_space<hbm>>
        %dma_start3A_664 = arith.constant 0 : i32
        %dma_start3A_665 = tpu.memref_slice %arg8[%add3A_266, %dma_start3A_664] : memref<10240x64xf32, #tpu.memory_space<hbm>> -> memref<128x64xf32, #tpu.memory_space<hbm>>
        tpu.enqueue_dma source(%arg17 : memref<128x64xf32, #tpu.memory_space<vmem>>) target(%dma_start3A_665 : memref<128x64xf32, #tpu.memory_space<hbm>>) target_semaphore(%run_scoped3A_661 : memref<!tpu.dma_semaphore, #tpu.memory_space<semaphore_mem>>)
        %dma_wait3A_666 = arith.constant 0 : i32
        %dma_wait3A_667 = tpu.memref_slice %arg8[%add3A_266, %dma_wait3A_666] : memref<10240x64xf32, #tpu.memory_space<hbm>> -> memref<128x64xf32, #tpu.memory_space<hbm>>
        %dma_wait3A_668 = arith.constant 0 : i32
        %dma_wait3A_669 = tpu.memref_slice %arg8[%add3A_266, %dma_wait3A_668] : memref<10240x64xf32, #tpu.memory_space<hbm>> -> memref<128x64xf32, #tpu.memory_space<hbm>>
        tpu.wait_dma2 semaphore(%run_scoped3A_661 : memref<!tpu.dma_semaphore, #tpu.memory_space<semaphore_mem>>) src(%arg17 : memref<128x64xf32, #tpu.memory_space<vmem>>) dst(%dma_wait3A_669 : memref<128x64xf32, #tpu.memory_space<hbm>>)
        tpu.yield
      }) : () -> ()
    } else {
    }
    %mul3A_339 = arith.constant 640 : i32
    %mul3A_340 = arith.muli %arg1, %mul3A_339 : i32
    %add3A_341 = arith.constant 512 : i32
    %add3A_342 = arith.addi %mul3A_340, %add3A_341 : i32
    %mul3A_343 = arith.constant 640 : i32
    %mul3A_344 = arith.muli %arg1, %mul3A_343 : i32
    %add3A_345 = arith.constant 512 : i32
    %add3A_346 = arith.addi %mul3A_344, %add3A_345 : i32
    %dma_wait3A_347 = arith.constant 0 : i32
    %dma_wait3A_348 = arith.constant 0 : i32
    %dma_wait3A_349 = arith.constant 0 : i32
    %dma_wait3A_350 = tpu.memref_slice %arg12[%dma_wait3A_347, %dma_wait3A_348, %dma_wait3A_349] : memref<2x128x64xf32, #tpu.memory_space<vmem>> -> memref<1x128x64xf32, #tpu.memory_space<vmem>>
    %dma_wait3A_351 = tpu.memref_squeeze %dma_wait3A_350 : memref<1x128x64xf32, #tpu.memory_space<vmem>> -> memref<128x64xf32, #tpu.memory_space<vmem>>
    %dma_wait3A_352 = arith.constant 0 : i32
    %dma_wait3A_353 = tpu.memref_slice %arg2[%add3A_346, %dma_wait3A_352] : memref<10240x64xf32, #tpu.memory_space<hbm>> -> memref<128x64xf32, #tpu.memory_space<hbm>>
    %dma_wait3A_354 = arith.constant 0 : i32
    %dma_wait3A_355 = arith.constant 0 : i32
    %dma_wait3A_356 = tpu.memref_slice %arg12[%dma_wait3A_347, %dma_wait3A_354, %dma_wait3A_355] : memref<2x128x64xf32, #tpu.memory_space<vmem>> -> memref<1x128x64xf32, #tpu.memory_space<vmem>>
    %dma_wait3A_357 = tpu.memref_squeeze %dma_wait3A_356 : memref<1x128x64xf32, #tpu.memory_space<vmem>> -> memref<128x64xf32, #tpu.memory_space<vmem>>
    %dma_wait3A_358 = arith.constant 0 : i32
    %dma_wait3A_359 = tpu.memref_slice %arg2[%add3A_346, %dma_wait3A_358] : memref<10240x64xf32, #tpu.memory_space<hbm>> -> memref<128x64xf32, #tpu.memory_space<hbm>>
    tpu.wait_dma2 semaphore(%arg15 : memref<!tpu.dma_semaphore, #tpu.memory_space<semaphore_mem>>) src(%dma_wait3A_359 : memref<128x64xf32, #tpu.memory_space<hbm>>) dst(%dma_wait3A_357 : memref<128x64xf32, #tpu.memory_space<vmem>>)
    %dma_wait3A_360 = arith.constant 0 : i32
    %dma_wait3A_361 = arith.constant 0 : i32
    %dma_wait3A_362 = arith.constant 0 : i32
    %dma_wait3A_363 = tpu.memref_slice %arg13[%dma_wait3A_360, %dma_wait3A_361, %dma_wait3A_362] : memref<2x128x16xf32, #tpu.memory_space<vmem>> -> memref<1x128x16xf32, #tpu.memory_space<vmem>>
    %dma_wait3A_364 = tpu.memref_squeeze %dma_wait3A_363 : memref<1x128x16xf32, #tpu.memory_space<vmem>> -> memref<128x16xf32, #tpu.memory_space<vmem>>
    %dma_wait3A_365 = arith.constant 0 : i32
    %dma_wait3A_366 = tpu.memref_slice %arg3[%add3A_346, %dma_wait3A_365] : memref<10240x16xf32, #tpu.memory_space<hbm>> -> memref<128x16xf32, #tpu.memory_space<hbm>>
    %dma_wait3A_367 = arith.constant 0 : i32
    %dma_wait3A_368 = arith.constant 0 : i32
    %dma_wait3A_369 = tpu.memref_slice %arg13[%dma_wait3A_360, %dma_wait3A_367, %dma_wait3A_368] : memref<2x128x16xf32, #tpu.memory_space<vmem>> -> memref<1x128x16xf32, #tpu.memory_space<vmem>>
    %dma_wait3A_370 = tpu.memref_squeeze %dma_wait3A_369 : memref<1x128x16xf32, #tpu.memory_space<vmem>> -> memref<128x16xf32, #tpu.memory_space<vmem>>
    %dma_wait3A_371 = arith.constant 0 : i32
    %dma_wait3A_372 = tpu.memref_slice %arg3[%add3A_346, %dma_wait3A_371] : memref<10240x16xf32, #tpu.memory_space<hbm>> -> memref<128x16xf32, #tpu.memory_space<hbm>>
    tpu.wait_dma2 semaphore(%arg15 : memref<!tpu.dma_semaphore, #tpu.memory_space<semaphore_mem>>) src(%dma_wait3A_372 : memref<128x16xf32, #tpu.memory_space<hbm>>) dst(%dma_wait3A_370 : memref<128x16xf32, #tpu.memory_space<vmem>>)
    %scan3A_373 = arith.constant 0 : i32
    %scan3A_374 = arith.constant 0 : i32
    %scan3A_375 = arith.constant 128 : i32
    %scan3A_376 = arith.addi %scan3A_374, %scan3A_375 : i32
    %scan3A_377 = arith.constant 1 : i32
    scf.for %scan3A_660 = %scan3A_374 to %scan3A_376 step %scan3A_377  : i32 {
      %get3A = arith.constant 0 : i32
      %get3A_661 = arith.index_cast %get3A : i32 to index
      %get3A_662 = arith.index_cast %scan3A_660 : i32 to index
      %get3A_663 = arith.constant 0 : index
      %get3A_664 = tpu.vector_load %arg13[%get3A_661, %get3A_662, %get3A_663] {strides = array<i32>} : memref<2x128x16xf32, #tpu.memory_space<vmem>>, vector<1x1x16xf32>,
      %get3A_665 = vector.shape_cast %get3A_664 : vector<1x1x16xf32> to vector<16xf32>
      %get3A_666 = arith.constant 0 : i32
      %get3A_667 = arith.index_cast %get3A_666 : i32 to index
      %get3A_668 = arith.index_cast %scan3A_660 : i32 to index
      %get3A_669 = arith.constant 0 : index
      %get3A_670 = tpu.vector_load %arg12[%get3A_667, %get3A_668, %get3A_669] {strides = array<i32>} : memref<2x128x64xf32, #tpu.memory_space<vmem>>, vector<1x1x16xf32>,
      %get3A_671 = vector.shape_cast %get3A_670 : vector<1x1x16xf32> to vector<16xf32>
      %mul3A_672 = arith.mulf %get3A_671, %get3A_665 : vector<16xf32>
      %swap3A = arith.constant 0 : i32
      %swap3A_673 = arith.index_cast %swap3A : i32 to index
      %swap3A_674 = arith.index_cast %scan3A_660 : i32 to index
      %swap3A_675 = arith.constant 0 : index
      %swap3A_676 = tpu.vector_load %arg12[%swap3A_673, %swap3A_674, %swap3A_675] {strides = array<i32>} : memref<2x128x64xf32, #tpu.memory_space<vmem>>, vector<1x1x16xf32>,
      %swap3A_677 = vector.shape_cast %swap3A_676 : vector<1x1x16xf32> to vector<16xf32>
      %swap3A_678 = vector.shape_cast %mul3A_672 : vector<16xf32> to vector<1x1x16xf32>
      tpu.vector_store %arg12[%swap3A_673, %swap3A_674, %swap3A_675], %swap3A_678 {strides = array<i32>} : memref<2x128x64xf32, #tpu.memory_space<vmem>>, vector<1x1x16xf32>,
      %swap3A_679 = arith.index_cast %scan3A_660 : i32 to index
      %swap3A_680 = arith.constant 0 : index
      %swap3A_681 = tpu.vector_load %arg17[%swap3A_679, %swap3A_680] {strides = array<i32>} : memref<128x64xf32, #tpu.memory_space<vmem>>, vector<1x16xf32>,
      %swap3A_682 = vector.shape_cast %swap3A_681 : vector<1x16xf32> to vector<16xf32>
      %swap3A_683 = vector.shape_cast %get3A_665 : vector<16xf32> to vector<1x16xf32>
      tpu.vector_store %arg17[%swap3A_679, %swap3A_680], %swap3A_683 {strides = array<i32>} : memref<128x64xf32, #tpu.memory_space<vmem>>, vector<1x16xf32>,
      %get3A_684 = arith.constant 0 : i32
      %get3A_685 = arith.index_cast %get3A_684 : i32 to index
      %get3A_686 = arith.index_cast %scan3A_660 : i32 to index
      %get3A_687 = arith.constant 16 : index
      %get3A_688 = tpu.vector_load %arg12[%get3A_685, %get3A_686, %get3A_687] {strides = array<i32>} : memref<2x128x64xf32, #tpu.memory_space<vmem>>, vector<1x1x16xf32>,
      %get3A_689 = vector.shape_cast %get3A_688 : vector<1x1x16xf32> to vector<16xf32>
      %mul3A_690 = arith.mulf %get3A_689, %get3A_665 : vector<16xf32>
      %swap3A_691 = arith.constant 0 : i32
      %swap3A_692 = arith.index_cast %swap3A_691 : i32 to index
      %swap3A_693 = arith.index_cast %scan3A_660 : i32 to index
      %swap3A_694 = arith.constant 16 : index
      %swap3A_695 = tpu.vector_load %arg12[%swap3A_692, %swap3A_693, %swap3A_694] {strides = array<i32>} : memref<2x128x64xf32, #tpu.memory_space<vmem>>, vector<1x1x16xf32>,
      %swap3A_696 = vector.shape_cast %swap3A_695 : vector<1x1x16xf32> to vector<16xf32>
      %swap3A_697 = vector.shape_cast %mul3A_690 : vector<16xf32> to vector<1x1x16xf32>
      tpu.vector_store %arg12[%swap3A_692, %swap3A_693, %swap3A_694], %swap3A_697 {strides = array<i32>} : memref<2x128x64xf32, #tpu.memory_space<vmem>>, vector<1x1x16xf32>,
      %swap3A_698 = arith.index_cast %scan3A_660 : i32 to index
      %swap3A_699 = arith.constant 16 : index
      %swap3A_700 = tpu.vector_load %arg17[%swap3A_698, %swap3A_699] {strides = array<i32>} : memref<128x64xf32, #tpu.memory_space<vmem>>, vector<1x16xf32>,
      %swap3A_701 = vector.shape_cast %swap3A_700 : vector<1x16xf32> to vector<16xf32>
      %swap3A_702 = vector.shape_cast %get3A_665 : vector<16xf32> to vector<1x16xf32>
      tpu.vector_store %arg17[%swap3A_698, %swap3A_699], %swap3A_702 {strides = array<i32>} : memref<128x64xf32, #tpu.memory_space<vmem>>, vector<1x16xf32>,
      %get3A_703 = arith.constant 0 : i32
      %get3A_704 = arith.index_cast %get3A_703 : i32 to index
      %get3A_705 = arith.index_cast %scan3A_660 : i32 to index
      %get3A_706 = arith.constant 32 : index
      %get3A_707 = tpu.vector_load %arg12[%get3A_704, %get3A_705, %get3A_706] {strides = array<i32>} : memref<2x128x64xf32, #tpu.memory_space<vmem>>, vector<1x1x16xf32>,
      %get3A_708 = vector.shape_cast %get3A_707 : vector<1x1x16xf32> to vector<16xf32>
      %mul3A_709 = arith.mulf %get3A_708, %get3A_665 : vector<16xf32>
      %swap3A_710 = arith.constant 0 : i32
      %swap3A_711 = arith.index_cast %swap3A_710 : i32 to index
      %swap3A_712 = arith.index_cast %scan3A_660 : i32 to index
      %swap3A_713 = arith.constant 32 : index
      %swap3A_714 = tpu.vector_load %arg12[%swap3A_711, %swap3A_712, %swap3A_713] {strides = array<i32>} : memref<2x128x64xf32, #tpu.memory_space<vmem>>, vector<1x1x16xf32>,
      %swap3A_715 = vector.shape_cast %swap3A_714 : vector<1x1x16xf32> to vector<16xf32>
      %swap3A_716 = vector.shape_cast %mul3A_709 : vector<16xf32> to vector<1x1x16xf32>
      tpu.vector_store %arg12[%swap3A_711, %swap3A_712, %swap3A_713], %swap3A_716 {strides = array<i32>} : memref<2x128x64xf32, #tpu.memory_space<vmem>>, vector<1x1x16xf32>,
      %swap3A_717 = arith.index_cast %scan3A_660 : i32 to index
      %swap3A_718 = arith.constant 32 : index
      %swap3A_719 = tpu.vector_load %arg17[%swap3A_717, %swap3A_718] {strides = array<i32>} : memref<128x64xf32, #tpu.memory_space<vmem>>, vector<1x16xf32>,
      %swap3A_720 = vector.shape_cast %swap3A_719 : vector<1x16xf32> to vector<16xf32>
      %swap3A_721 = vector.shape_cast %get3A_665 : vector<16xf32> to vector<1x16xf32>
      tpu.vector_store %arg17[%swap3A_717, %swap3A_718], %swap3A_721 {strides = array<i32>} : memref<128x64xf32, #tpu.memory_space<vmem>>, vector<1x16xf32>,
      %get3A_722 = arith.constant 0 : i32
      %get3A_723 = arith.index_cast %get3A_722 : i32 to index
      %get3A_724 = arith.index_cast %scan3A_660 : i32 to index
      %get3A_725 = arith.constant 48 : index
      %get3A_726 = tpu.vector_load %arg12[%get3A_723, %get3A_724, %get3A_725] {strides = array<i32>} : memref<2x128x64xf32, #tpu.memory_space<vmem>>, vector<1x1x16xf32>,
      %get3A_727 = vector.shape_cast %get3A_726 : vector<1x1x16xf32> to vector<16xf32>
      %mul3A_728 = arith.mulf %get3A_727, %get3A_665 : vector<16xf32>
      %swap3A_729 = arith.constant 0 : i32
      %swap3A_730 = arith.index_cast %swap3A_729 : i32 to index
      %swap3A_731 = arith.index_cast %scan3A_660 : i32 to index
      %swap3A_732 = arith.constant 48 : index
      %swap3A_733 = tpu.vector_load %arg12[%swap3A_730, %swap3A_731, %swap3A_732] {strides = array<i32>} : memref<2x128x64xf32, #tpu.memory_space<vmem>>, vector<1x1x16xf32>,
      %swap3A_734 = vector.shape_cast %swap3A_733 : vector<1x1x16xf32> to vector<16xf32>
      %swap3A_735 = vector.shape_cast %mul3A_728 : vector<16xf32> to vector<1x1x16xf32>
      tpu.vector_store %arg12[%swap3A_730, %swap3A_731, %swap3A_732], %swap3A_735 {strides = array<i32>} : memref<2x128x64xf32, #tpu.memory_space<vmem>>, vector<1x1x16xf32>,
      %swap3A_736 = arith.index_cast %scan3A_660 : i32 to index
      %swap3A_737 = arith.constant 48 : index
      %swap3A_738 = tpu.vector_load %arg17[%swap3A_736, %swap3A_737] {strides = array<i32>} : memref<128x64xf32, #tpu.memory_space<vmem>>, vector<1x16xf32>,
      %swap3A_739 = vector.shape_cast %swap3A_738 : vector<1x16xf32> to vector<16xf32>
      %swap3A_740 = vector.shape_cast %get3A_665 : vector<16xf32> to vector<1x16xf32>
      tpu.vector_store %arg17[%swap3A_736, %swap3A_737], %swap3A_740 {strides = array<i32>} : memref<128x64xf32, #tpu.memory_space<vmem>>, vector<1x16xf32>,
    }
    %scan3A_378 = arith.constant 128 : i32
    %run_scoped3A_379 = arith.constant 0 : i32
    "tpu.region"() ({
      %run_scoped3A_660 = tpu.sem_alloc : memref<!tpu.dma_semaphore, #tpu.memory_space<semaphore_mem>>
      %dma_start3A_661 = arith.constant 0 : i32
      %dma_start3A_662 = arith.constant 0 : i32
      %dma_start3A_663 = tpu.memref_slice %arg12[%run_scoped3A_379, %dma_start3A_661, %dma_start3A_662] : memref<2x128x64xf32, #tpu.memory_space<vmem>> -> memref<1x128x64xf32, #tpu.memory_space<vmem>>
      %dma_start3A_664 = tpu.memref_squeeze %dma_start3A_663 : memref<1x128x64xf32, #tpu.memory_space<vmem>> -> memref<128x64xf32, #tpu.memory_space<vmem>>
      %dma_start3A_665 = arith.constant 0 : i32
      %dma_start3A_666 = tpu.memref_slice %arg7[%arg0, %add3A_342, %dma_start3A_665] : memref<2x10240x64xf32, #tpu.memory_space<hbm>> -> memref<1x128x64xf32, #tpu.memory_space<hbm>>
      %dma_start3A_667 = tpu.memref_squeeze %dma_start3A_666 : memref<1x128x64xf32, #tpu.memory_space<hbm>> -> memref<128x64xf32, #tpu.memory_space<hbm>>
      %dma_start3A_668 = arith.constant 0 : i32
      %dma_start3A_669 = tpu.memref_slice %arg7[%arg0, %add3A_342, %dma_start3A_668] : memref<2x10240x64xf32, #tpu.memory_space<hbm>> -> memref<1x128x64xf32, #tpu.memory_space<hbm>>
      %dma_start3A_670 = tpu.memref_squeeze %dma_start3A_669 : memref<1x128x64xf32, #tpu.memory_space<hbm>> -> memref<128x64xf32, #tpu.memory_space<hbm>>
      %dma_start3A_671 = arith.constant 0 : i32
      %dma_start3A_672 = arith.constant 0 : i32
      %dma_start3A_673 = tpu.memref_slice %arg12[%run_scoped3A_379, %dma_start3A_671, %dma_start3A_672] : memref<2x128x64xf32, #tpu.memory_space<vmem>> -> memref<1x128x64xf32, #tpu.memory_space<vmem>>
      %dma_start3A_674 = tpu.memref_squeeze %dma_start3A_673 : memref<1x128x64xf32, #tpu.memory_space<vmem>> -> memref<128x64xf32, #tpu.memory_space<vmem>>
      tpu.enqueue_dma source(%dma_start3A_674 : memref<128x64xf32, #tpu.memory_space<vmem>>) target(%dma_start3A_670 : memref<128x64xf32, #tpu.memory_space<hbm>>) target_semaphore(%run_scoped3A_660 : memref<!tpu.dma_semaphore, #tpu.memory_space<semaphore_mem>>)
      %dma_wait3A_675 = arith.constant 0 : i32
      %dma_wait3A_676 = arith.constant 0 : i32
      %dma_wait3A_677 = tpu.memref_slice %arg12[%run_scoped3A_379, %dma_wait3A_675, %dma_wait3A_676] : memref<2x128x64xf32, #tpu.memory_space<vmem>> -> memref<1x128x64xf32, #tpu.memory_space<vmem>>
      %dma_wait3A_678 = tpu.memref_squeeze %dma_wait3A_677 : memref<1x128x64xf32, #tpu.memory_space<vmem>> -> memref<128x64xf32, #tpu.memory_space<vmem>>
      %dma_wait3A_679 = arith.constant 0 : i32
      %dma_wait3A_680 = tpu.memref_slice %arg7[%arg0, %add3A_342, %dma_wait3A_679] : memref<2x10240x64xf32, #tpu.memory_space<hbm>> -> memref<1x128x64xf32, #tpu.memory_space<hbm>>
      %dma_wait3A_681 = tpu.memref_squeeze %dma_wait3A_680 : memref<1x128x64xf32, #tpu.memory_space<hbm>> -> memref<128x64xf32, #tpu.memory_space<hbm>>
      %dma_wait3A_682 = arith.constant 0 : i32
      %dma_wait3A_683 = tpu.memref_slice %arg7[%arg0, %add3A_342, %dma_wait3A_682] : memref<2x10240x64xf32, #tpu.memory_space<hbm>> -> memref<1x128x64xf32, #tpu.memory_space<hbm>>
      %dma_wait3A_684 = tpu.memref_squeeze %dma_wait3A_683 : memref<1x128x64xf32, #tpu.memory_space<hbm>> -> memref<128x64xf32, #tpu.memory_space<hbm>>
      %dma_wait3A_685 = arith.constant 0 : i32
      %dma_wait3A_686 = arith.constant 0 : i32
      %dma_wait3A_687 = tpu.memref_slice %arg12[%run_scoped3A_379, %dma_wait3A_685, %dma_wait3A_686] : memref<2x128x64xf32, #tpu.memory_space<vmem>> -> memref<1x128x64xf32, #tpu.memory_space<vmem>>
      %dma_wait3A_688 = tpu.memref_squeeze %dma_wait3A_687 : memref<1x128x64xf32, #tpu.memory_space<vmem>> -> memref<128x64xf32, #tpu.memory_space<vmem>>
      tpu.wait_dma2 semaphore(%run_scoped3A_660 : memref<!tpu.dma_semaphore, #tpu.memory_space<semaphore_mem>>) src(%dma_wait3A_688 : memref<128x64xf32, #tpu.memory_space<vmem>>) dst(%dma_wait3A_684 : memref<128x64xf32, #tpu.memory_space<hbm>>)
      tpu.yield
    }) : () -> ()
    %eq3A_380 = arith.constant 0 : i32
    %eq3A_381 = arith.cmpi eq, %arg0, %eq3A_380 : i32
    %convert_element_type3A_382 = arith.extui %eq3A_381 : i1 to i32
    %cond3A_383 = arith.constant 0 : i32
    %cond3A_384 = arith.cmpi ne, %convert_element_type3A_382, %cond3A_383 : i32
    scf.if %cond3A_384 {
      %run_scoped3A_660 = arith.constant 0 : i32
      "tpu.region"() ({
        %run_scoped3A_661 = tpu.sem_alloc : memref<!tpu.dma_semaphore, #tpu.memory_space<semaphore_mem>>
        %dma_start3A_662 = arith.constant 0 : i32
        %dma_start3A_663 = arith.constant 0 : i32
        %dma_start3A_664 = tpu.memref_slice %arg12[%run_scoped3A_660, %dma_start3A_662, %dma_start3A_663] : memref<2x128x64xf32, #tpu.memory_space<vmem>> -> memref<1x128x64xf32, #tpu.memory_space<vmem>>
        %dma_start3A_665 = tpu.memref_squeeze %dma_start3A_664 : memref<1x128x64xf32, #tpu.memory_space<vmem>> -> memref<128x64xf32, #tpu.memory_space<vmem>>
        %dma_start3A_666 = arith.constant 0 : i32
        %dma_start3A_667 = tpu.memref_slice %arg14[%add3A_342, %dma_start3A_666] : memref<10240x64xf32, #tpu.memory_space<vmem_shared>> -> memref<128x64xf32, #tpu.memory_space<vmem_shared>>
        %dma_start3A_668 = arith.constant 0 : i32
        %dma_start3A_669 = tpu.memref_slice %arg14[%add3A_342, %dma_start3A_668] : memref<10240x64xf32, #tpu.memory_space<vmem_shared>> -> memref<128x64xf32, #tpu.memory_space<vmem_shared>>
        %dma_start3A_670 = arith.constant 0 : i32
        %dma_start3A_671 = arith.constant 0 : i32
        %dma_start3A_672 = tpu.memref_slice %arg12[%run_scoped3A_660, %dma_start3A_670, %dma_start3A_671] : memref<2x128x64xf32, #tpu.memory_space<vmem>> -> memref<1x128x64xf32, #tpu.memory_space<vmem>>
        %dma_start3A_673 = tpu.memref_squeeze %dma_start3A_672 : memref<1x128x64xf32, #tpu.memory_space<vmem>> -> memref<128x64xf32, #tpu.memory_space<vmem>>
        tpu.enqueue_dma source(%dma_start3A_673 : memref<128x64xf32, #tpu.memory_space<vmem>>) target(%dma_start3A_669 : memref<128x64xf32, #tpu.memory_space<vmem_shared>>) target_semaphore(%run_scoped3A_661 : memref<!tpu.dma_semaphore, #tpu.memory_space<semaphore_mem>>)
        %dma_wait3A_674 = arith.constant 0 : i32
        %dma_wait3A_675 = arith.constant 0 : i32
        %dma_wait3A_676 = tpu.memref_slice %arg12[%run_scoped3A_660, %dma_wait3A_674, %dma_wait3A_675] : memref<2x128x64xf32, #tpu.memory_space<vmem>> -> memref<1x128x64xf32, #tpu.memory_space<vmem>>
        %dma_wait3A_677 = tpu.memref_squeeze %dma_wait3A_676 : memref<1x128x64xf32, #tpu.memory_space<vmem>> -> memref<128x64xf32, #tpu.memory_space<vmem>>
        %dma_wait3A_678 = arith.constant 0 : i32
        %dma_wait3A_679 = tpu.memref_slice %arg14[%add3A_342, %dma_wait3A_678] : memref<10240x64xf32, #tpu.memory_space<vmem_shared>> -> memref<128x64xf32, #tpu.memory_space<vmem_shared>>
        %dma_wait3A_680 = arith.constant 0 : i32
        %dma_wait3A_681 = tpu.memref_slice %arg14[%add3A_342, %dma_wait3A_680] : memref<10240x64xf32, #tpu.memory_space<vmem_shared>> -> memref<128x64xf32, #tpu.memory_space<vmem_shared>>
        %dma_wait3A_682 = arith.constant 0 : i32
        %dma_wait3A_683 = arith.constant 0 : i32
        %dma_wait3A_684 = tpu.memref_slice %arg12[%run_scoped3A_660, %dma_wait3A_682, %dma_wait3A_683] : memref<2x128x64xf32, #tpu.memory_space<vmem>> -> memref<1x128x64xf32, #tpu.memory_space<vmem>>
        %dma_wait3A_685 = tpu.memref_squeeze %dma_wait3A_684 : memref<1x128x64xf32, #tpu.memory_space<vmem>> -> memref<128x64xf32, #tpu.memory_space<vmem>>
        tpu.wait_dma2 semaphore(%run_scoped3A_661 : memref<!tpu.dma_semaphore, #tpu.memory_space<semaphore_mem>>) src(%dma_wait3A_685 : memref<128x64xf32, #tpu.memory_space<vmem>>) dst(%dma_wait3A_681 : memref<128x64xf32, #tpu.memory_space<vmem_shared>>)
        tpu.yield
      }) : () -> ()
      "tpu.region"() ({
        %run_scoped3A_661 = tpu.sem_alloc : memref<!tpu.dma_semaphore, #tpu.memory_space<semaphore_mem>>
        %dma_start3A_662 = arith.constant 0 : i32
        %dma_start3A_663 = tpu.memref_slice %arg8[%add3A_342, %dma_start3A_662] : memref<10240x64xf32, #tpu.memory_space<hbm>> -> memref<128x64xf32, #tpu.memory_space<hbm>>
        %dma_start3A_664 = arith.constant 0 : i32
        %dma_start3A_665 = tpu.memref_slice %arg8[%add3A_342, %dma_start3A_664] : memref<10240x64xf32, #tpu.memory_space<hbm>> -> memref<128x64xf32, #tpu.memory_space<hbm>>
        tpu.enqueue_dma source(%arg17 : memref<128x64xf32, #tpu.memory_space<vmem>>) target(%dma_start3A_665 : memref<128x64xf32, #tpu.memory_space<hbm>>) target_semaphore(%run_scoped3A_661 : memref<!tpu.dma_semaphore, #tpu.memory_space<semaphore_mem>>)
        %dma_wait3A_666 = arith.constant 0 : i32
        %dma_wait3A_667 = tpu.memref_slice %arg8[%add3A_342, %dma_wait3A_666] : memref<10240x64xf32, #tpu.memory_space<hbm>> -> memref<128x64xf32, #tpu.memory_space<hbm>>
        %dma_wait3A_668 = arith.constant 0 : i32
        %dma_wait3A_669 = tpu.memref_slice %arg8[%add3A_342, %dma_wait3A_668] : memref<10240x64xf32, #tpu.memory_space<hbm>> -> memref<128x64xf32, #tpu.memory_space<hbm>>
        tpu.wait_dma2 semaphore(%run_scoped3A_661 : memref<!tpu.dma_semaphore, #tpu.memory_space<semaphore_mem>>) src(%arg17 : memref<128x64xf32, #tpu.memory_space<vmem>>) dst(%dma_wait3A_669 : memref<128x64xf32, #tpu.memory_space<hbm>>)
        tpu.yield
      }) : () -> ()
    } else {
    }
    %ne3A = arith.constant 0 : i32
    %ne3A_385 = arith.cmpi ne, %arg0, %ne3A : i32
    %convert_element_type3A_386 = arith.extui %ne3A_385 : i1 to i32
    %cond3A_387 = arith.constant 0 : i32
    %cond3A_388 = arith.cmpi ne, %convert_element_type3A_386, %cond3A_387 : i32
    scf.if %cond3A_388 {
      %mul3A_660 = arith.constant 640 : i32
      %mul3A_661 = arith.muli %arg1, %mul3A_660 : i32
      "tpu.region"() ({
        %run_scoped3A_662 = tpu.sem_alloc : memref<!tpu.dma_semaphore, #tpu.memory_space<semaphore_mem>>
        %dma_start3A_663 = arith.constant 0 : i32
        %dma_start3A_664 = tpu.memref_slice %arg14[%mul3A_661, %dma_start3A_663] : memref<10240x64xf32, #tpu.memory_space<vmem_shared>> -> memref<640x64xf32, #tpu.memory_space<vmem_shared>>
        tpu.enqueue_dma source(%arg5 : memref<640x64xf32, #tpu.memory_space<hbm>>) target(%dma_start3A_664 : memref<640x64xf32, #tpu.memory_space<vmem_shared>>) target_semaphore(%run_scoped3A_662 : memref<!tpu.dma_semaphore, #tpu.memory_space<semaphore_mem>>)
        %dma_wait3A_665 = arith.constant 0 : i32
        %dma_wait3A_666 = tpu.memref_slice %arg14[%mul3A_661, %dma_wait3A_665] : memref<10240x64xf32, #tpu.memory_space<vmem_shared>> -> memref<640x64xf32, #tpu.memory_space<vmem_shared>>
        tpu.wait_dma2 semaphore(%run_scoped3A_662 : memref<!tpu.dma_semaphore, #tpu.memory_space<semaphore_mem>>) src(%arg5 : memref<640x64xf32, #tpu.memory_space<hbm>>) dst(%dma_wait3A_666 : memref<640x64xf32, #tpu.memory_space<vmem_shared>>)
        tpu.yield
      }) : () -> ()
    } else {
    }
    %barrier3A = arith.constant 0 : index
    tpu.barrier barrier_id(%barrier3A)
    %rem3A = arith.constant 0 : i32
    %rem3A_389 = arith.constant 4 : i32
    %rem3A_390 = arith.remsi %rem3A, %rem3A_389 : i32
    %dma_start3A_391 = arith.constant 0 : i32
    %dma_start3A_392 = arith.constant 0 : i32
    %dma_start3A_393 = arith.constant 0 : i32
    %dma_start3A_394 = tpu.memref_slice %arg11[%rem3A_390, %dma_start3A_392, %dma_start3A_393] : memref<4x128x64xf32, #tpu.memory_space<vmem>> -> memref<1x128x64xf32, #tpu.memory_space<vmem>>
    %dma_start3A_395 = tpu.memref_squeeze %dma_start3A_394 : memref<1x128x64xf32, #tpu.memory_space<vmem>> -> memref<128x64xf32, #tpu.memory_space<vmem>>
    %dma_start3A_396 = arith.constant 0 : i32
    %dma_start3A_397 = tpu.memref_slice %arg9[%dma_start3A_391, %dma_start3A_396] : memref<79x128xi32, #tpu.memory_space<vmem>> -> memref<1x128xi32, #tpu.memory_space<vmem>>
    %dma_start3A_398 = tpu.memref_squeeze %dma_start3A_397 : memref<1x128xi32, #tpu.memory_space<vmem>> -> memref<128xi32, #tpu.memory_space<vmem>>
    %dma_start3A_399 = arith.constant 0 : i32
    %dma_start3A_400 = arith.constant 0 : i32
    %dma_start3A_401 = tpu.memref_slice %arg7[%arg0, %dma_start3A_399, %dma_start3A_400] : memref<2x10240x64xf32, #tpu.memory_space<hbm>> -> memref<1x10240x64xf32, #tpu.memory_space<hbm>>
    %dma_start3A_402 = tpu.memref_squeeze %dma_start3A_401 : memref<1x10240x64xf32, #tpu.memory_space<hbm>> -> memref<10240x64xf32, #tpu.memory_space<hbm>>
    %dma_start3A_403 = arith.constant 0 : i32
    %dma_start3A_404 = arith.constant 0 : i32
    %dma_start3A_405 = tpu.memref_slice %dma_start3A_402[%dma_start3A_403, %dma_start3A_404] : memref<10240x64xf32, #tpu.memory_space<hbm>> -> memref<10240x64xf32, #tpu.memory_space<hbm>>
    tpu.enqueue_indirect_dma source(%dma_start3A_405 : memref<10240x64xf32, #tpu.memory_space<hbm>>) target(%dma_start3A_395 : memref<128x64xf32, #tpu.memory_space<vmem>>) offsets(%dma_start3A_398 : memref<128xi32, #tpu.memory_space<vmem>>) semaphore(%arg15 : memref<!tpu.dma_semaphore, #tpu.memory_space<semaphore_mem>>)
    %rem3A_406 = arith.constant 1 : i32
    %rem3A_407 = arith.constant 4 : i32
    %rem3A_408 = arith.remsi %rem3A_406, %rem3A_407 : i32
    %dma_start3A_409 = arith.constant 1 : i32
    %dma_start3A_410 = arith.constant 0 : i32
    %dma_start3A_411 = arith.constant 0 : i32
    %dma_start3A_412 = tpu.memref_slice %arg11[%rem3A_408, %dma_start3A_410, %dma_start3A_411] : memref<4x128x64xf32, #tpu.memory_space<vmem>> -> memref<1x128x64xf32, #tpu.memory_space<vmem>>
    %dma_start3A_413 = tpu.memref_squeeze %dma_start3A_412 : memref<1x128x64xf32, #tpu.memory_space<vmem>> -> memref<128x64xf32, #tpu.memory_space<vmem>>
    %dma_start3A_414 = arith.constant 0 : i32
    %dma_start3A_415 = tpu.memref_slice %arg9[%dma_start3A_409, %dma_start3A_414] : memref<79x128xi32, #tpu.memory_space<vmem>> -> memref<1x128xi32, #tpu.memory_space<vmem>>
    %dma_start3A_416 = tpu.memref_squeeze %dma_start3A_415 : memref<1x128xi32, #tpu.memory_space<vmem>> -> memref<128xi32, #tpu.memory_space<vmem>>
    %dma_start3A_417 = arith.constant 0 : i32
    %dma_start3A_418 = arith.constant 0 : i32
    %dma_start3A_419 = tpu.memref_slice %arg7[%arg0, %dma_start3A_417, %dma_start3A_418] : memref<2x10240x64xf32, #tpu.memory_space<hbm>> -> memref<1x10240x64xf32, #tpu.memory_space<hbm>>
    %dma_start3A_420 = tpu.memref_squeeze %dma_start3A_419 : memref<1x10240x64xf32, #tpu.memory_space<hbm>> -> memref<10240x64xf32, #tpu.memory_space<hbm>>
    %dma_start3A_421 = arith.constant 0 : i32
    %dma_start3A_422 = arith.constant 0 : i32
    %dma_start3A_423 = tpu.memref_slice %dma_start3A_420[%dma_start3A_421, %dma_start3A_422] : memref<10240x64xf32, #tpu.memory_space<hbm>> -> memref<10240x64xf32, #tpu.memory_space<hbm>>
    tpu.enqueue_indirect_dma source(%dma_start3A_423 : memref<10240x64xf32, #tpu.memory_space<hbm>>) target(%dma_start3A_413 : memref<128x64xf32, #tpu.memory_space<vmem>>) offsets(%dma_start3A_416 : memref<128xi32, #tpu.memory_space<vmem>>) semaphore(%arg15 : memref<!tpu.dma_semaphore, #tpu.memory_space<semaphore_mem>>)
    %rem3A_424 = arith.constant 0 : i32
    %rem3A_425 = arith.constant 4 : i32
    %rem3A_426 = arith.remsi %rem3A_424, %rem3A_425 : i32
    %dma_wait3A_427 = arith.constant 0 : i32
    %dma_wait3A_428 = arith.constant 0 : i32
    %dma_wait3A_429 = arith.constant 0 : i32
    %dma_wait3A_430 = tpu.memref_slice %arg11[%rem3A_426, %dma_wait3A_428, %dma_wait3A_429] : memref<4x128x64xf32, #tpu.memory_space<vmem>> -> memref<1x128x64xf32, #tpu.memory_space<vmem>>
    %dma_wait3A_431 = tpu.memref_squeeze %dma_wait3A_430 : memref<1x128x64xf32, #tpu.memory_space<vmem>> -> memref<128x64xf32, #tpu.memory_space<vmem>>
    %dma_wait3A_432 = arith.constant 0 : i32
    %dma_wait3A_433 = tpu.memref_slice %arg9[%dma_wait3A_427, %dma_wait3A_432] : memref<79x128xi32, #tpu.memory_space<vmem>> -> memref<1x128xi32, #tpu.memory_space<vmem>>
    %dma_wait3A_434 = tpu.memref_squeeze %dma_wait3A_433 : memref<1x128xi32, #tpu.memory_space<vmem>> -> memref<128xi32, #tpu.memory_space<vmem>>
    %dma_wait3A_435 = arith.constant 0 : i32
    %dma_wait3A_436 = arith.constant 0 : i32
    %dma_wait3A_437 = tpu.memref_slice %arg7[%arg0, %dma_wait3A_435, %dma_wait3A_436] : memref<2x10240x64xf32, #tpu.memory_space<hbm>> -> memref<1x10240x64xf32, #tpu.memory_space<hbm>>
    %dma_wait3A_438 = tpu.memref_squeeze %dma_wait3A_437 : memref<1x10240x64xf32, #tpu.memory_space<hbm>> -> memref<10240x64xf32, #tpu.memory_space<hbm>>
    %dma_wait3A_439 = arith.constant 0 : i32
    %dma_wait3A_440 = arith.constant 0 : i32
    %dma_wait3A_441 = tpu.memref_slice %dma_wait3A_438[%dma_wait3A_439, %dma_wait3A_440] : memref<10240x64xf32, #tpu.memory_space<hbm>> -> memref<10240x64xf32, #tpu.memory_space<hbm>>
    tpu.wait_indirect_dma semaphore(%arg15 : memref<!tpu.dma_semaphore, #tpu.memory_space<semaphore_mem>>) src(%dma_wait3A_441 : memref<10240x64xf32, #tpu.memory_space<hbm>>) dst(%dma_wait3A_431 : memref<128x64xf32, #tpu.memory_space<vmem>>)
    %rem3A_442 = arith.constant 0 : i32
    %rem3A_443 = arith.constant 4 : i32
    %rem3A_444 = arith.remsi %rem3A_442, %rem3A_443 : i32
    %dma_start3A_445 = arith.constant 0 : i32
    %dma_start3A_446 = arith.constant 0 : i32
    %dma_start3A_447 = arith.constant 0 : i32
    %dma_start3A_448 = tpu.memref_slice %arg11[%rem3A_444, %dma_start3A_446, %dma_start3A_447] : memref<4x128x64xf32, #tpu.memory_space<vmem>> -> memref<1x128x64xf32, #tpu.memory_space<vmem>>
    %dma_start3A_449 = tpu.memref_squeeze %dma_start3A_448 : memref<1x128x64xf32, #tpu.memory_space<vmem>> -> memref<128x64xf32, #tpu.memory_space<vmem>>
    %dma_start3A_450 = arith.constant 0 : i32
    %dma_start3A_451 = tpu.memref_slice %arg10[%dma_start3A_445, %dma_start3A_450] : memref<79x128xi32, #tpu.memory_space<vmem>> -> memref<1x128xi32, #tpu.memory_space<vmem>>
    %dma_start3A_452 = tpu.memref_squeeze %dma_start3A_451 : memref<1x128xi32, #tpu.memory_space<vmem>> -> memref<128xi32, #tpu.memory_space<vmem>>
    %dma_start3A_453 = arith.constant 0 : i32
    %dma_start3A_454 = arith.constant 0 : i32
    %dma_start3A_455 = tpu.memref_slice %arg14[%dma_start3A_453, %dma_start3A_454] : memref<10240x64xf32, #tpu.memory_space<vmem_shared>> -> memref<10240x64xf32, #tpu.memory_space<vmem_shared>>
    tpu.enqueue_indirect_dma source(%dma_start3A_449 : memref<128x64xf32, #tpu.memory_space<vmem>>) target(%dma_start3A_455 : memref<10240x64xf32, #tpu.memory_space<vmem_shared>>) offsets(%dma_start3A_452 : memref<128xi32, #tpu.memory_space<vmem>>) semaphore(%arg16 : memref<!tpu.dma_semaphore, #tpu.memory_space<semaphore_mem>>) {add = true}
    %rem3A_456 = arith.constant 2 : i32
    %rem3A_457 = arith.constant 4 : i32
    %rem3A_458 = arith.remsi %rem3A_456, %rem3A_457 : i32
    %dma_start3A_459 = arith.constant 2 : i32
    %dma_start3A_460 = arith.constant 0 : i32
    %dma_start3A_461 = arith.constant 0 : i32
    %dma_start3A_462 = tpu.memref_slice %arg11[%rem3A_458, %dma_start3A_460, %dma_start3A_461] : memref<4x128x64xf32, #tpu.memory_space<vmem>> -> memref<1x128x64xf32, #tpu.memory_space<vmem>>
    %dma_start3A_463 = tpu.memref_squeeze %dma_start3A_462 : memref<1x128x64xf32, #tpu.memory_space<vmem>> -> memref<128x64xf32, #tpu.memory_space<vmem>>
    %dma_start3A_464 = arith.constant 0 : i32
    %dma_start3A_465 = tpu.memref_slice %arg9[%dma_start3A_459, %dma_start3A_464] : memref<79x128xi32, #tpu.memory_space<vmem>> -> memref<1x128xi32, #tpu.memory_space<vmem>>
    %dma_start3A_466 = tpu.memref_squeeze %dma_start3A_465 : memref<1x128xi32, #tpu.memory_space<vmem>> -> memref<128xi32, #tpu.memory_space<vmem>>
    %dma_start3A_467 = arith.constant 0 : i32
    %dma_start3A_468 = arith.constant 0 : i32
    %dma_start3A_469 = tpu.memref_slice %arg7[%arg0, %dma_start3A_467, %dma_start3A_468] : memref<2x10240x64xf32, #tpu.memory_space<hbm>> -> memref<1x10240x64xf32, #tpu.memory_space<hbm>>
    %dma_start3A_470 = tpu.memref_squeeze %dma_start3A_469 : memref<1x10240x64xf32, #tpu.memory_space<hbm>> -> memref<10240x64xf32, #tpu.memory_space<hbm>>
    %dma_start3A_471 = arith.constant 0 : i32
    %dma_start3A_472 = arith.constant 0 : i32
    %dma_start3A_473 = tpu.memref_slice %dma_start3A_470[%dma_start3A_471, %dma_start3A_472] : memref<10240x64xf32, #tpu.memory_space<hbm>> -> memref<10240x64xf32, #tpu.memory_space<hbm>>
    tpu.enqueue_indirect_dma source(%dma_start3A_473 : memref<10240x64xf32, #tpu.memory_space<hbm>>) target(%dma_start3A_463 : memref<128x64xf32, #tpu.memory_space<vmem>>) offsets(%dma_start3A_466 : memref<128xi32, #tpu.memory_space<vmem>>) semaphore(%arg15 : memref<!tpu.dma_semaphore, #tpu.memory_space<semaphore_mem>>)
    %rem3A_474 = arith.constant 1 : i32
    %rem3A_475 = arith.constant 4 : i32
    %rem3A_476 = arith.remsi %rem3A_474, %rem3A_475 : i32
    %dma_wait3A_477 = arith.constant 1 : i32
    %dma_wait3A_478 = arith.constant 0 : i32
    %dma_wait3A_479 = arith.constant 0 : i32
    %dma_wait3A_480 = tpu.memref_slice %arg11[%rem3A_476, %dma_wait3A_478, %dma_wait3A_479] : memref<4x128x64xf32, #tpu.memory_space<vmem>> -> memref<1x128x64xf32, #tpu.memory_space<vmem>>
    %dma_wait3A_481 = tpu.memref_squeeze %dma_wait3A_480 : memref<1x128x64xf32, #tpu.memory_space<vmem>> -> memref<128x64xf32, #tpu.memory_space<vmem>>
    %dma_wait3A_482 = arith.constant 0 : i32
    %dma_wait3A_483 = tpu.memref_slice %arg9[%dma_wait3A_477, %dma_wait3A_482] : memref<79x128xi32, #tpu.memory_space<vmem>> -> memref<1x128xi32, #tpu.memory_space<vmem>>
    %dma_wait3A_484 = tpu.memref_squeeze %dma_wait3A_483 : memref<1x128xi32, #tpu.memory_space<vmem>> -> memref<128xi32, #tpu.memory_space<vmem>>
    %dma_wait3A_485 = arith.constant 0 : i32
    %dma_wait3A_486 = arith.constant 0 : i32
    %dma_wait3A_487 = tpu.memref_slice %arg7[%arg0, %dma_wait3A_485, %dma_wait3A_486] : memref<2x10240x64xf32, #tpu.memory_space<hbm>> -> memref<1x10240x64xf32, #tpu.memory_space<hbm>>
    %dma_wait3A_488 = tpu.memref_squeeze %dma_wait3A_487 : memref<1x10240x64xf32, #tpu.memory_space<hbm>> -> memref<10240x64xf32, #tpu.memory_space<hbm>>
    %dma_wait3A_489 = arith.constant 0 : i32
    %dma_wait3A_490 = arith.constant 0 : i32
    %dma_wait3A_491 = tpu.memref_slice %dma_wait3A_488[%dma_wait3A_489, %dma_wait3A_490] : memref<10240x64xf32, #tpu.memory_space<hbm>> -> memref<10240x64xf32, #tpu.memory_space<hbm>>
    tpu.wait_indirect_dma semaphore(%arg15 : memref<!tpu.dma_semaphore, #tpu.memory_space<semaphore_mem>>) src(%dma_wait3A_491 : memref<10240x64xf32, #tpu.memory_space<hbm>>) dst(%dma_wait3A_481 : memref<128x64xf32, #tpu.memory_space<vmem>>)
    %rem3A_492 = arith.constant 1 : i32
    %rem3A_493 = arith.constant 4 : i32
    %rem3A_494 = arith.remsi %rem3A_492, %rem3A_493 : i32
    %dma_start3A_495 = arith.constant 1 : i32
    %dma_start3A_496 = arith.constant 0 : i32
    %dma_start3A_497 = arith.constant 0 : i32
    %dma_start3A_498 = tpu.memref_slice %arg11[%rem3A_494, %dma_start3A_496, %dma_start3A_497] : memref<4x128x64xf32, #tpu.memory_space<vmem>> -> memref<1x128x64xf32, #tpu.memory_space<vmem>>
    %dma_start3A_499 = tpu.memref_squeeze %dma_start3A_498 : memref<1x128x64xf32, #tpu.memory_space<vmem>> -> memref<128x64xf32, #tpu.memory_space<vmem>>
    %dma_start3A_500 = arith.constant 0 : i32
    %dma_start3A_501 = tpu.memref_slice %arg10[%dma_start3A_495, %dma_start3A_500] : memref<79x128xi32, #tpu.memory_space<vmem>> -> memref<1x128xi32, #tpu.memory_space<vmem>>
    %dma_start3A_502 = tpu.memref_squeeze %dma_start3A_501 : memref<1x128xi32, #tpu.memory_space<vmem>> -> memref<128xi32, #tpu.memory_space<vmem>>
    %dma_start3A_503 = arith.constant 0 : i32
    %dma_start3A_504 = arith.constant 0 : i32
    %dma_start3A_505 = tpu.memref_slice %arg14[%dma_start3A_503, %dma_start3A_504] : memref<10240x64xf32, #tpu.memory_space<vmem_shared>> -> memref<10240x64xf32, #tpu.memory_space<vmem_shared>>
    tpu.enqueue_indirect_dma source(%dma_start3A_499 : memref<128x64xf32, #tpu.memory_space<vmem>>) target(%dma_start3A_505 : memref<10240x64xf32, #tpu.memory_space<vmem_shared>>) offsets(%dma_start3A_502 : memref<128xi32, #tpu.memory_space<vmem>>) semaphore(%arg16 : memref<!tpu.dma_semaphore, #tpu.memory_space<semaphore_mem>>) {add = true}
    %rem3A_506 = arith.constant 3 : i32
    %rem3A_507 = arith.constant 4 : i32
    %rem3A_508 = arith.remsi %rem3A_506, %rem3A_507 : i32
    %dma_start3A_509 = arith.constant 3 : i32
    %dma_start3A_510 = arith.constant 0 : i32
    %dma_start3A_511 = arith.constant 0 : i32
    %dma_start3A_512 = tpu.memref_slice %arg11[%rem3A_508, %dma_start3A_510, %dma_start3A_511] : memref<4x128x64xf32, #tpu.memory_space<vmem>> -> memref<1x128x64xf32, #tpu.memory_space<vmem>>
    %dma_start3A_513 = tpu.memref_squeeze %dma_start3A_512 : memref<1x128x64xf32, #tpu.memory_space<vmem>> -> memref<128x64xf32, #tpu.memory_space<vmem>>
    %dma_start3A_514 = arith.constant 0 : i32
    %dma_start3A_515 = tpu.memref_slice %arg9[%dma_start3A_509, %dma_start3A_514] : memref<79x128xi32, #tpu.memory_space<vmem>> -> memref<1x128xi32, #tpu.memory_space<vmem>>
    %dma_start3A_516 = tpu.memref_squeeze %dma_start3A_515 : memref<1x128xi32, #tpu.memory_space<vmem>> -> memref<128xi32, #tpu.memory_space<vmem>>
    %dma_start3A_517 = arith.constant 0 : i32
    %dma_start3A_518 = arith.constant 0 : i32
    %dma_start3A_519 = tpu.memref_slice %arg7[%arg0, %dma_start3A_517, %dma_start3A_518] : memref<2x10240x64xf32, #tpu.memory_space<hbm>> -> memref<1x10240x64xf32, #tpu.memory_space<hbm>>
    %dma_start3A_520 = tpu.memref_squeeze %dma_start3A_519 : memref<1x10240x64xf32, #tpu.memory_space<hbm>> -> memref<10240x64xf32, #tpu.memory_space<hbm>>
    %dma_start3A_521 = arith.constant 0 : i32
    %dma_start3A_522 = arith.constant 0 : i32
    %dma_start3A_523 = tpu.memref_slice %dma_start3A_520[%dma_start3A_521, %dma_start3A_522] : memref<10240x64xf32, #tpu.memory_space<hbm>> -> memref<10240x64xf32, #tpu.memory_space<hbm>>
    tpu.enqueue_indirect_dma source(%dma_start3A_523 : memref<10240x64xf32, #tpu.memory_space<hbm>>) target(%dma_start3A_513 : memref<128x64xf32, #tpu.memory_space<vmem>>) offsets(%dma_start3A_516 : memref<128xi32, #tpu.memory_space<vmem>>) semaphore(%arg15 : memref<!tpu.dma_semaphore, #tpu.memory_space<semaphore_mem>>)
    %sub3A_524 = arith.constant 4 : i32
    %sub3A_525 = arith.subi %add3A_9, %sub3A_524 : i32
    %while3A = arith.constant 0 : i32
    %while3A_526 = arith.constant 0 : i32
    %while3A_527 = arith.subi %sub3A_525, %while3A_526 : i32
    %while3A_528 = arith.addi %while3A_526, %while3A_527 : i32
    %while3A_529 = arith.constant 1 : i32
    %while3A_530 = arith.divsi %while3A_527, %while3A_529 : i32
    %while3A_531 = arith.muli %while3A_530, %while3A_529 : i32
    %while3A_532 = arith.addi %while3A_526, %while3A_531 : i32
    %while3A_533 = arith.constant 1 : i32
    scf.for %while3A_660 = %while3A_526 to %while3A_532 step %while3A_533  : i32 {
      %add3A_661 = arith.constant 2 : i32
      %add3A_662 = arith.addi %while3A_660, %add3A_661 : i32
      %rem3A_663 = arith.constant 4 : i32
      %rem3A_664 = arith.remsi %add3A_662, %rem3A_663 : i32
      %dma_wait3A_665 = arith.constant 0 : i32
      %dma_wait3A_666 = arith.constant 0 : i32
      %dma_wait3A_667 = tpu.memref_slice %arg11[%rem3A_664, %dma_wait3A_665, %dma_wait3A_666] : memref<4x128x64xf32, #tpu.memory_space<vmem>> -> memref<1x128x64xf32, #tpu.memory_space<vmem>>
      %dma_wait3A_668 = tpu.memref_squeeze %dma_wait3A_667 : memref<1x128x64xf32, #tpu.memory_space<vmem>> -> memref<128x64xf32, #tpu.memory_space<vmem>>
      %dma_wait3A_669 = arith.constant 0 : i32
      %dma_wait3A_670 = tpu.memref_slice %arg9[%add3A_662, %dma_wait3A_669] : memref<79x128xi32, #tpu.memory_space<vmem>> -> memref<1x128xi32, #tpu.memory_space<vmem>>
      %dma_wait3A_671 = tpu.memref_squeeze %dma_wait3A_670 : memref<1x128xi32, #tpu.memory_space<vmem>> -> memref<128xi32, #tpu.memory_space<vmem>>
      %dma_wait3A_672 = arith.constant 0 : i32
      %dma_wait3A_673 = arith.constant 0 : i32
      %dma_wait3A_674 = tpu.memref_slice %arg7[%arg0, %dma_wait3A_672, %dma_wait3A_673] : memref<2x10240x64xf32, #tpu.memory_space<hbm>> -> memref<1x10240x64xf32, #tpu.memory_space<hbm>>
      %dma_wait3A_675 = tpu.memref_squeeze %dma_wait3A_674 : memref<1x10240x64xf32, #tpu.memory_space<hbm>> -> memref<10240x64xf32, #tpu.memory_space<hbm>>
      %dma_wait3A_676 = arith.constant 0 : i32
      %dma_wait3A_677 = arith.constant 0 : i32
      %dma_wait3A_678 = tpu.memref_slice %dma_wait3A_675[%dma_wait3A_676, %dma_wait3A_677] : memref<10240x64xf32, #tpu.memory_space<hbm>> -> memref<10240x64xf32, #tpu.memory_space<hbm>>
      tpu.wait_indirect_dma semaphore(%arg15 : memref<!tpu.dma_semaphore, #tpu.memory_space<semaphore_mem>>) src(%dma_wait3A_678 : memref<10240x64xf32, #tpu.memory_space<hbm>>) dst(%dma_wait3A_668 : memref<128x64xf32, #tpu.memory_space<vmem>>)
      %rem3A_679 = arith.constant 4 : i32
      %rem3A_680 = arith.remsi %add3A_662, %rem3A_679 : i32
      %dma_start3A_681 = arith.constant 0 : i32
      %dma_start3A_682 = arith.constant 0 : i32
      %dma_start3A_683 = tpu.memref_slice %arg11[%rem3A_680, %dma_start3A_681, %dma_start3A_682] : memref<4x128x64xf32, #tpu.memory_space<vmem>> -> memref<1x128x64xf32, #tpu.memory_space<vmem>>
      %dma_start3A_684 = tpu.memref_squeeze %dma_start3A_683 : memref<1x128x64xf32, #tpu.memory_space<vmem>> -> memref<128x64xf32, #tpu.memory_space<vmem>>
      %dma_start3A_685 = arith.constant 0 : i32
      %dma_start3A_686 = tpu.memref_slice %arg10[%add3A_662, %dma_start3A_685] : memref<79x128xi32, #tpu.memory_space<vmem>> -> memref<1x128xi32, #tpu.memory_space<vmem>>
      %dma_start3A_687 = tpu.memref_squeeze %dma_start3A_686 : memref<1x128xi32, #tpu.memory_space<vmem>> -> memref<128xi32, #tpu.memory_space<vmem>>
      %dma_start3A_688 = arith.constant 0 : i32
      %dma_start3A_689 = arith.constant 0 : i32
      %dma_start3A_690 = tpu.memref_slice %arg14[%dma_start3A_688, %dma_start3A_689] : memref<10240x64xf32, #tpu.memory_space<vmem_shared>> -> memref<10240x64xf32, #tpu.memory_space<vmem_shared>>
      tpu.enqueue_indirect_dma source(%dma_start3A_684 : memref<128x64xf32, #tpu.memory_space<vmem>>) target(%dma_start3A_690 : memref<10240x64xf32, #tpu.memory_space<vmem_shared>>) offsets(%dma_start3A_687 : memref<128xi32, #tpu.memory_space<vmem>>) semaphore(%arg16 : memref<!tpu.dma_semaphore, #tpu.memory_space<semaphore_mem>>) {add = true}
      %sub3A_691 = arith.constant 2 : i32
      %sub3A_692 = arith.subi %add3A_662, %sub3A_691 : i32
      %rem3A_693 = arith.constant 4 : i32
      %rem3A_694 = arith.remsi %sub3A_692, %rem3A_693 : i32
      %dma_wait3A_695 = arith.constant 0 : i32
      %dma_wait3A_696 = arith.constant 0 : i32
      %dma_wait3A_697 = tpu.memref_slice %arg11[%rem3A_694, %dma_wait3A_695, %dma_wait3A_696] : memref<4x128x64xf32, #tpu.memory_space<vmem>> -> memref<1x128x64xf32, #tpu.memory_space<vmem>>
      %dma_wait3A_698 = tpu.memref_squeeze %dma_wait3A_697 : memref<1x128x64xf32, #tpu.memory_space<vmem>> -> memref<128x64xf32, #tpu.memory_space<vmem>>
      %dma_wait3A_699 = arith.constant 0 : i32
      %dma_wait3A_700 = tpu.memref_slice %arg10[%sub3A_692, %dma_wait3A_699] : memref<79x128xi32, #tpu.memory_space<vmem>> -> memref<1x128xi32, #tpu.memory_space<vmem>>
      %dma_wait3A_701 = tpu.memref_squeeze %dma_wait3A_700 : memref<1x128xi32, #tpu.memory_space<vmem>> -> memref<128xi32, #tpu.memory_space<vmem>>
      %dma_wait3A_702 = arith.constant 0 : i32
      %dma_wait3A_703 = arith.constant 0 : i32
      %dma_wait3A_704 = tpu.memref_slice %arg14[%dma_wait3A_702, %dma_wait3A_703] : memref<10240x64xf32, #tpu.memory_space<vmem_shared>> -> memref<10240x64xf32, #tpu.memory_space<vmem_shared>>
      tpu.wait_indirect_dma semaphore(%arg16 : memref<!tpu.dma_semaphore, #tpu.memory_space<semaphore_mem>>) src(%dma_wait3A_698 : memref<128x64xf32, #tpu.memory_space<vmem>>) dst(%dma_wait3A_704 : memref<10240x64xf32, #tpu.memory_space<vmem_shared>>)
      %add3A_705 = arith.constant 2 : i32
      %add3A_706 = arith.addi %add3A_662, %add3A_705 : i32
      %rem3A_707 = arith.constant 4 : i32
      %rem3A_708 = arith.remsi %add3A_706, %rem3A_707 : i32
      %dma_start3A_709 = arith.constant 0 : i32
      %dma_start3A_710 = arith.constant 0 : i32
      %dma_start3A_711 = tpu.memref_slice %arg11[%rem3A_708, %dma_start3A_709, %dma_start3A_710] : memref<4x128x64xf32, #tpu.memory_space<vmem>> -> memref<1x128x64xf32, #tpu.memory_space<vmem>>
      %dma_start3A_712 = tpu.memref_squeeze %dma_start3A_711 : memref<1x128x64xf32, #tpu.memory_space<vmem>> -> memref<128x64xf32, #tpu.memory_space<vmem>>
      %dma_start3A_713 = arith.constant 0 : i32
      %dma_start3A_714 = tpu.memref_slice %arg9[%add3A_706, %dma_start3A_713] : memref<79x128xi32, #tpu.memory_space<vmem>> -> memref<1x128xi32, #tpu.memory_space<vmem>>
      %dma_start3A_715 = tpu.memref_squeeze %dma_start3A_714 : memref<1x128xi32, #tpu.memory_space<vmem>> -> memref<128xi32, #tpu.memory_space<vmem>>
      %dma_start3A_716 = arith.constant 0 : i32
      %dma_start3A_717 = arith.constant 0 : i32
      %dma_start3A_718 = tpu.memref_slice %arg7[%arg0, %dma_start3A_716, %dma_start3A_717] : memref<2x10240x64xf32, #tpu.memory_space<hbm>> -> memref<1x10240x64xf32, #tpu.memory_space<hbm>>
      %dma_start3A_719 = tpu.memref_squeeze %dma_start3A_718 : memref<1x10240x64xf32, #tpu.memory_space<hbm>> -> memref<10240x64xf32, #tpu.memory_space<hbm>>
      %dma_start3A_720 = arith.constant 0 : i32
      %dma_start3A_721 = arith.constant 0 : i32
      %dma_start3A_722 = tpu.memref_slice %dma_start3A_719[%dma_start3A_720, %dma_start3A_721] : memref<10240x64xf32, #tpu.memory_space<hbm>> -> memref<10240x64xf32, #tpu.memory_space<hbm>>
      tpu.enqueue_indirect_dma source(%dma_start3A_722 : memref<10240x64xf32, #tpu.memory_space<hbm>>) target(%dma_start3A_712 : memref<128x64xf32, #tpu.memory_space<vmem>>) offsets(%dma_start3A_715 : memref<128xi32, #tpu.memory_space<vmem>>) semaphore(%arg15 : memref<!tpu.dma_semaphore, #tpu.memory_space<semaphore_mem>>)
    }
    %while3A_534 = arith.constant 1 : i32
    scf.for %while3A_660 = %while3A_532 to %while3A_528 step %while3A_534  : i32 {
      %add3A_661 = arith.constant 2 : i32
      %add3A_662 = arith.addi %while3A_660, %add3A_661 : i32
      %rem3A_663 = arith.constant 4 : i32
      %rem3A_664 = arith.remsi %add3A_662, %rem3A_663 : i32
      %dma_wait3A_665 = arith.constant 0 : i32
      %dma_wait3A_666 = arith.constant 0 : i32
      %dma_wait3A_667 = tpu.memref_slice %arg11[%rem3A_664, %dma_wait3A_665, %dma_wait3A_666] : memref<4x128x64xf32, #tpu.memory_space<vmem>> -> memref<1x128x64xf32, #tpu.memory_space<vmem>>
      %dma_wait3A_668 = tpu.memref_squeeze %dma_wait3A_667 : memref<1x128x64xf32, #tpu.memory_space<vmem>> -> memref<128x64xf32, #tpu.memory_space<vmem>>
      %dma_wait3A_669 = arith.constant 0 : i32
      %dma_wait3A_670 = tpu.memref_slice %arg9[%add3A_662, %dma_wait3A_669] : memref<79x128xi32, #tpu.memory_space<vmem>> -> memref<1x128xi32, #tpu.memory_space<vmem>>
      %dma_wait3A_671 = tpu.memref_squeeze %dma_wait3A_670 : memref<1x128xi32, #tpu.memory_space<vmem>> -> memref<128xi32, #tpu.memory_space<vmem>>
      %dma_wait3A_672 = arith.constant 0 : i32
      %dma_wait3A_673 = arith.constant 0 : i32
      %dma_wait3A_674 = tpu.memref_slice %arg7[%arg0, %dma_wait3A_672, %dma_wait3A_673] : memref<2x10240x64xf32, #tpu.memory_space<hbm>> -> memref<1x10240x64xf32, #tpu.memory_space<hbm>>
      %dma_wait3A_675 = tpu.memref_squeeze %dma_wait3A_674 : memref<1x10240x64xf32, #tpu.memory_space<hbm>> -> memref<10240x64xf32, #tpu.memory_space<hbm>>
      %dma_wait3A_676 = arith.constant 0 : i32
      %dma_wait3A_677 = arith.constant 0 : i32
      %dma_wait3A_678 = tpu.memref_slice %dma_wait3A_675[%dma_wait3A_676, %dma_wait3A_677] : memref<10240x64xf32, #tpu.memory_space<hbm>> -> memref<10240x64xf32, #tpu.memory_space<hbm>>
      tpu.wait_indirect_dma semaphore(%arg15 : memref<!tpu.dma_semaphore, #tpu.memory_space<semaphore_mem>>) src(%dma_wait3A_678 : memref<10240x64xf32, #tpu.memory_space<hbm>>) dst(%dma_wait3A_668 : memref<128x64xf32, #tpu.memory_space<vmem>>)
      %rem3A_679 = arith.constant 4 : i32
      %rem3A_680 = arith.remsi %add3A_662, %rem3A_679 : i32
      %dma_start3A_681 = arith.constant 0 : i32
      %dma_start3A_682 = arith.constant 0 : i32
      %dma_start3A_683 = tpu.memref_slice %arg11[%rem3A_680, %dma_start3A_681, %dma_start3A_682] : memref<4x128x64xf32, #tpu.memory_space<vmem>> -> memref<1x128x64xf32, #tpu.memory_space<vmem>>
      %dma_start3A_684 = tpu.memref_squeeze %dma_start3A_683 : memref<1x128x64xf32, #tpu.memory_space<vmem>> -> memref<128x64xf32, #tpu.memory_space<vmem>>
      %dma_start3A_685 = arith.constant 0 : i32
      %dma_start3A_686 = tpu.memref_slice %arg10[%add3A_662, %dma_start3A_685] : memref<79x128xi32, #tpu.memory_space<vmem>> -> memref<1x128xi32, #tpu.memory_space<vmem>>
      %dma_start3A_687 = tpu.memref_squeeze %dma_start3A_686 : memref<1x128xi32, #tpu.memory_space<vmem>> -> memref<128xi32, #tpu.memory_space<vmem>>
      %dma_start3A_688 = arith.constant 0 : i32
      %dma_start3A_689 = arith.constant 0 : i32
      %dma_start3A_690 = tpu.memref_slice %arg14[%dma_start3A_688, %dma_start3A_689] : memref<10240x64xf32, #tpu.memory_space<vmem_shared>> -> memref<10240x64xf32, #tpu.memory_space<vmem_shared>>
      tpu.enqueue_indirect_dma source(%dma_start3A_684 : memref<128x64xf32, #tpu.memory_space<vmem>>) target(%dma_start3A_690 : memref<10240x64xf32, #tpu.memory_space<vmem_shared>>) offsets(%dma_start3A_687 : memref<128xi32, #tpu.memory_space<vmem>>) semaphore(%arg16 : memref<!tpu.dma_semaphore, #tpu.memory_space<semaphore_mem>>) {add = true}
      %sub3A_691 = arith.constant 2 : i32
      %sub3A_692 = arith.subi %add3A_662, %sub3A_691 : i32
      %rem3A_693 = arith.constant 4 : i32
      %rem3A_694 = arith.remsi %sub3A_692, %rem3A_693 : i32
      %dma_wait3A_695 = arith.constant 0 : i32
      %dma_wait3A_696 = arith.constant 0 : i32
      %dma_wait3A_697 = tpu.memref_slice %arg11[%rem3A_694, %dma_wait3A_695, %dma_wait3A_696] : memref<4x128x64xf32, #tpu.memory_space<vmem>> -> memref<1x128x64xf32, #tpu.memory_space<vmem>>
      %dma_wait3A_698 = tpu.memref_squeeze %dma_wait3A_697 : memref<1x128x64xf32, #tpu.memory_space<vmem>> -> memref<128x64xf32, #tpu.memory_space<vmem>>
      %dma_wait3A_699 = arith.constant 0 : i32
      %dma_wait3A_700 = tpu.memref_slice %arg10[%sub3A_692, %dma_wait3A_699] : memref<79x128xi32, #tpu.memory_space<vmem>> -> memref<1x128xi32, #tpu.memory_space<vmem>>
      %dma_wait3A_701 = tpu.memref_squeeze %dma_wait3A_700 : memref<1x128xi32, #tpu.memory_space<vmem>> -> memref<128xi32, #tpu.memory_space<vmem>>
      %dma_wait3A_702 = arith.constant 0 : i32
      %dma_wait3A_703 = arith.constant 0 : i32
      %dma_wait3A_704 = tpu.memref_slice %arg14[%dma_wait3A_702, %dma_wait3A_703] : memref<10240x64xf32, #tpu.memory_space<vmem_shared>> -> memref<10240x64xf32, #tpu.memory_space<vmem_shared>>
      tpu.wait_indirect_dma semaphore(%arg16 : memref<!tpu.dma_semaphore, #tpu.memory_space<semaphore_mem>>) src(%dma_wait3A_698 : memref<128x64xf32, #tpu.memory_space<vmem>>) dst(%dma_wait3A_704 : memref<10240x64xf32, #tpu.memory_space<vmem_shared>>)
      %add3A_705 = arith.constant 2 : i32
      %add3A_706 = arith.addi %add3A_662, %add3A_705 : i32
      %rem3A_707 = arith.constant 4 : i32
      %rem3A_708 = arith.remsi %add3A_706, %rem3A_707 : i32
      %dma_start3A_709 = arith.constant 0 : i32
      %dma_start3A_710 = arith.constant 0 : i32
      %dma_start3A_711 = tpu.memref_slice %arg11[%rem3A_708, %dma_start3A_709, %dma_start3A_710] : memref<4x128x64xf32, #tpu.memory_space<vmem>> -> memref<1x128x64xf32, #tpu.memory_space<vmem>>
      %dma_start3A_712 = tpu.memref_squeeze %dma_start3A_711 : memref<1x128x64xf32, #tpu.memory_space<vmem>> -> memref<128x64xf32, #tpu.memory_space<vmem>>
      %dma_start3A_713 = arith.constant 0 : i32
      %dma_start3A_714 = tpu.memref_slice %arg9[%add3A_706, %dma_start3A_713] : memref<79x128xi32, #tpu.memory_space<vmem>> -> memref<1x128xi32, #tpu.memory_space<vmem>>
      %dma_start3A_715 = tpu.memref_squeeze %dma_start3A_714 : memref<1x128xi32, #tpu.memory_space<vmem>> -> memref<128xi32, #tpu.memory_space<vmem>>
      %dma_start3A_716 = arith.constant 0 : i32
      %dma_start3A_717 = arith.constant 0 : i32
      %dma_start3A_718 = tpu.memref_slice %arg7[%arg0, %dma_start3A_716, %dma_start3A_717] : memref<2x10240x64xf32, #tpu.memory_space<hbm>> -> memref<1x10240x64xf32, #tpu.memory_space<hbm>>
      %dma_start3A_719 = tpu.memref_squeeze %dma_start3A_718 : memref<1x10240x64xf32, #tpu.memory_space<hbm>> -> memref<10240x64xf32, #tpu.memory_space<hbm>>
      %dma_start3A_720 = arith.constant 0 : i32
      %dma_start3A_721 = arith.constant 0 : i32
      %dma_start3A_722 = tpu.memref_slice %dma_start3A_719[%dma_start3A_720, %dma_start3A_721] : memref<10240x64xf32, #tpu.memory_space<hbm>> -> memref<10240x64xf32, #tpu.memory_space<hbm>>
      tpu.enqueue_indirect_dma source(%dma_start3A_722 : memref<10240x64xf32, #tpu.memory_space<hbm>>) target(%dma_start3A_712 : memref<128x64xf32, #tpu.memory_space<vmem>>) offsets(%dma_start3A_715 : memref<128xi32, #tpu.memory_space<vmem>>) semaphore(%arg15 : memref<!tpu.dma_semaphore, #tpu.memory_space<semaphore_mem>>)
    }
    %sub3A_535 = arith.constant 2 : i32
    %sub3A_536 = arith.subi %add3A_9, %sub3A_535 : i32
    %add3A_537 = arith.constant 0 : i32
    %add3A_538 = arith.addi %sub3A_536, %add3A_537 : i32
    %rem3A_539 = arith.constant 4 : i32
    %rem3A_540 = arith.remsi %add3A_538, %rem3A_539 : i32
    %dma_wait3A_541 = arith.constant 0 : i32
    %dma_wait3A_542 = arith.constant 0 : i32
    %dma_wait3A_543 = tpu.memref_slice %arg11[%rem3A_540, %dma_wait3A_541, %dma_wait3A_542] : memref<4x128x64xf32, #tpu.memory_space<vmem>> -> memref<1x128x64xf32, #tpu.memory_space<vmem>>
    %dma_wait3A_544 = tpu.memref_squeeze %dma_wait3A_543 : memref<1x128x64xf32, #tpu.memory_space<vmem>> -> memref<128x64xf32, #tpu.memory_space<vmem>>
    %dma_wait3A_545 = arith.constant 0 : i32
    %dma_wait3A_546 = tpu.memref_slice %arg9[%add3A_538, %dma_wait3A_545] : memref<79x128xi32, #tpu.memory_space<vmem>> -> memref<1x128xi32, #tpu.memory_space<vmem>>
    %dma_wait3A_547 = tpu.memref_squeeze %dma_wait3A_546 : memref<1x128xi32, #tpu.memory_space<vmem>> -> memref<128xi32, #tpu.memory_space<vmem>>
    %dma_wait3A_548 = arith.constant 0 : i32
    %dma_wait3A_549 = arith.constant 0 : i32
    %dma_wait3A_550 = tpu.memref_slice %arg7[%arg0, %dma_wait3A_548, %dma_wait3A_549] : memref<2x10240x64xf32, #tpu.memory_space<hbm>> -> memref<1x10240x64xf32, #tpu.memory_space<hbm>>
    %dma_wait3A_551 = tpu.memref_squeeze %dma_wait3A_550 : memref<1x10240x64xf32, #tpu.memory_space<hbm>> -> memref<10240x64xf32, #tpu.memory_space<hbm>>
    %dma_wait3A_552 = arith.constant 0 : i32
    %dma_wait3A_553 = arith.constant 0 : i32
    %dma_wait3A_554 = tpu.memref_slice %dma_wait3A_551[%dma_wait3A_552, %dma_wait3A_553] : memref<10240x64xf32, #tpu.memory_space<hbm>> -> memref<10240x64xf32, #tpu.memory_space<hbm>>
    tpu.wait_indirect_dma semaphore(%arg15 : memref<!tpu.dma_semaphore, #tpu.memory_space<semaphore_mem>>) src(%dma_wait3A_554 : memref<10240x64xf32, #tpu.memory_space<hbm>>) dst(%dma_wait3A_544 : memref<128x64xf32, #tpu.memory_space<vmem>>)
    %rem3A_555 = arith.constant 4 : i32
    %rem3A_556 = arith.remsi %add3A_538, %rem3A_555 : i32
    %dma_start3A_557 = arith.constant 0 : i32
    %dma_start3A_558 = arith.constant 0 : i32
    %dma_start3A_559 = tpu.memref_slice %arg11[%rem3A_556, %dma_start3A_557, %dma_start3A_558] : memref<4x128x64xf32, #tpu.memory_space<vmem>> -> memref<1x128x64xf32, #tpu.memory_space<vmem>>
    %dma_start3A_560 = tpu.memref_squeeze %dma_start3A_559 : memref<1x128x64xf32, #tpu.memory_space<vmem>> -> memref<128x64xf32, #tpu.memory_space<vmem>>
    %dma_start3A_561 = arith.constant 0 : i32
    %dma_start3A_562 = tpu.memref_slice %arg10[%add3A_538, %dma_start3A_561] : memref<79x128xi32, #tpu.memory_space<vmem>> -> memref<1x128xi32, #tpu.memory_space<vmem>>
    %dma_start3A_563 = tpu.memref_squeeze %dma_start3A_562 : memref<1x128xi32, #tpu.memory_space<vmem>> -> memref<128xi32, #tpu.memory_space<vmem>>
    %dma_start3A_564 = arith.constant 0 : i32
    %dma_start3A_565 = arith.constant 0 : i32
    %dma_start3A_566 = tpu.memref_slice %arg14[%dma_start3A_564, %dma_start3A_565] : memref<10240x64xf32, #tpu.memory_space<vmem_shared>> -> memref<10240x64xf32, #tpu.memory_space<vmem_shared>>
    tpu.enqueue_indirect_dma source(%dma_start3A_560 : memref<128x64xf32, #tpu.memory_space<vmem>>) target(%dma_start3A_566 : memref<10240x64xf32, #tpu.memory_space<vmem_shared>>) offsets(%dma_start3A_563 : memref<128xi32, #tpu.memory_space<vmem>>) semaphore(%arg16 : memref<!tpu.dma_semaphore, #tpu.memory_space<semaphore_mem>>) {add = true}
    %sub3A_567 = arith.constant 2 : i32
    %sub3A_568 = arith.subi %add3A_538, %sub3A_567 : i32
    %rem3A_569 = arith.constant 4 : i32
    %rem3A_570 = arith.remsi %sub3A_568, %rem3A_569 : i32
    %dma_wait3A_571 = arith.constant 0 : i32
    %dma_wait3A_572 = arith.constant 0 : i32
    %dma_wait3A_573 = tpu.memref_slice %arg11[%rem3A_570, %dma_wait3A_571, %dma_wait3A_572] : memref<4x128x64xf32, #tpu.memory_space<vmem>> -> memref<1x128x64xf32, #tpu.memory_space<vmem>>
    %dma_wait3A_574 = tpu.memref_squeeze %dma_wait3A_573 : memref<1x128x64xf32, #tpu.memory_space<vmem>> -> memref<128x64xf32, #tpu.memory_space<vmem>>
    %dma_wait3A_575 = arith.constant 0 : i32
    %dma_wait3A_576 = tpu.memref_slice %arg10[%sub3A_568, %dma_wait3A_575] : memref<79x128xi32, #tpu.memory_space<vmem>> -> memref<1x128xi32, #tpu.memory_space<vmem>>
    %dma_wait3A_577 = tpu.memref_squeeze %dma_wait3A_576 : memref<1x128xi32, #tpu.memory_space<vmem>> -> memref<128xi32, #tpu.memory_space<vmem>>
    %dma_wait3A_578 = arith.constant 0 : i32
    %dma_wait3A_579 = arith.constant 0 : i32
    %dma_wait3A_580 = tpu.memref_slice %arg14[%dma_wait3A_578, %dma_wait3A_579] : memref<10240x64xf32, #tpu.memory_space<vmem_shared>> -> memref<10240x64xf32, #tpu.memory_space<vmem_shared>>
    tpu.wait_indirect_dma semaphore(%arg16 : memref<!tpu.dma_semaphore, #tpu.memory_space<semaphore_mem>>) src(%dma_wait3A_574 : memref<128x64xf32, #tpu.memory_space<vmem>>) dst(%dma_wait3A_580 : memref<10240x64xf32, #tpu.memory_space<vmem_shared>>)
    %sub3A_581 = arith.constant 2 : i32
    %sub3A_582 = arith.subi %add3A_9, %sub3A_581 : i32
    %add3A_583 = arith.constant 1 : i32
    %add3A_584 = arith.addi %sub3A_582, %add3A_583 : i32
    %rem3A_585 = arith.constant 4 : i32
    %rem3A_586 = arith.remsi %add3A_584, %rem3A_585 : i32
    %dma_wait3A_587 = arith.constant 0 : i32
    %dma_wait3A_588 = arith.constant 0 : i32
    %dma_wait3A_589 = tpu.memref_slice %arg11[%rem3A_586, %dma_wait3A_587, %dma_wait3A_588] : memref<4x128x64xf32, #tpu.memory_space<vmem>> -> memref<1x128x64xf32, #tpu.memory_space<vmem>>
    %dma_wait3A_590 = tpu.memref_squeeze %dma_wait3A_589 : memref<1x128x64xf32, #tpu.memory_space<vmem>> -> memref<128x64xf32, #tpu.memory_space<vmem>>
    %dma_wait3A_591 = arith.constant 0 : i32
    %dma_wait3A_592 = tpu.memref_slice %arg9[%add3A_584, %dma_wait3A_591] : memref<79x128xi32, #tpu.memory_space<vmem>> -> memref<1x128xi32, #tpu.memory_space<vmem>>
    %dma_wait3A_593 = tpu.memref_squeeze %dma_wait3A_592 : memref<1x128xi32, #tpu.memory_space<vmem>> -> memref<128xi32, #tpu.memory_space<vmem>>
    %dma_wait3A_594 = arith.constant 0 : i32
    %dma_wait3A_595 = arith.constant 0 : i32
    %dma_wait3A_596 = tpu.memref_slice %arg7[%arg0, %dma_wait3A_594, %dma_wait3A_595] : memref<2x10240x64xf32, #tpu.memory_space<hbm>> -> memref<1x10240x64xf32, #tpu.memory_space<hbm>>
    %dma_wait3A_597 = tpu.memref_squeeze %dma_wait3A_596 : memref<1x10240x64xf32, #tpu.memory_space<hbm>> -> memref<10240x64xf32, #tpu.memory_space<hbm>>
    %dma_wait3A_598 = arith.constant 0 : i32
    %dma_wait3A_599 = arith.constant 0 : i32
    %dma_wait3A_600 = tpu.memref_slice %dma_wait3A_597[%dma_wait3A_598, %dma_wait3A_599] : memref<10240x64xf32, #tpu.memory_space<hbm>> -> memref<10240x64xf32, #tpu.memory_space<hbm>>
    tpu.wait_indirect_dma semaphore(%arg15 : memref<!tpu.dma_semaphore, #tpu.memory_space<semaphore_mem>>) src(%dma_wait3A_600 : memref<10240x64xf32, #tpu.memory_space<hbm>>) dst(%dma_wait3A_590 : memref<128x64xf32, #tpu.memory_space<vmem>>)
    %rem3A_601 = arith.constant 4 : i32
    %rem3A_602 = arith.remsi %add3A_584, %rem3A_601 : i32
    %dma_start3A_603 = arith.constant 0 : i32
    %dma_start3A_604 = arith.constant 0 : i32
    %dma_start3A_605 = tpu.memref_slice %arg11[%rem3A_602, %dma_start3A_603, %dma_start3A_604] : memref<4x128x64xf32, #tpu.memory_space<vmem>> -> memref<1x128x64xf32, #tpu.memory_space<vmem>>
    %dma_start3A_606 = tpu.memref_squeeze %dma_start3A_605 : memref<1x128x64xf32, #tpu.memory_space<vmem>> -> memref<128x64xf32, #tpu.memory_space<vmem>>
    %dma_start3A_607 = arith.constant 0 : i32
    %dma_start3A_608 = tpu.memref_slice %arg10[%add3A_584, %dma_start3A_607] : memref<79x128xi32, #tpu.memory_space<vmem>> -> memref<1x128xi32, #tpu.memory_space<vmem>>
    %dma_start3A_609 = tpu.memref_squeeze %dma_start3A_608 : memref<1x128xi32, #tpu.memory_space<vmem>> -> memref<128xi32, #tpu.memory_space<vmem>>
    %dma_start3A_610 = arith.constant 0 : i32
    %dma_start3A_611 = arith.constant 0 : i32
    %dma_start3A_612 = tpu.memref_slice %arg14[%dma_start3A_610, %dma_start3A_611] : memref<10240x64xf32, #tpu.memory_space<vmem_shared>> -> memref<10240x64xf32, #tpu.memory_space<vmem_shared>>
    tpu.enqueue_indirect_dma source(%dma_start3A_606 : memref<128x64xf32, #tpu.memory_space<vmem>>) target(%dma_start3A_612 : memref<10240x64xf32, #tpu.memory_space<vmem_shared>>) offsets(%dma_start3A_609 : memref<128xi32, #tpu.memory_space<vmem>>) semaphore(%arg16 : memref<!tpu.dma_semaphore, #tpu.memory_space<semaphore_mem>>) {add = true}
    %sub3A_613 = arith.constant 2 : i32
    %sub3A_614 = arith.subi %add3A_584, %sub3A_613 : i32
    %rem3A_615 = arith.constant 4 : i32
    %rem3A_616 = arith.remsi %sub3A_614, %rem3A_615 : i32
    %dma_wait3A_617 = arith.constant 0 : i32
    %dma_wait3A_618 = arith.constant 0 : i32
    %dma_wait3A_619 = tpu.memref_slice %arg11[%rem3A_616, %dma_wait3A_617, %dma_wait3A_618] : memref<4x128x64xf32, #tpu.memory_space<vmem>> -> memref<1x128x64xf32, #tpu.memory_space<vmem>>
    %dma_wait3A_620 = tpu.memref_squeeze %dma_wait3A_619 : memref<1x128x64xf32, #tpu.memory_space<vmem>> -> memref<128x64xf32, #tpu.memory_space<vmem>>
    %dma_wait3A_621 = arith.constant 0 : i32
    %dma_wait3A_622 = tpu.memref_slice %arg10[%sub3A_614, %dma_wait3A_621] : memref<79x128xi32, #tpu.memory_space<vmem>> -> memref<1x128xi32, #tpu.memory_space<vmem>>
    %dma_wait3A_623 = tpu.memref_squeeze %dma_wait3A_622 : memref<1x128xi32, #tpu.memory_space<vmem>> -> memref<128xi32, #tpu.memory_space<vmem>>
    %dma_wait3A_624 = arith.constant 0 : i32
    %dma_wait3A_625 = arith.constant 0 : i32
    %dma_wait3A_626 = tpu.memref_slice %arg14[%dma_wait3A_624, %dma_wait3A_625] : memref<10240x64xf32, #tpu.memory_space<vmem_shared>> -> memref<10240x64xf32, #tpu.memory_space<vmem_shared>>
    tpu.wait_indirect_dma semaphore(%arg16 : memref<!tpu.dma_semaphore, #tpu.memory_space<semaphore_mem>>) src(%dma_wait3A_620 : memref<128x64xf32, #tpu.memory_space<vmem>>) dst(%dma_wait3A_626 : memref<10240x64xf32, #tpu.memory_space<vmem_shared>>)
    %sub3A_627 = arith.constant 2 : i32
    %sub3A_628 = arith.subi %add3A_9, %sub3A_627 : i32
    %rem3A_629 = arith.constant 4 : i32
    %rem3A_630 = arith.remsi %sub3A_628, %rem3A_629 : i32
    %dma_wait3A_631 = arith.constant 0 : i32
    %dma_wait3A_632 = arith.constant 0 : i32
    %dma_wait3A_633 = tpu.memref_slice %arg11[%rem3A_630, %dma_wait3A_631, %dma_wait3A_632] : memref<4x128x64xf32, #tpu.memory_space<vmem>> -> memref<1x128x64xf32, #tpu.memory_space<vmem>>
    %dma_wait3A_634 = tpu.memref_squeeze %dma_wait3A_633 : memref<1x128x64xf32, #tpu.memory_space<vmem>> -> memref<128x64xf32, #tpu.memory_space<vmem>>
    %dma_wait3A_635 = arith.constant 0 : i32
    %dma_wait3A_636 = tpu.memref_slice %arg10[%sub3A_628, %dma_wait3A_635] : memref<79x128xi32, #tpu.memory_space<vmem>> -> memref<1x128xi32, #tpu.memory_space<vmem>>
    %dma_wait3A_637 = tpu.memref_squeeze %dma_wait3A_636 : memref<1x128xi32, #tpu.memory_space<vmem>> -> memref<128xi32, #tpu.memory_space<vmem>>
    %dma_wait3A_638 = arith.constant 0 : i32
    %dma_wait3A_639 = arith.constant 0 : i32
    %dma_wait3A_640 = tpu.memref_slice %arg14[%dma_wait3A_638, %dma_wait3A_639] : memref<10240x64xf32, #tpu.memory_space<vmem_shared>> -> memref<10240x64xf32, #tpu.memory_space<vmem_shared>>
    tpu.wait_indirect_dma semaphore(%arg16 : memref<!tpu.dma_semaphore, #tpu.memory_space<semaphore_mem>>) src(%dma_wait3A_634 : memref<128x64xf32, #tpu.memory_space<vmem>>) dst(%dma_wait3A_640 : memref<10240x64xf32, #tpu.memory_space<vmem_shared>>)
    %sub3A_641 = arith.constant 1 : i32
    %sub3A_642 = arith.subi %add3A_9, %sub3A_641 : i32
    %rem3A_643 = arith.constant 4 : i32
    %rem3A_644 = arith.remsi %sub3A_642, %rem3A_643 : i32
    %dma_wait3A_645 = arith.constant 0 : i32
    %dma_wait3A_646 = arith.constant 0 : i32
    %dma_wait3A_647 = tpu.memref_slice %arg11[%rem3A_644, %dma_wait3A_645, %dma_wait3A_646] : memref<4x128x64xf32, #tpu.memory_space<vmem>> -> memref<1x128x64xf32, #tpu.memory_space<vmem>>
    %dma_wait3A_648 = tpu.memref_squeeze %dma_wait3A_647 : memref<1x128x64xf32, #tpu.memory_space<vmem>> -> memref<128x64xf32, #tpu.memory_space<vmem>>
    %dma_wait3A_649 = arith.constant 0 : i32
    %dma_wait3A_650 = tpu.memref_slice %arg10[%sub3A_642, %dma_wait3A_649] : memref<79x128xi32, #tpu.memory_space<vmem>> -> memref<1x128xi32, #tpu.memory_space<vmem>>
    %dma_wait3A_651 = tpu.memref_squeeze %dma_wait3A_650 : memref<1x128xi32, #tpu.memory_space<vmem>> -> memref<128xi32, #tpu.memory_space<vmem>>
    %dma_wait3A_652 = arith.constant 0 : i32
    %dma_wait3A_653 = arith.constant 0 : i32
    %dma_wait3A_654 = tpu.memref_slice %arg14[%dma_wait3A_652, %dma_wait3A_653] : memref<10240x64xf32, #tpu.memory_space<vmem_shared>> -> memref<10240x64xf32, #tpu.memory_space<vmem_shared>>
    tpu.wait_indirect_dma semaphore(%arg16 : memref<!tpu.dma_semaphore, #tpu.memory_space<semaphore_mem>>) src(%dma_wait3A_648 : memref<128x64xf32, #tpu.memory_space<vmem>>) dst(%dma_wait3A_654 : memref<10240x64xf32, #tpu.memory_space<vmem_shared>>)
    %barrier3A_655 = arith.constant 0 : index
    tpu.barrier barrier_id(%barrier3A_655)
    %mul3A_656 = arith.constant 640 : i32
    %mul3A_657 = arith.muli %arg1, %mul3A_656 : i32
    %mul3A_658 = arith.constant 640 : i32
    %mul3A_659 = arith.muli %arg1, %mul3A_658 : i32
    "tpu.region"() ({
      %run_scoped3A_660 = tpu.sem_alloc : memref<!tpu.dma_semaphore, #tpu.memory_space<semaphore_mem>>
      %dma_start3A_661 = arith.constant 0 : i32
      %dma_start3A_662 = tpu.memref_slice %arg6[%arg0, %mul3A_659, %dma_start3A_661] : memref<2x10240x64xf32, #tpu.memory_space<hbm>> -> memref<1x640x64xf32, #tpu.memory_space<hbm>>
      %dma_start3A_663 = tpu.memref_squeeze %dma_start3A_662 : memref<1x640x64xf32, #tpu.memory_space<hbm>> -> memref<640x64xf32, #tpu.memory_space<hbm>>
      %dma_start3A_664 = arith.constant 0 : i32
      %dma_start3A_665 = tpu.memref_slice %arg14[%mul3A_657, %dma_start3A_664] : memref<10240x64xf32, #tpu.memory_space<vmem_shared>> -> memref<640x64xf32, #tpu.memory_space<vmem_shared>>
      tpu.enqueue_dma source(%dma_start3A_665 : memref<640x64xf32, #tpu.memory_space<vmem_shared>>) target(%dma_start3A_663 : memref<640x64xf32, #tpu.memory_space<hbm>>) target_semaphore(%run_scoped3A_660 : memref<!tpu.dma_semaphore, #tpu.memory_space<semaphore_mem>>)
      %dma_wait3A_666 = arith.constant 0 : i32
      %dma_wait3A_667 = tpu.memref_slice %arg6[%arg0, %mul3A_659, %dma_wait3A_666] : memref<2x10240x64xf32, #tpu.memory_space<hbm>> -> memref<1x640x64xf32, #tpu.memory_space<hbm>>
      %dma_wait3A_668 = tpu.memref_squeeze %dma_wait3A_667 : memref<1x640x64xf32, #tpu.memory_space<hbm>> -> memref<640x64xf32, #tpu.memory_space<hbm>>
      %dma_wait3A_669 = arith.constant 0 : i32
      %dma_wait3A_670 = tpu.memref_slice %arg14[%mul3A_657, %dma_wait3A_669] : memref<10240x64xf32, #tpu.memory_space<vmem_shared>> -> memref<640x64xf32, #tpu.memory_space<vmem_shared>>
      tpu.wait_dma2 semaphore(%run_scoped3A_660 : memref<!tpu.dma_semaphore, #tpu.memory_space<semaphore_mem>>) src(%dma_wait3A_670 : memref<640x64xf32, #tpu.memory_space<vmem_shared>>) dst(%dma_wait3A_668 : memref<640x64xf32, #tpu.memory_space<hbm>>)
      tpu.yield
    }) : () -> ()
    return
  }
}

#map = affine_map<(d0, d1) -> (0, 0)>
#map1 = affine_map<(d0, d1) -> (0, 0, 0)>
module attributes {stable_mosaic.version = 14 : i64} {
  func.func @_agg_body(%arg0: i32, %arg1: i32, %arg2: memref<10240x64xf32, #tpu.memory_space<hbm>>, %arg3: memref<10240x16xf32, #tpu.memory_space<hbm>>, %arg4: memref<2x2500x128xi32, #tpu.memory_space<hbm>>, %arg5: memref<640x64xf32, #tpu.memory_space<hbm>>, %arg6: memref<2x10240x64xf32, #tpu.memory_space<hbm>>, %arg7: memref<2x10240x64xf32, #tpu.memory_space<hbm>>, %arg8: memref<79x128xi32, #tpu.memory_space<vmem>>, %arg9: memref<79x128xi32, #tpu.memory_space<vmem>>, %arg10: memref<4x128x64xf32, #tpu.memory_space<vmem>>, %arg11: memref<2x128x64xf32, #tpu.memory_space<vmem>>, %arg12: memref<2x128x16xf32, #tpu.memory_space<vmem>>, %arg13: memref<10240x64xf32, #tpu.memory_space<vmem_shared>>, %arg14: memref<!tpu.dma_semaphore, #tpu.memory_space<semaphore_mem>>, %arg15: memref<!tpu.dma_semaphore, #tpu.memory_space<semaphore_mem>>) attributes {dimension_semantics = [#tpu.dimension_semantics<core_parallel>, #tpu.dimension_semantics<subcore_parallel>], iteration_bounds = array<i64: 2, 16>, scalar_prefetch = 0 : i64, scratch_operands = 8 : i64, tpu.core_type = #tpu.core_type<sc_vector_subcore>, window_params = [{transform_indices = #map}, {transform_indices = #map}, {transform_indices = #map1}, {transform_indices = #map}, {transform_indices = #map1}, {transform_indices = #map1}]} {
    %mul3A = arith.constant 16 : i32
    %mul3A_0 = arith.muli %arg0, %mul3A : i32
    %add3A = arith.addi %mul3A_0, %arg1 : i32
    %mul3A_1 = arith.constant 78 : i32
    %mul3A_2 = arith.muli %mul3A_1, %add3A : i32
    %sub3A = arith.constant 28 : i32
    %sub3A_3 = arith.subi %add3A, %sub3A : i32
    %max3A = arith.constant 0 : i32
    %max3A_4 = arith.maxsi %sub3A_3, %max3A : i32
    %add3A_5 = arith.addi %mul3A_2, %max3A_4 : i32
    %ge3A = arith.constant 28 : i32
    %ge3A_6 = arith.cmpi sge, %add3A, %ge3A : i32
    %jit3A = arith.constant 1 : i32
    %jit3A_7 = arith.constant 0 : i32
    %select_n3A = arith.select %ge3A_6, %jit3A, %jit3A_7 : i32
    %add3A_8 = arith.constant 78 : i32
    %add3A_9 = arith.addi %add3A_8, %select_n3A : i32
    %run_scoped3A = arith.constant 0 : i32
    "tpu.region"() ({
      %run_scoped3A_660 = tpu.sem_alloc : memref<!tpu.dma_semaphore, #tpu.memory_space<semaphore_mem>>
      %dma_start3A_661 = arith.constant 0 : i32
      %dma_start3A_662 = tpu.memref_slice %arg4[%run_scoped3A, %add3A_5, %dma_start3A_661] : memref<2x2500x128xi32, #tpu.memory_space<hbm>> -> memref<1x79x128xi32, #tpu.memory_space<hbm>>
      %dma_start3A_663 = tpu.memref_squeeze %dma_start3A_662 : memref<1x79x128xi32, #tpu.memory_space<hbm>> -> memref<79x128xi32, #tpu.memory_space<hbm>>
      %dma_start3A_664 = arith.constant 0 : i32
      %dma_start3A_665 = tpu.memref_slice %arg4[%run_scoped3A, %add3A_5, %dma_start3A_664] : memref<2x2500x128xi32, #tpu.memory_space<hbm>> -> memref<1x79x128xi32, #tpu.memory_space<hbm>>
      %dma_start3A_666 = tpu.memref_squeeze %dma_start3A_665 : memref<1x79x128xi32, #tpu.memory_space<hbm>> -> memref<79x128xi32, #tpu.memory_space<hbm>>
      tpu.enqueue_dma source(%dma_start3A_666 : memref<79x128xi32, #tpu.memory_space<hbm>>) target(%arg8 : memref<79x128xi32, #tpu.memory_space<vmem>>) target_semaphore(%run_scoped3A_660 : memref<!tpu.dma_semaphore, #tpu.memory_space<semaphore_mem>>)
      %dma_wait3A_667 = arith.constant 0 : i32
      %dma_wait3A_668 = tpu.memref_slice %arg4[%run_scoped3A, %add3A_5, %dma_wait3A_667] : memref<2x2500x128xi32, #tpu.memory_space<hbm>> -> memref<1x79x128xi32, #tpu.memory_space<hbm>>
      %dma_wait3A_669 = tpu.memref_squeeze %dma_wait3A_668 : memref<1x79x128xi32, #tpu.memory_space<hbm>> -> memref<79x128xi32, #tpu.memory_space<hbm>>
      %dma_wait3A_670 = arith.constant 0 : i32
      %dma_wait3A_671 = tpu.memref_slice %arg4[%run_scoped3A, %add3A_5, %dma_wait3A_670] : memref<2x2500x128xi32, #tpu.memory_space<hbm>> -> memref<1x79x128xi32, #tpu.memory_space<hbm>>
      %dma_wait3A_672 = tpu.memref_squeeze %dma_wait3A_671 : memref<1x79x128xi32, #tpu.memory_space<hbm>> -> memref<79x128xi32, #tpu.memory_space<hbm>>
      tpu.wait_dma2 semaphore(%run_scoped3A_660 : memref<!tpu.dma_semaphore, #tpu.memory_space<semaphore_mem>>) src(%dma_wait3A_672 : memref<79x128xi32, #tpu.memory_space<hbm>>) dst(%arg8 : memref<79x128xi32, #tpu.memory_space<vmem>>)
      tpu.yield
    }) : () -> ()
    %run_scoped3A_10 = arith.constant 1 : i32
    "tpu.region"() ({
      %run_scoped3A_660 = tpu.sem_alloc : memref<!tpu.dma_semaphore, #tpu.memory_space<semaphore_mem>>
      %dma_start3A_661 = arith.constant 0 : i32
      %dma_start3A_662 = tpu.memref_slice %arg4[%run_scoped3A_10, %add3A_5, %dma_start3A_661] : memref<2x2500x128xi32, #tpu.memory_space<hbm>> -> memref<1x79x128xi32, #tpu.memory_space<hbm>>
      %dma_start3A_663 = tpu.memref_squeeze %dma_start3A_662 : memref<1x79x128xi32, #tpu.memory_space<hbm>> -> memref<79x128xi32, #tpu.memory_space<hbm>>
      %dma_start3A_664 = arith.constant 0 : i32
      %dma_start3A_665 = tpu.memref_slice %arg4[%run_scoped3A_10, %add3A_5, %dma_start3A_664] : memref<2x2500x128xi32, #tpu.memory_space<hbm>> -> memref<1x79x128xi32, #tpu.memory_space<hbm>>
      %dma_start3A_666 = tpu.memref_squeeze %dma_start3A_665 : memref<1x79x128xi32, #tpu.memory_space<hbm>> -> memref<79x128xi32, #tpu.memory_space<hbm>>
      tpu.enqueue_dma source(%dma_start3A_666 : memref<79x128xi32, #tpu.memory_space<hbm>>) target(%arg9 : memref<79x128xi32, #tpu.memory_space<vmem>>) target_semaphore(%run_scoped3A_660 : memref<!tpu.dma_semaphore, #tpu.memory_space<semaphore_mem>>)
      %dma_wait3A_667 = arith.constant 0 : i32
      %dma_wait3A_668 = tpu.memref_slice %arg4[%run_scoped3A_10, %add3A_5, %dma_wait3A_667] : memref<2x2500x128xi32, #tpu.memory_space<hbm>> -> memref<1x79x128xi32, #tpu.memory_space<hbm>>
      %dma_wait3A_669 = tpu.memref_squeeze %dma_wait3A_668 : memref<1x79x128xi32, #tpu.memory_space<hbm>> -> memref<79x128xi32, #tpu.memory_space<hbm>>
      %dma_wait3A_670 = arith.constant 0 : i32
      %dma_wait3A_671 = tpu.memref_slice %arg4[%run_scoped3A_10, %add3A_5, %dma_wait3A_670] : memref<2x2500x128xi32, #tpu.memory_space<hbm>> -> memref<1x79x128xi32, #tpu.memory_space<hbm>>
      %dma_wait3A_672 = tpu.memref_squeeze %dma_wait3A_671 : memref<1x79x128xi32, #tpu.memory_space<hbm>> -> memref<79x128xi32, #tpu.memory_space<hbm>>
      tpu.wait_dma2 semaphore(%run_scoped3A_660 : memref<!tpu.dma_semaphore, #tpu.memory_space<semaphore_mem>>) src(%dma_wait3A_672 : memref<79x128xi32, #tpu.memory_space<hbm>>) dst(%arg9 : memref<79x128xi32, #tpu.memory_space<vmem>>)
      tpu.yield
    }) : () -> ()
    %mul3A_11 = arith.constant 640 : i32
    %mul3A_12 = arith.muli %arg1, %mul3A_11 : i32
    %add3A_13 = arith.constant 0 : i32
    %add3A_14 = arith.addi %mul3A_12, %add3A_13 : i32
    %dma_start3A = arith.constant 0 : i32
    %dma_start3A_15 = arith.constant 0 : i32
    %dma_start3A_16 = arith.constant 0 : i32
    %dma_start3A_17 = tpu.memref_slice %arg11[%dma_start3A, %dma_start3A_15, %dma_start3A_16] : memref<2x128x64xf32, #tpu.memory_space<vmem>> -> memref<1x128x64xf32, #tpu.memory_space<vmem>>
    %dma_start3A_18 = tpu.memref_squeeze %dma_start3A_17 : memref<1x128x64xf32, #tpu.memory_space<vmem>> -> memref<128x64xf32, #tpu.memory_space<vmem>>
    %dma_start3A_19 = arith.constant 0 : i32
    %dma_start3A_20 = tpu.memref_slice %arg2[%add3A_14, %dma_start3A_19] : memref<10240x64xf32, #tpu.memory_space<hbm>> -> memref<128x64xf32, #tpu.memory_space<hbm>>
    %dma_start3A_21 = arith.constant 0 : i32
    %dma_start3A_22 = arith.constant 0 : i32
    %dma_start3A_23 = tpu.memref_slice %arg11[%dma_start3A, %dma_start3A_21, %dma_start3A_22] : memref<2x128x64xf32, #tpu.memory_space<vmem>> -> memref<1x128x64xf32, #tpu.memory_space<vmem>>
    %dma_start3A_24 = tpu.memref_squeeze %dma_start3A_23 : memref<1x128x64xf32, #tpu.memory_space<vmem>> -> memref<128x64xf32, #tpu.memory_space<vmem>>
    %dma_start3A_25 = arith.constant 0 : i32
    %dma_start3A_26 = tpu.memref_slice %arg2[%add3A_14, %dma_start3A_25] : memref<10240x64xf32, #tpu.memory_space<hbm>> -> memref<128x64xf32, #tpu.memory_space<hbm>>
    tpu.enqueue_dma source(%dma_start3A_26 : memref<128x64xf32, #tpu.memory_space<hbm>>) target(%dma_start3A_24 : memref<128x64xf32, #tpu.memory_space<vmem>>) target_semaphore(%arg14 : memref<!tpu.dma_semaphore, #tpu.memory_space<semaphore_mem>>)
    %dma_start3A_27 = arith.constant 0 : i32
    %dma_start3A_28 = arith.constant 0 : i32
    %dma_start3A_29 = arith.constant 0 : i32
    %dma_start3A_30 = tpu.memref_slice %arg12[%dma_start3A_27, %dma_start3A_28, %dma_start3A_29] : memref<2x128x16xf32, #tpu.memory_space<vmem>> -> memref<1x128x16xf32, #tpu.memory_space<vmem>>
    %dma_start3A_31 = tpu.memref_squeeze %dma_start3A_30 : memref<1x128x16xf32, #tpu.memory_space<vmem>> -> memref<128x16xf32, #tpu.memory_space<vmem>>
    %dma_start3A_32 = arith.constant 0 : i32
    %dma_start3A_33 = tpu.memref_slice %arg3[%add3A_14, %dma_start3A_32] : memref<10240x16xf32, #tpu.memory_space<hbm>> -> memref<128x16xf32, #tpu.memory_space<hbm>>
    %dma_start3A_34 = arith.constant 0 : i32
    %dma_start3A_35 = arith.constant 0 : i32
    %dma_start3A_36 = tpu.memref_slice %arg12[%dma_start3A_27, %dma_start3A_34, %dma_start3A_35] : memref<2x128x16xf32, #tpu.memory_space<vmem>> -> memref<1x128x16xf32, #tpu.memory_space<vmem>>
    %dma_start3A_37 = tpu.memref_squeeze %dma_start3A_36 : memref<1x128x16xf32, #tpu.memory_space<vmem>> -> memref<128x16xf32, #tpu.memory_space<vmem>>
    %dma_start3A_38 = arith.constant 0 : i32
    %dma_start3A_39 = tpu.memref_slice %arg3[%add3A_14, %dma_start3A_38] : memref<10240x16xf32, #tpu.memory_space<hbm>> -> memref<128x16xf32, #tpu.memory_space<hbm>>
    tpu.enqueue_dma source(%dma_start3A_39 : memref<128x16xf32, #tpu.memory_space<hbm>>) target(%dma_start3A_37 : memref<128x16xf32, #tpu.memory_space<vmem>>) target_semaphore(%arg14 : memref<!tpu.dma_semaphore, #tpu.memory_space<semaphore_mem>>)
    %mul3A_40 = arith.constant 640 : i32
    %mul3A_41 = arith.muli %arg1, %mul3A_40 : i32
    %add3A_42 = arith.constant 0 : i32
    %add3A_43 = arith.addi %mul3A_41, %add3A_42 : i32
    %mul3A_44 = arith.constant 640 : i32
    %mul3A_45 = arith.muli %arg1, %mul3A_44 : i32
    %add3A_46 = arith.constant 128 : i32
    %add3A_47 = arith.addi %mul3A_45, %add3A_46 : i32
    %dma_start3A_48 = arith.constant 1 : i32
    %dma_start3A_49 = arith.constant 0 : i32
    %dma_start3A_50 = arith.constant 0 : i32
    %dma_start3A_51 = tpu.memref_slice %arg11[%dma_start3A_48, %dma_start3A_49, %dma_start3A_50] : memref<2x128x64xf32, #tpu.memory_space<vmem>> -> memref<1x128x64xf32, #tpu.memory_space<vmem>>
    %dma_start3A_52 = tpu.memref_squeeze %dma_start3A_51 : memref<1x128x64xf32, #tpu.memory_space<vmem>> -> memref<128x64xf32, #tpu.memory_space<vmem>>
    %dma_start3A_53 = arith.constant 0 : i32
    %dma_start3A_54 = tpu.memref_slice %arg2[%add3A_47, %dma_start3A_53] : memref<10240x64xf32, #tpu.memory_space<hbm>> -> memref<128x64xf32, #tpu.memory_space<hbm>>
    %dma_start3A_55 = arith.constant 0 : i32
    %dma_start3A_56 = arith.constant 0 : i32
    %dma_start3A_57 = tpu.memref_slice %arg11[%dma_start3A_48, %dma_start3A_55, %dma_start3A_56] : memref<2x128x64xf32, #tpu.memory_space<vmem>> -> memref<1x128x64xf32, #tpu.memory_space<vmem>>
    %dma_start3A_58 = tpu.memref_squeeze %dma_start3A_57 : memref<1x128x64xf32, #tpu.memory_space<vmem>> -> memref<128x64xf32, #tpu.memory_space<vmem>>
    %dma_start3A_59 = arith.constant 0 : i32
    %dma_start3A_60 = tpu.memref_slice %arg2[%add3A_47, %dma_start3A_59] : memref<10240x64xf32, #tpu.memory_space<hbm>> -> memref<128x64xf32, #tpu.memory_space<hbm>>
    tpu.enqueue_dma source(%dma_start3A_60 : memref<128x64xf32, #tpu.memory_space<hbm>>) target(%dma_start3A_58 : memref<128x64xf32, #tpu.memory_space<vmem>>) target_semaphore(%arg14 : memref<!tpu.dma_semaphore, #tpu.memory_space<semaphore_mem>>)
    %dma_start3A_61 = arith.constant 1 : i32
    %dma_start3A_62 = arith.constant 0 : i32
    %dma_start3A_63 = arith.constant 0 : i32
    %dma_start3A_64 = tpu.memref_slice %arg12[%dma_start3A_61, %dma_start3A_62, %dma_start3A_63] : memref<2x128x16xf32, #tpu.memory_space<vmem>> -> memref<1x128x16xf32, #tpu.memory_space<vmem>>
    %dma_start3A_65 = tpu.memref_squeeze %dma_start3A_64 : memref<1x128x16xf32, #tpu.memory_space<vmem>> -> memref<128x16xf32, #tpu.memory_space<vmem>>
    %dma_start3A_66 = arith.constant 0 : i32
    %dma_start3A_67 = tpu.memref_slice %arg3[%add3A_47, %dma_start3A_66] : memref<10240x16xf32, #tpu.memory_space<hbm>> -> memref<128x16xf32, #tpu.memory_space<hbm>>
    %dma_start3A_68 = arith.constant 0 : i32
    %dma_start3A_69 = arith.constant 0 : i32
    %dma_start3A_70 = tpu.memref_slice %arg12[%dma_start3A_61, %dma_start3A_68, %dma_start3A_69] : memref<2x128x16xf32, #tpu.memory_space<vmem>> -> memref<1x128x16xf32, #tpu.memory_space<vmem>>
    %dma_start3A_71 = tpu.memref_squeeze %dma_start3A_70 : memref<1x128x16xf32, #tpu.memory_space<vmem>> -> memref<128x16xf32, #tpu.memory_space<vmem>>
    %dma_start3A_72 = arith.constant 0 : i32
    %dma_start3A_73 = tpu.memref_slice %arg3[%add3A_47, %dma_start3A_72] : memref<10240x16xf32, #tpu.memory_space<hbm>> -> memref<128x16xf32, #tpu.memory_space<hbm>>
    tpu.enqueue_dma source(%dma_start3A_73 : memref<128x16xf32, #tpu.memory_space<hbm>>) target(%dma_start3A_71 : memref<128x16xf32, #tpu.memory_space<vmem>>) target_semaphore(%arg14 : memref<!tpu.dma_semaphore, #tpu.memory_space<semaphore_mem>>)
    %mul3A_74 = arith.constant 640 : i32
    %mul3A_75 = arith.muli %arg1, %mul3A_74 : i32
    %add3A_76 = arith.constant 0 : i32
    %add3A_77 = arith.addi %mul3A_75, %add3A_76 : i32
    %dma_wait3A = arith.constant 0 : i32
    %dma_wait3A_78 = arith.constant 0 : i32
    %dma_wait3A_79 = arith.constant 0 : i32
    %dma_wait3A_80 = tpu.memref_slice %arg11[%dma_wait3A, %dma_wait3A_78, %dma_wait3A_79] : memref<2x128x64xf32, #tpu.memory_space<vmem>> -> memref<1x128x64xf32, #tpu.memory_space<vmem>>
    %dma_wait3A_81 = tpu.memref_squeeze %dma_wait3A_80 : memref<1x128x64xf32, #tpu.memory_space<vmem>> -> memref<128x64xf32, #tpu.memory_space<vmem>>
    %dma_wait3A_82 = arith.constant 0 : i32
    %dma_wait3A_83 = tpu.memref_slice %arg2[%add3A_77, %dma_wait3A_82] : memref<10240x64xf32, #tpu.memory_space<hbm>> -> memref<128x64xf32, #tpu.memory_space<hbm>>
    %dma_wait3A_84 = arith.constant 0 : i32
    %dma_wait3A_85 = arith.constant 0 : i32
    %dma_wait3A_86 = tpu.memref_slice %arg11[%dma_wait3A, %dma_wait3A_84, %dma_wait3A_85] : memref<2x128x64xf32, #tpu.memory_space<vmem>> -> memref<1x128x64xf32, #tpu.memory_space<vmem>>
    %dma_wait3A_87 = tpu.memref_squeeze %dma_wait3A_86 : memref<1x128x64xf32, #tpu.memory_space<vmem>> -> memref<128x64xf32, #tpu.memory_space<vmem>>
    %dma_wait3A_88 = arith.constant 0 : i32
    %dma_wait3A_89 = tpu.memref_slice %arg2[%add3A_77, %dma_wait3A_88] : memref<10240x64xf32, #tpu.memory_space<hbm>> -> memref<128x64xf32, #tpu.memory_space<hbm>>
    tpu.wait_dma2 semaphore(%arg14 : memref<!tpu.dma_semaphore, #tpu.memory_space<semaphore_mem>>) src(%dma_wait3A_89 : memref<128x64xf32, #tpu.memory_space<hbm>>) dst(%dma_wait3A_87 : memref<128x64xf32, #tpu.memory_space<vmem>>)
    %dma_wait3A_90 = arith.constant 0 : i32
    %dma_wait3A_91 = arith.constant 0 : i32
    %dma_wait3A_92 = arith.constant 0 : i32
    %dma_wait3A_93 = tpu.memref_slice %arg12[%dma_wait3A_90, %dma_wait3A_91, %dma_wait3A_92] : memref<2x128x16xf32, #tpu.memory_space<vmem>> -> memref<1x128x16xf32, #tpu.memory_space<vmem>>
    %dma_wait3A_94 = tpu.memref_squeeze %dma_wait3A_93 : memref<1x128x16xf32, #tpu.memory_space<vmem>> -> memref<128x16xf32, #tpu.memory_space<vmem>>
    %dma_wait3A_95 = arith.constant 0 : i32
    %dma_wait3A_96 = tpu.memref_slice %arg3[%add3A_77, %dma_wait3A_95] : memref<10240x16xf32, #tpu.memory_space<hbm>> -> memref<128x16xf32, #tpu.memory_space<hbm>>
    %dma_wait3A_97 = arith.constant 0 : i32
    %dma_wait3A_98 = arith.constant 0 : i32
    %dma_wait3A_99 = tpu.memref_slice %arg12[%dma_wait3A_90, %dma_wait3A_97, %dma_wait3A_98] : memref<2x128x16xf32, #tpu.memory_space<vmem>> -> memref<1x128x16xf32, #tpu.memory_space<vmem>>
    %dma_wait3A_100 = tpu.memref_squeeze %dma_wait3A_99 : memref<1x128x16xf32, #tpu.memory_space<vmem>> -> memref<128x16xf32, #tpu.memory_space<vmem>>
    %dma_wait3A_101 = arith.constant 0 : i32
    %dma_wait3A_102 = tpu.memref_slice %arg3[%add3A_77, %dma_wait3A_101] : memref<10240x16xf32, #tpu.memory_space<hbm>> -> memref<128x16xf32, #tpu.memory_space<hbm>>
    tpu.wait_dma2 semaphore(%arg14 : memref<!tpu.dma_semaphore, #tpu.memory_space<semaphore_mem>>) src(%dma_wait3A_102 : memref<128x16xf32, #tpu.memory_space<hbm>>) dst(%dma_wait3A_100 : memref<128x16xf32, #tpu.memory_space<vmem>>)
    %scan3A = arith.constant 0 : i32
    %scan3A_103 = arith.constant 0 : i32
    %scan3A_104 = arith.constant 128 : i32
    %scan3A_105 = arith.addi %scan3A_103, %scan3A_104 : i32
    %scan3A_106 = arith.constant 1 : i32
    scf.for %scan3A_660 = %scan3A_103 to %scan3A_105 step %scan3A_106  : i32 {
      %get3A = arith.constant 0 : i32
      %get3A_661 = arith.index_cast %get3A : i32 to index
      %get3A_662 = arith.index_cast %scan3A_660 : i32 to index
      %get3A_663 = arith.constant 0 : index
      %get3A_664 = tpu.vector_load %arg12[%get3A_661, %get3A_662, %get3A_663] {strides = array<i32>} : memref<2x128x16xf32, #tpu.memory_space<vmem>>, vector<1x1x16xf32>,
      %get3A_665 = vector.shape_cast %get3A_664 : vector<1x1x16xf32> to vector<16xf32>
      %get3A_666 = arith.constant 0 : i32
      %get3A_667 = arith.index_cast %get3A_666 : i32 to index
      %get3A_668 = arith.index_cast %scan3A_660 : i32 to index
      %get3A_669 = arith.constant 0 : index
      %get3A_670 = tpu.vector_load %arg11[%get3A_667, %get3A_668, %get3A_669] {strides = array<i32>} : memref<2x128x64xf32, #tpu.memory_space<vmem>>, vector<1x1x16xf32>,
      %get3A_671 = vector.shape_cast %get3A_670 : vector<1x1x16xf32> to vector<16xf32>
      %mul3A_672 = arith.mulf %get3A_671, %get3A_665 : vector<16xf32>
      %swap3A = arith.constant 0 : i32
      %swap3A_673 = arith.index_cast %swap3A : i32 to index
      %swap3A_674 = arith.index_cast %scan3A_660 : i32 to index
      %swap3A_675 = arith.constant 0 : index
      %swap3A_676 = tpu.vector_load %arg11[%swap3A_673, %swap3A_674, %swap3A_675] {strides = array<i32>} : memref<2x128x64xf32, #tpu.memory_space<vmem>>, vector<1x1x16xf32>,
      %swap3A_677 = vector.shape_cast %swap3A_676 : vector<1x1x16xf32> to vector<16xf32>
      %swap3A_678 = vector.shape_cast %mul3A_672 : vector<16xf32> to vector<1x1x16xf32>
      tpu.vector_store %arg11[%swap3A_673, %swap3A_674, %swap3A_675], %swap3A_678 {strides = array<i32>} : memref<2x128x64xf32, #tpu.memory_space<vmem>>, vector<1x1x16xf32>,
      %get3A_679 = arith.constant 0 : i32
      %get3A_680 = arith.index_cast %get3A_679 : i32 to index
      %get3A_681 = arith.index_cast %scan3A_660 : i32 to index
      %get3A_682 = arith.constant 16 : index
      %get3A_683 = tpu.vector_load %arg11[%get3A_680, %get3A_681, %get3A_682] {strides = array<i32>} : memref<2x128x64xf32, #tpu.memory_space<vmem>>, vector<1x1x16xf32>,
      %get3A_684 = vector.shape_cast %get3A_683 : vector<1x1x16xf32> to vector<16xf32>
      %mul3A_685 = arith.mulf %get3A_684, %get3A_665 : vector<16xf32>
      %swap3A_686 = arith.constant 0 : i32
      %swap3A_687 = arith.index_cast %swap3A_686 : i32 to index
      %swap3A_688 = arith.index_cast %scan3A_660 : i32 to index
      %swap3A_689 = arith.constant 16 : index
      %swap3A_690 = tpu.vector_load %arg11[%swap3A_687, %swap3A_688, %swap3A_689] {strides = array<i32>} : memref<2x128x64xf32, #tpu.memory_space<vmem>>, vector<1x1x16xf32>,
      %swap3A_691 = vector.shape_cast %swap3A_690 : vector<1x1x16xf32> to vector<16xf32>
      %swap3A_692 = vector.shape_cast %mul3A_685 : vector<16xf32> to vector<1x1x16xf32>
      tpu.vector_store %arg11[%swap3A_687, %swap3A_688, %swap3A_689], %swap3A_692 {strides = array<i32>} : memref<2x128x64xf32, #tpu.memory_space<vmem>>, vector<1x1x16xf32>,
      %get3A_693 = arith.constant 0 : i32
      %get3A_694 = arith.index_cast %get3A_693 : i32 to index
      %get3A_695 = arith.index_cast %scan3A_660 : i32 to index
      %get3A_696 = arith.constant 32 : index
      %get3A_697 = tpu.vector_load %arg11[%get3A_694, %get3A_695, %get3A_696] {strides = array<i32>} : memref<2x128x64xf32, #tpu.memory_space<vmem>>, vector<1x1x16xf32>,
      %get3A_698 = vector.shape_cast %get3A_697 : vector<1x1x16xf32> to vector<16xf32>
      %mul3A_699 = arith.mulf %get3A_698, %get3A_665 : vector<16xf32>
      %swap3A_700 = arith.constant 0 : i32
      %swap3A_701 = arith.index_cast %swap3A_700 : i32 to index
      %swap3A_702 = arith.index_cast %scan3A_660 : i32 to index
      %swap3A_703 = arith.constant 32 : index
      %swap3A_704 = tpu.vector_load %arg11[%swap3A_701, %swap3A_702, %swap3A_703] {strides = array<i32>} : memref<2x128x64xf32, #tpu.memory_space<vmem>>, vector<1x1x16xf32>,
      %swap3A_705 = vector.shape_cast %swap3A_704 : vector<1x1x16xf32> to vector<16xf32>
      %swap3A_706 = vector.shape_cast %mul3A_699 : vector<16xf32> to vector<1x1x16xf32>
      tpu.vector_store %arg11[%swap3A_701, %swap3A_702, %swap3A_703], %swap3A_706 {strides = array<i32>} : memref<2x128x64xf32, #tpu.memory_space<vmem>>, vector<1x1x16xf32>,
      %get3A_707 = arith.constant 0 : i32
      %get3A_708 = arith.index_cast %get3A_707 : i32 to index
      %get3A_709 = arith.index_cast %scan3A_660 : i32 to index
      %get3A_710 = arith.constant 48 : index
      %get3A_711 = tpu.vector_load %arg11[%get3A_708, %get3A_709, %get3A_710] {strides = array<i32>} : memref<2x128x64xf32, #tpu.memory_space<vmem>>, vector<1x1x16xf32>,
      %get3A_712 = vector.shape_cast %get3A_711 : vector<1x1x16xf32> to vector<16xf32>
      %mul3A_713 = arith.mulf %get3A_712, %get3A_665 : vector<16xf32>
      %swap3A_714 = arith.constant 0 : i32
      %swap3A_715 = arith.index_cast %swap3A_714 : i32 to index
      %swap3A_716 = arith.index_cast %scan3A_660 : i32 to index
      %swap3A_717 = arith.constant 48 : index
      %swap3A_718 = tpu.vector_load %arg11[%swap3A_715, %swap3A_716, %swap3A_717] {strides = array<i32>} : memref<2x128x64xf32, #tpu.memory_space<vmem>>, vector<1x1x16xf32>,
      %swap3A_719 = vector.shape_cast %swap3A_718 : vector<1x1x16xf32> to vector<16xf32>
      %swap3A_720 = vector.shape_cast %mul3A_713 : vector<16xf32> to vector<1x1x16xf32>
      tpu.vector_store %arg11[%swap3A_715, %swap3A_716, %swap3A_717], %swap3A_720 {strides = array<i32>} : memref<2x128x64xf32, #tpu.memory_space<vmem>>, vector<1x1x16xf32>,
    }
    %scan3A_107 = arith.constant 128 : i32
    %run_scoped3A_108 = arith.constant 0 : i32
    "tpu.region"() ({
      %run_scoped3A_660 = tpu.sem_alloc : memref<!tpu.dma_semaphore, #tpu.memory_space<semaphore_mem>>
      %dma_start3A_661 = arith.constant 0 : i32
      %dma_start3A_662 = arith.constant 0 : i32
      %dma_start3A_663 = tpu.memref_slice %arg11[%run_scoped3A_108, %dma_start3A_661, %dma_start3A_662] : memref<2x128x64xf32, #tpu.memory_space<vmem>> -> memref<1x128x64xf32, #tpu.memory_space<vmem>>
      %dma_start3A_664 = tpu.memref_squeeze %dma_start3A_663 : memref<1x128x64xf32, #tpu.memory_space<vmem>> -> memref<128x64xf32, #tpu.memory_space<vmem>>
      %dma_start3A_665 = arith.constant 0 : i32
      %dma_start3A_666 = tpu.memref_slice %arg7[%arg0, %add3A_43, %dma_start3A_665] : memref<2x10240x64xf32, #tpu.memory_space<hbm>> -> memref<1x128x64xf32, #tpu.memory_space<hbm>>
      %dma_start3A_667 = tpu.memref_squeeze %dma_start3A_666 : memref<1x128x64xf32, #tpu.memory_space<hbm>> -> memref<128x64xf32, #tpu.memory_space<hbm>>
      %dma_start3A_668 = arith.constant 0 : i32
      %dma_start3A_669 = tpu.memref_slice %arg7[%arg0, %add3A_43, %dma_start3A_668] : memref<2x10240x64xf32, #tpu.memory_space<hbm>> -> memref<1x128x64xf32, #tpu.memory_space<hbm>>
      %dma_start3A_670 = tpu.memref_squeeze %dma_start3A_669 : memref<1x128x64xf32, #tpu.memory_space<hbm>> -> memref<128x64xf32, #tpu.memory_space<hbm>>
      %dma_start3A_671 = arith.constant 0 : i32
      %dma_start3A_672 = arith.constant 0 : i32
      %dma_start3A_673 = tpu.memref_slice %arg11[%run_scoped3A_108, %dma_start3A_671, %dma_start3A_672] : memref<2x128x64xf32, #tpu.memory_space<vmem>> -> memref<1x128x64xf32, #tpu.memory_space<vmem>>
      %dma_start3A_674 = tpu.memref_squeeze %dma_start3A_673 : memref<1x128x64xf32, #tpu.memory_space<vmem>> -> memref<128x64xf32, #tpu.memory_space<vmem>>
      tpu.enqueue_dma source(%dma_start3A_674 : memref<128x64xf32, #tpu.memory_space<vmem>>) target(%dma_start3A_670 : memref<128x64xf32, #tpu.memory_space<hbm>>) target_semaphore(%run_scoped3A_660 : memref<!tpu.dma_semaphore, #tpu.memory_space<semaphore_mem>>)
      %dma_wait3A_675 = arith.constant 0 : i32
      %dma_wait3A_676 = arith.constant 0 : i32
      %dma_wait3A_677 = tpu.memref_slice %arg11[%run_scoped3A_108, %dma_wait3A_675, %dma_wait3A_676] : memref<2x128x64xf32, #tpu.memory_space<vmem>> -> memref<1x128x64xf32, #tpu.memory_space<vmem>>
      %dma_wait3A_678 = tpu.memref_squeeze %dma_wait3A_677 : memref<1x128x64xf32, #tpu.memory_space<vmem>> -> memref<128x64xf32, #tpu.memory_space<vmem>>
      %dma_wait3A_679 = arith.constant 0 : i32
      %dma_wait3A_680 = tpu.memref_slice %arg7[%arg0, %add3A_43, %dma_wait3A_679] : memref<2x10240x64xf32, #tpu.memory_space<hbm>> -> memref<1x128x64xf32, #tpu.memory_space<hbm>>
      %dma_wait3A_681 = tpu.memref_squeeze %dma_wait3A_680 : memref<1x128x64xf32, #tpu.memory_space<hbm>> -> memref<128x64xf32, #tpu.memory_space<hbm>>
      %dma_wait3A_682 = arith.constant 0 : i32
      %dma_wait3A_683 = tpu.memref_slice %arg7[%arg0, %add3A_43, %dma_wait3A_682] : memref<2x10240x64xf32, #tpu.memory_space<hbm>> -> memref<1x128x64xf32, #tpu.memory_space<hbm>>
      %dma_wait3A_684 = tpu.memref_squeeze %dma_wait3A_683 : memref<1x128x64xf32, #tpu.memory_space<hbm>> -> memref<128x64xf32, #tpu.memory_space<hbm>>
      %dma_wait3A_685 = arith.constant 0 : i32
      %dma_wait3A_686 = arith.constant 0 : i32
      %dma_wait3A_687 = tpu.memref_slice %arg11[%run_scoped3A_108, %dma_wait3A_685, %dma_wait3A_686] : memref<2x128x64xf32, #tpu.memory_space<vmem>> -> memref<1x128x64xf32, #tpu.memory_space<vmem>>
      %dma_wait3A_688 = tpu.memref_squeeze %dma_wait3A_687 : memref<1x128x64xf32, #tpu.memory_space<vmem>> -> memref<128x64xf32, #tpu.memory_space<vmem>>
      tpu.wait_dma2 semaphore(%run_scoped3A_660 : memref<!tpu.dma_semaphore, #tpu.memory_space<semaphore_mem>>) src(%dma_wait3A_688 : memref<128x64xf32, #tpu.memory_space<vmem>>) dst(%dma_wait3A_684 : memref<128x64xf32, #tpu.memory_space<hbm>>)
      tpu.yield
    }) : () -> ()
    %eq3A = arith.constant 0 : i32
    %eq3A_109 = arith.cmpi eq, %arg0, %eq3A : i32
    %convert_element_type3A = arith.extui %eq3A_109 : i1 to i32
    %cond3A = arith.constant 0 : i32
    %cond3A_110 = arith.cmpi ne, %convert_element_type3A, %cond3A : i32
    scf.if %cond3A_110 {
      %run_scoped3A_660 = arith.constant 0 : i32
      "tpu.region"() ({
        %run_scoped3A_661 = tpu.sem_alloc : memref<!tpu.dma_semaphore, #tpu.memory_space<semaphore_mem>>
        %dma_start3A_662 = arith.constant 0 : i32
        %dma_start3A_663 = arith.constant 0 : i32
        %dma_start3A_664 = tpu.memref_slice %arg11[%run_scoped3A_660, %dma_start3A_662, %dma_start3A_663] : memref<2x128x64xf32, #tpu.memory_space<vmem>> -> memref<1x128x64xf32, #tpu.memory_space<vmem>>
        %dma_start3A_665 = tpu.memref_squeeze %dma_start3A_664 : memref<1x128x64xf32, #tpu.memory_space<vmem>> -> memref<128x64xf32, #tpu.memory_space<vmem>>
        %dma_start3A_666 = arith.constant 0 : i32
        %dma_start3A_667 = tpu.memref_slice %arg13[%add3A_43, %dma_start3A_666] : memref<10240x64xf32, #tpu.memory_space<vmem_shared>> -> memref<128x64xf32, #tpu.memory_space<vmem_shared>>
        %dma_start3A_668 = arith.constant 0 : i32
        %dma_start3A_669 = tpu.memref_slice %arg13[%add3A_43, %dma_start3A_668] : memref<10240x64xf32, #tpu.memory_space<vmem_shared>> -> memref<128x64xf32, #tpu.memory_space<vmem_shared>>
        %dma_start3A_670 = arith.constant 0 : i32
        %dma_start3A_671 = arith.constant 0 : i32
        %dma_start3A_672 = tpu.memref_slice %arg11[%run_scoped3A_660, %dma_start3A_670, %dma_start3A_671] : memref<2x128x64xf32, #tpu.memory_space<vmem>> -> memref<1x128x64xf32, #tpu.memory_space<vmem>>
        %dma_start3A_673 = tpu.memref_squeeze %dma_start3A_672 : memref<1x128x64xf32, #tpu.memory_space<vmem>> -> memref<128x64xf32, #tpu.memory_space<vmem>>
        tpu.enqueue_dma source(%dma_start3A_673 : memref<128x64xf32, #tpu.memory_space<vmem>>) target(%dma_start3A_669 : memref<128x64xf32, #tpu.memory_space<vmem_shared>>) target_semaphore(%run_scoped3A_661 : memref<!tpu.dma_semaphore, #tpu.memory_space<semaphore_mem>>)
        %dma_wait3A_674 = arith.constant 0 : i32
        %dma_wait3A_675 = arith.constant 0 : i32
        %dma_wait3A_676 = tpu.memref_slice %arg11[%run_scoped3A_660, %dma_wait3A_674, %dma_wait3A_675] : memref<2x128x64xf32, #tpu.memory_space<vmem>> -> memref<1x128x64xf32, #tpu.memory_space<vmem>>
        %dma_wait3A_677 = tpu.memref_squeeze %dma_wait3A_676 : memref<1x128x64xf32, #tpu.memory_space<vmem>> -> memref<128x64xf32, #tpu.memory_space<vmem>>
        %dma_wait3A_678 = arith.constant 0 : i32
        %dma_wait3A_679 = tpu.memref_slice %arg13[%add3A_43, %dma_wait3A_678] : memref<10240x64xf32, #tpu.memory_space<vmem_shared>> -> memref<128x64xf32, #tpu.memory_space<vmem_shared>>
        %dma_wait3A_680 = arith.constant 0 : i32
        %dma_wait3A_681 = tpu.memref_slice %arg13[%add3A_43, %dma_wait3A_680] : memref<10240x64xf32, #tpu.memory_space<vmem_shared>> -> memref<128x64xf32, #tpu.memory_space<vmem_shared>>
        %dma_wait3A_682 = arith.constant 0 : i32
        %dma_wait3A_683 = arith.constant 0 : i32
        %dma_wait3A_684 = tpu.memref_slice %arg11[%run_scoped3A_660, %dma_wait3A_682, %dma_wait3A_683] : memref<2x128x64xf32, #tpu.memory_space<vmem>> -> memref<1x128x64xf32, #tpu.memory_space<vmem>>
        %dma_wait3A_685 = tpu.memref_squeeze %dma_wait3A_684 : memref<1x128x64xf32, #tpu.memory_space<vmem>> -> memref<128x64xf32, #tpu.memory_space<vmem>>
        tpu.wait_dma2 semaphore(%run_scoped3A_661 : memref<!tpu.dma_semaphore, #tpu.memory_space<semaphore_mem>>) src(%dma_wait3A_685 : memref<128x64xf32, #tpu.memory_space<vmem>>) dst(%dma_wait3A_681 : memref<128x64xf32, #tpu.memory_space<vmem_shared>>)
        tpu.yield
      }) : () -> ()
    } else {
    }
    %mul3A_111 = arith.constant 640 : i32
    %mul3A_112 = arith.muli %arg1, %mul3A_111 : i32
    %add3A_113 = arith.constant 128 : i32
    %add3A_114 = arith.addi %mul3A_112, %add3A_113 : i32
    %mul3A_115 = arith.constant 640 : i32
    %mul3A_116 = arith.muli %arg1, %mul3A_115 : i32
    %add3A_117 = arith.constant 256 : i32
    %add3A_118 = arith.addi %mul3A_116, %add3A_117 : i32
    %dma_start3A_119 = arith.constant 0 : i32
    %dma_start3A_120 = arith.constant 0 : i32
    %dma_start3A_121 = arith.constant 0 : i32
    %dma_start3A_122 = tpu.memref_slice %arg11[%dma_start3A_119, %dma_start3A_120, %dma_start3A_121] : memref<2x128x64xf32, #tpu.memory_space<vmem>> -> memref<1x128x64xf32, #tpu.memory_space<vmem>>
    %dma_start3A_123 = tpu.memref_squeeze %dma_start3A_122 : memref<1x128x64xf32, #tpu.memory_space<vmem>> -> memref<128x64xf32, #tpu.memory_space<vmem>>
    %dma_start3A_124 = arith.constant 0 : i32
    %dma_start3A_125 = tpu.memref_slice %arg2[%add3A_118, %dma_start3A_124] : memref<10240x64xf32, #tpu.memory_space<hbm>> -> memref<128x64xf32, #tpu.memory_space<hbm>>
    %dma_start3A_126 = arith.constant 0 : i32
    %dma_start3A_127 = arith.constant 0 : i32
    %dma_start3A_128 = tpu.memref_slice %arg11[%dma_start3A_119, %dma_start3A_126, %dma_start3A_127] : memref<2x128x64xf32, #tpu.memory_space<vmem>> -> memref<1x128x64xf32, #tpu.memory_space<vmem>>
    %dma_start3A_129 = tpu.memref_squeeze %dma_start3A_128 : memref<1x128x64xf32, #tpu.memory_space<vmem>> -> memref<128x64xf32, #tpu.memory_space<vmem>>
    %dma_start3A_130 = arith.constant 0 : i32
    %dma_start3A_131 = tpu.memref_slice %arg2[%add3A_118, %dma_start3A_130] : memref<10240x64xf32, #tpu.memory_space<hbm>> -> memref<128x64xf32, #tpu.memory_space<hbm>>
    tpu.enqueue_dma source(%dma_start3A_131 : memref<128x64xf32, #tpu.memory_space<hbm>>) target(%dma_start3A_129 : memref<128x64xf32, #tpu.memory_space<vmem>>) target_semaphore(%arg14 : memref<!tpu.dma_semaphore, #tpu.memory_space<semaphore_mem>>)
    %dma_start3A_132 = arith.constant 0 : i32
    %dma_start3A_133 = arith.constant 0 : i32
    %dma_start3A_134 = arith.constant 0 : i32
    %dma_start3A_135 = tpu.memref_slice %arg12[%dma_start3A_132, %dma_start3A_133, %dma_start3A_134] : memref<2x128x16xf32, #tpu.memory_space<vmem>> -> memref<1x128x16xf32, #tpu.memory_space<vmem>>
    %dma_start3A_136 = tpu.memref_squeeze %dma_start3A_135 : memref<1x128x16xf32, #tpu.memory_space<vmem>> -> memref<128x16xf32, #tpu.memory_space<vmem>>
    %dma_start3A_137 = arith.constant 0 : i32
    %dma_start3A_138 = tpu.memref_slice %arg3[%add3A_118, %dma_start3A_137] : memref<10240x16xf32, #tpu.memory_space<hbm>> -> memref<128x16xf32, #tpu.memory_space<hbm>>
    %dma_start3A_139 = arith.constant 0 : i32
    %dma_start3A_140 = arith.constant 0 : i32
    %dma_start3A_141 = tpu.memref_slice %arg12[%dma_start3A_132, %dma_start3A_139, %dma_start3A_140] : memref<2x128x16xf32, #tpu.memory_space<vmem>> -> memref<1x128x16xf32, #tpu.memory_space<vmem>>
    %dma_start3A_142 = tpu.memref_squeeze %dma_start3A_141 : memref<1x128x16xf32, #tpu.memory_space<vmem>> -> memref<128x16xf32, #tpu.memory_space<vmem>>
    %dma_start3A_143 = arith.constant 0 : i32
    %dma_start3A_144 = tpu.memref_slice %arg3[%add3A_118, %dma_start3A_143] : memref<10240x16xf32, #tpu.memory_space<hbm>> -> memref<128x16xf32, #tpu.memory_space<hbm>>
    tpu.enqueue_dma source(%dma_start3A_144 : memref<128x16xf32, #tpu.memory_space<hbm>>) target(%dma_start3A_142 : memref<128x16xf32, #tpu.memory_space<vmem>>) target_semaphore(%arg14 : memref<!tpu.dma_semaphore, #tpu.memory_space<semaphore_mem>>)
    %mul3A_145 = arith.constant 640 : i32
    %mul3A_146 = arith.muli %arg1, %mul3A_145 : i32
    %add3A_147 = arith.constant 128 : i32
    %add3A_148 = arith.addi %mul3A_146, %add3A_147 : i32
    %dma_wait3A_149 = arith.constant 1 : i32
    %dma_wait3A_150 = arith.constant 0 : i32
    %dma_wait3A_151 = arith.constant 0 : i32
    %dma_wait3A_152 = tpu.memref_slice %arg11[%dma_wait3A_149, %dma_wait3A_150, %dma_wait3A_151] : memref<2x128x64xf32, #tpu.memory_space<vmem>> -> memref<1x128x64xf32, #tpu.memory_space<vmem>>
    %dma_wait3A_153 = tpu.memref_squeeze %dma_wait3A_152 : memref<1x128x64xf32, #tpu.memory_space<vmem>> -> memref<128x64xf32, #tpu.memory_space<vmem>>
    %dma_wait3A_154 = arith.constant 0 : i32
    %dma_wait3A_155 = tpu.memref_slice %arg2[%add3A_148, %dma_wait3A_154] : memref<10240x64xf32, #tpu.memory_space<hbm>> -> memref<128x64xf32, #tpu.memory_space<hbm>>
    %dma_wait3A_156 = arith.constant 0 : i32
    %dma_wait3A_157 = arith.constant 0 : i32
    %dma_wait3A_158 = tpu.memref_slice %arg11[%dma_wait3A_149, %dma_wait3A_156, %dma_wait3A_157] : memref<2x128x64xf32, #tpu.memory_space<vmem>> -> memref<1x128x64xf32, #tpu.memory_space<vmem>>
    %dma_wait3A_159 = tpu.memref_squeeze %dma_wait3A_158 : memref<1x128x64xf32, #tpu.memory_space<vmem>> -> memref<128x64xf32, #tpu.memory_space<vmem>>
    %dma_wait3A_160 = arith.constant 0 : i32
    %dma_wait3A_161 = tpu.memref_slice %arg2[%add3A_148, %dma_wait3A_160] : memref<10240x64xf32, #tpu.memory_space<hbm>> -> memref<128x64xf32, #tpu.memory_space<hbm>>
    tpu.wait_dma2 semaphore(%arg14 : memref<!tpu.dma_semaphore, #tpu.memory_space<semaphore_mem>>) src(%dma_wait3A_161 : memref<128x64xf32, #tpu.memory_space<hbm>>) dst(%dma_wait3A_159 : memref<128x64xf32, #tpu.memory_space<vmem>>)
    %dma_wait3A_162 = arith.constant 1 : i32
    %dma_wait3A_163 = arith.constant 0 : i32
    %dma_wait3A_164 = arith.constant 0 : i32
    %dma_wait3A_165 = tpu.memref_slice %arg12[%dma_wait3A_162, %dma_wait3A_163, %dma_wait3A_164] : memref<2x128x16xf32, #tpu.memory_space<vmem>> -> memref<1x128x16xf32, #tpu.memory_space<vmem>>
    %dma_wait3A_166 = tpu.memref_squeeze %dma_wait3A_165 : memref<1x128x16xf32, #tpu.memory_space<vmem>> -> memref<128x16xf32, #tpu.memory_space<vmem>>
    %dma_wait3A_167 = arith.constant 0 : i32
    %dma_wait3A_168 = tpu.memref_slice %arg3[%add3A_148, %dma_wait3A_167] : memref<10240x16xf32, #tpu.memory_space<hbm>> -> memref<128x16xf32, #tpu.memory_space<hbm>>
    %dma_wait3A_169 = arith.constant 0 : i32
    %dma_wait3A_170 = arith.constant 0 : i32
    %dma_wait3A_171 = tpu.memref_slice %arg12[%dma_wait3A_162, %dma_wait3A_169, %dma_wait3A_170] : memref<2x128x16xf32, #tpu.memory_space<vmem>> -> memref<1x128x16xf32, #tpu.memory_space<vmem>>
    %dma_wait3A_172 = tpu.memref_squeeze %dma_wait3A_171 : memref<1x128x16xf32, #tpu.memory_space<vmem>> -> memref<128x16xf32, #tpu.memory_space<vmem>>
    %dma_wait3A_173 = arith.constant 0 : i32
    %dma_wait3A_174 = tpu.memref_slice %arg3[%add3A_148, %dma_wait3A_173] : memref<10240x16xf32, #tpu.memory_space<hbm>> -> memref<128x16xf32, #tpu.memory_space<hbm>>
    tpu.wait_dma2 semaphore(%arg14 : memref<!tpu.dma_semaphore, #tpu.memory_space<semaphore_mem>>) src(%dma_wait3A_174 : memref<128x16xf32, #tpu.memory_space<hbm>>) dst(%dma_wait3A_172 : memref<128x16xf32, #tpu.memory_space<vmem>>)
    %scan3A_175 = arith.constant 0 : i32
    %scan3A_176 = arith.constant 0 : i32
    %scan3A_177 = arith.constant 128 : i32
    %scan3A_178 = arith.addi %scan3A_176, %scan3A_177 : i32
    %scan3A_179 = arith.constant 1 : i32
    scf.for %scan3A_660 = %scan3A_176 to %scan3A_178 step %scan3A_179  : i32 {
      %get3A = arith.constant 1 : i32
      %get3A_661 = arith.index_cast %get3A : i32 to index
      %get3A_662 = arith.index_cast %scan3A_660 : i32 to index
      %get3A_663 = arith.constant 0 : index
      %get3A_664 = tpu.vector_load %arg12[%get3A_661, %get3A_662, %get3A_663] {strides = array<i32>} : memref<2x128x16xf32, #tpu.memory_space<vmem>>, vector<1x1x16xf32>,
      %get3A_665 = vector.shape_cast %get3A_664 : vector<1x1x16xf32> to vector<16xf32>
      %get3A_666 = arith.constant 1 : i32
      %get3A_667 = arith.index_cast %get3A_666 : i32 to index
      %get3A_668 = arith.index_cast %scan3A_660 : i32 to index
      %get3A_669 = arith.constant 0 : index
      %get3A_670 = tpu.vector_load %arg11[%get3A_667, %get3A_668, %get3A_669] {strides = array<i32>} : memref<2x128x64xf32, #tpu.memory_space<vmem>>, vector<1x1x16xf32>,
      %get3A_671 = vector.shape_cast %get3A_670 : vector<1x1x16xf32> to vector<16xf32>
      %mul3A_672 = arith.mulf %get3A_671, %get3A_665 : vector<16xf32>
      %swap3A = arith.constant 1 : i32
      %swap3A_673 = arith.index_cast %swap3A : i32 to index
      %swap3A_674 = arith.index_cast %scan3A_660 : i32 to index
      %swap3A_675 = arith.constant 0 : index
      %swap3A_676 = tpu.vector_load %arg11[%swap3A_673, %swap3A_674, %swap3A_675] {strides = array<i32>} : memref<2x128x64xf32, #tpu.memory_space<vmem>>, vector<1x1x16xf32>,
      %swap3A_677 = vector.shape_cast %swap3A_676 : vector<1x1x16xf32> to vector<16xf32>
      %swap3A_678 = vector.shape_cast %mul3A_672 : vector<16xf32> to vector<1x1x16xf32>
      tpu.vector_store %arg11[%swap3A_673, %swap3A_674, %swap3A_675], %swap3A_678 {strides = array<i32>} : memref<2x128x64xf32, #tpu.memory_space<vmem>>, vector<1x1x16xf32>,
      %get3A_679 = arith.constant 1 : i32
      %get3A_680 = arith.index_cast %get3A_679 : i32 to index
      %get3A_681 = arith.index_cast %scan3A_660 : i32 to index
      %get3A_682 = arith.constant 16 : index
      %get3A_683 = tpu.vector_load %arg11[%get3A_680, %get3A_681, %get3A_682] {strides = array<i32>} : memref<2x128x64xf32, #tpu.memory_space<vmem>>, vector<1x1x16xf32>,
      %get3A_684 = vector.shape_cast %get3A_683 : vector<1x1x16xf32> to vector<16xf32>
      %mul3A_685 = arith.mulf %get3A_684, %get3A_665 : vector<16xf32>
      %swap3A_686 = arith.constant 1 : i32
      %swap3A_687 = arith.index_cast %swap3A_686 : i32 to index
      %swap3A_688 = arith.index_cast %scan3A_660 : i32 to index
      %swap3A_689 = arith.constant 16 : index
      %swap3A_690 = tpu.vector_load %arg11[%swap3A_687, %swap3A_688, %swap3A_689] {strides = array<i32>} : memref<2x128x64xf32, #tpu.memory_space<vmem>>, vector<1x1x16xf32>,
      %swap3A_691 = vector.shape_cast %swap3A_690 : vector<1x1x16xf32> to vector<16xf32>
      %swap3A_692 = vector.shape_cast %mul3A_685 : vector<16xf32> to vector<1x1x16xf32>
      tpu.vector_store %arg11[%swap3A_687, %swap3A_688, %swap3A_689], %swap3A_692 {strides = array<i32>} : memref<2x128x64xf32, #tpu.memory_space<vmem>>, vector<1x1x16xf32>,
      %get3A_693 = arith.constant 1 : i32
      %get3A_694 = arith.index_cast %get3A_693 : i32 to index
      %get3A_695 = arith.index_cast %scan3A_660 : i32 to index
      %get3A_696 = arith.constant 32 : index
      %get3A_697 = tpu.vector_load %arg11[%get3A_694, %get3A_695, %get3A_696] {strides = array<i32>} : memref<2x128x64xf32, #tpu.memory_space<vmem>>, vector<1x1x16xf32>,
      %get3A_698 = vector.shape_cast %get3A_697 : vector<1x1x16xf32> to vector<16xf32>
      %mul3A_699 = arith.mulf %get3A_698, %get3A_665 : vector<16xf32>
      %swap3A_700 = arith.constant 1 : i32
      %swap3A_701 = arith.index_cast %swap3A_700 : i32 to index
      %swap3A_702 = arith.index_cast %scan3A_660 : i32 to index
      %swap3A_703 = arith.constant 32 : index
      %swap3A_704 = tpu.vector_load %arg11[%swap3A_701, %swap3A_702, %swap3A_703] {strides = array<i32>} : memref<2x128x64xf32, #tpu.memory_space<vmem>>, vector<1x1x16xf32>,
      %swap3A_705 = vector.shape_cast %swap3A_704 : vector<1x1x16xf32> to vector<16xf32>
      %swap3A_706 = vector.shape_cast %mul3A_699 : vector<16xf32> to vector<1x1x16xf32>
      tpu.vector_store %arg11[%swap3A_701, %swap3A_702, %swap3A_703], %swap3A_706 {strides = array<i32>} : memref<2x128x64xf32, #tpu.memory_space<vmem>>, vector<1x1x16xf32>,
      %get3A_707 = arith.constant 1 : i32
      %get3A_708 = arith.index_cast %get3A_707 : i32 to index
      %get3A_709 = arith.index_cast %scan3A_660 : i32 to index
      %get3A_710 = arith.constant 48 : index
      %get3A_711 = tpu.vector_load %arg11[%get3A_708, %get3A_709, %get3A_710] {strides = array<i32>} : memref<2x128x64xf32, #tpu.memory_space<vmem>>, vector<1x1x16xf32>,
      %get3A_712 = vector.shape_cast %get3A_711 : vector<1x1x16xf32> to vector<16xf32>
      %mul3A_713 = arith.mulf %get3A_712, %get3A_665 : vector<16xf32>
      %swap3A_714 = arith.constant 1 : i32
      %swap3A_715 = arith.index_cast %swap3A_714 : i32 to index
      %swap3A_716 = arith.index_cast %scan3A_660 : i32 to index
      %swap3A_717 = arith.constant 48 : index
      %swap3A_718 = tpu.vector_load %arg11[%swap3A_715, %swap3A_716, %swap3A_717] {strides = array<i32>} : memref<2x128x64xf32, #tpu.memory_space<vmem>>, vector<1x1x16xf32>,
      %swap3A_719 = vector.shape_cast %swap3A_718 : vector<1x1x16xf32> to vector<16xf32>
      %swap3A_720 = vector.shape_cast %mul3A_713 : vector<16xf32> to vector<1x1x16xf32>
      tpu.vector_store %arg11[%swap3A_715, %swap3A_716, %swap3A_717], %swap3A_720 {strides = array<i32>} : memref<2x128x64xf32, #tpu.memory_space<vmem>>, vector<1x1x16xf32>,
    }
    %scan3A_180 = arith.constant 128 : i32
    %run_scoped3A_181 = arith.constant 1 : i32
    "tpu.region"() ({
      %run_scoped3A_660 = tpu.sem_alloc : memref<!tpu.dma_semaphore, #tpu.memory_space<semaphore_mem>>
      %dma_start3A_661 = arith.constant 0 : i32
      %dma_start3A_662 = arith.constant 0 : i32
      %dma_start3A_663 = tpu.memref_slice %arg11[%run_scoped3A_181, %dma_start3A_661, %dma_start3A_662] : memref<2x128x64xf32, #tpu.memory_space<vmem>> -> memref<1x128x64xf32, #tpu.memory_space<vmem>>
      %dma_start3A_664 = tpu.memref_squeeze %dma_start3A_663 : memref<1x128x64xf32, #tpu.memory_space<vmem>> -> memref<128x64xf32, #tpu.memory_space<vmem>>
      %dma_start3A_665 = arith.constant 0 : i32
      %dma_start3A_666 = tpu.memref_slice %arg7[%arg0, %add3A_114, %dma_start3A_665] : memref<2x10240x64xf32, #tpu.memory_space<hbm>> -> memref<1x128x64xf32, #tpu.memory_space<hbm>>
      %dma_start3A_667 = tpu.memref_squeeze %dma_start3A_666 : memref<1x128x64xf32, #tpu.memory_space<hbm>> -> memref<128x64xf32, #tpu.memory_space<hbm>>
      %dma_start3A_668 = arith.constant 0 : i32
      %dma_start3A_669 = tpu.memref_slice %arg7[%arg0, %add3A_114, %dma_start3A_668] : memref<2x10240x64xf32, #tpu.memory_space<hbm>> -> memref<1x128x64xf32, #tpu.memory_space<hbm>>
      %dma_start3A_670 = tpu.memref_squeeze %dma_start3A_669 : memref<1x128x64xf32, #tpu.memory_space<hbm>> -> memref<128x64xf32, #tpu.memory_space<hbm>>
      %dma_start3A_671 = arith.constant 0 : i32
      %dma_start3A_672 = arith.constant 0 : i32
      %dma_start3A_673 = tpu.memref_slice %arg11[%run_scoped3A_181, %dma_start3A_671, %dma_start3A_672] : memref<2x128x64xf32, #tpu.memory_space<vmem>> -> memref<1x128x64xf32, #tpu.memory_space<vmem>>
      %dma_start3A_674 = tpu.memref_squeeze %dma_start3A_673 : memref<1x128x64xf32, #tpu.memory_space<vmem>> -> memref<128x64xf32, #tpu.memory_space<vmem>>
      tpu.enqueue_dma source(%dma_start3A_674 : memref<128x64xf32, #tpu.memory_space<vmem>>) target(%dma_start3A_670 : memref<128x64xf32, #tpu.memory_space<hbm>>) target_semaphore(%run_scoped3A_660 : memref<!tpu.dma_semaphore, #tpu.memory_space<semaphore_mem>>)
      %dma_wait3A_675 = arith.constant 0 : i32
      %dma_wait3A_676 = arith.constant 0 : i32
      %dma_wait3A_677 = tpu.memref_slice %arg11[%run_scoped3A_181, %dma_wait3A_675, %dma_wait3A_676] : memref<2x128x64xf32, #tpu.memory_space<vmem>> -> memref<1x128x64xf32, #tpu.memory_space<vmem>>
      %dma_wait3A_678 = tpu.memref_squeeze %dma_wait3A_677 : memref<1x128x64xf32, #tpu.memory_space<vmem>> -> memref<128x64xf32, #tpu.memory_space<vmem>>
      %dma_wait3A_679 = arith.constant 0 : i32
      %dma_wait3A_680 = tpu.memref_slice %arg7[%arg0, %add3A_114, %dma_wait3A_679] : memref<2x10240x64xf32, #tpu.memory_space<hbm>> -> memref<1x128x64xf32, #tpu.memory_space<hbm>>
      %dma_wait3A_681 = tpu.memref_squeeze %dma_wait3A_680 : memref<1x128x64xf32, #tpu.memory_space<hbm>> -> memref<128x64xf32, #tpu.memory_space<hbm>>
      %dma_wait3A_682 = arith.constant 0 : i32
      %dma_wait3A_683 = tpu.memref_slice %arg7[%arg0, %add3A_114, %dma_wait3A_682] : memref<2x10240x64xf32, #tpu.memory_space<hbm>> -> memref<1x128x64xf32, #tpu.memory_space<hbm>>
      %dma_wait3A_684 = tpu.memref_squeeze %dma_wait3A_683 : memref<1x128x64xf32, #tpu.memory_space<hbm>> -> memref<128x64xf32, #tpu.memory_space<hbm>>
      %dma_wait3A_685 = arith.constant 0 : i32
      %dma_wait3A_686 = arith.constant 0 : i32
      %dma_wait3A_687 = tpu.memref_slice %arg11[%run_scoped3A_181, %dma_wait3A_685, %dma_wait3A_686] : memref<2x128x64xf32, #tpu.memory_space<vmem>> -> memref<1x128x64xf32, #tpu.memory_space<vmem>>
      %dma_wait3A_688 = tpu.memref_squeeze %dma_wait3A_687 : memref<1x128x64xf32, #tpu.memory_space<vmem>> -> memref<128x64xf32, #tpu.memory_space<vmem>>
      tpu.wait_dma2 semaphore(%run_scoped3A_660 : memref<!tpu.dma_semaphore, #tpu.memory_space<semaphore_mem>>) src(%dma_wait3A_688 : memref<128x64xf32, #tpu.memory_space<vmem>>) dst(%dma_wait3A_684 : memref<128x64xf32, #tpu.memory_space<hbm>>)
      tpu.yield
    }) : () -> ()
    %eq3A_182 = arith.constant 0 : i32
    %eq3A_183 = arith.cmpi eq, %arg0, %eq3A_182 : i32
    %convert_element_type3A_184 = arith.extui %eq3A_183 : i1 to i32
    %cond3A_185 = arith.constant 0 : i32
    %cond3A_186 = arith.cmpi ne, %convert_element_type3A_184, %cond3A_185 : i32
    scf.if %cond3A_186 {
      %run_scoped3A_660 = arith.constant 1 : i32
      "tpu.region"() ({
        %run_scoped3A_661 = tpu.sem_alloc : memref<!tpu.dma_semaphore, #tpu.memory_space<semaphore_mem>>
        %dma_start3A_662 = arith.constant 0 : i32
        %dma_start3A_663 = arith.constant 0 : i32
        %dma_start3A_664 = tpu.memref_slice %arg11[%run_scoped3A_660, %dma_start3A_662, %dma_start3A_663] : memref<2x128x64xf32, #tpu.memory_space<vmem>> -> memref<1x128x64xf32, #tpu.memory_space<vmem>>
        %dma_start3A_665 = tpu.memref_squeeze %dma_start3A_664 : memref<1x128x64xf32, #tpu.memory_space<vmem>> -> memref<128x64xf32, #tpu.memory_space<vmem>>
        %dma_start3A_666 = arith.constant 0 : i32
        %dma_start3A_667 = tpu.memref_slice %arg13[%add3A_114, %dma_start3A_666] : memref<10240x64xf32, #tpu.memory_space<vmem_shared>> -> memref<128x64xf32, #tpu.memory_space<vmem_shared>>
        %dma_start3A_668 = arith.constant 0 : i32
        %dma_start3A_669 = tpu.memref_slice %arg13[%add3A_114, %dma_start3A_668] : memref<10240x64xf32, #tpu.memory_space<vmem_shared>> -> memref<128x64xf32, #tpu.memory_space<vmem_shared>>
        %dma_start3A_670 = arith.constant 0 : i32
        %dma_start3A_671 = arith.constant 0 : i32
        %dma_start3A_672 = tpu.memref_slice %arg11[%run_scoped3A_660, %dma_start3A_670, %dma_start3A_671] : memref<2x128x64xf32, #tpu.memory_space<vmem>> -> memref<1x128x64xf32, #tpu.memory_space<vmem>>
        %dma_start3A_673 = tpu.memref_squeeze %dma_start3A_672 : memref<1x128x64xf32, #tpu.memory_space<vmem>> -> memref<128x64xf32, #tpu.memory_space<vmem>>
        tpu.enqueue_dma source(%dma_start3A_673 : memref<128x64xf32, #tpu.memory_space<vmem>>) target(%dma_start3A_669 : memref<128x64xf32, #tpu.memory_space<vmem_shared>>) target_semaphore(%run_scoped3A_661 : memref<!tpu.dma_semaphore, #tpu.memory_space<semaphore_mem>>)
        %dma_wait3A_674 = arith.constant 0 : i32
        %dma_wait3A_675 = arith.constant 0 : i32
        %dma_wait3A_676 = tpu.memref_slice %arg11[%run_scoped3A_660, %dma_wait3A_674, %dma_wait3A_675] : memref<2x128x64xf32, #tpu.memory_space<vmem>> -> memref<1x128x64xf32, #tpu.memory_space<vmem>>
        %dma_wait3A_677 = tpu.memref_squeeze %dma_wait3A_676 : memref<1x128x64xf32, #tpu.memory_space<vmem>> -> memref<128x64xf32, #tpu.memory_space<vmem>>
        %dma_wait3A_678 = arith.constant 0 : i32
        %dma_wait3A_679 = tpu.memref_slice %arg13[%add3A_114, %dma_wait3A_678] : memref<10240x64xf32, #tpu.memory_space<vmem_shared>> -> memref<128x64xf32, #tpu.memory_space<vmem_shared>>
        %dma_wait3A_680 = arith.constant 0 : i32
        %dma_wait3A_681 = tpu.memref_slice %arg13[%add3A_114, %dma_wait3A_680] : memref<10240x64xf32, #tpu.memory_space<vmem_shared>> -> memref<128x64xf32, #tpu.memory_space<vmem_shared>>
        %dma_wait3A_682 = arith.constant 0 : i32
        %dma_wait3A_683 = arith.constant 0 : i32
        %dma_wait3A_684 = tpu.memref_slice %arg11[%run_scoped3A_660, %dma_wait3A_682, %dma_wait3A_683] : memref<2x128x64xf32, #tpu.memory_space<vmem>> -> memref<1x128x64xf32, #tpu.memory_space<vmem>>
        %dma_wait3A_685 = tpu.memref_squeeze %dma_wait3A_684 : memref<1x128x64xf32, #tpu.memory_space<vmem>> -> memref<128x64xf32, #tpu.memory_space<vmem>>
        tpu.wait_dma2 semaphore(%run_scoped3A_661 : memref<!tpu.dma_semaphore, #tpu.memory_space<semaphore_mem>>) src(%dma_wait3A_685 : memref<128x64xf32, #tpu.memory_space<vmem>>) dst(%dma_wait3A_681 : memref<128x64xf32, #tpu.memory_space<vmem_shared>>)
        tpu.yield
      }) : () -> ()
    } else {
    }
    %mul3A_187 = arith.constant 640 : i32
    %mul3A_188 = arith.muli %arg1, %mul3A_187 : i32
    %add3A_189 = arith.constant 256 : i32
    %add3A_190 = arith.addi %mul3A_188, %add3A_189 : i32
    %mul3A_191 = arith.constant 640 : i32
    %mul3A_192 = arith.muli %arg1, %mul3A_191 : i32
    %add3A_193 = arith.constant 384 : i32
    %add3A_194 = arith.addi %mul3A_192, %add3A_193 : i32
    %dma_start3A_195 = arith.constant 1 : i32
    %dma_start3A_196 = arith.constant 0 : i32
    %dma_start3A_197 = arith.constant 0 : i32
    %dma_start3A_198 = tpu.memref_slice %arg11[%dma_start3A_195, %dma_start3A_196, %dma_start3A_197] : memref<2x128x64xf32, #tpu.memory_space<vmem>> -> memref<1x128x64xf32, #tpu.memory_space<vmem>>
    %dma_start3A_199 = tpu.memref_squeeze %dma_start3A_198 : memref<1x128x64xf32, #tpu.memory_space<vmem>> -> memref<128x64xf32, #tpu.memory_space<vmem>>
    %dma_start3A_200 = arith.constant 0 : i32
    %dma_start3A_201 = tpu.memref_slice %arg2[%add3A_194, %dma_start3A_200] : memref<10240x64xf32, #tpu.memory_space<hbm>> -> memref<128x64xf32, #tpu.memory_space<hbm>>
    %dma_start3A_202 = arith.constant 0 : i32
    %dma_start3A_203 = arith.constant 0 : i32
    %dma_start3A_204 = tpu.memref_slice %arg11[%dma_start3A_195, %dma_start3A_202, %dma_start3A_203] : memref<2x128x64xf32, #tpu.memory_space<vmem>> -> memref<1x128x64xf32, #tpu.memory_space<vmem>>
    %dma_start3A_205 = tpu.memref_squeeze %dma_start3A_204 : memref<1x128x64xf32, #tpu.memory_space<vmem>> -> memref<128x64xf32, #tpu.memory_space<vmem>>
    %dma_start3A_206 = arith.constant 0 : i32
    %dma_start3A_207 = tpu.memref_slice %arg2[%add3A_194, %dma_start3A_206] : memref<10240x64xf32, #tpu.memory_space<hbm>> -> memref<128x64xf32, #tpu.memory_space<hbm>>
    tpu.enqueue_dma source(%dma_start3A_207 : memref<128x64xf32, #tpu.memory_space<hbm>>) target(%dma_start3A_205 : memref<128x64xf32, #tpu.memory_space<vmem>>) target_semaphore(%arg14 : memref<!tpu.dma_semaphore, #tpu.memory_space<semaphore_mem>>)
    %dma_start3A_208 = arith.constant 1 : i32
    %dma_start3A_209 = arith.constant 0 : i32
    %dma_start3A_210 = arith.constant 0 : i32
    %dma_start3A_211 = tpu.memref_slice %arg12[%dma_start3A_208, %dma_start3A_209, %dma_start3A_210] : memref<2x128x16xf32, #tpu.memory_space<vmem>> -> memref<1x128x16xf32, #tpu.memory_space<vmem>>
    %dma_start3A_212 = tpu.memref_squeeze %dma_start3A_211 : memref<1x128x16xf32, #tpu.memory_space<vmem>> -> memref<128x16xf32, #tpu.memory_space<vmem>>
    %dma_start3A_213 = arith.constant 0 : i32
    %dma_start3A_214 = tpu.memref_slice %arg3[%add3A_194, %dma_start3A_213] : memref<10240x16xf32, #tpu.memory_space<hbm>> -> memref<128x16xf32, #tpu.memory_space<hbm>>
    %dma_start3A_215 = arith.constant 0 : i32
    %dma_start3A_216 = arith.constant 0 : i32
    %dma_start3A_217 = tpu.memref_slice %arg12[%dma_start3A_208, %dma_start3A_215, %dma_start3A_216] : memref<2x128x16xf32, #tpu.memory_space<vmem>> -> memref<1x128x16xf32, #tpu.memory_space<vmem>>
    %dma_start3A_218 = tpu.memref_squeeze %dma_start3A_217 : memref<1x128x16xf32, #tpu.memory_space<vmem>> -> memref<128x16xf32, #tpu.memory_space<vmem>>
    %dma_start3A_219 = arith.constant 0 : i32
    %dma_start3A_220 = tpu.memref_slice %arg3[%add3A_194, %dma_start3A_219] : memref<10240x16xf32, #tpu.memory_space<hbm>> -> memref<128x16xf32, #tpu.memory_space<hbm>>
    tpu.enqueue_dma source(%dma_start3A_220 : memref<128x16xf32, #tpu.memory_space<hbm>>) target(%dma_start3A_218 : memref<128x16xf32, #tpu.memory_space<vmem>>) target_semaphore(%arg14 : memref<!tpu.dma_semaphore, #tpu.memory_space<semaphore_mem>>)
    %mul3A_221 = arith.constant 640 : i32
    %mul3A_222 = arith.muli %arg1, %mul3A_221 : i32
    %add3A_223 = arith.constant 256 : i32
    %add3A_224 = arith.addi %mul3A_222, %add3A_223 : i32
    %dma_wait3A_225 = arith.constant 0 : i32
    %dma_wait3A_226 = arith.constant 0 : i32
    %dma_wait3A_227 = arith.constant 0 : i32
    %dma_wait3A_228 = tpu.memref_slice %arg11[%dma_wait3A_225, %dma_wait3A_226, %dma_wait3A_227] : memref<2x128x64xf32, #tpu.memory_space<vmem>> -> memref<1x128x64xf32, #tpu.memory_space<vmem>>
    %dma_wait3A_229 = tpu.memref_squeeze %dma_wait3A_228 : memref<1x128x64xf32, #tpu.memory_space<vmem>> -> memref<128x64xf32, #tpu.memory_space<vmem>>
    %dma_wait3A_230 = arith.constant 0 : i32
    %dma_wait3A_231 = tpu.memref_slice %arg2[%add3A_224, %dma_wait3A_230] : memref<10240x64xf32, #tpu.memory_space<hbm>> -> memref<128x64xf32, #tpu.memory_space<hbm>>
    %dma_wait3A_232 = arith.constant 0 : i32
    %dma_wait3A_233 = arith.constant 0 : i32
    %dma_wait3A_234 = tpu.memref_slice %arg11[%dma_wait3A_225, %dma_wait3A_232, %dma_wait3A_233] : memref<2x128x64xf32, #tpu.memory_space<vmem>> -> memref<1x128x64xf32, #tpu.memory_space<vmem>>
    %dma_wait3A_235 = tpu.memref_squeeze %dma_wait3A_234 : memref<1x128x64xf32, #tpu.memory_space<vmem>> -> memref<128x64xf32, #tpu.memory_space<vmem>>
    %dma_wait3A_236 = arith.constant 0 : i32
    %dma_wait3A_237 = tpu.memref_slice %arg2[%add3A_224, %dma_wait3A_236] : memref<10240x64xf32, #tpu.memory_space<hbm>> -> memref<128x64xf32, #tpu.memory_space<hbm>>
    tpu.wait_dma2 semaphore(%arg14 : memref<!tpu.dma_semaphore, #tpu.memory_space<semaphore_mem>>) src(%dma_wait3A_237 : memref<128x64xf32, #tpu.memory_space<hbm>>) dst(%dma_wait3A_235 : memref<128x64xf32, #tpu.memory_space<vmem>>)
    %dma_wait3A_238 = arith.constant 0 : i32
    %dma_wait3A_239 = arith.constant 0 : i32
    %dma_wait3A_240 = arith.constant 0 : i32
    %dma_wait3A_241 = tpu.memref_slice %arg12[%dma_wait3A_238, %dma_wait3A_239, %dma_wait3A_240] : memref<2x128x16xf32, #tpu.memory_space<vmem>> -> memref<1x128x16xf32, #tpu.memory_space<vmem>>
    %dma_wait3A_242 = tpu.memref_squeeze %dma_wait3A_241 : memref<1x128x16xf32, #tpu.memory_space<vmem>> -> memref<128x16xf32, #tpu.memory_space<vmem>>
    %dma_wait3A_243 = arith.constant 0 : i32
    %dma_wait3A_244 = tpu.memref_slice %arg3[%add3A_224, %dma_wait3A_243] : memref<10240x16xf32, #tpu.memory_space<hbm>> -> memref<128x16xf32, #tpu.memory_space<hbm>>
    %dma_wait3A_245 = arith.constant 0 : i32
    %dma_wait3A_246 = arith.constant 0 : i32
    %dma_wait3A_247 = tpu.memref_slice %arg12[%dma_wait3A_238, %dma_wait3A_245, %dma_wait3A_246] : memref<2x128x16xf32, #tpu.memory_space<vmem>> -> memref<1x128x16xf32, #tpu.memory_space<vmem>>
    %dma_wait3A_248 = tpu.memref_squeeze %dma_wait3A_247 : memref<1x128x16xf32, #tpu.memory_space<vmem>> -> memref<128x16xf32, #tpu.memory_space<vmem>>
    %dma_wait3A_249 = arith.constant 0 : i32
    %dma_wait3A_250 = tpu.memref_slice %arg3[%add3A_224, %dma_wait3A_249] : memref<10240x16xf32, #tpu.memory_space<hbm>> -> memref<128x16xf32, #tpu.memory_space<hbm>>
    tpu.wait_dma2 semaphore(%arg14 : memref<!tpu.dma_semaphore, #tpu.memory_space<semaphore_mem>>) src(%dma_wait3A_250 : memref<128x16xf32, #tpu.memory_space<hbm>>) dst(%dma_wait3A_248 : memref<128x16xf32, #tpu.memory_space<vmem>>)
    %scan3A_251 = arith.constant 0 : i32
    %scan3A_252 = arith.constant 0 : i32
    %scan3A_253 = arith.constant 128 : i32
    %scan3A_254 = arith.addi %scan3A_252, %scan3A_253 : i32
    %scan3A_255 = arith.constant 1 : i32
    scf.for %scan3A_660 = %scan3A_252 to %scan3A_254 step %scan3A_255  : i32 {
      %get3A = arith.constant 0 : i32
      %get3A_661 = arith.index_cast %get3A : i32 to index
      %get3A_662 = arith.index_cast %scan3A_660 : i32 to index
      %get3A_663 = arith.constant 0 : index
      %get3A_664 = tpu.vector_load %arg12[%get3A_661, %get3A_662, %get3A_663] {strides = array<i32>} : memref<2x128x16xf32, #tpu.memory_space<vmem>>, vector<1x1x16xf32>,
      %get3A_665 = vector.shape_cast %get3A_664 : vector<1x1x16xf32> to vector<16xf32>
      %get3A_666 = arith.constant 0 : i32
      %get3A_667 = arith.index_cast %get3A_666 : i32 to index
      %get3A_668 = arith.index_cast %scan3A_660 : i32 to index
      %get3A_669 = arith.constant 0 : index
      %get3A_670 = tpu.vector_load %arg11[%get3A_667, %get3A_668, %get3A_669] {strides = array<i32>} : memref<2x128x64xf32, #tpu.memory_space<vmem>>, vector<1x1x16xf32>,
      %get3A_671 = vector.shape_cast %get3A_670 : vector<1x1x16xf32> to vector<16xf32>
      %mul3A_672 = arith.mulf %get3A_671, %get3A_665 : vector<16xf32>
      %swap3A = arith.constant 0 : i32
      %swap3A_673 = arith.index_cast %swap3A : i32 to index
      %swap3A_674 = arith.index_cast %scan3A_660 : i32 to index
      %swap3A_675 = arith.constant 0 : index
      %swap3A_676 = tpu.vector_load %arg11[%swap3A_673, %swap3A_674, %swap3A_675] {strides = array<i32>} : memref<2x128x64xf32, #tpu.memory_space<vmem>>, vector<1x1x16xf32>,
      %swap3A_677 = vector.shape_cast %swap3A_676 : vector<1x1x16xf32> to vector<16xf32>
      %swap3A_678 = vector.shape_cast %mul3A_672 : vector<16xf32> to vector<1x1x16xf32>
      tpu.vector_store %arg11[%swap3A_673, %swap3A_674, %swap3A_675], %swap3A_678 {strides = array<i32>} : memref<2x128x64xf32, #tpu.memory_space<vmem>>, vector<1x1x16xf32>,
      %get3A_679 = arith.constant 0 : i32
      %get3A_680 = arith.index_cast %get3A_679 : i32 to index
      %get3A_681 = arith.index_cast %scan3A_660 : i32 to index
      %get3A_682 = arith.constant 16 : index
      %get3A_683 = tpu.vector_load %arg11[%get3A_680, %get3A_681, %get3A_682] {strides = array<i32>} : memref<2x128x64xf32, #tpu.memory_space<vmem>>, vector<1x1x16xf32>,
      %get3A_684 = vector.shape_cast %get3A_683 : vector<1x1x16xf32> to vector<16xf32>
      %mul3A_685 = arith.mulf %get3A_684, %get3A_665 : vector<16xf32>
      %swap3A_686 = arith.constant 0 : i32
      %swap3A_687 = arith.index_cast %swap3A_686 : i32 to index
      %swap3A_688 = arith.index_cast %scan3A_660 : i32 to index
      %swap3A_689 = arith.constant 16 : index
      %swap3A_690 = tpu.vector_load %arg11[%swap3A_687, %swap3A_688, %swap3A_689] {strides = array<i32>} : memref<2x128x64xf32, #tpu.memory_space<vmem>>, vector<1x1x16xf32>,
      %swap3A_691 = vector.shape_cast %swap3A_690 : vector<1x1x16xf32> to vector<16xf32>
      %swap3A_692 = vector.shape_cast %mul3A_685 : vector<16xf32> to vector<1x1x16xf32>
      tpu.vector_store %arg11[%swap3A_687, %swap3A_688, %swap3A_689], %swap3A_692 {strides = array<i32>} : memref<2x128x64xf32, #tpu.memory_space<vmem>>, vector<1x1x16xf32>,
      %get3A_693 = arith.constant 0 : i32
      %get3A_694 = arith.index_cast %get3A_693 : i32 to index
      %get3A_695 = arith.index_cast %scan3A_660 : i32 to index
      %get3A_696 = arith.constant 32 : index
      %get3A_697 = tpu.vector_load %arg11[%get3A_694, %get3A_695, %get3A_696] {strides = array<i32>} : memref<2x128x64xf32, #tpu.memory_space<vmem>>, vector<1x1x16xf32>,
      %get3A_698 = vector.shape_cast %get3A_697 : vector<1x1x16xf32> to vector<16xf32>
      %mul3A_699 = arith.mulf %get3A_698, %get3A_665 : vector<16xf32>
      %swap3A_700 = arith.constant 0 : i32
      %swap3A_701 = arith.index_cast %swap3A_700 : i32 to index
      %swap3A_702 = arith.index_cast %scan3A_660 : i32 to index
      %swap3A_703 = arith.constant 32 : index
      %swap3A_704 = tpu.vector_load %arg11[%swap3A_701, %swap3A_702, %swap3A_703] {strides = array<i32>} : memref<2x128x64xf32, #tpu.memory_space<vmem>>, vector<1x1x16xf32>,
      %swap3A_705 = vector.shape_cast %swap3A_704 : vector<1x1x16xf32> to vector<16xf32>
      %swap3A_706 = vector.shape_cast %mul3A_699 : vector<16xf32> to vector<1x1x16xf32>
      tpu.vector_store %arg11[%swap3A_701, %swap3A_702, %swap3A_703], %swap3A_706 {strides = array<i32>} : memref<2x128x64xf32, #tpu.memory_space<vmem>>, vector<1x1x16xf32>,
      %get3A_707 = arith.constant 0 : i32
      %get3A_708 = arith.index_cast %get3A_707 : i32 to index
      %get3A_709 = arith.index_cast %scan3A_660 : i32 to index
      %get3A_710 = arith.constant 48 : index
      %get3A_711 = tpu.vector_load %arg11[%get3A_708, %get3A_709, %get3A_710] {strides = array<i32>} : memref<2x128x64xf32, #tpu.memory_space<vmem>>, vector<1x1x16xf32>,
      %get3A_712 = vector.shape_cast %get3A_711 : vector<1x1x16xf32> to vector<16xf32>
      %mul3A_713 = arith.mulf %get3A_712, %get3A_665 : vector<16xf32>
      %swap3A_714 = arith.constant 0 : i32
      %swap3A_715 = arith.index_cast %swap3A_714 : i32 to index
      %swap3A_716 = arith.index_cast %scan3A_660 : i32 to index
      %swap3A_717 = arith.constant 48 : index
      %swap3A_718 = tpu.vector_load %arg11[%swap3A_715, %swap3A_716, %swap3A_717] {strides = array<i32>} : memref<2x128x64xf32, #tpu.memory_space<vmem>>, vector<1x1x16xf32>,
      %swap3A_719 = vector.shape_cast %swap3A_718 : vector<1x1x16xf32> to vector<16xf32>
      %swap3A_720 = vector.shape_cast %mul3A_713 : vector<16xf32> to vector<1x1x16xf32>
      tpu.vector_store %arg11[%swap3A_715, %swap3A_716, %swap3A_717], %swap3A_720 {strides = array<i32>} : memref<2x128x64xf32, #tpu.memory_space<vmem>>, vector<1x1x16xf32>,
    }
    %scan3A_256 = arith.constant 128 : i32
    %run_scoped3A_257 = arith.constant 0 : i32
    "tpu.region"() ({
      %run_scoped3A_660 = tpu.sem_alloc : memref<!tpu.dma_semaphore, #tpu.memory_space<semaphore_mem>>
      %dma_start3A_661 = arith.constant 0 : i32
      %dma_start3A_662 = arith.constant 0 : i32
      %dma_start3A_663 = tpu.memref_slice %arg11[%run_scoped3A_257, %dma_start3A_661, %dma_start3A_662] : memref<2x128x64xf32, #tpu.memory_space<vmem>> -> memref<1x128x64xf32, #tpu.memory_space<vmem>>
      %dma_start3A_664 = tpu.memref_squeeze %dma_start3A_663 : memref<1x128x64xf32, #tpu.memory_space<vmem>> -> memref<128x64xf32, #tpu.memory_space<vmem>>
      %dma_start3A_665 = arith.constant 0 : i32
      %dma_start3A_666 = tpu.memref_slice %arg7[%arg0, %add3A_190, %dma_start3A_665] : memref<2x10240x64xf32, #tpu.memory_space<hbm>> -> memref<1x128x64xf32, #tpu.memory_space<hbm>>
      %dma_start3A_667 = tpu.memref_squeeze %dma_start3A_666 : memref<1x128x64xf32, #tpu.memory_space<hbm>> -> memref<128x64xf32, #tpu.memory_space<hbm>>
      %dma_start3A_668 = arith.constant 0 : i32
      %dma_start3A_669 = tpu.memref_slice %arg7[%arg0, %add3A_190, %dma_start3A_668] : memref<2x10240x64xf32, #tpu.memory_space<hbm>> -> memref<1x128x64xf32, #tpu.memory_space<hbm>>
      %dma_start3A_670 = tpu.memref_squeeze %dma_start3A_669 : memref<1x128x64xf32, #tpu.memory_space<hbm>> -> memref<128x64xf32, #tpu.memory_space<hbm>>
      %dma_start3A_671 = arith.constant 0 : i32
      %dma_start3A_672 = arith.constant 0 : i32
      %dma_start3A_673 = tpu.memref_slice %arg11[%run_scoped3A_257, %dma_start3A_671, %dma_start3A_672] : memref<2x128x64xf32, #tpu.memory_space<vmem>> -> memref<1x128x64xf32, #tpu.memory_space<vmem>>
      %dma_start3A_674 = tpu.memref_squeeze %dma_start3A_673 : memref<1x128x64xf32, #tpu.memory_space<vmem>> -> memref<128x64xf32, #tpu.memory_space<vmem>>
      tpu.enqueue_dma source(%dma_start3A_674 : memref<128x64xf32, #tpu.memory_space<vmem>>) target(%dma_start3A_670 : memref<128x64xf32, #tpu.memory_space<hbm>>) target_semaphore(%run_scoped3A_660 : memref<!tpu.dma_semaphore, #tpu.memory_space<semaphore_mem>>)
      %dma_wait3A_675 = arith.constant 0 : i32
      %dma_wait3A_676 = arith.constant 0 : i32
      %dma_wait3A_677 = tpu.memref_slice %arg11[%run_scoped3A_257, %dma_wait3A_675, %dma_wait3A_676] : memref<2x128x64xf32, #tpu.memory_space<vmem>> -> memref<1x128x64xf32, #tpu.memory_space<vmem>>
      %dma_wait3A_678 = tpu.memref_squeeze %dma_wait3A_677 : memref<1x128x64xf32, #tpu.memory_space<vmem>> -> memref<128x64xf32, #tpu.memory_space<vmem>>
      %dma_wait3A_679 = arith.constant 0 : i32
      %dma_wait3A_680 = tpu.memref_slice %arg7[%arg0, %add3A_190, %dma_wait3A_679] : memref<2x10240x64xf32, #tpu.memory_space<hbm>> -> memref<1x128x64xf32, #tpu.memory_space<hbm>>
      %dma_wait3A_681 = tpu.memref_squeeze %dma_wait3A_680 : memref<1x128x64xf32, #tpu.memory_space<hbm>> -> memref<128x64xf32, #tpu.memory_space<hbm>>
      %dma_wait3A_682 = arith.constant 0 : i32
      %dma_wait3A_683 = tpu.memref_slice %arg7[%arg0, %add3A_190, %dma_wait3A_682] : memref<2x10240x64xf32, #tpu.memory_space<hbm>> -> memref<1x128x64xf32, #tpu.memory_space<hbm>>
      %dma_wait3A_684 = tpu.memref_squeeze %dma_wait3A_683 : memref<1x128x64xf32, #tpu.memory_space<hbm>> -> memref<128x64xf32, #tpu.memory_space<hbm>>
      %dma_wait3A_685 = arith.constant 0 : i32
      %dma_wait3A_686 = arith.constant 0 : i32
      %dma_wait3A_687 = tpu.memref_slice %arg11[%run_scoped3A_257, %dma_wait3A_685, %dma_wait3A_686] : memref<2x128x64xf32, #tpu.memory_space<vmem>> -> memref<1x128x64xf32, #tpu.memory_space<vmem>>
      %dma_wait3A_688 = tpu.memref_squeeze %dma_wait3A_687 : memref<1x128x64xf32, #tpu.memory_space<vmem>> -> memref<128x64xf32, #tpu.memory_space<vmem>>
      tpu.wait_dma2 semaphore(%run_scoped3A_660 : memref<!tpu.dma_semaphore, #tpu.memory_space<semaphore_mem>>) src(%dma_wait3A_688 : memref<128x64xf32, #tpu.memory_space<vmem>>) dst(%dma_wait3A_684 : memref<128x64xf32, #tpu.memory_space<hbm>>)
      tpu.yield
    }) : () -> ()
    %eq3A_258 = arith.constant 0 : i32
    %eq3A_259 = arith.cmpi eq, %arg0, %eq3A_258 : i32
    %convert_element_type3A_260 = arith.extui %eq3A_259 : i1 to i32
    %cond3A_261 = arith.constant 0 : i32
    %cond3A_262 = arith.cmpi ne, %convert_element_type3A_260, %cond3A_261 : i32
    scf.if %cond3A_262 {
      %run_scoped3A_660 = arith.constant 0 : i32
      "tpu.region"() ({
        %run_scoped3A_661 = tpu.sem_alloc : memref<!tpu.dma_semaphore, #tpu.memory_space<semaphore_mem>>
        %dma_start3A_662 = arith.constant 0 : i32
        %dma_start3A_663 = arith.constant 0 : i32
        %dma_start3A_664 = tpu.memref_slice %arg11[%run_scoped3A_660, %dma_start3A_662, %dma_start3A_663] : memref<2x128x64xf32, #tpu.memory_space<vmem>> -> memref<1x128x64xf32, #tpu.memory_space<vmem>>
        %dma_start3A_665 = tpu.memref_squeeze %dma_start3A_664 : memref<1x128x64xf32, #tpu.memory_space<vmem>> -> memref<128x64xf32, #tpu.memory_space<vmem>>
        %dma_start3A_666 = arith.constant 0 : i32
        %dma_start3A_667 = tpu.memref_slice %arg13[%add3A_190, %dma_start3A_666] : memref<10240x64xf32, #tpu.memory_space<vmem_shared>> -> memref<128x64xf32, #tpu.memory_space<vmem_shared>>
        %dma_start3A_668 = arith.constant 0 : i32
        %dma_start3A_669 = tpu.memref_slice %arg13[%add3A_190, %dma_start3A_668] : memref<10240x64xf32, #tpu.memory_space<vmem_shared>> -> memref<128x64xf32, #tpu.memory_space<vmem_shared>>
        %dma_start3A_670 = arith.constant 0 : i32
        %dma_start3A_671 = arith.constant 0 : i32
        %dma_start3A_672 = tpu.memref_slice %arg11[%run_scoped3A_660, %dma_start3A_670, %dma_start3A_671] : memref<2x128x64xf32, #tpu.memory_space<vmem>> -> memref<1x128x64xf32, #tpu.memory_space<vmem>>
        %dma_start3A_673 = tpu.memref_squeeze %dma_start3A_672 : memref<1x128x64xf32, #tpu.memory_space<vmem>> -> memref<128x64xf32, #tpu.memory_space<vmem>>
        tpu.enqueue_dma source(%dma_start3A_673 : memref<128x64xf32, #tpu.memory_space<vmem>>) target(%dma_start3A_669 : memref<128x64xf32, #tpu.memory_space<vmem_shared>>) target_semaphore(%run_scoped3A_661 : memref<!tpu.dma_semaphore, #tpu.memory_space<semaphore_mem>>)
        %dma_wait3A_674 = arith.constant 0 : i32
        %dma_wait3A_675 = arith.constant 0 : i32
        %dma_wait3A_676 = tpu.memref_slice %arg11[%run_scoped3A_660, %dma_wait3A_674, %dma_wait3A_675] : memref<2x128x64xf32, #tpu.memory_space<vmem>> -> memref<1x128x64xf32, #tpu.memory_space<vmem>>
        %dma_wait3A_677 = tpu.memref_squeeze %dma_wait3A_676 : memref<1x128x64xf32, #tpu.memory_space<vmem>> -> memref<128x64xf32, #tpu.memory_space<vmem>>
        %dma_wait3A_678 = arith.constant 0 : i32
        %dma_wait3A_679 = tpu.memref_slice %arg13[%add3A_190, %dma_wait3A_678] : memref<10240x64xf32, #tpu.memory_space<vmem_shared>> -> memref<128x64xf32, #tpu.memory_space<vmem_shared>>
        %dma_wait3A_680 = arith.constant 0 : i32
        %dma_wait3A_681 = tpu.memref_slice %arg13[%add3A_190, %dma_wait3A_680] : memref<10240x64xf32, #tpu.memory_space<vmem_shared>> -> memref<128x64xf32, #tpu.memory_space<vmem_shared>>
        %dma_wait3A_682 = arith.constant 0 : i32
        %dma_wait3A_683 = arith.constant 0 : i32
        %dma_wait3A_684 = tpu.memref_slice %arg11[%run_scoped3A_660, %dma_wait3A_682, %dma_wait3A_683] : memref<2x128x64xf32, #tpu.memory_space<vmem>> -> memref<1x128x64xf32, #tpu.memory_space<vmem>>
        %dma_wait3A_685 = tpu.memref_squeeze %dma_wait3A_684 : memref<1x128x64xf32, #tpu.memory_space<vmem>> -> memref<128x64xf32, #tpu.memory_space<vmem>>
        tpu.wait_dma2 semaphore(%run_scoped3A_661 : memref<!tpu.dma_semaphore, #tpu.memory_space<semaphore_mem>>) src(%dma_wait3A_685 : memref<128x64xf32, #tpu.memory_space<vmem>>) dst(%dma_wait3A_681 : memref<128x64xf32, #tpu.memory_space<vmem_shared>>)
        tpu.yield
      }) : () -> ()
    } else {
    }
    %mul3A_263 = arith.constant 640 : i32
    %mul3A_264 = arith.muli %arg1, %mul3A_263 : i32
    %add3A_265 = arith.constant 384 : i32
    %add3A_266 = arith.addi %mul3A_264, %add3A_265 : i32
    %mul3A_267 = arith.constant 640 : i32
    %mul3A_268 = arith.muli %arg1, %mul3A_267 : i32
    %add3A_269 = arith.constant 512 : i32
    %add3A_270 = arith.addi %mul3A_268, %add3A_269 : i32
    %dma_start3A_271 = arith.constant 0 : i32
    %dma_start3A_272 = arith.constant 0 : i32
    %dma_start3A_273 = arith.constant 0 : i32
    %dma_start3A_274 = tpu.memref_slice %arg11[%dma_start3A_271, %dma_start3A_272, %dma_start3A_273] : memref<2x128x64xf32, #tpu.memory_space<vmem>> -> memref<1x128x64xf32, #tpu.memory_space<vmem>>
    %dma_start3A_275 = tpu.memref_squeeze %dma_start3A_274 : memref<1x128x64xf32, #tpu.memory_space<vmem>> -> memref<128x64xf32, #tpu.memory_space<vmem>>
    %dma_start3A_276 = arith.constant 0 : i32
    %dma_start3A_277 = tpu.memref_slice %arg2[%add3A_270, %dma_start3A_276] : memref<10240x64xf32, #tpu.memory_space<hbm>> -> memref<128x64xf32, #tpu.memory_space<hbm>>
    %dma_start3A_278 = arith.constant 0 : i32
    %dma_start3A_279 = arith.constant 0 : i32
    %dma_start3A_280 = tpu.memref_slice %arg11[%dma_start3A_271, %dma_start3A_278, %dma_start3A_279] : memref<2x128x64xf32, #tpu.memory_space<vmem>> -> memref<1x128x64xf32, #tpu.memory_space<vmem>>
    %dma_start3A_281 = tpu.memref_squeeze %dma_start3A_280 : memref<1x128x64xf32, #tpu.memory_space<vmem>> -> memref<128x64xf32, #tpu.memory_space<vmem>>
    %dma_start3A_282 = arith.constant 0 : i32
    %dma_start3A_283 = tpu.memref_slice %arg2[%add3A_270, %dma_start3A_282] : memref<10240x64xf32, #tpu.memory_space<hbm>> -> memref<128x64xf32, #tpu.memory_space<hbm>>
    tpu.enqueue_dma source(%dma_start3A_283 : memref<128x64xf32, #tpu.memory_space<hbm>>) target(%dma_start3A_281 : memref<128x64xf32, #tpu.memory_space<vmem>>) target_semaphore(%arg14 : memref<!tpu.dma_semaphore, #tpu.memory_space<semaphore_mem>>)
    %dma_start3A_284 = arith.constant 0 : i32
    %dma_start3A_285 = arith.constant 0 : i32
    %dma_start3A_286 = arith.constant 0 : i32
    %dma_start3A_287 = tpu.memref_slice %arg12[%dma_start3A_284, %dma_start3A_285, %dma_start3A_286] : memref<2x128x16xf32, #tpu.memory_space<vmem>> -> memref<1x128x16xf32, #tpu.memory_space<vmem>>
    %dma_start3A_288 = tpu.memref_squeeze %dma_start3A_287 : memref<1x128x16xf32, #tpu.memory_space<vmem>> -> memref<128x16xf32, #tpu.memory_space<vmem>>
    %dma_start3A_289 = arith.constant 0 : i32
    %dma_start3A_290 = tpu.memref_slice %arg3[%add3A_270, %dma_start3A_289] : memref<10240x16xf32, #tpu.memory_space<hbm>> -> memref<128x16xf32, #tpu.memory_space<hbm>>
    %dma_start3A_291 = arith.constant 0 : i32
    %dma_start3A_292 = arith.constant 0 : i32
    %dma_start3A_293 = tpu.memref_slice %arg12[%dma_start3A_284, %dma_start3A_291, %dma_start3A_292] : memref<2x128x16xf32, #tpu.memory_space<vmem>> -> memref<1x128x16xf32, #tpu.memory_space<vmem>>
    %dma_start3A_294 = tpu.memref_squeeze %dma_start3A_293 : memref<1x128x16xf32, #tpu.memory_space<vmem>> -> memref<128x16xf32, #tpu.memory_space<vmem>>
    %dma_start3A_295 = arith.constant 0 : i32
    %dma_start3A_296 = tpu.memref_slice %arg3[%add3A_270, %dma_start3A_295] : memref<10240x16xf32, #tpu.memory_space<hbm>> -> memref<128x16xf32, #tpu.memory_space<hbm>>
    tpu.enqueue_dma source(%dma_start3A_296 : memref<128x16xf32, #tpu.memory_space<hbm>>) target(%dma_start3A_294 : memref<128x16xf32, #tpu.memory_space<vmem>>) target_semaphore(%arg14 : memref<!tpu.dma_semaphore, #tpu.memory_space<semaphore_mem>>)
    %mul3A_297 = arith.constant 640 : i32
    %mul3A_298 = arith.muli %arg1, %mul3A_297 : i32
    %add3A_299 = arith.constant 384 : i32
    %add3A_300 = arith.addi %mul3A_298, %add3A_299 : i32
    %dma_wait3A_301 = arith.constant 1 : i32
    %dma_wait3A_302 = arith.constant 0 : i32
    %dma_wait3A_303 = arith.constant 0 : i32
    %dma_wait3A_304 = tpu.memref_slice %arg11[%dma_wait3A_301, %dma_wait3A_302, %dma_wait3A_303] : memref<2x128x64xf32, #tpu.memory_space<vmem>> -> memref<1x128x64xf32, #tpu.memory_space<vmem>>
    %dma_wait3A_305 = tpu.memref_squeeze %dma_wait3A_304 : memref<1x128x64xf32, #tpu.memory_space<vmem>> -> memref<128x64xf32, #tpu.memory_space<vmem>>
    %dma_wait3A_306 = arith.constant 0 : i32
    %dma_wait3A_307 = tpu.memref_slice %arg2[%add3A_300, %dma_wait3A_306] : memref<10240x64xf32, #tpu.memory_space<hbm>> -> memref<128x64xf32, #tpu.memory_space<hbm>>
    %dma_wait3A_308 = arith.constant 0 : i32
    %dma_wait3A_309 = arith.constant 0 : i32
    %dma_wait3A_310 = tpu.memref_slice %arg11[%dma_wait3A_301, %dma_wait3A_308, %dma_wait3A_309] : memref<2x128x64xf32, #tpu.memory_space<vmem>> -> memref<1x128x64xf32, #tpu.memory_space<vmem>>
    %dma_wait3A_311 = tpu.memref_squeeze %dma_wait3A_310 : memref<1x128x64xf32, #tpu.memory_space<vmem>> -> memref<128x64xf32, #tpu.memory_space<vmem>>
    %dma_wait3A_312 = arith.constant 0 : i32
    %dma_wait3A_313 = tpu.memref_slice %arg2[%add3A_300, %dma_wait3A_312] : memref<10240x64xf32, #tpu.memory_space<hbm>> -> memref<128x64xf32, #tpu.memory_space<hbm>>
    tpu.wait_dma2 semaphore(%arg14 : memref<!tpu.dma_semaphore, #tpu.memory_space<semaphore_mem>>) src(%dma_wait3A_313 : memref<128x64xf32, #tpu.memory_space<hbm>>) dst(%dma_wait3A_311 : memref<128x64xf32, #tpu.memory_space<vmem>>)
    %dma_wait3A_314 = arith.constant 1 : i32
    %dma_wait3A_315 = arith.constant 0 : i32
    %dma_wait3A_316 = arith.constant 0 : i32
    %dma_wait3A_317 = tpu.memref_slice %arg12[%dma_wait3A_314, %dma_wait3A_315, %dma_wait3A_316] : memref<2x128x16xf32, #tpu.memory_space<vmem>> -> memref<1x128x16xf32, #tpu.memory_space<vmem>>
    %dma_wait3A_318 = tpu.memref_squeeze %dma_wait3A_317 : memref<1x128x16xf32, #tpu.memory_space<vmem>> -> memref<128x16xf32, #tpu.memory_space<vmem>>
    %dma_wait3A_319 = arith.constant 0 : i32
    %dma_wait3A_320 = tpu.memref_slice %arg3[%add3A_300, %dma_wait3A_319] : memref<10240x16xf32, #tpu.memory_space<hbm>> -> memref<128x16xf32, #tpu.memory_space<hbm>>
    %dma_wait3A_321 = arith.constant 0 : i32
    %dma_wait3A_322 = arith.constant 0 : i32
    %dma_wait3A_323 = tpu.memref_slice %arg12[%dma_wait3A_314, %dma_wait3A_321, %dma_wait3A_322] : memref<2x128x16xf32, #tpu.memory_space<vmem>> -> memref<1x128x16xf32, #tpu.memory_space<vmem>>
    %dma_wait3A_324 = tpu.memref_squeeze %dma_wait3A_323 : memref<1x128x16xf32, #tpu.memory_space<vmem>> -> memref<128x16xf32, #tpu.memory_space<vmem>>
    %dma_wait3A_325 = arith.constant 0 : i32
    %dma_wait3A_326 = tpu.memref_slice %arg3[%add3A_300, %dma_wait3A_325] : memref<10240x16xf32, #tpu.memory_space<hbm>> -> memref<128x16xf32, #tpu.memory_space<hbm>>
    tpu.wait_dma2 semaphore(%arg14 : memref<!tpu.dma_semaphore, #tpu.memory_space<semaphore_mem>>) src(%dma_wait3A_326 : memref<128x16xf32, #tpu.memory_space<hbm>>) dst(%dma_wait3A_324 : memref<128x16xf32, #tpu.memory_space<vmem>>)
    %scan3A_327 = arith.constant 0 : i32
    %scan3A_328 = arith.constant 0 : i32
    %scan3A_329 = arith.constant 128 : i32
    %scan3A_330 = arith.addi %scan3A_328, %scan3A_329 : i32
    %scan3A_331 = arith.constant 1 : i32
    scf.for %scan3A_660 = %scan3A_328 to %scan3A_330 step %scan3A_331  : i32 {
      %get3A = arith.constant 1 : i32
      %get3A_661 = arith.index_cast %get3A : i32 to index
      %get3A_662 = arith.index_cast %scan3A_660 : i32 to index
      %get3A_663 = arith.constant 0 : index
      %get3A_664 = tpu.vector_load %arg12[%get3A_661, %get3A_662, %get3A_663] {strides = array<i32>} : memref<2x128x16xf32, #tpu.memory_space<vmem>>, vector<1x1x16xf32>,
      %get3A_665 = vector.shape_cast %get3A_664 : vector<1x1x16xf32> to vector<16xf32>
      %get3A_666 = arith.constant 1 : i32
      %get3A_667 = arith.index_cast %get3A_666 : i32 to index
      %get3A_668 = arith.index_cast %scan3A_660 : i32 to index
      %get3A_669 = arith.constant 0 : index
      %get3A_670 = tpu.vector_load %arg11[%get3A_667, %get3A_668, %get3A_669] {strides = array<i32>} : memref<2x128x64xf32, #tpu.memory_space<vmem>>, vector<1x1x16xf32>,
      %get3A_671 = vector.shape_cast %get3A_670 : vector<1x1x16xf32> to vector<16xf32>
      %mul3A_672 = arith.mulf %get3A_671, %get3A_665 : vector<16xf32>
      %swap3A = arith.constant 1 : i32
      %swap3A_673 = arith.index_cast %swap3A : i32 to index
      %swap3A_674 = arith.index_cast %scan3A_660 : i32 to index
      %swap3A_675 = arith.constant 0 : index
      %swap3A_676 = tpu.vector_load %arg11[%swap3A_673, %swap3A_674, %swap3A_675] {strides = array<i32>} : memref<2x128x64xf32, #tpu.memory_space<vmem>>, vector<1x1x16xf32>,
      %swap3A_677 = vector.shape_cast %swap3A_676 : vector<1x1x16xf32> to vector<16xf32>
      %swap3A_678 = vector.shape_cast %mul3A_672 : vector<16xf32> to vector<1x1x16xf32>
      tpu.vector_store %arg11[%swap3A_673, %swap3A_674, %swap3A_675], %swap3A_678 {strides = array<i32>} : memref<2x128x64xf32, #tpu.memory_space<vmem>>, vector<1x1x16xf32>,
      %get3A_679 = arith.constant 1 : i32
      %get3A_680 = arith.index_cast %get3A_679 : i32 to index
      %get3A_681 = arith.index_cast %scan3A_660 : i32 to index
      %get3A_682 = arith.constant 16 : index
      %get3A_683 = tpu.vector_load %arg11[%get3A_680, %get3A_681, %get3A_682] {strides = array<i32>} : memref<2x128x64xf32, #tpu.memory_space<vmem>>, vector<1x1x16xf32>,
      %get3A_684 = vector.shape_cast %get3A_683 : vector<1x1x16xf32> to vector<16xf32>
      %mul3A_685 = arith.mulf %get3A_684, %get3A_665 : vector<16xf32>
      %swap3A_686 = arith.constant 1 : i32
      %swap3A_687 = arith.index_cast %swap3A_686 : i32 to index
      %swap3A_688 = arith.index_cast %scan3A_660 : i32 to index
      %swap3A_689 = arith.constant 16 : index
      %swap3A_690 = tpu.vector_load %arg11[%swap3A_687, %swap3A_688, %swap3A_689] {strides = array<i32>} : memref<2x128x64xf32, #tpu.memory_space<vmem>>, vector<1x1x16xf32>,
      %swap3A_691 = vector.shape_cast %swap3A_690 : vector<1x1x16xf32> to vector<16xf32>
      %swap3A_692 = vector.shape_cast %mul3A_685 : vector<16xf32> to vector<1x1x16xf32>
      tpu.vector_store %arg11[%swap3A_687, %swap3A_688, %swap3A_689], %swap3A_692 {strides = array<i32>} : memref<2x128x64xf32, #tpu.memory_space<vmem>>, vector<1x1x16xf32>,
      %get3A_693 = arith.constant 1 : i32
      %get3A_694 = arith.index_cast %get3A_693 : i32 to index
      %get3A_695 = arith.index_cast %scan3A_660 : i32 to index
      %get3A_696 = arith.constant 32 : index
      %get3A_697 = tpu.vector_load %arg11[%get3A_694, %get3A_695, %get3A_696] {strides = array<i32>} : memref<2x128x64xf32, #tpu.memory_space<vmem>>, vector<1x1x16xf32>,
      %get3A_698 = vector.shape_cast %get3A_697 : vector<1x1x16xf32> to vector<16xf32>
      %mul3A_699 = arith.mulf %get3A_698, %get3A_665 : vector<16xf32>
      %swap3A_700 = arith.constant 1 : i32
      %swap3A_701 = arith.index_cast %swap3A_700 : i32 to index
      %swap3A_702 = arith.index_cast %scan3A_660 : i32 to index
      %swap3A_703 = arith.constant 32 : index
      %swap3A_704 = tpu.vector_load %arg11[%swap3A_701, %swap3A_702, %swap3A_703] {strides = array<i32>} : memref<2x128x64xf32, #tpu.memory_space<vmem>>, vector<1x1x16xf32>,
      %swap3A_705 = vector.shape_cast %swap3A_704 : vector<1x1x16xf32> to vector<16xf32>
      %swap3A_706 = vector.shape_cast %mul3A_699 : vector<16xf32> to vector<1x1x16xf32>
      tpu.vector_store %arg11[%swap3A_701, %swap3A_702, %swap3A_703], %swap3A_706 {strides = array<i32>} : memref<2x128x64xf32, #tpu.memory_space<vmem>>, vector<1x1x16xf32>,
      %get3A_707 = arith.constant 1 : i32
      %get3A_708 = arith.index_cast %get3A_707 : i32 to index
      %get3A_709 = arith.index_cast %scan3A_660 : i32 to index
      %get3A_710 = arith.constant 48 : index
      %get3A_711 = tpu.vector_load %arg11[%get3A_708, %get3A_709, %get3A_710] {strides = array<i32>} : memref<2x128x64xf32, #tpu.memory_space<vmem>>, vector<1x1x16xf32>,
      %get3A_712 = vector.shape_cast %get3A_711 : vector<1x1x16xf32> to vector<16xf32>
      %mul3A_713 = arith.mulf %get3A_712, %get3A_665 : vector<16xf32>
      %swap3A_714 = arith.constant 1 : i32
      %swap3A_715 = arith.index_cast %swap3A_714 : i32 to index
      %swap3A_716 = arith.index_cast %scan3A_660 : i32 to index
      %swap3A_717 = arith.constant 48 : index
      %swap3A_718 = tpu.vector_load %arg11[%swap3A_715, %swap3A_716, %swap3A_717] {strides = array<i32>} : memref<2x128x64xf32, #tpu.memory_space<vmem>>, vector<1x1x16xf32>,
      %swap3A_719 = vector.shape_cast %swap3A_718 : vector<1x1x16xf32> to vector<16xf32>
      %swap3A_720 = vector.shape_cast %mul3A_713 : vector<16xf32> to vector<1x1x16xf32>
      tpu.vector_store %arg11[%swap3A_715, %swap3A_716, %swap3A_717], %swap3A_720 {strides = array<i32>} : memref<2x128x64xf32, #tpu.memory_space<vmem>>, vector<1x1x16xf32>,
    }
    %scan3A_332 = arith.constant 128 : i32
    %run_scoped3A_333 = arith.constant 1 : i32
    "tpu.region"() ({
      %run_scoped3A_660 = tpu.sem_alloc : memref<!tpu.dma_semaphore, #tpu.memory_space<semaphore_mem>>
      %dma_start3A_661 = arith.constant 0 : i32
      %dma_start3A_662 = arith.constant 0 : i32
      %dma_start3A_663 = tpu.memref_slice %arg11[%run_scoped3A_333, %dma_start3A_661, %dma_start3A_662] : memref<2x128x64xf32, #tpu.memory_space<vmem>> -> memref<1x128x64xf32, #tpu.memory_space<vmem>>
      %dma_start3A_664 = tpu.memref_squeeze %dma_start3A_663 : memref<1x128x64xf32, #tpu.memory_space<vmem>> -> memref<128x64xf32, #tpu.memory_space<vmem>>
      %dma_start3A_665 = arith.constant 0 : i32
      %dma_start3A_666 = tpu.memref_slice %arg7[%arg0, %add3A_266, %dma_start3A_665] : memref<2x10240x64xf32, #tpu.memory_space<hbm>> -> memref<1x128x64xf32, #tpu.memory_space<hbm>>
      %dma_start3A_667 = tpu.memref_squeeze %dma_start3A_666 : memref<1x128x64xf32, #tpu.memory_space<hbm>> -> memref<128x64xf32, #tpu.memory_space<hbm>>
      %dma_start3A_668 = arith.constant 0 : i32
      %dma_start3A_669 = tpu.memref_slice %arg7[%arg0, %add3A_266, %dma_start3A_668] : memref<2x10240x64xf32, #tpu.memory_space<hbm>> -> memref<1x128x64xf32, #tpu.memory_space<hbm>>
      %dma_start3A_670 = tpu.memref_squeeze %dma_start3A_669 : memref<1x128x64xf32, #tpu.memory_space<hbm>> -> memref<128x64xf32, #tpu.memory_space<hbm>>
      %dma_start3A_671 = arith.constant 0 : i32
      %dma_start3A_672 = arith.constant 0 : i32
      %dma_start3A_673 = tpu.memref_slice %arg11[%run_scoped3A_333, %dma_start3A_671, %dma_start3A_672] : memref<2x128x64xf32, #tpu.memory_space<vmem>> -> memref<1x128x64xf32, #tpu.memory_space<vmem>>
      %dma_start3A_674 = tpu.memref_squeeze %dma_start3A_673 : memref<1x128x64xf32, #tpu.memory_space<vmem>> -> memref<128x64xf32, #tpu.memory_space<vmem>>
      tpu.enqueue_dma source(%dma_start3A_674 : memref<128x64xf32, #tpu.memory_space<vmem>>) target(%dma_start3A_670 : memref<128x64xf32, #tpu.memory_space<hbm>>) target_semaphore(%run_scoped3A_660 : memref<!tpu.dma_semaphore, #tpu.memory_space<semaphore_mem>>)
      %dma_wait3A_675 = arith.constant 0 : i32
      %dma_wait3A_676 = arith.constant 0 : i32
      %dma_wait3A_677 = tpu.memref_slice %arg11[%run_scoped3A_333, %dma_wait3A_675, %dma_wait3A_676] : memref<2x128x64xf32, #tpu.memory_space<vmem>> -> memref<1x128x64xf32, #tpu.memory_space<vmem>>
      %dma_wait3A_678 = tpu.memref_squeeze %dma_wait3A_677 : memref<1x128x64xf32, #tpu.memory_space<vmem>> -> memref<128x64xf32, #tpu.memory_space<vmem>>
      %dma_wait3A_679 = arith.constant 0 : i32
      %dma_wait3A_680 = tpu.memref_slice %arg7[%arg0, %add3A_266, %dma_wait3A_679] : memref<2x10240x64xf32, #tpu.memory_space<hbm>> -> memref<1x128x64xf32, #tpu.memory_space<hbm>>
      %dma_wait3A_681 = tpu.memref_squeeze %dma_wait3A_680 : memref<1x128x64xf32, #tpu.memory_space<hbm>> -> memref<128x64xf32, #tpu.memory_space<hbm>>
      %dma_wait3A_682 = arith.constant 0 : i32
      %dma_wait3A_683 = tpu.memref_slice %arg7[%arg0, %add3A_266, %dma_wait3A_682] : memref<2x10240x64xf32, #tpu.memory_space<hbm>> -> memref<1x128x64xf32, #tpu.memory_space<hbm>>
      %dma_wait3A_684 = tpu.memref_squeeze %dma_wait3A_683 : memref<1x128x64xf32, #tpu.memory_space<hbm>> -> memref<128x64xf32, #tpu.memory_space<hbm>>
      %dma_wait3A_685 = arith.constant 0 : i32
      %dma_wait3A_686 = arith.constant 0 : i32
      %dma_wait3A_687 = tpu.memref_slice %arg11[%run_scoped3A_333, %dma_wait3A_685, %dma_wait3A_686] : memref<2x128x64xf32, #tpu.memory_space<vmem>> -> memref<1x128x64xf32, #tpu.memory_space<vmem>>
      %dma_wait3A_688 = tpu.memref_squeeze %dma_wait3A_687 : memref<1x128x64xf32, #tpu.memory_space<vmem>> -> memref<128x64xf32, #tpu.memory_space<vmem>>
      tpu.wait_dma2 semaphore(%run_scoped3A_660 : memref<!tpu.dma_semaphore, #tpu.memory_space<semaphore_mem>>) src(%dma_wait3A_688 : memref<128x64xf32, #tpu.memory_space<vmem>>) dst(%dma_wait3A_684 : memref<128x64xf32, #tpu.memory_space<hbm>>)
      tpu.yield
    }) : () -> ()
    %eq3A_334 = arith.constant 0 : i32
    %eq3A_335 = arith.cmpi eq, %arg0, %eq3A_334 : i32
    %convert_element_type3A_336 = arith.extui %eq3A_335 : i1 to i32
    %cond3A_337 = arith.constant 0 : i32
    %cond3A_338 = arith.cmpi ne, %convert_element_type3A_336, %cond3A_337 : i32
    scf.if %cond3A_338 {
      %run_scoped3A_660 = arith.constant 1 : i32
      "tpu.region"() ({
        %run_scoped3A_661 = tpu.sem_alloc : memref<!tpu.dma_semaphore, #tpu.memory_space<semaphore_mem>>
        %dma_start3A_662 = arith.constant 0 : i32
        %dma_start3A_663 = arith.constant 0 : i32
        %dma_start3A_664 = tpu.memref_slice %arg11[%run_scoped3A_660, %dma_start3A_662, %dma_start3A_663] : memref<2x128x64xf32, #tpu.memory_space<vmem>> -> memref<1x128x64xf32, #tpu.memory_space<vmem>>
        %dma_start3A_665 = tpu.memref_squeeze %dma_start3A_664 : memref<1x128x64xf32, #tpu.memory_space<vmem>> -> memref<128x64xf32, #tpu.memory_space<vmem>>
        %dma_start3A_666 = arith.constant 0 : i32
        %dma_start3A_667 = tpu.memref_slice %arg13[%add3A_266, %dma_start3A_666] : memref<10240x64xf32, #tpu.memory_space<vmem_shared>> -> memref<128x64xf32, #tpu.memory_space<vmem_shared>>
        %dma_start3A_668 = arith.constant 0 : i32
        %dma_start3A_669 = tpu.memref_slice %arg13[%add3A_266, %dma_start3A_668] : memref<10240x64xf32, #tpu.memory_space<vmem_shared>> -> memref<128x64xf32, #tpu.memory_space<vmem_shared>>
        %dma_start3A_670 = arith.constant 0 : i32
        %dma_start3A_671 = arith.constant 0 : i32
        %dma_start3A_672 = tpu.memref_slice %arg11[%run_scoped3A_660, %dma_start3A_670, %dma_start3A_671] : memref<2x128x64xf32, #tpu.memory_space<vmem>> -> memref<1x128x64xf32, #tpu.memory_space<vmem>>
        %dma_start3A_673 = tpu.memref_squeeze %dma_start3A_672 : memref<1x128x64xf32, #tpu.memory_space<vmem>> -> memref<128x64xf32, #tpu.memory_space<vmem>>
        tpu.enqueue_dma source(%dma_start3A_673 : memref<128x64xf32, #tpu.memory_space<vmem>>) target(%dma_start3A_669 : memref<128x64xf32, #tpu.memory_space<vmem_shared>>) target_semaphore(%run_scoped3A_661 : memref<!tpu.dma_semaphore, #tpu.memory_space<semaphore_mem>>)
        %dma_wait3A_674 = arith.constant 0 : i32
        %dma_wait3A_675 = arith.constant 0 : i32
        %dma_wait3A_676 = tpu.memref_slice %arg11[%run_scoped3A_660, %dma_wait3A_674, %dma_wait3A_675] : memref<2x128x64xf32, #tpu.memory_space<vmem>> -> memref<1x128x64xf32, #tpu.memory_space<vmem>>
        %dma_wait3A_677 = tpu.memref_squeeze %dma_wait3A_676 : memref<1x128x64xf32, #tpu.memory_space<vmem>> -> memref<128x64xf32, #tpu.memory_space<vmem>>
        %dma_wait3A_678 = arith.constant 0 : i32
        %dma_wait3A_679 = tpu.memref_slice %arg13[%add3A_266, %dma_wait3A_678] : memref<10240x64xf32, #tpu.memory_space<vmem_shared>> -> memref<128x64xf32, #tpu.memory_space<vmem_shared>>
        %dma_wait3A_680 = arith.constant 0 : i32
        %dma_wait3A_681 = tpu.memref_slice %arg13[%add3A_266, %dma_wait3A_680] : memref<10240x64xf32, #tpu.memory_space<vmem_shared>> -> memref<128x64xf32, #tpu.memory_space<vmem_shared>>
        %dma_wait3A_682 = arith.constant 0 : i32
        %dma_wait3A_683 = arith.constant 0 : i32
        %dma_wait3A_684 = tpu.memref_slice %arg11[%run_scoped3A_660, %dma_wait3A_682, %dma_wait3A_683] : memref<2x128x64xf32, #tpu.memory_space<vmem>> -> memref<1x128x64xf32, #tpu.memory_space<vmem>>
        %dma_wait3A_685 = tpu.memref_squeeze %dma_wait3A_684 : memref<1x128x64xf32, #tpu.memory_space<vmem>> -> memref<128x64xf32, #tpu.memory_space<vmem>>
        tpu.wait_dma2 semaphore(%run_scoped3A_661 : memref<!tpu.dma_semaphore, #tpu.memory_space<semaphore_mem>>) src(%dma_wait3A_685 : memref<128x64xf32, #tpu.memory_space<vmem>>) dst(%dma_wait3A_681 : memref<128x64xf32, #tpu.memory_space<vmem_shared>>)
        tpu.yield
      }) : () -> ()
    } else {
    }
    %mul3A_339 = arith.constant 640 : i32
    %mul3A_340 = arith.muli %arg1, %mul3A_339 : i32
    %add3A_341 = arith.constant 512 : i32
    %add3A_342 = arith.addi %mul3A_340, %add3A_341 : i32
    %mul3A_343 = arith.constant 640 : i32
    %mul3A_344 = arith.muli %arg1, %mul3A_343 : i32
    %add3A_345 = arith.constant 512 : i32
    %add3A_346 = arith.addi %mul3A_344, %add3A_345 : i32
    %dma_wait3A_347 = arith.constant 0 : i32
    %dma_wait3A_348 = arith.constant 0 : i32
    %dma_wait3A_349 = arith.constant 0 : i32
    %dma_wait3A_350 = tpu.memref_slice %arg11[%dma_wait3A_347, %dma_wait3A_348, %dma_wait3A_349] : memref<2x128x64xf32, #tpu.memory_space<vmem>> -> memref<1x128x64xf32, #tpu.memory_space<vmem>>
    %dma_wait3A_351 = tpu.memref_squeeze %dma_wait3A_350 : memref<1x128x64xf32, #tpu.memory_space<vmem>> -> memref<128x64xf32, #tpu.memory_space<vmem>>
    %dma_wait3A_352 = arith.constant 0 : i32
    %dma_wait3A_353 = tpu.memref_slice %arg2[%add3A_346, %dma_wait3A_352] : memref<10240x64xf32, #tpu.memory_space<hbm>> -> memref<128x64xf32, #tpu.memory_space<hbm>>
    %dma_wait3A_354 = arith.constant 0 : i32
    %dma_wait3A_355 = arith.constant 0 : i32
    %dma_wait3A_356 = tpu.memref_slice %arg11[%dma_wait3A_347, %dma_wait3A_354, %dma_wait3A_355] : memref<2x128x64xf32, #tpu.memory_space<vmem>> -> memref<1x128x64xf32, #tpu.memory_space<vmem>>
    %dma_wait3A_357 = tpu.memref_squeeze %dma_wait3A_356 : memref<1x128x64xf32, #tpu.memory_space<vmem>> -> memref<128x64xf32, #tpu.memory_space<vmem>>
    %dma_wait3A_358 = arith.constant 0 : i32
    %dma_wait3A_359 = tpu.memref_slice %arg2[%add3A_346, %dma_wait3A_358] : memref<10240x64xf32, #tpu.memory_space<hbm>> -> memref<128x64xf32, #tpu.memory_space<hbm>>
    tpu.wait_dma2 semaphore(%arg14 : memref<!tpu.dma_semaphore, #tpu.memory_space<semaphore_mem>>) src(%dma_wait3A_359 : memref<128x64xf32, #tpu.memory_space<hbm>>) dst(%dma_wait3A_357 : memref<128x64xf32, #tpu.memory_space<vmem>>)
    %dma_wait3A_360 = arith.constant 0 : i32
    %dma_wait3A_361 = arith.constant 0 : i32
    %dma_wait3A_362 = arith.constant 0 : i32
    %dma_wait3A_363 = tpu.memref_slice %arg12[%dma_wait3A_360, %dma_wait3A_361, %dma_wait3A_362] : memref<2x128x16xf32, #tpu.memory_space<vmem>> -> memref<1x128x16xf32, #tpu.memory_space<vmem>>
    %dma_wait3A_364 = tpu.memref_squeeze %dma_wait3A_363 : memref<1x128x16xf32, #tpu.memory_space<vmem>> -> memref<128x16xf32, #tpu.memory_space<vmem>>
    %dma_wait3A_365 = arith.constant 0 : i32
    %dma_wait3A_366 = tpu.memref_slice %arg3[%add3A_346, %dma_wait3A_365] : memref<10240x16xf32, #tpu.memory_space<hbm>> -> memref<128x16xf32, #tpu.memory_space<hbm>>
    %dma_wait3A_367 = arith.constant 0 : i32
    %dma_wait3A_368 = arith.constant 0 : i32
    %dma_wait3A_369 = tpu.memref_slice %arg12[%dma_wait3A_360, %dma_wait3A_367, %dma_wait3A_368] : memref<2x128x16xf32, #tpu.memory_space<vmem>> -> memref<1x128x16xf32, #tpu.memory_space<vmem>>
    %dma_wait3A_370 = tpu.memref_squeeze %dma_wait3A_369 : memref<1x128x16xf32, #tpu.memory_space<vmem>> -> memref<128x16xf32, #tpu.memory_space<vmem>>
    %dma_wait3A_371 = arith.constant 0 : i32
    %dma_wait3A_372 = tpu.memref_slice %arg3[%add3A_346, %dma_wait3A_371] : memref<10240x16xf32, #tpu.memory_space<hbm>> -> memref<128x16xf32, #tpu.memory_space<hbm>>
    tpu.wait_dma2 semaphore(%arg14 : memref<!tpu.dma_semaphore, #tpu.memory_space<semaphore_mem>>) src(%dma_wait3A_372 : memref<128x16xf32, #tpu.memory_space<hbm>>) dst(%dma_wait3A_370 : memref<128x16xf32, #tpu.memory_space<vmem>>)
    %scan3A_373 = arith.constant 0 : i32
    %scan3A_374 = arith.constant 0 : i32
    %scan3A_375 = arith.constant 128 : i32
    %scan3A_376 = arith.addi %scan3A_374, %scan3A_375 : i32
    %scan3A_377 = arith.constant 1 : i32
    scf.for %scan3A_660 = %scan3A_374 to %scan3A_376 step %scan3A_377  : i32 {
      %get3A = arith.constant 0 : i32
      %get3A_661 = arith.index_cast %get3A : i32 to index
      %get3A_662 = arith.index_cast %scan3A_660 : i32 to index
      %get3A_663 = arith.constant 0 : index
      %get3A_664 = tpu.vector_load %arg12[%get3A_661, %get3A_662, %get3A_663] {strides = array<i32>} : memref<2x128x16xf32, #tpu.memory_space<vmem>>, vector<1x1x16xf32>,
      %get3A_665 = vector.shape_cast %get3A_664 : vector<1x1x16xf32> to vector<16xf32>
      %get3A_666 = arith.constant 0 : i32
      %get3A_667 = arith.index_cast %get3A_666 : i32 to index
      %get3A_668 = arith.index_cast %scan3A_660 : i32 to index
      %get3A_669 = arith.constant 0 : index
      %get3A_670 = tpu.vector_load %arg11[%get3A_667, %get3A_668, %get3A_669] {strides = array<i32>} : memref<2x128x64xf32, #tpu.memory_space<vmem>>, vector<1x1x16xf32>,
      %get3A_671 = vector.shape_cast %get3A_670 : vector<1x1x16xf32> to vector<16xf32>
      %mul3A_672 = arith.mulf %get3A_671, %get3A_665 : vector<16xf32>
      %swap3A = arith.constant 0 : i32
      %swap3A_673 = arith.index_cast %swap3A : i32 to index
      %swap3A_674 = arith.index_cast %scan3A_660 : i32 to index
      %swap3A_675 = arith.constant 0 : index
      %swap3A_676 = tpu.vector_load %arg11[%swap3A_673, %swap3A_674, %swap3A_675] {strides = array<i32>} : memref<2x128x64xf32, #tpu.memory_space<vmem>>, vector<1x1x16xf32>,
      %swap3A_677 = vector.shape_cast %swap3A_676 : vector<1x1x16xf32> to vector<16xf32>
      %swap3A_678 = vector.shape_cast %mul3A_672 : vector<16xf32> to vector<1x1x16xf32>
      tpu.vector_store %arg11[%swap3A_673, %swap3A_674, %swap3A_675], %swap3A_678 {strides = array<i32>} : memref<2x128x64xf32, #tpu.memory_space<vmem>>, vector<1x1x16xf32>,
      %get3A_679 = arith.constant 0 : i32
      %get3A_680 = arith.index_cast %get3A_679 : i32 to index
      %get3A_681 = arith.index_cast %scan3A_660 : i32 to index
      %get3A_682 = arith.constant 16 : index
      %get3A_683 = tpu.vector_load %arg11[%get3A_680, %get3A_681, %get3A_682] {strides = array<i32>} : memref<2x128x64xf32, #tpu.memory_space<vmem>>, vector<1x1x16xf32>,
      %get3A_684 = vector.shape_cast %get3A_683 : vector<1x1x16xf32> to vector<16xf32>
      %mul3A_685 = arith.mulf %get3A_684, %get3A_665 : vector<16xf32>
      %swap3A_686 = arith.constant 0 : i32
      %swap3A_687 = arith.index_cast %swap3A_686 : i32 to index
      %swap3A_688 = arith.index_cast %scan3A_660 : i32 to index
      %swap3A_689 = arith.constant 16 : index
      %swap3A_690 = tpu.vector_load %arg11[%swap3A_687, %swap3A_688, %swap3A_689] {strides = array<i32>} : memref<2x128x64xf32, #tpu.memory_space<vmem>>, vector<1x1x16xf32>,
      %swap3A_691 = vector.shape_cast %swap3A_690 : vector<1x1x16xf32> to vector<16xf32>
      %swap3A_692 = vector.shape_cast %mul3A_685 : vector<16xf32> to vector<1x1x16xf32>
      tpu.vector_store %arg11[%swap3A_687, %swap3A_688, %swap3A_689], %swap3A_692 {strides = array<i32>} : memref<2x128x64xf32, #tpu.memory_space<vmem>>, vector<1x1x16xf32>,
      %get3A_693 = arith.constant 0 : i32
      %get3A_694 = arith.index_cast %get3A_693 : i32 to index
      %get3A_695 = arith.index_cast %scan3A_660 : i32 to index
      %get3A_696 = arith.constant 32 : index
      %get3A_697 = tpu.vector_load %arg11[%get3A_694, %get3A_695, %get3A_696] {strides = array<i32>} : memref<2x128x64xf32, #tpu.memory_space<vmem>>, vector<1x1x16xf32>,
      %get3A_698 = vector.shape_cast %get3A_697 : vector<1x1x16xf32> to vector<16xf32>
      %mul3A_699 = arith.mulf %get3A_698, %get3A_665 : vector<16xf32>
      %swap3A_700 = arith.constant 0 : i32
      %swap3A_701 = arith.index_cast %swap3A_700 : i32 to index
      %swap3A_702 = arith.index_cast %scan3A_660 : i32 to index
      %swap3A_703 = arith.constant 32 : index
      %swap3A_704 = tpu.vector_load %arg11[%swap3A_701, %swap3A_702, %swap3A_703] {strides = array<i32>} : memref<2x128x64xf32, #tpu.memory_space<vmem>>, vector<1x1x16xf32>,
      %swap3A_705 = vector.shape_cast %swap3A_704 : vector<1x1x16xf32> to vector<16xf32>
      %swap3A_706 = vector.shape_cast %mul3A_699 : vector<16xf32> to vector<1x1x16xf32>
      tpu.vector_store %arg11[%swap3A_701, %swap3A_702, %swap3A_703], %swap3A_706 {strides = array<i32>} : memref<2x128x64xf32, #tpu.memory_space<vmem>>, vector<1x1x16xf32>,
      %get3A_707 = arith.constant 0 : i32
      %get3A_708 = arith.index_cast %get3A_707 : i32 to index
      %get3A_709 = arith.index_cast %scan3A_660 : i32 to index
      %get3A_710 = arith.constant 48 : index
      %get3A_711 = tpu.vector_load %arg11[%get3A_708, %get3A_709, %get3A_710] {strides = array<i32>} : memref<2x128x64xf32, #tpu.memory_space<vmem>>, vector<1x1x16xf32>,
      %get3A_712 = vector.shape_cast %get3A_711 : vector<1x1x16xf32> to vector<16xf32>
      %mul3A_713 = arith.mulf %get3A_712, %get3A_665 : vector<16xf32>
      %swap3A_714 = arith.constant 0 : i32
      %swap3A_715 = arith.index_cast %swap3A_714 : i32 to index
      %swap3A_716 = arith.index_cast %scan3A_660 : i32 to index
      %swap3A_717 = arith.constant 48 : index
      %swap3A_718 = tpu.vector_load %arg11[%swap3A_715, %swap3A_716, %swap3A_717] {strides = array<i32>} : memref<2x128x64xf32, #tpu.memory_space<vmem>>, vector<1x1x16xf32>,
      %swap3A_719 = vector.shape_cast %swap3A_718 : vector<1x1x16xf32> to vector<16xf32>
      %swap3A_720 = vector.shape_cast %mul3A_713 : vector<16xf32> to vector<1x1x16xf32>
      tpu.vector_store %arg11[%swap3A_715, %swap3A_716, %swap3A_717], %swap3A_720 {strides = array<i32>} : memref<2x128x64xf32, #tpu.memory_space<vmem>>, vector<1x1x16xf32>,
    }
    %scan3A_378 = arith.constant 128 : i32
    %run_scoped3A_379 = arith.constant 0 : i32
    "tpu.region"() ({
      %run_scoped3A_660 = tpu.sem_alloc : memref<!tpu.dma_semaphore, #tpu.memory_space<semaphore_mem>>
      %dma_start3A_661 = arith.constant 0 : i32
      %dma_start3A_662 = arith.constant 0 : i32
      %dma_start3A_663 = tpu.memref_slice %arg11[%run_scoped3A_379, %dma_start3A_661, %dma_start3A_662] : memref<2x128x64xf32, #tpu.memory_space<vmem>> -> memref<1x128x64xf32, #tpu.memory_space<vmem>>
      %dma_start3A_664 = tpu.memref_squeeze %dma_start3A_663 : memref<1x128x64xf32, #tpu.memory_space<vmem>> -> memref<128x64xf32, #tpu.memory_space<vmem>>
      %dma_start3A_665 = arith.constant 0 : i32
      %dma_start3A_666 = tpu.memref_slice %arg7[%arg0, %add3A_342, %dma_start3A_665] : memref<2x10240x64xf32, #tpu.memory_space<hbm>> -> memref<1x128x64xf32, #tpu.memory_space<hbm>>
      %dma_start3A_667 = tpu.memref_squeeze %dma_start3A_666 : memref<1x128x64xf32, #tpu.memory_space<hbm>> -> memref<128x64xf32, #tpu.memory_space<hbm>>
      %dma_start3A_668 = arith.constant 0 : i32
      %dma_start3A_669 = tpu.memref_slice %arg7[%arg0, %add3A_342, %dma_start3A_668] : memref<2x10240x64xf32, #tpu.memory_space<hbm>> -> memref<1x128x64xf32, #tpu.memory_space<hbm>>
      %dma_start3A_670 = tpu.memref_squeeze %dma_start3A_669 : memref<1x128x64xf32, #tpu.memory_space<hbm>> -> memref<128x64xf32, #tpu.memory_space<hbm>>
      %dma_start3A_671 = arith.constant 0 : i32
      %dma_start3A_672 = arith.constant 0 : i32
      %dma_start3A_673 = tpu.memref_slice %arg11[%run_scoped3A_379, %dma_start3A_671, %dma_start3A_672] : memref<2x128x64xf32, #tpu.memory_space<vmem>> -> memref<1x128x64xf32, #tpu.memory_space<vmem>>
      %dma_start3A_674 = tpu.memref_squeeze %dma_start3A_673 : memref<1x128x64xf32, #tpu.memory_space<vmem>> -> memref<128x64xf32, #tpu.memory_space<vmem>>
      tpu.enqueue_dma source(%dma_start3A_674 : memref<128x64xf32, #tpu.memory_space<vmem>>) target(%dma_start3A_670 : memref<128x64xf32, #tpu.memory_space<hbm>>) target_semaphore(%run_scoped3A_660 : memref<!tpu.dma_semaphore, #tpu.memory_space<semaphore_mem>>)
      %dma_wait3A_675 = arith.constant 0 : i32
      %dma_wait3A_676 = arith.constant 0 : i32
      %dma_wait3A_677 = tpu.memref_slice %arg11[%run_scoped3A_379, %dma_wait3A_675, %dma_wait3A_676] : memref<2x128x64xf32, #tpu.memory_space<vmem>> -> memref<1x128x64xf32, #tpu.memory_space<vmem>>
      %dma_wait3A_678 = tpu.memref_squeeze %dma_wait3A_677 : memref<1x128x64xf32, #tpu.memory_space<vmem>> -> memref<128x64xf32, #tpu.memory_space<vmem>>
      %dma_wait3A_679 = arith.constant 0 : i32
      %dma_wait3A_680 = tpu.memref_slice %arg7[%arg0, %add3A_342, %dma_wait3A_679] : memref<2x10240x64xf32, #tpu.memory_space<hbm>> -> memref<1x128x64xf32, #tpu.memory_space<hbm>>
      %dma_wait3A_681 = tpu.memref_squeeze %dma_wait3A_680 : memref<1x128x64xf32, #tpu.memory_space<hbm>> -> memref<128x64xf32, #tpu.memory_space<hbm>>
      %dma_wait3A_682 = arith.constant 0 : i32
      %dma_wait3A_683 = tpu.memref_slice %arg7[%arg0, %add3A_342, %dma_wait3A_682] : memref<2x10240x64xf32, #tpu.memory_space<hbm>> -> memref<1x128x64xf32, #tpu.memory_space<hbm>>
      %dma_wait3A_684 = tpu.memref_squeeze %dma_wait3A_683 : memref<1x128x64xf32, #tpu.memory_space<hbm>> -> memref<128x64xf32, #tpu.memory_space<hbm>>
      %dma_wait3A_685 = arith.constant 0 : i32
      %dma_wait3A_686 = arith.constant 0 : i32
      %dma_wait3A_687 = tpu.memref_slice %arg11[%run_scoped3A_379, %dma_wait3A_685, %dma_wait3A_686] : memref<2x128x64xf32, #tpu.memory_space<vmem>> -> memref<1x128x64xf32, #tpu.memory_space<vmem>>
      %dma_wait3A_688 = tpu.memref_squeeze %dma_wait3A_687 : memref<1x128x64xf32, #tpu.memory_space<vmem>> -> memref<128x64xf32, #tpu.memory_space<vmem>>
      tpu.wait_dma2 semaphore(%run_scoped3A_660 : memref<!tpu.dma_semaphore, #tpu.memory_space<semaphore_mem>>) src(%dma_wait3A_688 : memref<128x64xf32, #tpu.memory_space<vmem>>) dst(%dma_wait3A_684 : memref<128x64xf32, #tpu.memory_space<hbm>>)
      tpu.yield
    }) : () -> ()
    %eq3A_380 = arith.constant 0 : i32
    %eq3A_381 = arith.cmpi eq, %arg0, %eq3A_380 : i32
    %convert_element_type3A_382 = arith.extui %eq3A_381 : i1 to i32
    %cond3A_383 = arith.constant 0 : i32
    %cond3A_384 = arith.cmpi ne, %convert_element_type3A_382, %cond3A_383 : i32
    scf.if %cond3A_384 {
      %run_scoped3A_660 = arith.constant 0 : i32
      "tpu.region"() ({
        %run_scoped3A_661 = tpu.sem_alloc : memref<!tpu.dma_semaphore, #tpu.memory_space<semaphore_mem>>
        %dma_start3A_662 = arith.constant 0 : i32
        %dma_start3A_663 = arith.constant 0 : i32
        %dma_start3A_664 = tpu.memref_slice %arg11[%run_scoped3A_660, %dma_start3A_662, %dma_start3A_663] : memref<2x128x64xf32, #tpu.memory_space<vmem>> -> memref<1x128x64xf32, #tpu.memory_space<vmem>>
        %dma_start3A_665 = tpu.memref_squeeze %dma_start3A_664 : memref<1x128x64xf32, #tpu.memory_space<vmem>> -> memref<128x64xf32, #tpu.memory_space<vmem>>
        %dma_start3A_666 = arith.constant 0 : i32
        %dma_start3A_667 = tpu.memref_slice %arg13[%add3A_342, %dma_start3A_666] : memref<10240x64xf32, #tpu.memory_space<vmem_shared>> -> memref<128x64xf32, #tpu.memory_space<vmem_shared>>
        %dma_start3A_668 = arith.constant 0 : i32
        %dma_start3A_669 = tpu.memref_slice %arg13[%add3A_342, %dma_start3A_668] : memref<10240x64xf32, #tpu.memory_space<vmem_shared>> -> memref<128x64xf32, #tpu.memory_space<vmem_shared>>
        %dma_start3A_670 = arith.constant 0 : i32
        %dma_start3A_671 = arith.constant 0 : i32
        %dma_start3A_672 = tpu.memref_slice %arg11[%run_scoped3A_660, %dma_start3A_670, %dma_start3A_671] : memref<2x128x64xf32, #tpu.memory_space<vmem>> -> memref<1x128x64xf32, #tpu.memory_space<vmem>>
        %dma_start3A_673 = tpu.memref_squeeze %dma_start3A_672 : memref<1x128x64xf32, #tpu.memory_space<vmem>> -> memref<128x64xf32, #tpu.memory_space<vmem>>
        tpu.enqueue_dma source(%dma_start3A_673 : memref<128x64xf32, #tpu.memory_space<vmem>>) target(%dma_start3A_669 : memref<128x64xf32, #tpu.memory_space<vmem_shared>>) target_semaphore(%run_scoped3A_661 : memref<!tpu.dma_semaphore, #tpu.memory_space<semaphore_mem>>)
        %dma_wait3A_674 = arith.constant 0 : i32
        %dma_wait3A_675 = arith.constant 0 : i32
        %dma_wait3A_676 = tpu.memref_slice %arg11[%run_scoped3A_660, %dma_wait3A_674, %dma_wait3A_675] : memref<2x128x64xf32, #tpu.memory_space<vmem>> -> memref<1x128x64xf32, #tpu.memory_space<vmem>>
        %dma_wait3A_677 = tpu.memref_squeeze %dma_wait3A_676 : memref<1x128x64xf32, #tpu.memory_space<vmem>> -> memref<128x64xf32, #tpu.memory_space<vmem>>
        %dma_wait3A_678 = arith.constant 0 : i32
        %dma_wait3A_679 = tpu.memref_slice %arg13[%add3A_342, %dma_wait3A_678] : memref<10240x64xf32, #tpu.memory_space<vmem_shared>> -> memref<128x64xf32, #tpu.memory_space<vmem_shared>>
        %dma_wait3A_680 = arith.constant 0 : i32
        %dma_wait3A_681 = tpu.memref_slice %arg13[%add3A_342, %dma_wait3A_680] : memref<10240x64xf32, #tpu.memory_space<vmem_shared>> -> memref<128x64xf32, #tpu.memory_space<vmem_shared>>
        %dma_wait3A_682 = arith.constant 0 : i32
        %dma_wait3A_683 = arith.constant 0 : i32
        %dma_wait3A_684 = tpu.memref_slice %arg11[%run_scoped3A_660, %dma_wait3A_682, %dma_wait3A_683] : memref<2x128x64xf32, #tpu.memory_space<vmem>> -> memref<1x128x64xf32, #tpu.memory_space<vmem>>
        %dma_wait3A_685 = tpu.memref_squeeze %dma_wait3A_684 : memref<1x128x64xf32, #tpu.memory_space<vmem>> -> memref<128x64xf32, #tpu.memory_space<vmem>>
        tpu.wait_dma2 semaphore(%run_scoped3A_661 : memref<!tpu.dma_semaphore, #tpu.memory_space<semaphore_mem>>) src(%dma_wait3A_685 : memref<128x64xf32, #tpu.memory_space<vmem>>) dst(%dma_wait3A_681 : memref<128x64xf32, #tpu.memory_space<vmem_shared>>)
        tpu.yield
      }) : () -> ()
    } else {
    }
    %ne3A = arith.constant 0 : i32
    %ne3A_385 = arith.cmpi ne, %arg0, %ne3A : i32
    %convert_element_type3A_386 = arith.extui %ne3A_385 : i1 to i32
    %cond3A_387 = arith.constant 0 : i32
    %cond3A_388 = arith.cmpi ne, %convert_element_type3A_386, %cond3A_387 : i32
    scf.if %cond3A_388 {
      %mul3A_660 = arith.constant 640 : i32
      %mul3A_661 = arith.muli %arg1, %mul3A_660 : i32
      "tpu.region"() ({
        %run_scoped3A_662 = tpu.sem_alloc : memref<!tpu.dma_semaphore, #tpu.memory_space<semaphore_mem>>
        %dma_start3A_663 = arith.constant 0 : i32
        %dma_start3A_664 = tpu.memref_slice %arg13[%mul3A_661, %dma_start3A_663] : memref<10240x64xf32, #tpu.memory_space<vmem_shared>> -> memref<640x64xf32, #tpu.memory_space<vmem_shared>>
        tpu.enqueue_dma source(%arg5 : memref<640x64xf32, #tpu.memory_space<hbm>>) target(%dma_start3A_664 : memref<640x64xf32, #tpu.memory_space<vmem_shared>>) target_semaphore(%run_scoped3A_662 : memref<!tpu.dma_semaphore, #tpu.memory_space<semaphore_mem>>)
        %dma_wait3A_665 = arith.constant 0 : i32
        %dma_wait3A_666 = tpu.memref_slice %arg13[%mul3A_661, %dma_wait3A_665] : memref<10240x64xf32, #tpu.memory_space<vmem_shared>> -> memref<640x64xf32, #tpu.memory_space<vmem_shared>>
        tpu.wait_dma2 semaphore(%run_scoped3A_662 : memref<!tpu.dma_semaphore, #tpu.memory_space<semaphore_mem>>) src(%arg5 : memref<640x64xf32, #tpu.memory_space<hbm>>) dst(%dma_wait3A_666 : memref<640x64xf32, #tpu.memory_space<vmem_shared>>)
        tpu.yield
      }) : () -> ()
    } else {
    }
    %barrier3A = arith.constant 0 : index
    tpu.barrier barrier_id(%barrier3A)
    %rem3A = arith.constant 0 : i32
    %rem3A_389 = arith.constant 4 : i32
    %rem3A_390 = arith.remsi %rem3A, %rem3A_389 : i32
    %dma_start3A_391 = arith.constant 0 : i32
    %dma_start3A_392 = arith.constant 0 : i32
    %dma_start3A_393 = arith.constant 0 : i32
    %dma_start3A_394 = tpu.memref_slice %arg10[%rem3A_390, %dma_start3A_392, %dma_start3A_393] : memref<4x128x64xf32, #tpu.memory_space<vmem>> -> memref<1x128x64xf32, #tpu.memory_space<vmem>>
    %dma_start3A_395 = tpu.memref_squeeze %dma_start3A_394 : memref<1x128x64xf32, #tpu.memory_space<vmem>> -> memref<128x64xf32, #tpu.memory_space<vmem>>
    %dma_start3A_396 = arith.constant 0 : i32
    %dma_start3A_397 = tpu.memref_slice %arg8[%dma_start3A_391, %dma_start3A_396] : memref<79x128xi32, #tpu.memory_space<vmem>> -> memref<1x128xi32, #tpu.memory_space<vmem>>
    %dma_start3A_398 = tpu.memref_squeeze %dma_start3A_397 : memref<1x128xi32, #tpu.memory_space<vmem>> -> memref<128xi32, #tpu.memory_space<vmem>>
    %dma_start3A_399 = arith.constant 0 : i32
    %dma_start3A_400 = arith.constant 0 : i32
    %dma_start3A_401 = tpu.memref_slice %arg7[%arg0, %dma_start3A_399, %dma_start3A_400] : memref<2x10240x64xf32, #tpu.memory_space<hbm>> -> memref<1x10240x64xf32, #tpu.memory_space<hbm>>
    %dma_start3A_402 = tpu.memref_squeeze %dma_start3A_401 : memref<1x10240x64xf32, #tpu.memory_space<hbm>> -> memref<10240x64xf32, #tpu.memory_space<hbm>>
    %dma_start3A_403 = arith.constant 0 : i32
    %dma_start3A_404 = arith.constant 0 : i32
    %dma_start3A_405 = tpu.memref_slice %dma_start3A_402[%dma_start3A_403, %dma_start3A_404] : memref<10240x64xf32, #tpu.memory_space<hbm>> -> memref<10240x64xf32, #tpu.memory_space<hbm>>
    tpu.enqueue_indirect_dma source(%dma_start3A_405 : memref<10240x64xf32, #tpu.memory_space<hbm>>) target(%dma_start3A_395 : memref<128x64xf32, #tpu.memory_space<vmem>>) offsets(%dma_start3A_398 : memref<128xi32, #tpu.memory_space<vmem>>) semaphore(%arg14 : memref<!tpu.dma_semaphore, #tpu.memory_space<semaphore_mem>>)
    %rem3A_406 = arith.constant 1 : i32
    %rem3A_407 = arith.constant 4 : i32
    %rem3A_408 = arith.remsi %rem3A_406, %rem3A_407 : i32
    %dma_start3A_409 = arith.constant 1 : i32
    %dma_start3A_410 = arith.constant 0 : i32
    %dma_start3A_411 = arith.constant 0 : i32
    %dma_start3A_412 = tpu.memref_slice %arg10[%rem3A_408, %dma_start3A_410, %dma_start3A_411] : memref<4x128x64xf32, #tpu.memory_space<vmem>> -> memref<1x128x64xf32, #tpu.memory_space<vmem>>
    %dma_start3A_413 = tpu.memref_squeeze %dma_start3A_412 : memref<1x128x64xf32, #tpu.memory_space<vmem>> -> memref<128x64xf32, #tpu.memory_space<vmem>>
    %dma_start3A_414 = arith.constant 0 : i32
    %dma_start3A_415 = tpu.memref_slice %arg8[%dma_start3A_409, %dma_start3A_414] : memref<79x128xi32, #tpu.memory_space<vmem>> -> memref<1x128xi32, #tpu.memory_space<vmem>>
    %dma_start3A_416 = tpu.memref_squeeze %dma_start3A_415 : memref<1x128xi32, #tpu.memory_space<vmem>> -> memref<128xi32, #tpu.memory_space<vmem>>
    %dma_start3A_417 = arith.constant 0 : i32
    %dma_start3A_418 = arith.constant 0 : i32
    %dma_start3A_419 = tpu.memref_slice %arg7[%arg0, %dma_start3A_417, %dma_start3A_418] : memref<2x10240x64xf32, #tpu.memory_space<hbm>> -> memref<1x10240x64xf32, #tpu.memory_space<hbm>>
    %dma_start3A_420 = tpu.memref_squeeze %dma_start3A_419 : memref<1x10240x64xf32, #tpu.memory_space<hbm>> -> memref<10240x64xf32, #tpu.memory_space<hbm>>
    %dma_start3A_421 = arith.constant 0 : i32
    %dma_start3A_422 = arith.constant 0 : i32
    %dma_start3A_423 = tpu.memref_slice %dma_start3A_420[%dma_start3A_421, %dma_start3A_422] : memref<10240x64xf32, #tpu.memory_space<hbm>> -> memref<10240x64xf32, #tpu.memory_space<hbm>>
    tpu.enqueue_indirect_dma source(%dma_start3A_423 : memref<10240x64xf32, #tpu.memory_space<hbm>>) target(%dma_start3A_413 : memref<128x64xf32, #tpu.memory_space<vmem>>) offsets(%dma_start3A_416 : memref<128xi32, #tpu.memory_space<vmem>>) semaphore(%arg14 : memref<!tpu.dma_semaphore, #tpu.memory_space<semaphore_mem>>)
    %rem3A_424 = arith.constant 0 : i32
    %rem3A_425 = arith.constant 4 : i32
    %rem3A_426 = arith.remsi %rem3A_424, %rem3A_425 : i32
    %dma_wait3A_427 = arith.constant 0 : i32
    %dma_wait3A_428 = arith.constant 0 : i32
    %dma_wait3A_429 = arith.constant 0 : i32
    %dma_wait3A_430 = tpu.memref_slice %arg10[%rem3A_426, %dma_wait3A_428, %dma_wait3A_429] : memref<4x128x64xf32, #tpu.memory_space<vmem>> -> memref<1x128x64xf32, #tpu.memory_space<vmem>>
    %dma_wait3A_431 = tpu.memref_squeeze %dma_wait3A_430 : memref<1x128x64xf32, #tpu.memory_space<vmem>> -> memref<128x64xf32, #tpu.memory_space<vmem>>
    %dma_wait3A_432 = arith.constant 0 : i32
    %dma_wait3A_433 = tpu.memref_slice %arg8[%dma_wait3A_427, %dma_wait3A_432] : memref<79x128xi32, #tpu.memory_space<vmem>> -> memref<1x128xi32, #tpu.memory_space<vmem>>
    %dma_wait3A_434 = tpu.memref_squeeze %dma_wait3A_433 : memref<1x128xi32, #tpu.memory_space<vmem>> -> memref<128xi32, #tpu.memory_space<vmem>>
    %dma_wait3A_435 = arith.constant 0 : i32
    %dma_wait3A_436 = arith.constant 0 : i32
    %dma_wait3A_437 = tpu.memref_slice %arg7[%arg0, %dma_wait3A_435, %dma_wait3A_436] : memref<2x10240x64xf32, #tpu.memory_space<hbm>> -> memref<1x10240x64xf32, #tpu.memory_space<hbm>>
    %dma_wait3A_438 = tpu.memref_squeeze %dma_wait3A_437 : memref<1x10240x64xf32, #tpu.memory_space<hbm>> -> memref<10240x64xf32, #tpu.memory_space<hbm>>
    %dma_wait3A_439 = arith.constant 0 : i32
    %dma_wait3A_440 = arith.constant 0 : i32
    %dma_wait3A_441 = tpu.memref_slice %dma_wait3A_438[%dma_wait3A_439, %dma_wait3A_440] : memref<10240x64xf32, #tpu.memory_space<hbm>> -> memref<10240x64xf32, #tpu.memory_space<hbm>>
    tpu.wait_indirect_dma semaphore(%arg14 : memref<!tpu.dma_semaphore, #tpu.memory_space<semaphore_mem>>) src(%dma_wait3A_441 : memref<10240x64xf32, #tpu.memory_space<hbm>>) dst(%dma_wait3A_431 : memref<128x64xf32, #tpu.memory_space<vmem>>)
    %rem3A_442 = arith.constant 0 : i32
    %rem3A_443 = arith.constant 4 : i32
    %rem3A_444 = arith.remsi %rem3A_442, %rem3A_443 : i32
    %dma_start3A_445 = arith.constant 0 : i32
    %dma_start3A_446 = arith.constant 0 : i32
    %dma_start3A_447 = arith.constant 0 : i32
    %dma_start3A_448 = tpu.memref_slice %arg10[%rem3A_444, %dma_start3A_446, %dma_start3A_447] : memref<4x128x64xf32, #tpu.memory_space<vmem>> -> memref<1x128x64xf32, #tpu.memory_space<vmem>>
    %dma_start3A_449 = tpu.memref_squeeze %dma_start3A_448 : memref<1x128x64xf32, #tpu.memory_space<vmem>> -> memref<128x64xf32, #tpu.memory_space<vmem>>
    %dma_start3A_450 = arith.constant 0 : i32
    %dma_start3A_451 = tpu.memref_slice %arg9[%dma_start3A_445, %dma_start3A_450] : memref<79x128xi32, #tpu.memory_space<vmem>> -> memref<1x128xi32, #tpu.memory_space<vmem>>
    %dma_start3A_452 = tpu.memref_squeeze %dma_start3A_451 : memref<1x128xi32, #tpu.memory_space<vmem>> -> memref<128xi32, #tpu.memory_space<vmem>>
    %dma_start3A_453 = arith.constant 0 : i32
    %dma_start3A_454 = arith.constant 0 : i32
    %dma_start3A_455 = tpu.memref_slice %arg13[%dma_start3A_453, %dma_start3A_454] : memref<10240x64xf32, #tpu.memory_space<vmem_shared>> -> memref<10240x64xf32, #tpu.memory_space<vmem_shared>>
    tpu.enqueue_indirect_dma source(%dma_start3A_449 : memref<128x64xf32, #tpu.memory_space<vmem>>) target(%dma_start3A_455 : memref<10240x64xf32, #tpu.memory_space<vmem_shared>>) offsets(%dma_start3A_452 : memref<128xi32, #tpu.memory_space<vmem>>) semaphore(%arg15 : memref<!tpu.dma_semaphore, #tpu.memory_space<semaphore_mem>>) {add = true}
    %rem3A_456 = arith.constant 2 : i32
    %rem3A_457 = arith.constant 4 : i32
    %rem3A_458 = arith.remsi %rem3A_456, %rem3A_457 : i32
    %dma_start3A_459 = arith.constant 2 : i32
    %dma_start3A_460 = arith.constant 0 : i32
    %dma_start3A_461 = arith.constant 0 : i32
    %dma_start3A_462 = tpu.memref_slice %arg10[%rem3A_458, %dma_start3A_460, %dma_start3A_461] : memref<4x128x64xf32, #tpu.memory_space<vmem>> -> memref<1x128x64xf32, #tpu.memory_space<vmem>>
    %dma_start3A_463 = tpu.memref_squeeze %dma_start3A_462 : memref<1x128x64xf32, #tpu.memory_space<vmem>> -> memref<128x64xf32, #tpu.memory_space<vmem>>
    %dma_start3A_464 = arith.constant 0 : i32
    %dma_start3A_465 = tpu.memref_slice %arg8[%dma_start3A_459, %dma_start3A_464] : memref<79x128xi32, #tpu.memory_space<vmem>> -> memref<1x128xi32, #tpu.memory_space<vmem>>
    %dma_start3A_466 = tpu.memref_squeeze %dma_start3A_465 : memref<1x128xi32, #tpu.memory_space<vmem>> -> memref<128xi32, #tpu.memory_space<vmem>>
    %dma_start3A_467 = arith.constant 0 : i32
    %dma_start3A_468 = arith.constant 0 : i32
    %dma_start3A_469 = tpu.memref_slice %arg7[%arg0, %dma_start3A_467, %dma_start3A_468] : memref<2x10240x64xf32, #tpu.memory_space<hbm>> -> memref<1x10240x64xf32, #tpu.memory_space<hbm>>
    %dma_start3A_470 = tpu.memref_squeeze %dma_start3A_469 : memref<1x10240x64xf32, #tpu.memory_space<hbm>> -> memref<10240x64xf32, #tpu.memory_space<hbm>>
    %dma_start3A_471 = arith.constant 0 : i32
    %dma_start3A_472 = arith.constant 0 : i32
    %dma_start3A_473 = tpu.memref_slice %dma_start3A_470[%dma_start3A_471, %dma_start3A_472] : memref<10240x64xf32, #tpu.memory_space<hbm>> -> memref<10240x64xf32, #tpu.memory_space<hbm>>
    tpu.enqueue_indirect_dma source(%dma_start3A_473 : memref<10240x64xf32, #tpu.memory_space<hbm>>) target(%dma_start3A_463 : memref<128x64xf32, #tpu.memory_space<vmem>>) offsets(%dma_start3A_466 : memref<128xi32, #tpu.memory_space<vmem>>) semaphore(%arg14 : memref<!tpu.dma_semaphore, #tpu.memory_space<semaphore_mem>>)
    %rem3A_474 = arith.constant 1 : i32
    %rem3A_475 = arith.constant 4 : i32
    %rem3A_476 = arith.remsi %rem3A_474, %rem3A_475 : i32
    %dma_wait3A_477 = arith.constant 1 : i32
    %dma_wait3A_478 = arith.constant 0 : i32
    %dma_wait3A_479 = arith.constant 0 : i32
    %dma_wait3A_480 = tpu.memref_slice %arg10[%rem3A_476, %dma_wait3A_478, %dma_wait3A_479] : memref<4x128x64xf32, #tpu.memory_space<vmem>> -> memref<1x128x64xf32, #tpu.memory_space<vmem>>
    %dma_wait3A_481 = tpu.memref_squeeze %dma_wait3A_480 : memref<1x128x64xf32, #tpu.memory_space<vmem>> -> memref<128x64xf32, #tpu.memory_space<vmem>>
    %dma_wait3A_482 = arith.constant 0 : i32
    %dma_wait3A_483 = tpu.memref_slice %arg8[%dma_wait3A_477, %dma_wait3A_482] : memref<79x128xi32, #tpu.memory_space<vmem>> -> memref<1x128xi32, #tpu.memory_space<vmem>>
    %dma_wait3A_484 = tpu.memref_squeeze %dma_wait3A_483 : memref<1x128xi32, #tpu.memory_space<vmem>> -> memref<128xi32, #tpu.memory_space<vmem>>
    %dma_wait3A_485 = arith.constant 0 : i32
    %dma_wait3A_486 = arith.constant 0 : i32
    %dma_wait3A_487 = tpu.memref_slice %arg7[%arg0, %dma_wait3A_485, %dma_wait3A_486] : memref<2x10240x64xf32, #tpu.memory_space<hbm>> -> memref<1x10240x64xf32, #tpu.memory_space<hbm>>
    %dma_wait3A_488 = tpu.memref_squeeze %dma_wait3A_487 : memref<1x10240x64xf32, #tpu.memory_space<hbm>> -> memref<10240x64xf32, #tpu.memory_space<hbm>>
    %dma_wait3A_489 = arith.constant 0 : i32
    %dma_wait3A_490 = arith.constant 0 : i32
    %dma_wait3A_491 = tpu.memref_slice %dma_wait3A_488[%dma_wait3A_489, %dma_wait3A_490] : memref<10240x64xf32, #tpu.memory_space<hbm>> -> memref<10240x64xf32, #tpu.memory_space<hbm>>
    tpu.wait_indirect_dma semaphore(%arg14 : memref<!tpu.dma_semaphore, #tpu.memory_space<semaphore_mem>>) src(%dma_wait3A_491 : memref<10240x64xf32, #tpu.memory_space<hbm>>) dst(%dma_wait3A_481 : memref<128x64xf32, #tpu.memory_space<vmem>>)
    %rem3A_492 = arith.constant 1 : i32
    %rem3A_493 = arith.constant 4 : i32
    %rem3A_494 = arith.remsi %rem3A_492, %rem3A_493 : i32
    %dma_start3A_495 = arith.constant 1 : i32
    %dma_start3A_496 = arith.constant 0 : i32
    %dma_start3A_497 = arith.constant 0 : i32
    %dma_start3A_498 = tpu.memref_slice %arg10[%rem3A_494, %dma_start3A_496, %dma_start3A_497] : memref<4x128x64xf32, #tpu.memory_space<vmem>> -> memref<1x128x64xf32, #tpu.memory_space<vmem>>
    %dma_start3A_499 = tpu.memref_squeeze %dma_start3A_498 : memref<1x128x64xf32, #tpu.memory_space<vmem>> -> memref<128x64xf32, #tpu.memory_space<vmem>>
    %dma_start3A_500 = arith.constant 0 : i32
    %dma_start3A_501 = tpu.memref_slice %arg9[%dma_start3A_495, %dma_start3A_500] : memref<79x128xi32, #tpu.memory_space<vmem>> -> memref<1x128xi32, #tpu.memory_space<vmem>>
    %dma_start3A_502 = tpu.memref_squeeze %dma_start3A_501 : memref<1x128xi32, #tpu.memory_space<vmem>> -> memref<128xi32, #tpu.memory_space<vmem>>
    %dma_start3A_503 = arith.constant 0 : i32
    %dma_start3A_504 = arith.constant 0 : i32
    %dma_start3A_505 = tpu.memref_slice %arg13[%dma_start3A_503, %dma_start3A_504] : memref<10240x64xf32, #tpu.memory_space<vmem_shared>> -> memref<10240x64xf32, #tpu.memory_space<vmem_shared>>
    tpu.enqueue_indirect_dma source(%dma_start3A_499 : memref<128x64xf32, #tpu.memory_space<vmem>>) target(%dma_start3A_505 : memref<10240x64xf32, #tpu.memory_space<vmem_shared>>) offsets(%dma_start3A_502 : memref<128xi32, #tpu.memory_space<vmem>>) semaphore(%arg15 : memref<!tpu.dma_semaphore, #tpu.memory_space<semaphore_mem>>) {add = true}
    %rem3A_506 = arith.constant 3 : i32
    %rem3A_507 = arith.constant 4 : i32
    %rem3A_508 = arith.remsi %rem3A_506, %rem3A_507 : i32
    %dma_start3A_509 = arith.constant 3 : i32
    %dma_start3A_510 = arith.constant 0 : i32
    %dma_start3A_511 = arith.constant 0 : i32
    %dma_start3A_512 = tpu.memref_slice %arg10[%rem3A_508, %dma_start3A_510, %dma_start3A_511] : memref<4x128x64xf32, #tpu.memory_space<vmem>> -> memref<1x128x64xf32, #tpu.memory_space<vmem>>
    %dma_start3A_513 = tpu.memref_squeeze %dma_start3A_512 : memref<1x128x64xf32, #tpu.memory_space<vmem>> -> memref<128x64xf32, #tpu.memory_space<vmem>>
    %dma_start3A_514 = arith.constant 0 : i32
    %dma_start3A_515 = tpu.memref_slice %arg8[%dma_start3A_509, %dma_start3A_514] : memref<79x128xi32, #tpu.memory_space<vmem>> -> memref<1x128xi32, #tpu.memory_space<vmem>>
    %dma_start3A_516 = tpu.memref_squeeze %dma_start3A_515 : memref<1x128xi32, #tpu.memory_space<vmem>> -> memref<128xi32, #tpu.memory_space<vmem>>
    %dma_start3A_517 = arith.constant 0 : i32
    %dma_start3A_518 = arith.constant 0 : i32
    %dma_start3A_519 = tpu.memref_slice %arg7[%arg0, %dma_start3A_517, %dma_start3A_518] : memref<2x10240x64xf32, #tpu.memory_space<hbm>> -> memref<1x10240x64xf32, #tpu.memory_space<hbm>>
    %dma_start3A_520 = tpu.memref_squeeze %dma_start3A_519 : memref<1x10240x64xf32, #tpu.memory_space<hbm>> -> memref<10240x64xf32, #tpu.memory_space<hbm>>
    %dma_start3A_521 = arith.constant 0 : i32
    %dma_start3A_522 = arith.constant 0 : i32
    %dma_start3A_523 = tpu.memref_slice %dma_start3A_520[%dma_start3A_521, %dma_start3A_522] : memref<10240x64xf32, #tpu.memory_space<hbm>> -> memref<10240x64xf32, #tpu.memory_space<hbm>>
    tpu.enqueue_indirect_dma source(%dma_start3A_523 : memref<10240x64xf32, #tpu.memory_space<hbm>>) target(%dma_start3A_513 : memref<128x64xf32, #tpu.memory_space<vmem>>) offsets(%dma_start3A_516 : memref<128xi32, #tpu.memory_space<vmem>>) semaphore(%arg14 : memref<!tpu.dma_semaphore, #tpu.memory_space<semaphore_mem>>)
    %sub3A_524 = arith.constant 4 : i32
    %sub3A_525 = arith.subi %add3A_9, %sub3A_524 : i32
    %while3A = arith.constant 0 : i32
    %while3A_526 = arith.constant 0 : i32
    %while3A_527 = arith.subi %sub3A_525, %while3A_526 : i32
    %while3A_528 = arith.addi %while3A_526, %while3A_527 : i32
    %while3A_529 = arith.constant 1 : i32
    %while3A_530 = arith.divsi %while3A_527, %while3A_529 : i32
    %while3A_531 = arith.muli %while3A_530, %while3A_529 : i32
    %while3A_532 = arith.addi %while3A_526, %while3A_531 : i32
    %while3A_533 = arith.constant 1 : i32
    scf.for %while3A_660 = %while3A_526 to %while3A_532 step %while3A_533  : i32 {
      %add3A_661 = arith.constant 2 : i32
      %add3A_662 = arith.addi %while3A_660, %add3A_661 : i32
      %rem3A_663 = arith.constant 4 : i32
      %rem3A_664 = arith.remsi %add3A_662, %rem3A_663 : i32
      %dma_wait3A_665 = arith.constant 0 : i32
      %dma_wait3A_666 = arith.constant 0 : i32
      %dma_wait3A_667 = tpu.memref_slice %arg10[%rem3A_664, %dma_wait3A_665, %dma_wait3A_666] : memref<4x128x64xf32, #tpu.memory_space<vmem>> -> memref<1x128x64xf32, #tpu.memory_space<vmem>>
      %dma_wait3A_668 = tpu.memref_squeeze %dma_wait3A_667 : memref<1x128x64xf32, #tpu.memory_space<vmem>> -> memref<128x64xf32, #tpu.memory_space<vmem>>
      %dma_wait3A_669 = arith.constant 0 : i32
      %dma_wait3A_670 = tpu.memref_slice %arg8[%add3A_662, %dma_wait3A_669] : memref<79x128xi32, #tpu.memory_space<vmem>> -> memref<1x128xi32, #tpu.memory_space<vmem>>
      %dma_wait3A_671 = tpu.memref_squeeze %dma_wait3A_670 : memref<1x128xi32, #tpu.memory_space<vmem>> -> memref<128xi32, #tpu.memory_space<vmem>>
      %dma_wait3A_672 = arith.constant 0 : i32
      %dma_wait3A_673 = arith.constant 0 : i32
      %dma_wait3A_674 = tpu.memref_slice %arg7[%arg0, %dma_wait3A_672, %dma_wait3A_673] : memref<2x10240x64xf32, #tpu.memory_space<hbm>> -> memref<1x10240x64xf32, #tpu.memory_space<hbm>>
      %dma_wait3A_675 = tpu.memref_squeeze %dma_wait3A_674 : memref<1x10240x64xf32, #tpu.memory_space<hbm>> -> memref<10240x64xf32, #tpu.memory_space<hbm>>
      %dma_wait3A_676 = arith.constant 0 : i32
      %dma_wait3A_677 = arith.constant 0 : i32
      %dma_wait3A_678 = tpu.memref_slice %dma_wait3A_675[%dma_wait3A_676, %dma_wait3A_677] : memref<10240x64xf32, #tpu.memory_space<hbm>> -> memref<10240x64xf32, #tpu.memory_space<hbm>>
      tpu.wait_indirect_dma semaphore(%arg14 : memref<!tpu.dma_semaphore, #tpu.memory_space<semaphore_mem>>) src(%dma_wait3A_678 : memref<10240x64xf32, #tpu.memory_space<hbm>>) dst(%dma_wait3A_668 : memref<128x64xf32, #tpu.memory_space<vmem>>)
      %rem3A_679 = arith.constant 4 : i32
      %rem3A_680 = arith.remsi %add3A_662, %rem3A_679 : i32
      %dma_start3A_681 = arith.constant 0 : i32
      %dma_start3A_682 = arith.constant 0 : i32
      %dma_start3A_683 = tpu.memref_slice %arg10[%rem3A_680, %dma_start3A_681, %dma_start3A_682] : memref<4x128x64xf32, #tpu.memory_space<vmem>> -> memref<1x128x64xf32, #tpu.memory_space<vmem>>
      %dma_start3A_684 = tpu.memref_squeeze %dma_start3A_683 : memref<1x128x64xf32, #tpu.memory_space<vmem>> -> memref<128x64xf32, #tpu.memory_space<vmem>>
      %dma_start3A_685 = arith.constant 0 : i32
      %dma_start3A_686 = tpu.memref_slice %arg9[%add3A_662, %dma_start3A_685] : memref<79x128xi32, #tpu.memory_space<vmem>> -> memref<1x128xi32, #tpu.memory_space<vmem>>
      %dma_start3A_687 = tpu.memref_squeeze %dma_start3A_686 : memref<1x128xi32, #tpu.memory_space<vmem>> -> memref<128xi32, #tpu.memory_space<vmem>>
      %dma_start3A_688 = arith.constant 0 : i32
      %dma_start3A_689 = arith.constant 0 : i32
      %dma_start3A_690 = tpu.memref_slice %arg13[%dma_start3A_688, %dma_start3A_689] : memref<10240x64xf32, #tpu.memory_space<vmem_shared>> -> memref<10240x64xf32, #tpu.memory_space<vmem_shared>>
      tpu.enqueue_indirect_dma source(%dma_start3A_684 : memref<128x64xf32, #tpu.memory_space<vmem>>) target(%dma_start3A_690 : memref<10240x64xf32, #tpu.memory_space<vmem_shared>>) offsets(%dma_start3A_687 : memref<128xi32, #tpu.memory_space<vmem>>) semaphore(%arg15 : memref<!tpu.dma_semaphore, #tpu.memory_space<semaphore_mem>>) {add = true}
      %sub3A_691 = arith.constant 2 : i32
      %sub3A_692 = arith.subi %add3A_662, %sub3A_691 : i32
      %rem3A_693 = arith.constant 4 : i32
      %rem3A_694 = arith.remsi %sub3A_692, %rem3A_693 : i32
      %dma_wait3A_695 = arith.constant 0 : i32
      %dma_wait3A_696 = arith.constant 0 : i32
      %dma_wait3A_697 = tpu.memref_slice %arg10[%rem3A_694, %dma_wait3A_695, %dma_wait3A_696] : memref<4x128x64xf32, #tpu.memory_space<vmem>> -> memref<1x128x64xf32, #tpu.memory_space<vmem>>
      %dma_wait3A_698 = tpu.memref_squeeze %dma_wait3A_697 : memref<1x128x64xf32, #tpu.memory_space<vmem>> -> memref<128x64xf32, #tpu.memory_space<vmem>>
      %dma_wait3A_699 = arith.constant 0 : i32
      %dma_wait3A_700 = tpu.memref_slice %arg9[%sub3A_692, %dma_wait3A_699] : memref<79x128xi32, #tpu.memory_space<vmem>> -> memref<1x128xi32, #tpu.memory_space<vmem>>
      %dma_wait3A_701 = tpu.memref_squeeze %dma_wait3A_700 : memref<1x128xi32, #tpu.memory_space<vmem>> -> memref<128xi32, #tpu.memory_space<vmem>>
      %dma_wait3A_702 = arith.constant 0 : i32
      %dma_wait3A_703 = arith.constant 0 : i32
      %dma_wait3A_704 = tpu.memref_slice %arg13[%dma_wait3A_702, %dma_wait3A_703] : memref<10240x64xf32, #tpu.memory_space<vmem_shared>> -> memref<10240x64xf32, #tpu.memory_space<vmem_shared>>
      tpu.wait_indirect_dma semaphore(%arg15 : memref<!tpu.dma_semaphore, #tpu.memory_space<semaphore_mem>>) src(%dma_wait3A_698 : memref<128x64xf32, #tpu.memory_space<vmem>>) dst(%dma_wait3A_704 : memref<10240x64xf32, #tpu.memory_space<vmem_shared>>)
      %add3A_705 = arith.constant 2 : i32
      %add3A_706 = arith.addi %add3A_662, %add3A_705 : i32
      %rem3A_707 = arith.constant 4 : i32
      %rem3A_708 = arith.remsi %add3A_706, %rem3A_707 : i32
      %dma_start3A_709 = arith.constant 0 : i32
      %dma_start3A_710 = arith.constant 0 : i32
      %dma_start3A_711 = tpu.memref_slice %arg10[%rem3A_708, %dma_start3A_709, %dma_start3A_710] : memref<4x128x64xf32, #tpu.memory_space<vmem>> -> memref<1x128x64xf32, #tpu.memory_space<vmem>>
      %dma_start3A_712 = tpu.memref_squeeze %dma_start3A_711 : memref<1x128x64xf32, #tpu.memory_space<vmem>> -> memref<128x64xf32, #tpu.memory_space<vmem>>
      %dma_start3A_713 = arith.constant 0 : i32
      %dma_start3A_714 = tpu.memref_slice %arg8[%add3A_706, %dma_start3A_713] : memref<79x128xi32, #tpu.memory_space<vmem>> -> memref<1x128xi32, #tpu.memory_space<vmem>>
      %dma_start3A_715 = tpu.memref_squeeze %dma_start3A_714 : memref<1x128xi32, #tpu.memory_space<vmem>> -> memref<128xi32, #tpu.memory_space<vmem>>
      %dma_start3A_716 = arith.constant 0 : i32
      %dma_start3A_717 = arith.constant 0 : i32
      %dma_start3A_718 = tpu.memref_slice %arg7[%arg0, %dma_start3A_716, %dma_start3A_717] : memref<2x10240x64xf32, #tpu.memory_space<hbm>> -> memref<1x10240x64xf32, #tpu.memory_space<hbm>>
      %dma_start3A_719 = tpu.memref_squeeze %dma_start3A_718 : memref<1x10240x64xf32, #tpu.memory_space<hbm>> -> memref<10240x64xf32, #tpu.memory_space<hbm>>
      %dma_start3A_720 = arith.constant 0 : i32
      %dma_start3A_721 = arith.constant 0 : i32
      %dma_start3A_722 = tpu.memref_slice %dma_start3A_719[%dma_start3A_720, %dma_start3A_721] : memref<10240x64xf32, #tpu.memory_space<hbm>> -> memref<10240x64xf32, #tpu.memory_space<hbm>>
      tpu.enqueue_indirect_dma source(%dma_start3A_722 : memref<10240x64xf32, #tpu.memory_space<hbm>>) target(%dma_start3A_712 : memref<128x64xf32, #tpu.memory_space<vmem>>) offsets(%dma_start3A_715 : memref<128xi32, #tpu.memory_space<vmem>>) semaphore(%arg14 : memref<!tpu.dma_semaphore, #tpu.memory_space<semaphore_mem>>)
    }
    %while3A_534 = arith.constant 1 : i32
    scf.for %while3A_660 = %while3A_532 to %while3A_528 step %while3A_534  : i32 {
      %add3A_661 = arith.constant 2 : i32
      %add3A_662 = arith.addi %while3A_660, %add3A_661 : i32
      %rem3A_663 = arith.constant 4 : i32
      %rem3A_664 = arith.remsi %add3A_662, %rem3A_663 : i32
      %dma_wait3A_665 = arith.constant 0 : i32
      %dma_wait3A_666 = arith.constant 0 : i32
      %dma_wait3A_667 = tpu.memref_slice %arg10[%rem3A_664, %dma_wait3A_665, %dma_wait3A_666] : memref<4x128x64xf32, #tpu.memory_space<vmem>> -> memref<1x128x64xf32, #tpu.memory_space<vmem>>
      %dma_wait3A_668 = tpu.memref_squeeze %dma_wait3A_667 : memref<1x128x64xf32, #tpu.memory_space<vmem>> -> memref<128x64xf32, #tpu.memory_space<vmem>>
      %dma_wait3A_669 = arith.constant 0 : i32
      %dma_wait3A_670 = tpu.memref_slice %arg8[%add3A_662, %dma_wait3A_669] : memref<79x128xi32, #tpu.memory_space<vmem>> -> memref<1x128xi32, #tpu.memory_space<vmem>>
      %dma_wait3A_671 = tpu.memref_squeeze %dma_wait3A_670 : memref<1x128xi32, #tpu.memory_space<vmem>> -> memref<128xi32, #tpu.memory_space<vmem>>
      %dma_wait3A_672 = arith.constant 0 : i32
      %dma_wait3A_673 = arith.constant 0 : i32
      %dma_wait3A_674 = tpu.memref_slice %arg7[%arg0, %dma_wait3A_672, %dma_wait3A_673] : memref<2x10240x64xf32, #tpu.memory_space<hbm>> -> memref<1x10240x64xf32, #tpu.memory_space<hbm>>
      %dma_wait3A_675 = tpu.memref_squeeze %dma_wait3A_674 : memref<1x10240x64xf32, #tpu.memory_space<hbm>> -> memref<10240x64xf32, #tpu.memory_space<hbm>>
      %dma_wait3A_676 = arith.constant 0 : i32
      %dma_wait3A_677 = arith.constant 0 : i32
      %dma_wait3A_678 = tpu.memref_slice %dma_wait3A_675[%dma_wait3A_676, %dma_wait3A_677] : memref<10240x64xf32, #tpu.memory_space<hbm>> -> memref<10240x64xf32, #tpu.memory_space<hbm>>
      tpu.wait_indirect_dma semaphore(%arg14 : memref<!tpu.dma_semaphore, #tpu.memory_space<semaphore_mem>>) src(%dma_wait3A_678 : memref<10240x64xf32, #tpu.memory_space<hbm>>) dst(%dma_wait3A_668 : memref<128x64xf32, #tpu.memory_space<vmem>>)
      %rem3A_679 = arith.constant 4 : i32
      %rem3A_680 = arith.remsi %add3A_662, %rem3A_679 : i32
      %dma_start3A_681 = arith.constant 0 : i32
      %dma_start3A_682 = arith.constant 0 : i32
      %dma_start3A_683 = tpu.memref_slice %arg10[%rem3A_680, %dma_start3A_681, %dma_start3A_682] : memref<4x128x64xf32, #tpu.memory_space<vmem>> -> memref<1x128x64xf32, #tpu.memory_space<vmem>>
      %dma_start3A_684 = tpu.memref_squeeze %dma_start3A_683 : memref<1x128x64xf32, #tpu.memory_space<vmem>> -> memref<128x64xf32, #tpu.memory_space<vmem>>
      %dma_start3A_685 = arith.constant 0 : i32
      %dma_start3A_686 = tpu.memref_slice %arg9[%add3A_662, %dma_start3A_685] : memref<79x128xi32, #tpu.memory_space<vmem>> -> memref<1x128xi32, #tpu.memory_space<vmem>>
      %dma_start3A_687 = tpu.memref_squeeze %dma_start3A_686 : memref<1x128xi32, #tpu.memory_space<vmem>> -> memref<128xi32, #tpu.memory_space<vmem>>
      %dma_start3A_688 = arith.constant 0 : i32
      %dma_start3A_689 = arith.constant 0 : i32
      %dma_start3A_690 = tpu.memref_slice %arg13[%dma_start3A_688, %dma_start3A_689] : memref<10240x64xf32, #tpu.memory_space<vmem_shared>> -> memref<10240x64xf32, #tpu.memory_space<vmem_shared>>
      tpu.enqueue_indirect_dma source(%dma_start3A_684 : memref<128x64xf32, #tpu.memory_space<vmem>>) target(%dma_start3A_690 : memref<10240x64xf32, #tpu.memory_space<vmem_shared>>) offsets(%dma_start3A_687 : memref<128xi32, #tpu.memory_space<vmem>>) semaphore(%arg15 : memref<!tpu.dma_semaphore, #tpu.memory_space<semaphore_mem>>) {add = true}
      %sub3A_691 = arith.constant 2 : i32
      %sub3A_692 = arith.subi %add3A_662, %sub3A_691 : i32
      %rem3A_693 = arith.constant 4 : i32
      %rem3A_694 = arith.remsi %sub3A_692, %rem3A_693 : i32
      %dma_wait3A_695 = arith.constant 0 : i32
      %dma_wait3A_696 = arith.constant 0 : i32
      %dma_wait3A_697 = tpu.memref_slice %arg10[%rem3A_694, %dma_wait3A_695, %dma_wait3A_696] : memref<4x128x64xf32, #tpu.memory_space<vmem>> -> memref<1x128x64xf32, #tpu.memory_space<vmem>>
      %dma_wait3A_698 = tpu.memref_squeeze %dma_wait3A_697 : memref<1x128x64xf32, #tpu.memory_space<vmem>> -> memref<128x64xf32, #tpu.memory_space<vmem>>
      %dma_wait3A_699 = arith.constant 0 : i32
      %dma_wait3A_700 = tpu.memref_slice %arg9[%sub3A_692, %dma_wait3A_699] : memref<79x128xi32, #tpu.memory_space<vmem>> -> memref<1x128xi32, #tpu.memory_space<vmem>>
      %dma_wait3A_701 = tpu.memref_squeeze %dma_wait3A_700 : memref<1x128xi32, #tpu.memory_space<vmem>> -> memref<128xi32, #tpu.memory_space<vmem>>
      %dma_wait3A_702 = arith.constant 0 : i32
      %dma_wait3A_703 = arith.constant 0 : i32
      %dma_wait3A_704 = tpu.memref_slice %arg13[%dma_wait3A_702, %dma_wait3A_703] : memref<10240x64xf32, #tpu.memory_space<vmem_shared>> -> memref<10240x64xf32, #tpu.memory_space<vmem_shared>>
      tpu.wait_indirect_dma semaphore(%arg15 : memref<!tpu.dma_semaphore, #tpu.memory_space<semaphore_mem>>) src(%dma_wait3A_698 : memref<128x64xf32, #tpu.memory_space<vmem>>) dst(%dma_wait3A_704 : memref<10240x64xf32, #tpu.memory_space<vmem_shared>>)
      %add3A_705 = arith.constant 2 : i32
      %add3A_706 = arith.addi %add3A_662, %add3A_705 : i32
      %rem3A_707 = arith.constant 4 : i32
      %rem3A_708 = arith.remsi %add3A_706, %rem3A_707 : i32
      %dma_start3A_709 = arith.constant 0 : i32
      %dma_start3A_710 = arith.constant 0 : i32
      %dma_start3A_711 = tpu.memref_slice %arg10[%rem3A_708, %dma_start3A_709, %dma_start3A_710] : memref<4x128x64xf32, #tpu.memory_space<vmem>> -> memref<1x128x64xf32, #tpu.memory_space<vmem>>
      %dma_start3A_712 = tpu.memref_squeeze %dma_start3A_711 : memref<1x128x64xf32, #tpu.memory_space<vmem>> -> memref<128x64xf32, #tpu.memory_space<vmem>>
      %dma_start3A_713 = arith.constant 0 : i32
      %dma_start3A_714 = tpu.memref_slice %arg8[%add3A_706, %dma_start3A_713] : memref<79x128xi32, #tpu.memory_space<vmem>> -> memref<1x128xi32, #tpu.memory_space<vmem>>
      %dma_start3A_715 = tpu.memref_squeeze %dma_start3A_714 : memref<1x128xi32, #tpu.memory_space<vmem>> -> memref<128xi32, #tpu.memory_space<vmem>>
      %dma_start3A_716 = arith.constant 0 : i32
      %dma_start3A_717 = arith.constant 0 : i32
      %dma_start3A_718 = tpu.memref_slice %arg7[%arg0, %dma_start3A_716, %dma_start3A_717] : memref<2x10240x64xf32, #tpu.memory_space<hbm>> -> memref<1x10240x64xf32, #tpu.memory_space<hbm>>
      %dma_start3A_719 = tpu.memref_squeeze %dma_start3A_718 : memref<1x10240x64xf32, #tpu.memory_space<hbm>> -> memref<10240x64xf32, #tpu.memory_space<hbm>>
      %dma_start3A_720 = arith.constant 0 : i32
      %dma_start3A_721 = arith.constant 0 : i32
      %dma_start3A_722 = tpu.memref_slice %dma_start3A_719[%dma_start3A_720, %dma_start3A_721] : memref<10240x64xf32, #tpu.memory_space<hbm>> -> memref<10240x64xf32, #tpu.memory_space<hbm>>
      tpu.enqueue_indirect_dma source(%dma_start3A_722 : memref<10240x64xf32, #tpu.memory_space<hbm>>) target(%dma_start3A_712 : memref<128x64xf32, #tpu.memory_space<vmem>>) offsets(%dma_start3A_715 : memref<128xi32, #tpu.memory_space<vmem>>) semaphore(%arg14 : memref<!tpu.dma_semaphore, #tpu.memory_space<semaphore_mem>>)
    }
    %sub3A_535 = arith.constant 2 : i32
    %sub3A_536 = arith.subi %add3A_9, %sub3A_535 : i32
    %add3A_537 = arith.constant 0 : i32
    %add3A_538 = arith.addi %sub3A_536, %add3A_537 : i32
    %rem3A_539 = arith.constant 4 : i32
    %rem3A_540 = arith.remsi %add3A_538, %rem3A_539 : i32
    %dma_wait3A_541 = arith.constant 0 : i32
    %dma_wait3A_542 = arith.constant 0 : i32
    %dma_wait3A_543 = tpu.memref_slice %arg10[%rem3A_540, %dma_wait3A_541, %dma_wait3A_542] : memref<4x128x64xf32, #tpu.memory_space<vmem>> -> memref<1x128x64xf32, #tpu.memory_space<vmem>>
    %dma_wait3A_544 = tpu.memref_squeeze %dma_wait3A_543 : memref<1x128x64xf32, #tpu.memory_space<vmem>> -> memref<128x64xf32, #tpu.memory_space<vmem>>
    %dma_wait3A_545 = arith.constant 0 : i32
    %dma_wait3A_546 = tpu.memref_slice %arg8[%add3A_538, %dma_wait3A_545] : memref<79x128xi32, #tpu.memory_space<vmem>> -> memref<1x128xi32, #tpu.memory_space<vmem>>
    %dma_wait3A_547 = tpu.memref_squeeze %dma_wait3A_546 : memref<1x128xi32, #tpu.memory_space<vmem>> -> memref<128xi32, #tpu.memory_space<vmem>>
    %dma_wait3A_548 = arith.constant 0 : i32
    %dma_wait3A_549 = arith.constant 0 : i32
    %dma_wait3A_550 = tpu.memref_slice %arg7[%arg0, %dma_wait3A_548, %dma_wait3A_549] : memref<2x10240x64xf32, #tpu.memory_space<hbm>> -> memref<1x10240x64xf32, #tpu.memory_space<hbm>>
    %dma_wait3A_551 = tpu.memref_squeeze %dma_wait3A_550 : memref<1x10240x64xf32, #tpu.memory_space<hbm>> -> memref<10240x64xf32, #tpu.memory_space<hbm>>
    %dma_wait3A_552 = arith.constant 0 : i32
    %dma_wait3A_553 = arith.constant 0 : i32
    %dma_wait3A_554 = tpu.memref_slice %dma_wait3A_551[%dma_wait3A_552, %dma_wait3A_553] : memref<10240x64xf32, #tpu.memory_space<hbm>> -> memref<10240x64xf32, #tpu.memory_space<hbm>>
    tpu.wait_indirect_dma semaphore(%arg14 : memref<!tpu.dma_semaphore, #tpu.memory_space<semaphore_mem>>) src(%dma_wait3A_554 : memref<10240x64xf32, #tpu.memory_space<hbm>>) dst(%dma_wait3A_544 : memref<128x64xf32, #tpu.memory_space<vmem>>)
    %rem3A_555 = arith.constant 4 : i32
    %rem3A_556 = arith.remsi %add3A_538, %rem3A_555 : i32
    %dma_start3A_557 = arith.constant 0 : i32
    %dma_start3A_558 = arith.constant 0 : i32
    %dma_start3A_559 = tpu.memref_slice %arg10[%rem3A_556, %dma_start3A_557, %dma_start3A_558] : memref<4x128x64xf32, #tpu.memory_space<vmem>> -> memref<1x128x64xf32, #tpu.memory_space<vmem>>
    %dma_start3A_560 = tpu.memref_squeeze %dma_start3A_559 : memref<1x128x64xf32, #tpu.memory_space<vmem>> -> memref<128x64xf32, #tpu.memory_space<vmem>>
    %dma_start3A_561 = arith.constant 0 : i32
    %dma_start3A_562 = tpu.memref_slice %arg9[%add3A_538, %dma_start3A_561] : memref<79x128xi32, #tpu.memory_space<vmem>> -> memref<1x128xi32, #tpu.memory_space<vmem>>
    %dma_start3A_563 = tpu.memref_squeeze %dma_start3A_562 : memref<1x128xi32, #tpu.memory_space<vmem>> -> memref<128xi32, #tpu.memory_space<vmem>>
    %dma_start3A_564 = arith.constant 0 : i32
    %dma_start3A_565 = arith.constant 0 : i32
    %dma_start3A_566 = tpu.memref_slice %arg13[%dma_start3A_564, %dma_start3A_565] : memref<10240x64xf32, #tpu.memory_space<vmem_shared>> -> memref<10240x64xf32, #tpu.memory_space<vmem_shared>>
    tpu.enqueue_indirect_dma source(%dma_start3A_560 : memref<128x64xf32, #tpu.memory_space<vmem>>) target(%dma_start3A_566 : memref<10240x64xf32, #tpu.memory_space<vmem_shared>>) offsets(%dma_start3A_563 : memref<128xi32, #tpu.memory_space<vmem>>) semaphore(%arg15 : memref<!tpu.dma_semaphore, #tpu.memory_space<semaphore_mem>>) {add = true}
    %sub3A_567 = arith.constant 2 : i32
    %sub3A_568 = arith.subi %add3A_538, %sub3A_567 : i32
    %rem3A_569 = arith.constant 4 : i32
    %rem3A_570 = arith.remsi %sub3A_568, %rem3A_569 : i32
    %dma_wait3A_571 = arith.constant 0 : i32
    %dma_wait3A_572 = arith.constant 0 : i32
    %dma_wait3A_573 = tpu.memref_slice %arg10[%rem3A_570, %dma_wait3A_571, %dma_wait3A_572] : memref<4x128x64xf32, #tpu.memory_space<vmem>> -> memref<1x128x64xf32, #tpu.memory_space<vmem>>
    %dma_wait3A_574 = tpu.memref_squeeze %dma_wait3A_573 : memref<1x128x64xf32, #tpu.memory_space<vmem>> -> memref<128x64xf32, #tpu.memory_space<vmem>>
    %dma_wait3A_575 = arith.constant 0 : i32
    %dma_wait3A_576 = tpu.memref_slice %arg9[%sub3A_568, %dma_wait3A_575] : memref<79x128xi32, #tpu.memory_space<vmem>> -> memref<1x128xi32, #tpu.memory_space<vmem>>
    %dma_wait3A_577 = tpu.memref_squeeze %dma_wait3A_576 : memref<1x128xi32, #tpu.memory_space<vmem>> -> memref<128xi32, #tpu.memory_space<vmem>>
    %dma_wait3A_578 = arith.constant 0 : i32
    %dma_wait3A_579 = arith.constant 0 : i32
    %dma_wait3A_580 = tpu.memref_slice %arg13[%dma_wait3A_578, %dma_wait3A_579] : memref<10240x64xf32, #tpu.memory_space<vmem_shared>> -> memref<10240x64xf32, #tpu.memory_space<vmem_shared>>
    tpu.wait_indirect_dma semaphore(%arg15 : memref<!tpu.dma_semaphore, #tpu.memory_space<semaphore_mem>>) src(%dma_wait3A_574 : memref<128x64xf32, #tpu.memory_space<vmem>>) dst(%dma_wait3A_580 : memref<10240x64xf32, #tpu.memory_space<vmem_shared>>)
    %sub3A_581 = arith.constant 2 : i32
    %sub3A_582 = arith.subi %add3A_9, %sub3A_581 : i32
    %add3A_583 = arith.constant 1 : i32
    %add3A_584 = arith.addi %sub3A_582, %add3A_583 : i32
    %rem3A_585 = arith.constant 4 : i32
    %rem3A_586 = arith.remsi %add3A_584, %rem3A_585 : i32
    %dma_wait3A_587 = arith.constant 0 : i32
    %dma_wait3A_588 = arith.constant 0 : i32
    %dma_wait3A_589 = tpu.memref_slice %arg10[%rem3A_586, %dma_wait3A_587, %dma_wait3A_588] : memref<4x128x64xf32, #tpu.memory_space<vmem>> -> memref<1x128x64xf32, #tpu.memory_space<vmem>>
    %dma_wait3A_590 = tpu.memref_squeeze %dma_wait3A_589 : memref<1x128x64xf32, #tpu.memory_space<vmem>> -> memref<128x64xf32, #tpu.memory_space<vmem>>
    %dma_wait3A_591 = arith.constant 0 : i32
    %dma_wait3A_592 = tpu.memref_slice %arg8[%add3A_584, %dma_wait3A_591] : memref<79x128xi32, #tpu.memory_space<vmem>> -> memref<1x128xi32, #tpu.memory_space<vmem>>
    %dma_wait3A_593 = tpu.memref_squeeze %dma_wait3A_592 : memref<1x128xi32, #tpu.memory_space<vmem>> -> memref<128xi32, #tpu.memory_space<vmem>>
    %dma_wait3A_594 = arith.constant 0 : i32
    %dma_wait3A_595 = arith.constant 0 : i32
    %dma_wait3A_596 = tpu.memref_slice %arg7[%arg0, %dma_wait3A_594, %dma_wait3A_595] : memref<2x10240x64xf32, #tpu.memory_space<hbm>> -> memref<1x10240x64xf32, #tpu.memory_space<hbm>>
    %dma_wait3A_597 = tpu.memref_squeeze %dma_wait3A_596 : memref<1x10240x64xf32, #tpu.memory_space<hbm>> -> memref<10240x64xf32, #tpu.memory_space<hbm>>
    %dma_wait3A_598 = arith.constant 0 : i32
    %dma_wait3A_599 = arith.constant 0 : i32
    %dma_wait3A_600 = tpu.memref_slice %dma_wait3A_597[%dma_wait3A_598, %dma_wait3A_599] : memref<10240x64xf32, #tpu.memory_space<hbm>> -> memref<10240x64xf32, #tpu.memory_space<hbm>>
    tpu.wait_indirect_dma semaphore(%arg14 : memref<!tpu.dma_semaphore, #tpu.memory_space<semaphore_mem>>) src(%dma_wait3A_600 : memref<10240x64xf32, #tpu.memory_space<hbm>>) dst(%dma_wait3A_590 : memref<128x64xf32, #tpu.memory_space<vmem>>)
    %rem3A_601 = arith.constant 4 : i32
    %rem3A_602 = arith.remsi %add3A_584, %rem3A_601 : i32
    %dma_start3A_603 = arith.constant 0 : i32
    %dma_start3A_604 = arith.constant 0 : i32
    %dma_start3A_605 = tpu.memref_slice %arg10[%rem3A_602, %dma_start3A_603, %dma_start3A_604] : memref<4x128x64xf32, #tpu.memory_space<vmem>> -> memref<1x128x64xf32, #tpu.memory_space<vmem>>
    %dma_start3A_606 = tpu.memref_squeeze %dma_start3A_605 : memref<1x128x64xf32, #tpu.memory_space<vmem>> -> memref<128x64xf32, #tpu.memory_space<vmem>>
    %dma_start3A_607 = arith.constant 0 : i32
    %dma_start3A_608 = tpu.memref_slice %arg9[%add3A_584, %dma_start3A_607] : memref<79x128xi32, #tpu.memory_space<vmem>> -> memref<1x128xi32, #tpu.memory_space<vmem>>
    %dma_start3A_609 = tpu.memref_squeeze %dma_start3A_608 : memref<1x128xi32, #tpu.memory_space<vmem>> -> memref<128xi32, #tpu.memory_space<vmem>>
    %dma_start3A_610 = arith.constant 0 : i32
    %dma_start3A_611 = arith.constant 0 : i32
    %dma_start3A_612 = tpu.memref_slice %arg13[%dma_start3A_610, %dma_start3A_611] : memref<10240x64xf32, #tpu.memory_space<vmem_shared>> -> memref<10240x64xf32, #tpu.memory_space<vmem_shared>>
    tpu.enqueue_indirect_dma source(%dma_start3A_606 : memref<128x64xf32, #tpu.memory_space<vmem>>) target(%dma_start3A_612 : memref<10240x64xf32, #tpu.memory_space<vmem_shared>>) offsets(%dma_start3A_609 : memref<128xi32, #tpu.memory_space<vmem>>) semaphore(%arg15 : memref<!tpu.dma_semaphore, #tpu.memory_space<semaphore_mem>>) {add = true}
    %sub3A_613 = arith.constant 2 : i32
    %sub3A_614 = arith.subi %add3A_584, %sub3A_613 : i32
    %rem3A_615 = arith.constant 4 : i32
    %rem3A_616 = arith.remsi %sub3A_614, %rem3A_615 : i32
    %dma_wait3A_617 = arith.constant 0 : i32
    %dma_wait3A_618 = arith.constant 0 : i32
    %dma_wait3A_619 = tpu.memref_slice %arg10[%rem3A_616, %dma_wait3A_617, %dma_wait3A_618] : memref<4x128x64xf32, #tpu.memory_space<vmem>> -> memref<1x128x64xf32, #tpu.memory_space<vmem>>
    %dma_wait3A_620 = tpu.memref_squeeze %dma_wait3A_619 : memref<1x128x64xf32, #tpu.memory_space<vmem>> -> memref<128x64xf32, #tpu.memory_space<vmem>>
    %dma_wait3A_621 = arith.constant 0 : i32
    %dma_wait3A_622 = tpu.memref_slice %arg9[%sub3A_614, %dma_wait3A_621] : memref<79x128xi32, #tpu.memory_space<vmem>> -> memref<1x128xi32, #tpu.memory_space<vmem>>
    %dma_wait3A_623 = tpu.memref_squeeze %dma_wait3A_622 : memref<1x128xi32, #tpu.memory_space<vmem>> -> memref<128xi32, #tpu.memory_space<vmem>>
    %dma_wait3A_624 = arith.constant 0 : i32
    %dma_wait3A_625 = arith.constant 0 : i32
    %dma_wait3A_626 = tpu.memref_slice %arg13[%dma_wait3A_624, %dma_wait3A_625] : memref<10240x64xf32, #tpu.memory_space<vmem_shared>> -> memref<10240x64xf32, #tpu.memory_space<vmem_shared>>
    tpu.wait_indirect_dma semaphore(%arg15 : memref<!tpu.dma_semaphore, #tpu.memory_space<semaphore_mem>>) src(%dma_wait3A_620 : memref<128x64xf32, #tpu.memory_space<vmem>>) dst(%dma_wait3A_626 : memref<10240x64xf32, #tpu.memory_space<vmem_shared>>)
    %sub3A_627 = arith.constant 2 : i32
    %sub3A_628 = arith.subi %add3A_9, %sub3A_627 : i32
    %rem3A_629 = arith.constant 4 : i32
    %rem3A_630 = arith.remsi %sub3A_628, %rem3A_629 : i32
    %dma_wait3A_631 = arith.constant 0 : i32
    %dma_wait3A_632 = arith.constant 0 : i32
    %dma_wait3A_633 = tpu.memref_slice %arg10[%rem3A_630, %dma_wait3A_631, %dma_wait3A_632] : memref<4x128x64xf32, #tpu.memory_space<vmem>> -> memref<1x128x64xf32, #tpu.memory_space<vmem>>
    %dma_wait3A_634 = tpu.memref_squeeze %dma_wait3A_633 : memref<1x128x64xf32, #tpu.memory_space<vmem>> -> memref<128x64xf32, #tpu.memory_space<vmem>>
    %dma_wait3A_635 = arith.constant 0 : i32
    %dma_wait3A_636 = tpu.memref_slice %arg9[%sub3A_628, %dma_wait3A_635] : memref<79x128xi32, #tpu.memory_space<vmem>> -> memref<1x128xi32, #tpu.memory_space<vmem>>
    %dma_wait3A_637 = tpu.memref_squeeze %dma_wait3A_636 : memref<1x128xi32, #tpu.memory_space<vmem>> -> memref<128xi32, #tpu.memory_space<vmem>>
    %dma_wait3A_638 = arith.constant 0 : i32
    %dma_wait3A_639 = arith.constant 0 : i32
    %dma_wait3A_640 = tpu.memref_slice %arg13[%dma_wait3A_638, %dma_wait3A_639] : memref<10240x64xf32, #tpu.memory_space<vmem_shared>> -> memref<10240x64xf32, #tpu.memory_space<vmem_shared>>
    tpu.wait_indirect_dma semaphore(%arg15 : memref<!tpu.dma_semaphore, #tpu.memory_space<semaphore_mem>>) src(%dma_wait3A_634 : memref<128x64xf32, #tpu.memory_space<vmem>>) dst(%dma_wait3A_640 : memref<10240x64xf32, #tpu.memory_space<vmem_shared>>)
    %sub3A_641 = arith.constant 1 : i32
    %sub3A_642 = arith.subi %add3A_9, %sub3A_641 : i32
    %rem3A_643 = arith.constant 4 : i32
    %rem3A_644 = arith.remsi %sub3A_642, %rem3A_643 : i32
    %dma_wait3A_645 = arith.constant 0 : i32
    %dma_wait3A_646 = arith.constant 0 : i32
    %dma_wait3A_647 = tpu.memref_slice %arg10[%rem3A_644, %dma_wait3A_645, %dma_wait3A_646] : memref<4x128x64xf32, #tpu.memory_space<vmem>> -> memref<1x128x64xf32, #tpu.memory_space<vmem>>
    %dma_wait3A_648 = tpu.memref_squeeze %dma_wait3A_647 : memref<1x128x64xf32, #tpu.memory_space<vmem>> -> memref<128x64xf32, #tpu.memory_space<vmem>>
    %dma_wait3A_649 = arith.constant 0 : i32
    %dma_wait3A_650 = tpu.memref_slice %arg9[%sub3A_642, %dma_wait3A_649] : memref<79x128xi32, #tpu.memory_space<vmem>> -> memref<1x128xi32, #tpu.memory_space<vmem>>
    %dma_wait3A_651 = tpu.memref_squeeze %dma_wait3A_650 : memref<1x128xi32, #tpu.memory_space<vmem>> -> memref<128xi32, #tpu.memory_space<vmem>>
    %dma_wait3A_652 = arith.constant 0 : i32
    %dma_wait3A_653 = arith.constant 0 : i32
    %dma_wait3A_654 = tpu.memref_slice %arg13[%dma_wait3A_652, %dma_wait3A_653] : memref<10240x64xf32, #tpu.memory_space<vmem_shared>> -> memref<10240x64xf32, #tpu.memory_space<vmem_shared>>
    tpu.wait_indirect_dma semaphore(%arg15 : memref<!tpu.dma_semaphore, #tpu.memory_space<semaphore_mem>>) src(%dma_wait3A_648 : memref<128x64xf32, #tpu.memory_space<vmem>>) dst(%dma_wait3A_654 : memref<10240x64xf32, #tpu.memory_space<vmem_shared>>)
    %barrier3A_655 = arith.constant 0 : index
    tpu.barrier barrier_id(%barrier3A_655)
    %mul3A_656 = arith.constant 640 : i32
    %mul3A_657 = arith.muli %arg1, %mul3A_656 : i32
    %mul3A_658 = arith.constant 640 : i32
    %mul3A_659 = arith.muli %arg1, %mul3A_658 : i32
    "tpu.region"() ({
      %run_scoped3A_660 = tpu.sem_alloc : memref<!tpu.dma_semaphore, #tpu.memory_space<semaphore_mem>>
      %dma_start3A_661 = arith.constant 0 : i32
      %dma_start3A_662 = tpu.memref_slice %arg6[%arg0, %mul3A_659, %dma_start3A_661] : memref<2x10240x64xf32, #tpu.memory_space<hbm>> -> memref<1x640x64xf32, #tpu.memory_space<hbm>>
      %dma_start3A_663 = tpu.memref_squeeze %dma_start3A_662 : memref<1x640x64xf32, #tpu.memory_space<hbm>> -> memref<640x64xf32, #tpu.memory_space<hbm>>
      %dma_start3A_664 = arith.constant 0 : i32
      %dma_start3A_665 = tpu.memref_slice %arg13[%mul3A_657, %dma_start3A_664] : memref<10240x64xf32, #tpu.memory_space<vmem_shared>> -> memref<640x64xf32, #tpu.memory_space<vmem_shared>>
      tpu.enqueue_dma source(%dma_start3A_665 : memref<640x64xf32, #tpu.memory_space<vmem_shared>>) target(%dma_start3A_663 : memref<640x64xf32, #tpu.memory_space<hbm>>) target_semaphore(%run_scoped3A_660 : memref<!tpu.dma_semaphore, #tpu.memory_space<semaphore_mem>>)
      %dma_wait3A_666 = arith.constant 0 : i32
      %dma_wait3A_667 = tpu.memref_slice %arg6[%arg0, %mul3A_659, %dma_wait3A_666] : memref<2x10240x64xf32, #tpu.memory_space<hbm>> -> memref<1x640x64xf32, #tpu.memory_space<hbm>>
      %dma_wait3A_668 = tpu.memref_squeeze %dma_wait3A_667 : memref<1x640x64xf32, #tpu.memory_space<hbm>> -> memref<640x64xf32, #tpu.memory_space<hbm>>
      %dma_wait3A_669 = arith.constant 0 : i32
      %dma_wait3A_670 = tpu.memref_slice %arg13[%mul3A_657, %dma_wait3A_669] : memref<10240x64xf32, #tpu.memory_space<vmem_shared>> -> memref<640x64xf32, #tpu.memory_space<vmem_shared>>
      tpu.wait_dma2 semaphore(%run_scoped3A_660 : memref<!tpu.dma_semaphore, #tpu.memory_space<semaphore_mem>>) src(%dma_wait3A_670 : memref<640x64xf32, #tpu.memory_space<vmem_shared>>) dst(%dma_wait3A_668 : memref<640x64xf32, #tpu.memory_space<hbm>>)
      tpu.yield
    }) : () -> ()
    return
  }
}

#map = affine_map<(d0, d1) -> (0, 0, 0)>
#map1 = affine_map<(d0, d1) -> (0, 0)>
module attributes {stable_mosaic.version = 14 : i64} {
  func.func @_deg_kernel(%arg0: i32, %arg1: i32, %arg2: memref<2x2500x128xi32, #tpu.memory_space<hbm>>, %arg3: memref<128x16xf32, #tpu.memory_space<hbm>>, %arg4: memref<640x16xf32, #tpu.memory_space<hbm>>, %arg5: memref<2x10240x16xf32, #tpu.memory_space<hbm>>, %arg6: memref<79x128xi32, #tpu.memory_space<vmem>>, %arg7: memref<128x16xf32, #tpu.memory_space<vmem>>, %arg8: memref<10240x16xf32, #tpu.memory_space<vmem_shared>>, %arg9: memref<!tpu.dma_semaphore, #tpu.memory_space<semaphore_mem>>) attributes {dimension_semantics = [#tpu.dimension_semantics<core_parallel>, #tpu.dimension_semantics<subcore_parallel>], iteration_bounds = array<i64: 2, 16>, scalar_prefetch = 0 : i64, scratch_operands = 4 : i64, tpu.core_type = #tpu.core_type<sc_vector_subcore>, window_params = [{transform_indices = #map}, {transform_indices = #map1}, {transform_indices = #map1}, {transform_indices = #map}]} {
    %mul3A = arith.constant 16 : i32
    %mul3A_0 = arith.muli %arg0, %mul3A : i32
    %add3A = arith.addi %mul3A_0, %arg1 : i32
    %mul3A_1 = arith.constant 78 : i32
    %mul3A_2 = arith.muli %mul3A_1, %add3A : i32
    %sub3A = arith.constant 28 : i32
    %sub3A_3 = arith.subi %add3A, %sub3A : i32
    %max3A = arith.constant 0 : i32
    %max3A_4 = arith.maxsi %sub3A_3, %max3A : i32
    %add3A_5 = arith.addi %mul3A_2, %max3A_4 : i32
    %ge3A = arith.constant 28 : i32
    %ge3A_6 = arith.cmpi sge, %add3A, %ge3A : i32
    %jit3A = arith.constant 1 : i32
    %jit3A_7 = arith.constant 0 : i32
    %select_n3A = arith.select %ge3A_6, %jit3A, %jit3A_7 : i32
    %add3A_8 = arith.constant 78 : i32
    %add3A_9 = arith.addi %add3A_8, %select_n3A : i32
    %run_scoped3A = arith.constant 1 : i32
    "tpu.region"() ({
      %run_scoped3A_298 = tpu.sem_alloc : memref<!tpu.dma_semaphore, #tpu.memory_space<semaphore_mem>>
      %dma_start3A_299 = arith.constant 0 : i32
      %dma_start3A_300 = tpu.memref_slice %arg2[%run_scoped3A, %add3A_5, %dma_start3A_299] : memref<2x2500x128xi32, #tpu.memory_space<hbm>> -> memref<1x79x128xi32, #tpu.memory_space<hbm>>
      %dma_start3A_301 = tpu.memref_squeeze %dma_start3A_300 : memref<1x79x128xi32, #tpu.memory_space<hbm>> -> memref<79x128xi32, #tpu.memory_space<hbm>>
      %dma_start3A_302 = arith.constant 0 : i32
      %dma_start3A_303 = tpu.memref_slice %arg2[%run_scoped3A, %add3A_5, %dma_start3A_302] : memref<2x2500x128xi32, #tpu.memory_space<hbm>> -> memref<1x79x128xi32, #tpu.memory_space<hbm>>
      %dma_start3A_304 = tpu.memref_squeeze %dma_start3A_303 : memref<1x79x128xi32, #tpu.memory_space<hbm>> -> memref<79x128xi32, #tpu.memory_space<hbm>>
      tpu.enqueue_dma source(%dma_start3A_304 : memref<79x128xi32, #tpu.memory_space<hbm>>) target(%arg6 : memref<79x128xi32, #tpu.memory_space<vmem>>) target_semaphore(%run_scoped3A_298 : memref<!tpu.dma_semaphore, #tpu.memory_space<semaphore_mem>>)
      %dma_wait3A_305 = arith.constant 0 : i32
      %dma_wait3A_306 = tpu.memref_slice %arg2[%run_scoped3A, %add3A_5, %dma_wait3A_305] : memref<2x2500x128xi32, #tpu.memory_space<hbm>> -> memref<1x79x128xi32, #tpu.memory_space<hbm>>
      %dma_wait3A_307 = tpu.memref_squeeze %dma_wait3A_306 : memref<1x79x128xi32, #tpu.memory_space<hbm>> -> memref<79x128xi32, #tpu.memory_space<hbm>>
      %dma_wait3A_308 = arith.constant 0 : i32
      %dma_wait3A_309 = tpu.memref_slice %arg2[%run_scoped3A, %add3A_5, %dma_wait3A_308] : memref<2x2500x128xi32, #tpu.memory_space<hbm>> -> memref<1x79x128xi32, #tpu.memory_space<hbm>>
      %dma_wait3A_310 = tpu.memref_squeeze %dma_wait3A_309 : memref<1x79x128xi32, #tpu.memory_space<hbm>> -> memref<79x128xi32, #tpu.memory_space<hbm>>
      tpu.wait_dma2 semaphore(%run_scoped3A_298 : memref<!tpu.dma_semaphore, #tpu.memory_space<semaphore_mem>>) src(%dma_wait3A_310 : memref<79x128xi32, #tpu.memory_space<hbm>>) dst(%arg6 : memref<79x128xi32, #tpu.memory_space<vmem>>)
      tpu.yield
    }) : () -> ()
    "tpu.region"() ({
      %run_scoped3A_298 = tpu.sem_alloc : memref<!tpu.dma_semaphore, #tpu.memory_space<semaphore_mem>>
      tpu.enqueue_dma source(%arg3 : memref<128x16xf32, #tpu.memory_space<hbm>>) target(%arg7 : memref<128x16xf32, #tpu.memory_space<vmem>>) target_semaphore(%run_scoped3A_298 : memref<!tpu.dma_semaphore, #tpu.memory_space<semaphore_mem>>)
      tpu.wait_dma2 semaphore(%run_scoped3A_298 : memref<!tpu.dma_semaphore, #tpu.memory_space<semaphore_mem>>) src(%arg3 : memref<128x16xf32, #tpu.memory_space<hbm>>) dst(%arg7 : memref<128x16xf32, #tpu.memory_space<vmem>>)
      tpu.yield
    }) : () -> ()
    %mul3A_10 = arith.constant 640 : i32
    %mul3A_11 = arith.muli %arg1, %mul3A_10 : i32
    "tpu.region"() ({
      %run_scoped3A_298 = tpu.sem_alloc : memref<!tpu.dma_semaphore, #tpu.memory_space<semaphore_mem>>
      %dma_start3A_299 = arith.constant 0 : i32
      %dma_start3A_300 = tpu.memref_slice %arg8[%mul3A_11, %dma_start3A_299] : memref<10240x16xf32, #tpu.memory_space<vmem_shared>> -> memref<640x16xf32, #tpu.memory_space<vmem_shared>>
      tpu.enqueue_dma source(%arg4 : memref<640x16xf32, #tpu.memory_space<hbm>>) target(%dma_start3A_300 : memref<640x16xf32, #tpu.memory_space<vmem_shared>>) target_semaphore(%run_scoped3A_298 : memref<!tpu.dma_semaphore, #tpu.memory_space<semaphore_mem>>)
      %dma_wait3A_301 = arith.constant 0 : i32
      %dma_wait3A_302 = tpu.memref_slice %arg8[%mul3A_11, %dma_wait3A_301] : memref<10240x16xf32, #tpu.memory_space<vmem_shared>> -> memref<640x16xf32, #tpu.memory_space<vmem_shared>>
      tpu.wait_dma2 semaphore(%run_scoped3A_298 : memref<!tpu.dma_semaphore, #tpu.memory_space<semaphore_mem>>) src(%arg4 : memref<640x16xf32, #tpu.memory_space<hbm>>) dst(%dma_wait3A_302 : memref<640x16xf32, #tpu.memory_space<vmem_shared>>)
      tpu.yield
    }) : () -> ()
    %barrier3A = arith.constant 0 : index
    tpu.barrier barrier_id(%barrier3A)
    %dma_start3A = arith.constant 0 : i32
    %dma_start3A_12 = arith.constant 0 : i32
    %dma_start3A_13 = tpu.memref_slice %arg6[%dma_start3A, %dma_start3A_12] : memref<79x128xi32, #tpu.memory_space<vmem>> -> memref<1x128xi32, #tpu.memory_space<vmem>>
    %dma_start3A_14 = tpu.memref_squeeze %dma_start3A_13 : memref<1x128xi32, #tpu.memory_space<vmem>> -> memref<128xi32, #tpu.memory_space<vmem>>
    %dma_start3A_15 = arith.constant 0 : i32
    %dma_start3A_16 = arith.constant 0 : i32
    %dma_start3A_17 = tpu.memref_slice %arg8[%dma_start3A_15, %dma_start3A_16] : memref<10240x16xf32, #tpu.memory_space<vmem_shared>> -> memref<10240x16xf32, #tpu.memory_space<vmem_shared>>
    tpu.enqueue_indirect_dma source(%arg7 : memref<128x16xf32, #tpu.memory_space<vmem>>) target(%dma_start3A_17 : memref<10240x16xf32, #tpu.memory_space<vmem_shared>>) offsets(%dma_start3A_14 : memref<128xi32, #tpu.memory_space<vmem>>) semaphore(%arg9 : memref<!tpu.dma_semaphore, #tpu.memory_space<semaphore_mem>>) {add = true}
    %dma_start3A_18 = arith.constant 1 : i32
    %dma_start3A_19 = arith.constant 0 : i32
    %dma_start3A_20 = tpu.memref_slice %arg6[%dma_start3A_18, %dma_start3A_19] : memref<79x128xi32, #tpu.memory_space<vmem>> -> memref<1x128xi32, #tpu.memory_space<vmem>>
    %dma_start3A_21 = tpu.memref_squeeze %dma_start3A_20 : memref<1x128xi32, #tpu.memory_space<vmem>> -> memref<128xi32, #tpu.memory_space<vmem>>
    %dma_start3A_22 = arith.constant 0 : i32
    %dma_start3A_23 = arith.constant 0 : i32
    %dma_start3A_24 = tpu.memref_slice %arg8[%dma_start3A_22, %dma_start3A_23] : memref<10240x16xf32, #tpu.memory_space<vmem_shared>> -> memref<10240x16xf32, #tpu.memory_space<vmem_shared>>
    tpu.enqueue_indirect_dma source(%arg7 : memref<128x16xf32, #tpu.memory_space<vmem>>) target(%dma_start3A_24 : memref<10240x16xf32, #tpu.memory_space<vmem_shared>>) offsets(%dma_start3A_21 : memref<128xi32, #tpu.memory_space<vmem>>) semaphore(%arg9 : memref<!tpu.dma_semaphore, #tpu.memory_space<semaphore_mem>>) {add = true}
    %dma_start3A_25 = arith.constant 2 : i32
    %dma_start3A_26 = arith.constant 0 : i32
    %dma_start3A_27 = tpu.memref_slice %arg6[%dma_start3A_25, %dma_start3A_26] : memref<79x128xi32, #tpu.memory_space<vmem>> -> memref<1x128xi32, #tpu.memory_space<vmem>>
    %dma_start3A_28 = tpu.memref_squeeze %dma_start3A_27 : memref<1x128xi32, #tpu.memory_space<vmem>> -> memref<128xi32, #tpu.memory_space<vmem>>
    %dma_start3A_29 = arith.constant 0 : i32
    %dma_start3A_30 = arith.constant 0 : i32
    %dma_start3A_31 = tpu.memref_slice %arg8[%dma_start3A_29, %dma_start3A_30] : memref<10240x16xf32, #tpu.memory_space<vmem_shared>> -> memref<10240x16xf32, #tpu.memory_space<vmem_shared>>
    tpu.enqueue_indirect_dma source(%arg7 : memref<128x16xf32, #tpu.memory_space<vmem>>) target(%dma_start3A_31 : memref<10240x16xf32, #tpu.memory_space<vmem_shared>>) offsets(%dma_start3A_28 : memref<128xi32, #tpu.memory_space<vmem>>) semaphore(%arg9 : memref<!tpu.dma_semaphore, #tpu.memory_space<semaphore_mem>>) {add = true}
    %dma_start3A_32 = arith.constant 3 : i32
    %dma_start3A_33 = arith.constant 0 : i32
    %dma_start3A_34 = tpu.memref_slice %arg6[%dma_start3A_32, %dma_start3A_33] : memref<79x128xi32, #tpu.memory_space<vmem>> -> memref<1x128xi32, #tpu.memory_space<vmem>>
    %dma_start3A_35 = tpu.memref_squeeze %dma_start3A_34 : memref<1x128xi32, #tpu.memory_space<vmem>> -> memref<128xi32, #tpu.memory_space<vmem>>
    %dma_start3A_36 = arith.constant 0 : i32
    %dma_start3A_37 = arith.constant 0 : i32
    %dma_start3A_38 = tpu.memref_slice %arg8[%dma_start3A_36, %dma_start3A_37] : memref<10240x16xf32, #tpu.memory_space<vmem_shared>> -> memref<10240x16xf32, #tpu.memory_space<vmem_shared>>
    tpu.enqueue_indirect_dma source(%arg7 : memref<128x16xf32, #tpu.memory_space<vmem>>) target(%dma_start3A_38 : memref<10240x16xf32, #tpu.memory_space<vmem_shared>>) offsets(%dma_start3A_35 : memref<128xi32, #tpu.memory_space<vmem>>) semaphore(%arg9 : memref<!tpu.dma_semaphore, #tpu.memory_space<semaphore_mem>>) {add = true}
    %dma_start3A_39 = arith.constant 4 : i32
    %dma_start3A_40 = arith.constant 0 : i32
    %dma_start3A_41 = tpu.memref_slice %arg6[%dma_start3A_39, %dma_start3A_40] : memref<79x128xi32, #tpu.memory_space<vmem>> -> memref<1x128xi32, #tpu.memory_space<vmem>>
    %dma_start3A_42 = tpu.memref_squeeze %dma_start3A_41 : memref<1x128xi32, #tpu.memory_space<vmem>> -> memref<128xi32, #tpu.memory_space<vmem>>
    %dma_start3A_43 = arith.constant 0 : i32
    %dma_start3A_44 = arith.constant 0 : i32
    %dma_start3A_45 = tpu.memref_slice %arg8[%dma_start3A_43, %dma_start3A_44] : memref<10240x16xf32, #tpu.memory_space<vmem_shared>> -> memref<10240x16xf32, #tpu.memory_space<vmem_shared>>
    tpu.enqueue_indirect_dma source(%arg7 : memref<128x16xf32, #tpu.memory_space<vmem>>) target(%dma_start3A_45 : memref<10240x16xf32, #tpu.memory_space<vmem_shared>>) offsets(%dma_start3A_42 : memref<128xi32, #tpu.memory_space<vmem>>) semaphore(%arg9 : memref<!tpu.dma_semaphore, #tpu.memory_space<semaphore_mem>>) {add = true}
    %dma_start3A_46 = arith.constant 5 : i32
    %dma_start3A_47 = arith.constant 0 : i32
    %dma_start3A_48 = tpu.memref_slice %arg6[%dma_start3A_46, %dma_start3A_47] : memref<79x128xi32, #tpu.memory_space<vmem>> -> memref<1x128xi32, #tpu.memory_space<vmem>>
    %dma_start3A_49 = tpu.memref_squeeze %dma_start3A_48 : memref<1x128xi32, #tpu.memory_space<vmem>> -> memref<128xi32, #tpu.memory_space<vmem>>
    %dma_start3A_50 = arith.constant 0 : i32
    %dma_start3A_51 = arith.constant 0 : i32
    %dma_start3A_52 = tpu.memref_slice %arg8[%dma_start3A_50, %dma_start3A_51] : memref<10240x16xf32, #tpu.memory_space<vmem_shared>> -> memref<10240x16xf32, #tpu.memory_space<vmem_shared>>
    tpu.enqueue_indirect_dma source(%arg7 : memref<128x16xf32, #tpu.memory_space<vmem>>) target(%dma_start3A_52 : memref<10240x16xf32, #tpu.memory_space<vmem_shared>>) offsets(%dma_start3A_49 : memref<128xi32, #tpu.memory_space<vmem>>) semaphore(%arg9 : memref<!tpu.dma_semaphore, #tpu.memory_space<semaphore_mem>>) {add = true}
    %dma_start3A_53 = arith.constant 6 : i32
    %dma_start3A_54 = arith.constant 0 : i32
    %dma_start3A_55 = tpu.memref_slice %arg6[%dma_start3A_53, %dma_start3A_54] : memref<79x128xi32, #tpu.memory_space<vmem>> -> memref<1x128xi32, #tpu.memory_space<vmem>>
    %dma_start3A_56 = tpu.memref_squeeze %dma_start3A_55 : memref<1x128xi32, #tpu.memory_space<vmem>> -> memref<128xi32, #tpu.memory_space<vmem>>
    %dma_start3A_57 = arith.constant 0 : i32
    %dma_start3A_58 = arith.constant 0 : i32
    %dma_start3A_59 = tpu.memref_slice %arg8[%dma_start3A_57, %dma_start3A_58] : memref<10240x16xf32, #tpu.memory_space<vmem_shared>> -> memref<10240x16xf32, #tpu.memory_space<vmem_shared>>
    tpu.enqueue_indirect_dma source(%arg7 : memref<128x16xf32, #tpu.memory_space<vmem>>) target(%dma_start3A_59 : memref<10240x16xf32, #tpu.memory_space<vmem_shared>>) offsets(%dma_start3A_56 : memref<128xi32, #tpu.memory_space<vmem>>) semaphore(%arg9 : memref<!tpu.dma_semaphore, #tpu.memory_space<semaphore_mem>>) {add = true}
    %dma_start3A_60 = arith.constant 7 : i32
    %dma_start3A_61 = arith.constant 0 : i32
    %dma_start3A_62 = tpu.memref_slice %arg6[%dma_start3A_60, %dma_start3A_61] : memref<79x128xi32, #tpu.memory_space<vmem>> -> memref<1x128xi32, #tpu.memory_space<vmem>>
    %dma_start3A_63 = tpu.memref_squeeze %dma_start3A_62 : memref<1x128xi32, #tpu.memory_space<vmem>> -> memref<128xi32, #tpu.memory_space<vmem>>
    %dma_start3A_64 = arith.constant 0 : i32
    %dma_start3A_65 = arith.constant 0 : i32
    %dma_start3A_66 = tpu.memref_slice %arg8[%dma_start3A_64, %dma_start3A_65] : memref<10240x16xf32, #tpu.memory_space<vmem_shared>> -> memref<10240x16xf32, #tpu.memory_space<vmem_shared>>
    tpu.enqueue_indirect_dma source(%arg7 : memref<128x16xf32, #tpu.memory_space<vmem>>) target(%dma_start3A_66 : memref<10240x16xf32, #tpu.memory_space<vmem_shared>>) offsets(%dma_start3A_63 : memref<128xi32, #tpu.memory_space<vmem>>) semaphore(%arg9 : memref<!tpu.dma_semaphore, #tpu.memory_space<semaphore_mem>>) {add = true}
    %dma_start3A_67 = arith.constant 8 : i32
    %dma_start3A_68 = arith.constant 0 : i32
    %dma_start3A_69 = tpu.memref_slice %arg6[%dma_start3A_67, %dma_start3A_68] : memref<79x128xi32, #tpu.memory_space<vmem>> -> memref<1x128xi32, #tpu.memory_space<vmem>>
    %dma_start3A_70 = tpu.memref_squeeze %dma_start3A_69 : memref<1x128xi32, #tpu.memory_space<vmem>> -> memref<128xi32, #tpu.memory_space<vmem>>
    %dma_start3A_71 = arith.constant 0 : i32
    %dma_start3A_72 = arith.constant 0 : i32
    %dma_start3A_73 = tpu.memref_slice %arg8[%dma_start3A_71, %dma_start3A_72] : memref<10240x16xf32, #tpu.memory_space<vmem_shared>> -> memref<10240x16xf32, #tpu.memory_space<vmem_shared>>
    tpu.enqueue_indirect_dma source(%arg7 : memref<128x16xf32, #tpu.memory_space<vmem>>) target(%dma_start3A_73 : memref<10240x16xf32, #tpu.memory_space<vmem_shared>>) offsets(%dma_start3A_70 : memref<128xi32, #tpu.memory_space<vmem>>) semaphore(%arg9 : memref<!tpu.dma_semaphore, #tpu.memory_space<semaphore_mem>>) {add = true}
    %dma_start3A_74 = arith.constant 9 : i32
    %dma_start3A_75 = arith.constant 0 : i32
    %dma_start3A_76 = tpu.memref_slice %arg6[%dma_start3A_74, %dma_start3A_75] : memref<79x128xi32, #tpu.memory_space<vmem>> -> memref<1x128xi32, #tpu.memory_space<vmem>>
    %dma_start3A_77 = tpu.memref_squeeze %dma_start3A_76 : memref<1x128xi32, #tpu.memory_space<vmem>> -> memref<128xi32, #tpu.memory_space<vmem>>
    %dma_start3A_78 = arith.constant 0 : i32
    %dma_start3A_79 = arith.constant 0 : i32
    %dma_start3A_80 = tpu.memref_slice %arg8[%dma_start3A_78, %dma_start3A_79] : memref<10240x16xf32, #tpu.memory_space<vmem_shared>> -> memref<10240x16xf32, #tpu.memory_space<vmem_shared>>
    tpu.enqueue_indirect_dma source(%arg7 : memref<128x16xf32, #tpu.memory_space<vmem>>) target(%dma_start3A_80 : memref<10240x16xf32, #tpu.memory_space<vmem_shared>>) offsets(%dma_start3A_77 : memref<128xi32, #tpu.memory_space<vmem>>) semaphore(%arg9 : memref<!tpu.dma_semaphore, #tpu.memory_space<semaphore_mem>>) {add = true}
    %dma_start3A_81 = arith.constant 10 : i32
    %dma_start3A_82 = arith.constant 0 : i32
    %dma_start3A_83 = tpu.memref_slice %arg6[%dma_start3A_81, %dma_start3A_82] : memref<79x128xi32, #tpu.memory_space<vmem>> -> memref<1x128xi32, #tpu.memory_space<vmem>>
    %dma_start3A_84 = tpu.memref_squeeze %dma_start3A_83 : memref<1x128xi32, #tpu.memory_space<vmem>> -> memref<128xi32, #tpu.memory_space<vmem>>
    %dma_start3A_85 = arith.constant 0 : i32
    %dma_start3A_86 = arith.constant 0 : i32
    %dma_start3A_87 = tpu.memref_slice %arg8[%dma_start3A_85, %dma_start3A_86] : memref<10240x16xf32, #tpu.memory_space<vmem_shared>> -> memref<10240x16xf32, #tpu.memory_space<vmem_shared>>
    tpu.enqueue_indirect_dma source(%arg7 : memref<128x16xf32, #tpu.memory_space<vmem>>) target(%dma_start3A_87 : memref<10240x16xf32, #tpu.memory_space<vmem_shared>>) offsets(%dma_start3A_84 : memref<128xi32, #tpu.memory_space<vmem>>) semaphore(%arg9 : memref<!tpu.dma_semaphore, #tpu.memory_space<semaphore_mem>>) {add = true}
    %dma_start3A_88 = arith.constant 11 : i32
    %dma_start3A_89 = arith.constant 0 : i32
    %dma_start3A_90 = tpu.memref_slice %arg6[%dma_start3A_88, %dma_start3A_89] : memref<79x128xi32, #tpu.memory_space<vmem>> -> memref<1x128xi32, #tpu.memory_space<vmem>>
    %dma_start3A_91 = tpu.memref_squeeze %dma_start3A_90 : memref<1x128xi32, #tpu.memory_space<vmem>> -> memref<128xi32, #tpu.memory_space<vmem>>
    %dma_start3A_92 = arith.constant 0 : i32
    %dma_start3A_93 = arith.constant 0 : i32
    %dma_start3A_94 = tpu.memref_slice %arg8[%dma_start3A_92, %dma_start3A_93] : memref<10240x16xf32, #tpu.memory_space<vmem_shared>> -> memref<10240x16xf32, #tpu.memory_space<vmem_shared>>
    tpu.enqueue_indirect_dma source(%arg7 : memref<128x16xf32, #tpu.memory_space<vmem>>) target(%dma_start3A_94 : memref<10240x16xf32, #tpu.memory_space<vmem_shared>>) offsets(%dma_start3A_91 : memref<128xi32, #tpu.memory_space<vmem>>) semaphore(%arg9 : memref<!tpu.dma_semaphore, #tpu.memory_space<semaphore_mem>>) {add = true}
    %dma_start3A_95 = arith.constant 12 : i32
    %dma_start3A_96 = arith.constant 0 : i32
    %dma_start3A_97 = tpu.memref_slice %arg6[%dma_start3A_95, %dma_start3A_96] : memref<79x128xi32, #tpu.memory_space<vmem>> -> memref<1x128xi32, #tpu.memory_space<vmem>>
    %dma_start3A_98 = tpu.memref_squeeze %dma_start3A_97 : memref<1x128xi32, #tpu.memory_space<vmem>> -> memref<128xi32, #tpu.memory_space<vmem>>
    %dma_start3A_99 = arith.constant 0 : i32
    %dma_start3A_100 = arith.constant 0 : i32
    %dma_start3A_101 = tpu.memref_slice %arg8[%dma_start3A_99, %dma_start3A_100] : memref<10240x16xf32, #tpu.memory_space<vmem_shared>> -> memref<10240x16xf32, #tpu.memory_space<vmem_shared>>
    tpu.enqueue_indirect_dma source(%arg7 : memref<128x16xf32, #tpu.memory_space<vmem>>) target(%dma_start3A_101 : memref<10240x16xf32, #tpu.memory_space<vmem_shared>>) offsets(%dma_start3A_98 : memref<128xi32, #tpu.memory_space<vmem>>) semaphore(%arg9 : memref<!tpu.dma_semaphore, #tpu.memory_space<semaphore_mem>>) {add = true}
    %dma_start3A_102 = arith.constant 13 : i32
    %dma_start3A_103 = arith.constant 0 : i32
    %dma_start3A_104 = tpu.memref_slice %arg6[%dma_start3A_102, %dma_start3A_103] : memref<79x128xi32, #tpu.memory_space<vmem>> -> memref<1x128xi32, #tpu.memory_space<vmem>>
    %dma_start3A_105 = tpu.memref_squeeze %dma_start3A_104 : memref<1x128xi32, #tpu.memory_space<vmem>> -> memref<128xi32, #tpu.memory_space<vmem>>
    %dma_start3A_106 = arith.constant 0 : i32
    %dma_start3A_107 = arith.constant 0 : i32
    %dma_start3A_108 = tpu.memref_slice %arg8[%dma_start3A_106, %dma_start3A_107] : memref<10240x16xf32, #tpu.memory_space<vmem_shared>> -> memref<10240x16xf32, #tpu.memory_space<vmem_shared>>
    tpu.enqueue_indirect_dma source(%arg7 : memref<128x16xf32, #tpu.memory_space<vmem>>) target(%dma_start3A_108 : memref<10240x16xf32, #tpu.memory_space<vmem_shared>>) offsets(%dma_start3A_105 : memref<128xi32, #tpu.memory_space<vmem>>) semaphore(%arg9 : memref<!tpu.dma_semaphore, #tpu.memory_space<semaphore_mem>>) {add = true}
    %dma_start3A_109 = arith.constant 14 : i32
    %dma_start3A_110 = arith.constant 0 : i32
    %dma_start3A_111 = tpu.memref_slice %arg6[%dma_start3A_109, %dma_start3A_110] : memref<79x128xi32, #tpu.memory_space<vmem>> -> memref<1x128xi32, #tpu.memory_space<vmem>>
    %dma_start3A_112 = tpu.memref_squeeze %dma_start3A_111 : memref<1x128xi32, #tpu.memory_space<vmem>> -> memref<128xi32, #tpu.memory_space<vmem>>
    %dma_start3A_113 = arith.constant 0 : i32
    %dma_start3A_114 = arith.constant 0 : i32
    %dma_start3A_115 = tpu.memref_slice %arg8[%dma_start3A_113, %dma_start3A_114] : memref<10240x16xf32, #tpu.memory_space<vmem_shared>> -> memref<10240x16xf32, #tpu.memory_space<vmem_shared>>
    tpu.enqueue_indirect_dma source(%arg7 : memref<128x16xf32, #tpu.memory_space<vmem>>) target(%dma_start3A_115 : memref<10240x16xf32, #tpu.memory_space<vmem_shared>>) offsets(%dma_start3A_112 : memref<128xi32, #tpu.memory_space<vmem>>) semaphore(%arg9 : memref<!tpu.dma_semaphore, #tpu.memory_space<semaphore_mem>>) {add = true}
    %dma_start3A_116 = arith.constant 15 : i32
    %dma_start3A_117 = arith.constant 0 : i32
    %dma_start3A_118 = tpu.memref_slice %arg6[%dma_start3A_116, %dma_start3A_117] : memref<79x128xi32, #tpu.memory_space<vmem>> -> memref<1x128xi32, #tpu.memory_space<vmem>>
    %dma_start3A_119 = tpu.memref_squeeze %dma_start3A_118 : memref<1x128xi32, #tpu.memory_space<vmem>> -> memref<128xi32, #tpu.memory_space<vmem>>
    %dma_start3A_120 = arith.constant 0 : i32
    %dma_start3A_121 = arith.constant 0 : i32
    %dma_start3A_122 = tpu.memref_slice %arg8[%dma_start3A_120, %dma_start3A_121] : memref<10240x16xf32, #tpu.memory_space<vmem_shared>> -> memref<10240x16xf32, #tpu.memory_space<vmem_shared>>
    tpu.enqueue_indirect_dma source(%arg7 : memref<128x16xf32, #tpu.memory_space<vmem>>) target(%dma_start3A_122 : memref<10240x16xf32, #tpu.memory_space<vmem_shared>>) offsets(%dma_start3A_119 : memref<128xi32, #tpu.memory_space<vmem>>) semaphore(%arg9 : memref<!tpu.dma_semaphore, #tpu.memory_space<semaphore_mem>>) {add = true}
    %sub3A_123 = arith.constant 16 : i32
    %sub3A_124 = arith.subi %add3A_9, %sub3A_123 : i32
    %while3A = arith.constant 0 : i32
    %while3A_125 = arith.constant 0 : i32
    %while3A_126 = arith.subi %sub3A_124, %while3A_125 : i32
    %while3A_127 = arith.addi %while3A_125, %while3A_126 : i32
    %while3A_128 = arith.constant 1 : i32
    %while3A_129 = arith.divsi %while3A_126, %while3A_128 : i32
    %while3A_130 = arith.muli %while3A_129, %while3A_128 : i32
    %while3A_131 = arith.addi %while3A_125, %while3A_130 : i32
    %while3A_132 = arith.constant 1 : i32
    scf.for %while3A_298 = %while3A_125 to %while3A_131 step %while3A_132  : i32 {
      %add3A_299 = arith.constant 16 : i32
      %add3A_300 = arith.addi %while3A_298, %add3A_299 : i32
      %dma_start3A_301 = arith.constant 0 : i32
      %dma_start3A_302 = tpu.memref_slice %arg6[%add3A_300, %dma_start3A_301] : memref<79x128xi32, #tpu.memory_space<vmem>> -> memref<1x128xi32, #tpu.memory_space<vmem>>
      %dma_start3A_303 = tpu.memref_squeeze %dma_start3A_302 : memref<1x128xi32, #tpu.memory_space<vmem>> -> memref<128xi32, #tpu.memory_space<vmem>>
      %dma_start3A_304 = arith.constant 0 : i32
      %dma_start3A_305 = arith.constant 0 : i32
      %dma_start3A_306 = tpu.memref_slice %arg8[%dma_start3A_304, %dma_start3A_305] : memref<10240x16xf32, #tpu.memory_space<vmem_shared>> -> memref<10240x16xf32, #tpu.memory_space<vmem_shared>>
      tpu.enqueue_indirect_dma source(%arg7 : memref<128x16xf32, #tpu.memory_space<vmem>>) target(%dma_start3A_306 : memref<10240x16xf32, #tpu.memory_space<vmem_shared>>) offsets(%dma_start3A_303 : memref<128xi32, #tpu.memory_space<vmem>>) semaphore(%arg9 : memref<!tpu.dma_semaphore, #tpu.memory_space<semaphore_mem>>) {add = true}
      %dma_wait3A_307 = arith.constant 0 : i32
      %dma_wait3A_308 = tpu.memref_slice %arg6[%while3A_298, %dma_wait3A_307] : memref<79x128xi32, #tpu.memory_space<vmem>> -> memref<1x128xi32, #tpu.memory_space<vmem>>
      %dma_wait3A_309 = tpu.memref_squeeze %dma_wait3A_308 : memref<1x128xi32, #tpu.memory_space<vmem>> -> memref<128xi32, #tpu.memory_space<vmem>>
      %dma_wait3A_310 = arith.constant 0 : i32
      %dma_wait3A_311 = arith.constant 0 : i32
      %dma_wait3A_312 = tpu.memref_slice %arg8[%dma_wait3A_310, %dma_wait3A_311] : memref<10240x16xf32, #tpu.memory_space<vmem_shared>> -> memref<10240x16xf32, #tpu.memory_space<vmem_shared>>
      tpu.wait_indirect_dma semaphore(%arg9 : memref<!tpu.dma_semaphore, #tpu.memory_space<semaphore_mem>>) src(%arg7 : memref<128x16xf32, #tpu.memory_space<vmem>>) dst(%dma_wait3A_312 : memref<10240x16xf32, #tpu.memory_space<vmem_shared>>)
    }
    %while3A_133 = arith.constant 1 : i32
    scf.for %while3A_298 = %while3A_131 to %while3A_127 step %while3A_133  : i32 {
      %add3A_299 = arith.constant 16 : i32
      %add3A_300 = arith.addi %while3A_298, %add3A_299 : i32
      %dma_start3A_301 = arith.constant 0 : i32
      %dma_start3A_302 = tpu.memref_slice %arg6[%add3A_300, %dma_start3A_301] : memref<79x128xi32, #tpu.memory_space<vmem>> -> memref<1x128xi32, #tpu.memory_space<vmem>>
      %dma_start3A_303 = tpu.memref_squeeze %dma_start3A_302 : memref<1x128xi32, #tpu.memory_space<vmem>> -> memref<128xi32, #tpu.memory_space<vmem>>
      %dma_start3A_304 = arith.constant 0 : i32
      %dma_start3A_305 = arith.constant 0 : i32
      %dma_start3A_306 = tpu.memref_slice %arg8[%dma_start3A_304, %dma_start3A_305] : memref<10240x16xf32, #tpu.memory_space<vmem_shared>> -> memref<10240x16xf32, #tpu.memory_space<vmem_shared>>
      tpu.enqueue_indirect_dma source(%arg7 : memref<128x16xf32, #tpu.memory_space<vmem>>) target(%dma_start3A_306 : memref<10240x16xf32, #tpu.memory_space<vmem_shared>>) offsets(%dma_start3A_303 : memref<128xi32, #tpu.memory_space<vmem>>) semaphore(%arg9 : memref<!tpu.dma_semaphore, #tpu.memory_space<semaphore_mem>>) {add = true}
      %dma_wait3A_307 = arith.constant 0 : i32
      %dma_wait3A_308 = tpu.memref_slice %arg6[%while3A_298, %dma_wait3A_307] : memref<79x128xi32, #tpu.memory_space<vmem>> -> memref<1x128xi32, #tpu.memory_space<vmem>>
      %dma_wait3A_309 = tpu.memref_squeeze %dma_wait3A_308 : memref<1x128xi32, #tpu.memory_space<vmem>> -> memref<128xi32, #tpu.memory_space<vmem>>
      %dma_wait3A_310 = arith.constant 0 : i32
      %dma_wait3A_311 = arith.constant 0 : i32
      %dma_wait3A_312 = tpu.memref_slice %arg8[%dma_wait3A_310, %dma_wait3A_311] : memref<10240x16xf32, #tpu.memory_space<vmem_shared>> -> memref<10240x16xf32, #tpu.memory_space<vmem_shared>>
      tpu.wait_indirect_dma semaphore(%arg9 : memref<!tpu.dma_semaphore, #tpu.memory_space<semaphore_mem>>) src(%arg7 : memref<128x16xf32, #tpu.memory_space<vmem>>) dst(%dma_wait3A_312 : memref<10240x16xf32, #tpu.memory_space<vmem_shared>>)
    }
    %sub3A_134 = arith.constant 16 : i32
    %sub3A_135 = arith.subi %add3A_9, %sub3A_134 : i32
    %add3A_136 = arith.constant 0 : i32
    %add3A_137 = arith.addi %sub3A_135, %add3A_136 : i32
    %dma_wait3A = arith.constant 0 : i32
    %dma_wait3A_138 = tpu.memref_slice %arg6[%add3A_137, %dma_wait3A] : memref<79x128xi32, #tpu.memory_space<vmem>> -> memref<1x128xi32, #tpu.memory_space<vmem>>
    %dma_wait3A_139 = tpu.memref_squeeze %dma_wait3A_138 : memref<1x128xi32, #tpu.memory_space<vmem>> -> memref<128xi32, #tpu.memory_space<vmem>>
    %dma_wait3A_140 = arith.constant 0 : i32
    %dma_wait3A_141 = arith.constant 0 : i32
    %dma_wait3A_142 = tpu.memref_slice %arg8[%dma_wait3A_140, %dma_wait3A_141] : memref<10240x16xf32, #tpu.memory_space<vmem_shared>> -> memref<10240x16xf32, #tpu.memory_space<vmem_shared>>
    tpu.wait_indirect_dma semaphore(%arg9 : memref<!tpu.dma_semaphore, #tpu.memory_space<semaphore_mem>>) src(%arg7 : memref<128x16xf32, #tpu.memory_space<vmem>>) dst(%dma_wait3A_142 : memref<10240x16xf32, #tpu.memory_space<vmem_shared>>)
    %sub3A_143 = arith.constant 16 : i32
    %sub3A_144 = arith.subi %add3A_9, %sub3A_143 : i32
    %add3A_145 = arith.constant 1 : i32
    %add3A_146 = arith.addi %sub3A_144, %add3A_145 : i32
    %dma_wait3A_147 = arith.constant 0 : i32
    %dma_wait3A_148 = tpu.memref_slice %arg6[%add3A_146, %dma_wait3A_147] : memref<79x128xi32, #tpu.memory_space<vmem>> -> memref<1x128xi32, #tpu.memory_space<vmem>>
    %dma_wait3A_149 = tpu.memref_squeeze %dma_wait3A_148 : memref<1x128xi32, #tpu.memory_space<vmem>> -> memref<128xi32, #tpu.memory_space<vmem>>
    %dma_wait3A_150 = arith.constant 0 : i32
    %dma_wait3A_151 = arith.constant 0 : i32
    %dma_wait3A_152 = tpu.memref_slice %arg8[%dma_wait3A_150, %dma_wait3A_151] : memref<10240x16xf32, #tpu.memory_space<vmem_shared>> -> memref<10240x16xf32, #tpu.memory_space<vmem_shared>>
    tpu.wait_indirect_dma semaphore(%arg9 : memref<!tpu.dma_semaphore, #tpu.memory_space<semaphore_mem>>) src(%arg7 : memref<128x16xf32, #tpu.memory_space<vmem>>) dst(%dma_wait3A_152 : memref<10240x16xf32, #tpu.memory_space<vmem_shared>>)
    %sub3A_153 = arith.constant 16 : i32
    %sub3A_154 = arith.subi %add3A_9, %sub3A_153 : i32
    %add3A_155 = arith.constant 2 : i32
    %add3A_156 = arith.addi %sub3A_154, %add3A_155 : i32
    %dma_wait3A_157 = arith.constant 0 : i32
    %dma_wait3A_158 = tpu.memref_slice %arg6[%add3A_156, %dma_wait3A_157] : memref<79x128xi32, #tpu.memory_space<vmem>> -> memref<1x128xi32, #tpu.memory_space<vmem>>
    %dma_wait3A_159 = tpu.memref_squeeze %dma_wait3A_158 : memref<1x128xi32, #tpu.memory_space<vmem>> -> memref<128xi32, #tpu.memory_space<vmem>>
    %dma_wait3A_160 = arith.constant 0 : i32
    %dma_wait3A_161 = arith.constant 0 : i32
    %dma_wait3A_162 = tpu.memref_slice %arg8[%dma_wait3A_160, %dma_wait3A_161] : memref<10240x16xf32, #tpu.memory_space<vmem_shared>> -> memref<10240x16xf32, #tpu.memory_space<vmem_shared>>
    tpu.wait_indirect_dma semaphore(%arg9 : memref<!tpu.dma_semaphore, #tpu.memory_space<semaphore_mem>>) src(%arg7 : memref<128x16xf32, #tpu.memory_space<vmem>>) dst(%dma_wait3A_162 : memref<10240x16xf32, #tpu.memory_space<vmem_shared>>)
    %sub3A_163 = arith.constant 16 : i32
    %sub3A_164 = arith.subi %add3A_9, %sub3A_163 : i32
    %add3A_165 = arith.constant 3 : i32
    %add3A_166 = arith.addi %sub3A_164, %add3A_165 : i32
    %dma_wait3A_167 = arith.constant 0 : i32
    %dma_wait3A_168 = tpu.memref_slice %arg6[%add3A_166, %dma_wait3A_167] : memref<79x128xi32, #tpu.memory_space<vmem>> -> memref<1x128xi32, #tpu.memory_space<vmem>>
    %dma_wait3A_169 = tpu.memref_squeeze %dma_wait3A_168 : memref<1x128xi32, #tpu.memory_space<vmem>> -> memref<128xi32, #tpu.memory_space<vmem>>
    %dma_wait3A_170 = arith.constant 0 : i32
    %dma_wait3A_171 = arith.constant 0 : i32
    %dma_wait3A_172 = tpu.memref_slice %arg8[%dma_wait3A_170, %dma_wait3A_171] : memref<10240x16xf32, #tpu.memory_space<vmem_shared>> -> memref<10240x16xf32, #tpu.memory_space<vmem_shared>>
    tpu.wait_indirect_dma semaphore(%arg9 : memref<!tpu.dma_semaphore, #tpu.memory_space<semaphore_mem>>) src(%arg7 : memref<128x16xf32, #tpu.memory_space<vmem>>) dst(%dma_wait3A_172 : memref<10240x16xf32, #tpu.memory_space<vmem_shared>>)
    %sub3A_173 = arith.constant 16 : i32
    %sub3A_174 = arith.subi %add3A_9, %sub3A_173 : i32
    %add3A_175 = arith.constant 4 : i32
    %add3A_176 = arith.addi %sub3A_174, %add3A_175 : i32
    %dma_wait3A_177 = arith.constant 0 : i32
    %dma_wait3A_178 = tpu.memref_slice %arg6[%add3A_176, %dma_wait3A_177] : memref<79x128xi32, #tpu.memory_space<vmem>> -> memref<1x128xi32, #tpu.memory_space<vmem>>
    %dma_wait3A_179 = tpu.memref_squeeze %dma_wait3A_178 : memref<1x128xi32, #tpu.memory_space<vmem>> -> memref<128xi32, #tpu.memory_space<vmem>>
    %dma_wait3A_180 = arith.constant 0 : i32
    %dma_wait3A_181 = arith.constant 0 : i32
    %dma_wait3A_182 = tpu.memref_slice %arg8[%dma_wait3A_180, %dma_wait3A_181] : memref<10240x16xf32, #tpu.memory_space<vmem_shared>> -> memref<10240x16xf32, #tpu.memory_space<vmem_shared>>
    tpu.wait_indirect_dma semaphore(%arg9 : memref<!tpu.dma_semaphore, #tpu.memory_space<semaphore_mem>>) src(%arg7 : memref<128x16xf32, #tpu.memory_space<vmem>>) dst(%dma_wait3A_182 : memref<10240x16xf32, #tpu.memory_space<vmem_shared>>)
    %sub3A_183 = arith.constant 16 : i32
    %sub3A_184 = arith.subi %add3A_9, %sub3A_183 : i32
    %add3A_185 = arith.constant 5 : i32
    %add3A_186 = arith.addi %sub3A_184, %add3A_185 : i32
    %dma_wait3A_187 = arith.constant 0 : i32
    %dma_wait3A_188 = tpu.memref_slice %arg6[%add3A_186, %dma_wait3A_187] : memref<79x128xi32, #tpu.memory_space<vmem>> -> memref<1x128xi32, #tpu.memory_space<vmem>>
    %dma_wait3A_189 = tpu.memref_squeeze %dma_wait3A_188 : memref<1x128xi32, #tpu.memory_space<vmem>> -> memref<128xi32, #tpu.memory_space<vmem>>
    %dma_wait3A_190 = arith.constant 0 : i32
    %dma_wait3A_191 = arith.constant 0 : i32
    %dma_wait3A_192 = tpu.memref_slice %arg8[%dma_wait3A_190, %dma_wait3A_191] : memref<10240x16xf32, #tpu.memory_space<vmem_shared>> -> memref<10240x16xf32, #tpu.memory_space<vmem_shared>>
    tpu.wait_indirect_dma semaphore(%arg9 : memref<!tpu.dma_semaphore, #tpu.memory_space<semaphore_mem>>) src(%arg7 : memref<128x16xf32, #tpu.memory_space<vmem>>) dst(%dma_wait3A_192 : memref<10240x16xf32, #tpu.memory_space<vmem_shared>>)
    %sub3A_193 = arith.constant 16 : i32
    %sub3A_194 = arith.subi %add3A_9, %sub3A_193 : i32
    %add3A_195 = arith.constant 6 : i32
    %add3A_196 = arith.addi %sub3A_194, %add3A_195 : i32
    %dma_wait3A_197 = arith.constant 0 : i32
    %dma_wait3A_198 = tpu.memref_slice %arg6[%add3A_196, %dma_wait3A_197] : memref<79x128xi32, #tpu.memory_space<vmem>> -> memref<1x128xi32, #tpu.memory_space<vmem>>
    %dma_wait3A_199 = tpu.memref_squeeze %dma_wait3A_198 : memref<1x128xi32, #tpu.memory_space<vmem>> -> memref<128xi32, #tpu.memory_space<vmem>>
    %dma_wait3A_200 = arith.constant 0 : i32
    %dma_wait3A_201 = arith.constant 0 : i32
    %dma_wait3A_202 = tpu.memref_slice %arg8[%dma_wait3A_200, %dma_wait3A_201] : memref<10240x16xf32, #tpu.memory_space<vmem_shared>> -> memref<10240x16xf32, #tpu.memory_space<vmem_shared>>
    tpu.wait_indirect_dma semaphore(%arg9 : memref<!tpu.dma_semaphore, #tpu.memory_space<semaphore_mem>>) src(%arg7 : memref<128x16xf32, #tpu.memory_space<vmem>>) dst(%dma_wait3A_202 : memref<10240x16xf32, #tpu.memory_space<vmem_shared>>)
    %sub3A_203 = arith.constant 16 : i32
    %sub3A_204 = arith.subi %add3A_9, %sub3A_203 : i32
    %add3A_205 = arith.constant 7 : i32
    %add3A_206 = arith.addi %sub3A_204, %add3A_205 : i32
    %dma_wait3A_207 = arith.constant 0 : i32
    %dma_wait3A_208 = tpu.memref_slice %arg6[%add3A_206, %dma_wait3A_207] : memref<79x128xi32, #tpu.memory_space<vmem>> -> memref<1x128xi32, #tpu.memory_space<vmem>>
    %dma_wait3A_209 = tpu.memref_squeeze %dma_wait3A_208 : memref<1x128xi32, #tpu.memory_space<vmem>> -> memref<128xi32, #tpu.memory_space<vmem>>
    %dma_wait3A_210 = arith.constant 0 : i32
    %dma_wait3A_211 = arith.constant 0 : i32
    %dma_wait3A_212 = tpu.memref_slice %arg8[%dma_wait3A_210, %dma_wait3A_211] : memref<10240x16xf32, #tpu.memory_space<vmem_shared>> -> memref<10240x16xf32, #tpu.memory_space<vmem_shared>>
    tpu.wait_indirect_dma semaphore(%arg9 : memref<!tpu.dma_semaphore, #tpu.memory_space<semaphore_mem>>) src(%arg7 : memref<128x16xf32, #tpu.memory_space<vmem>>) dst(%dma_wait3A_212 : memref<10240x16xf32, #tpu.memory_space<vmem_shared>>)
    %sub3A_213 = arith.constant 16 : i32
    %sub3A_214 = arith.subi %add3A_9, %sub3A_213 : i32
    %add3A_215 = arith.constant 8 : i32
    %add3A_216 = arith.addi %sub3A_214, %add3A_215 : i32
    %dma_wait3A_217 = arith.constant 0 : i32
    %dma_wait3A_218 = tpu.memref_slice %arg6[%add3A_216, %dma_wait3A_217] : memref<79x128xi32, #tpu.memory_space<vmem>> -> memref<1x128xi32, #tpu.memory_space<vmem>>
    %dma_wait3A_219 = tpu.memref_squeeze %dma_wait3A_218 : memref<1x128xi32, #tpu.memory_space<vmem>> -> memref<128xi32, #tpu.memory_space<vmem>>
    %dma_wait3A_220 = arith.constant 0 : i32
    %dma_wait3A_221 = arith.constant 0 : i32
    %dma_wait3A_222 = tpu.memref_slice %arg8[%dma_wait3A_220, %dma_wait3A_221] : memref<10240x16xf32, #tpu.memory_space<vmem_shared>> -> memref<10240x16xf32, #tpu.memory_space<vmem_shared>>
    tpu.wait_indirect_dma semaphore(%arg9 : memref<!tpu.dma_semaphore, #tpu.memory_space<semaphore_mem>>) src(%arg7 : memref<128x16xf32, #tpu.memory_space<vmem>>) dst(%dma_wait3A_222 : memref<10240x16xf32, #tpu.memory_space<vmem_shared>>)
    %sub3A_223 = arith.constant 16 : i32
    %sub3A_224 = arith.subi %add3A_9, %sub3A_223 : i32
    %add3A_225 = arith.constant 9 : i32
    %add3A_226 = arith.addi %sub3A_224, %add3A_225 : i32
    %dma_wait3A_227 = arith.constant 0 : i32
    %dma_wait3A_228 = tpu.memref_slice %arg6[%add3A_226, %dma_wait3A_227] : memref<79x128xi32, #tpu.memory_space<vmem>> -> memref<1x128xi32, #tpu.memory_space<vmem>>
    %dma_wait3A_229 = tpu.memref_squeeze %dma_wait3A_228 : memref<1x128xi32, #tpu.memory_space<vmem>> -> memref<128xi32, #tpu.memory_space<vmem>>
    %dma_wait3A_230 = arith.constant 0 : i32
    %dma_wait3A_231 = arith.constant 0 : i32
    %dma_wait3A_232 = tpu.memref_slice %arg8[%dma_wait3A_230, %dma_wait3A_231] : memref<10240x16xf32, #tpu.memory_space<vmem_shared>> -> memref<10240x16xf32, #tpu.memory_space<vmem_shared>>
    tpu.wait_indirect_dma semaphore(%arg9 : memref<!tpu.dma_semaphore, #tpu.memory_space<semaphore_mem>>) src(%arg7 : memref<128x16xf32, #tpu.memory_space<vmem>>) dst(%dma_wait3A_232 : memref<10240x16xf32, #tpu.memory_space<vmem_shared>>)
    %sub3A_233 = arith.constant 16 : i32
    %sub3A_234 = arith.subi %add3A_9, %sub3A_233 : i32
    %add3A_235 = arith.constant 10 : i32
    %add3A_236 = arith.addi %sub3A_234, %add3A_235 : i32
    %dma_wait3A_237 = arith.constant 0 : i32
    %dma_wait3A_238 = tpu.memref_slice %arg6[%add3A_236, %dma_wait3A_237] : memref<79x128xi32, #tpu.memory_space<vmem>> -> memref<1x128xi32, #tpu.memory_space<vmem>>
    %dma_wait3A_239 = tpu.memref_squeeze %dma_wait3A_238 : memref<1x128xi32, #tpu.memory_space<vmem>> -> memref<128xi32, #tpu.memory_space<vmem>>
    %dma_wait3A_240 = arith.constant 0 : i32
    %dma_wait3A_241 = arith.constant 0 : i32
    %dma_wait3A_242 = tpu.memref_slice %arg8[%dma_wait3A_240, %dma_wait3A_241] : memref<10240x16xf32, #tpu.memory_space<vmem_shared>> -> memref<10240x16xf32, #tpu.memory_space<vmem_shared>>
    tpu.wait_indirect_dma semaphore(%arg9 : memref<!tpu.dma_semaphore, #tpu.memory_space<semaphore_mem>>) src(%arg7 : memref<128x16xf32, #tpu.memory_space<vmem>>) dst(%dma_wait3A_242 : memref<10240x16xf32, #tpu.memory_space<vmem_shared>>)
    %sub3A_243 = arith.constant 16 : i32
    %sub3A_244 = arith.subi %add3A_9, %sub3A_243 : i32
    %add3A_245 = arith.constant 11 : i32
    %add3A_246 = arith.addi %sub3A_244, %add3A_245 : i32
    %dma_wait3A_247 = arith.constant 0 : i32
    %dma_wait3A_248 = tpu.memref_slice %arg6[%add3A_246, %dma_wait3A_247] : memref<79x128xi32, #tpu.memory_space<vmem>> -> memref<1x128xi32, #tpu.memory_space<vmem>>
    %dma_wait3A_249 = tpu.memref_squeeze %dma_wait3A_248 : memref<1x128xi32, #tpu.memory_space<vmem>> -> memref<128xi32, #tpu.memory_space<vmem>>
    %dma_wait3A_250 = arith.constant 0 : i32
    %dma_wait3A_251 = arith.constant 0 : i32
    %dma_wait3A_252 = tpu.memref_slice %arg8[%dma_wait3A_250, %dma_wait3A_251] : memref<10240x16xf32, #tpu.memory_space<vmem_shared>> -> memref<10240x16xf32, #tpu.memory_space<vmem_shared>>
    tpu.wait_indirect_dma semaphore(%arg9 : memref<!tpu.dma_semaphore, #tpu.memory_space<semaphore_mem>>) src(%arg7 : memref<128x16xf32, #tpu.memory_space<vmem>>) dst(%dma_wait3A_252 : memref<10240x16xf32, #tpu.memory_space<vmem_shared>>)
    %sub3A_253 = arith.constant 16 : i32
    %sub3A_254 = arith.subi %add3A_9, %sub3A_253 : i32
    %add3A_255 = arith.constant 12 : i32
    %add3A_256 = arith.addi %sub3A_254, %add3A_255 : i32
    %dma_wait3A_257 = arith.constant 0 : i32
    %dma_wait3A_258 = tpu.memref_slice %arg6[%add3A_256, %dma_wait3A_257] : memref<79x128xi32, #tpu.memory_space<vmem>> -> memref<1x128xi32, #tpu.memory_space<vmem>>
    %dma_wait3A_259 = tpu.memref_squeeze %dma_wait3A_258 : memref<1x128xi32, #tpu.memory_space<vmem>> -> memref<128xi32, #tpu.memory_space<vmem>>
    %dma_wait3A_260 = arith.constant 0 : i32
    %dma_wait3A_261 = arith.constant 0 : i32
    %dma_wait3A_262 = tpu.memref_slice %arg8[%dma_wait3A_260, %dma_wait3A_261] : memref<10240x16xf32, #tpu.memory_space<vmem_shared>> -> memref<10240x16xf32, #tpu.memory_space<vmem_shared>>
    tpu.wait_indirect_dma semaphore(%arg9 : memref<!tpu.dma_semaphore, #tpu.memory_space<semaphore_mem>>) src(%arg7 : memref<128x16xf32, #tpu.memory_space<vmem>>) dst(%dma_wait3A_262 : memref<10240x16xf32, #tpu.memory_space<vmem_shared>>)
    %sub3A_263 = arith.constant 16 : i32
    %sub3A_264 = arith.subi %add3A_9, %sub3A_263 : i32
    %add3A_265 = arith.constant 13 : i32
    %add3A_266 = arith.addi %sub3A_264, %add3A_265 : i32
    %dma_wait3A_267 = arith.constant 0 : i32
    %dma_wait3A_268 = tpu.memref_slice %arg6[%add3A_266, %dma_wait3A_267] : memref<79x128xi32, #tpu.memory_space<vmem>> -> memref<1x128xi32, #tpu.memory_space<vmem>>
    %dma_wait3A_269 = tpu.memref_squeeze %dma_wait3A_268 : memref<1x128xi32, #tpu.memory_space<vmem>> -> memref<128xi32, #tpu.memory_space<vmem>>
    %dma_wait3A_270 = arith.constant 0 : i32
    %dma_wait3A_271 = arith.constant 0 : i32
    %dma_wait3A_272 = tpu.memref_slice %arg8[%dma_wait3A_270, %dma_wait3A_271] : memref<10240x16xf32, #tpu.memory_space<vmem_shared>> -> memref<10240x16xf32, #tpu.memory_space<vmem_shared>>
    tpu.wait_indirect_dma semaphore(%arg9 : memref<!tpu.dma_semaphore, #tpu.memory_space<semaphore_mem>>) src(%arg7 : memref<128x16xf32, #tpu.memory_space<vmem>>) dst(%dma_wait3A_272 : memref<10240x16xf32, #tpu.memory_space<vmem_shared>>)
    %sub3A_273 = arith.constant 16 : i32
    %sub3A_274 = arith.subi %add3A_9, %sub3A_273 : i32
    %add3A_275 = arith.constant 14 : i32
    %add3A_276 = arith.addi %sub3A_274, %add3A_275 : i32
    %dma_wait3A_277 = arith.constant 0 : i32
    %dma_wait3A_278 = tpu.memref_slice %arg6[%add3A_276, %dma_wait3A_277] : memref<79x128xi32, #tpu.memory_space<vmem>> -> memref<1x128xi32, #tpu.memory_space<vmem>>
    %dma_wait3A_279 = tpu.memref_squeeze %dma_wait3A_278 : memref<1x128xi32, #tpu.memory_space<vmem>> -> memref<128xi32, #tpu.memory_space<vmem>>
    %dma_wait3A_280 = arith.constant 0 : i32
    %dma_wait3A_281 = arith.constant 0 : i32
    %dma_wait3A_282 = tpu.memref_slice %arg8[%dma_wait3A_280, %dma_wait3A_281] : memref<10240x16xf32, #tpu.memory_space<vmem_shared>> -> memref<10240x16xf32, #tpu.memory_space<vmem_shared>>
    tpu.wait_indirect_dma semaphore(%arg9 : memref<!tpu.dma_semaphore, #tpu.memory_space<semaphore_mem>>) src(%arg7 : memref<128x16xf32, #tpu.memory_space<vmem>>) dst(%dma_wait3A_282 : memref<10240x16xf32, #tpu.memory_space<vmem_shared>>)
    %sub3A_283 = arith.constant 16 : i32
    %sub3A_284 = arith.subi %add3A_9, %sub3A_283 : i32
    %add3A_285 = arith.constant 15 : i32
    %add3A_286 = arith.addi %sub3A_284, %add3A_285 : i32
    %dma_wait3A_287 = arith.constant 0 : i32
    %dma_wait3A_288 = tpu.memref_slice %arg6[%add3A_286, %dma_wait3A_287] : memref<79x128xi32, #tpu.memory_space<vmem>> -> memref<1x128xi32, #tpu.memory_space<vmem>>
    %dma_wait3A_289 = tpu.memref_squeeze %dma_wait3A_288 : memref<1x128xi32, #tpu.memory_space<vmem>> -> memref<128xi32, #tpu.memory_space<vmem>>
    %dma_wait3A_290 = arith.constant 0 : i32
    %dma_wait3A_291 = arith.constant 0 : i32
    %dma_wait3A_292 = tpu.memref_slice %arg8[%dma_wait3A_290, %dma_wait3A_291] : memref<10240x16xf32, #tpu.memory_space<vmem_shared>> -> memref<10240x16xf32, #tpu.memory_space<vmem_shared>>
    tpu.wait_indirect_dma semaphore(%arg9 : memref<!tpu.dma_semaphore, #tpu.memory_space<semaphore_mem>>) src(%arg7 : memref<128x16xf32, #tpu.memory_space<vmem>>) dst(%dma_wait3A_292 : memref<10240x16xf32, #tpu.memory_space<vmem_shared>>)
    %barrier3A_293 = arith.constant 0 : index
    tpu.barrier barrier_id(%barrier3A_293)
    %mul3A_294 = arith.constant 640 : i32
    %mul3A_295 = arith.muli %arg1, %mul3A_294 : i32
    %mul3A_296 = arith.constant 640 : i32
    %mul3A_297 = arith.muli %arg1, %mul3A_296 : i32
    "tpu.region"() ({
      %run_scoped3A_298 = tpu.sem_alloc : memref<!tpu.dma_semaphore, #tpu.memory_space<semaphore_mem>>
      %dma_start3A_299 = arith.constant 0 : i32
      %dma_start3A_300 = tpu.memref_slice %arg5[%arg0, %mul3A_297, %dma_start3A_299] : memref<2x10240x16xf32, #tpu.memory_space<hbm>> -> memref<1x640x16xf32, #tpu.memory_space<hbm>>
      %dma_start3A_301 = tpu.memref_squeeze %dma_start3A_300 : memref<1x640x16xf32, #tpu.memory_space<hbm>> -> memref<640x16xf32, #tpu.memory_space<hbm>>
      %dma_start3A_302 = arith.constant 0 : i32
      %dma_start3A_303 = tpu.memref_slice %arg8[%mul3A_295, %dma_start3A_302] : memref<10240x16xf32, #tpu.memory_space<vmem_shared>> -> memref<640x16xf32, #tpu.memory_space<vmem_shared>>
      tpu.enqueue_dma source(%dma_start3A_303 : memref<640x16xf32, #tpu.memory_space<vmem_shared>>) target(%dma_start3A_301 : memref<640x16xf32, #tpu.memory_space<hbm>>) target_semaphore(%run_scoped3A_298 : memref<!tpu.dma_semaphore, #tpu.memory_space<semaphore_mem>>)
      %dma_wait3A_304 = arith.constant 0 : i32
      %dma_wait3A_305 = tpu.memref_slice %arg5[%arg0, %mul3A_297, %dma_wait3A_304] : memref<2x10240x16xf32, #tpu.memory_space<hbm>> -> memref<1x640x16xf32, #tpu.memory_space<hbm>>
      %dma_wait3A_306 = tpu.memref_squeeze %dma_wait3A_305 : memref<1x640x16xf32, #tpu.memory_space<hbm>> -> memref<640x16xf32, #tpu.memory_space<hbm>>
      %dma_wait3A_307 = arith.constant 0 : i32
      %dma_wait3A_308 = tpu.memref_slice %arg8[%mul3A_295, %dma_wait3A_307] : memref<10240x16xf32, #tpu.memory_space<vmem_shared>> -> memref<640x16xf32, #tpu.memory_space<vmem_shared>>
      tpu.wait_dma2 semaphore(%run_scoped3A_298 : memref<!tpu.dma_semaphore, #tpu.memory_space<semaphore_mem>>) src(%dma_wait3A_308 : memref<640x16xf32, #tpu.memory_space<vmem_shared>>) dst(%dma_wait3A_306 : memref<640x16xf32, #tpu.memory_space<hbm>>)
      tpu.yield
    }) : () -> ()
    return
  }
}

module attributes {stable_mosaic.version = 14 : i64} {
  func.func @_t2_body(%arg0: i32, %arg1: memref<2x2560x128xf32, #tpu.memory_space<vmem>>, %arg2: memref<2560x128xf32, #tpu.memory_space<vmem>>, %arg3: memref<1x128xf32, #tpu.memory_space<vmem>>, %arg4: memref<128x128xf32, #tpu.memory_space<vmem>>, %arg5: memref<2560x128xf32, #tpu.memory_space<vmem>>) attributes {dimension_semantics = [#tpu.dimension_semantics<arbitrary>], iteration_bounds = array<i64: 2>, scalar_prefetch = 0 : i64, scratch_operands = 0 : i64, tpu.core_type = #tpu.core_type<tc>, window_params = [{transform_indices = @transform_0, window_bounds = array<i64: 2, 2560, 128>}, {transform_indices = @transform_1, window_bounds = array<i64: 2560, 128>}, {pipeline_mode = #tpu.pipeline_mode<synchronous>, transform_indices = @transform_2, window_bounds = array<i64: 1, 128>}, {pipeline_mode = #tpu.pipeline_mode<synchronous>, transform_indices = @transform_3, window_bounds = array<i64: 128, 128>}, {transform_indices = @transform_4, window_bounds = array<i64: 2560, 128>}]} {
    %get3A = arith.constant 0 : index
    %get3A_0 = arith.constant 0 : index
    %get3A_1 = arith.constant 0 : index
    %get3A_2 = vector.load %arg1[%get3A, %get3A_0, %get3A_1] : memref<2x2560x128xf32, #tpu.memory_space<vmem>>, vector<2x2560x128xf32>
    %slice3A = vector.extract_strided_slice %get3A_2 {offsets = [0, 0, 0], sizes = [1, 2560, 128], strides = [1, 1, 1]} : vector<2x2560x128xf32> to vector<1x2560x128xf32>
    %squeeze3A = vector.shape_cast %slice3A : vector<1x2560x128xf32> to vector<2560x128xf32>
    %slice3A_3 = vector.extract_strided_slice %get3A_2 {offsets = [1, 0, 0], sizes = [1, 2560, 128], strides = [1, 1, 1]} : vector<2x2560x128xf32> to vector<1x2560x128xf32>
    %squeeze3A_4 = vector.shape_cast %slice3A_3 : vector<1x2560x128xf32> to vector<2560x128xf32>
    %add3A = arith.addf %squeeze3A, %squeeze3A_4 : vector<2560x128xf32>
    %get3A_5 = arith.constant 0 : index
    %get3A_6 = arith.constant 0 : index
    %get3A_7 = vector.load %arg2[%get3A_5, %get3A_6] : memref<2560x128xf32, #tpu.memory_space<vmem>>, vector<2560x128xf32>
    %mul3A = arith.mulf %add3A, %get3A_7 : vector<2560x128xf32>
    %get3A_8 = arith.constant 0 : index
    %get3A_9 = arith.constant 0 : index
    %get3A_10 = vector.load %arg3[%get3A_8, %get3A_9] : memref<1x128xf32, #tpu.memory_space<vmem>>, vector<1x128xf32>
    %add3A_11 = vector.broadcast %get3A_10 : vector<1x128xf32> to vector<2560x128xf32>
    %add3A_12 = arith.addf %mul3A, %add3A_11 : vector<2560x128xf32>
    %max3A = arith.constant 0.000000e+00 : f32
    %max3A_13 = vector.broadcast %max3A : f32 to vector<2560x128xf32>
    %max3A_14 = arith.maximumf %add3A_12, %max3A_13 : vector<2560x128xf32>
    %get3A_15 = arith.constant 0 : index
    %get3A_16 = arith.constant 0 : index
    %get3A_17 = vector.load %arg4[%get3A_15, %get3A_16] : memref<128x128xf32, #tpu.memory_space<vmem>>, vector<128x128xf32>
    %dot_general3A = arith.constant dense<0.000000e+00> : vector<2560x128xf32>
    %dot_general3A_18 = tpu.matmul %max3A_14, %get3A_17, %dot_general3A {dimension_numbers = #tpu.dot_dimension_numbers<[1], [0], [0], [1], [0, 0, 1, 1], [], []>, transpose_lhs_hint = false} : vector<2560x128xf32>, vector<128x128xf32>, vector<2560x128xf32> -> vector<2560x128xf32>
    %swap3A = arith.constant 0 : index
    %swap3A_19 = arith.constant 0 : index
    %swap3A_20 = vector.load %arg5[%swap3A, %swap3A_19] : memref<2560x128xf32, #tpu.memory_space<vmem>>, vector<2560x128xf32>
    tpu.vector_store %arg5[%swap3A, %swap3A_19], %dot_general3A_18 {strides = array<i32>} : memref<2560x128xf32, #tpu.memory_space<vmem>>, vector<2560x128xf32>,
    return
  }
  func.func @transform_0(%arg0: i32) -> (i32, i32, i32) {
    %c0_i32 = arith.constant 0 : i32
    %c0_i32_0 = arith.constant 0 : i32
    %c0_i32_1 = arith.constant 0 : i32
    return %c0_i32, %arg0, %c0_i32_0 : i32, i32, i32
  }
  func.func @transform_1(%arg0: i32) -> (i32, i32) {
    %c0_i32 = arith.constant 0 : i32
    %c0_i32_0 = arith.constant 0 : i32
    return %arg0, %c0_i32 : i32, i32
  }
  func.func @transform_2(%arg0: i32) -> (i32, i32) {
    %c0_i32 = arith.constant 0 : i32
    %c0_i32_0 = arith.constant 0 : i32
    %c0_i32_1 = arith.constant 0 : i32
    return %c0_i32, %c0_i32_0 : i32, i32
  }
  func.func @transform_3(%arg0: i32) -> (i32, i32) {
    %c0_i32 = arith.constant 0 : i32
    %c0_i32_0 = arith.constant 0 : i32
    %c0_i32_1 = arith.constant 0 : i32
    return %c0_i32, %c0_i32_0 : i32, i32
  }
  func.func @transform_4(%arg0: i32) -> (i32, i32) {
    %c0_i32 = arith.constant 0 : i32
    %c0_i32_0 = arith.constant 0 : i32
    return %arg0, %c0_i32 : i32, i32
  }
}

module attributes {stable_mosaic.version = 14 : i64} {
  func.func @_t1_body(%arg0: i32, %arg1: memref<2560x256xf32, #tpu.memory_space<vmem>>, %arg2: memref<256x128xf32, #tpu.memory_space<vmem>>, %arg3: memref<2x640x128xf32, #tpu.memory_space<vmem>>, %arg4: memref<2560x128xf32, #tpu.memory_space<vmem>>, %arg5: memref<640x128xf32, #tpu.memory_space<vmem>>) attributes {dimension_semantics = [#tpu.dimension_semantics<arbitrary>], iteration_bounds = array<i64: 2>, scalar_prefetch = 0 : i64, scratch_operands = 0 : i64, tpu.core_type = #tpu.core_type<tc>, window_params = [{transform_indices = @transform_0, window_bounds = array<i64: 2560, 256>}, {pipeline_mode = #tpu.pipeline_mode<synchronous>, transform_indices = @transform_1, window_bounds = array<i64: 256, 128>}, {transform_indices = @transform_2, window_bounds = array<i64: 2, 640, 128>}, {transform_indices = @transform_3, window_bounds = array<i64: 2560, 128>}, {transform_indices = @transform_4, window_bounds = array<i64: 640, 128>}]} {
    %get3A = arith.constant 0 : index
    %get3A_0 = arith.constant 0 : index
    %get3A_1 = arith.constant 0 : index
    %get3A_2 = vector.load %arg3[%get3A, %get3A_0, %get3A_1] : memref<2x640x128xf32, #tpu.memory_space<vmem>>, vector<2x640x128xf32>
    %slice3A = vector.extract_strided_slice %get3A_2 {offsets = [0, 0, 0], sizes = [1, 640, 128], strides = [1, 1, 1]} : vector<2x640x128xf32> to vector<1x640x128xf32>
    %squeeze3A = vector.shape_cast %slice3A : vector<1x640x128xf32> to vector<640x128xf32>
    %slice3A_3 = vector.extract_strided_slice %get3A_2 {offsets = [1, 0, 0], sizes = [1, 640, 128], strides = [1, 1, 1]} : vector<2x640x128xf32> to vector<1x640x128xf32>
    %squeeze3A_4 = vector.shape_cast %slice3A_3 : vector<1x640x128xf32> to vector<640x128xf32>
    %add3A = arith.addf %squeeze3A, %squeeze3A_4 : vector<640x128xf32>
    %add3A_5 = arith.constant 1.000000e+00 : f32
    %add3A_6 = vector.broadcast %add3A_5 : f32 to vector<640x128xf32>
    %add3A_7 = arith.addf %add3A, %add3A_6 : vector<640x128xf32>
    %rsqrt3A = math.rsqrt %add3A_7 : vector<640x128xf32>
    %swap3A = arith.constant 0 : index
    %swap3A_8 = arith.constant 0 : index
    %swap3A_9 = vector.load %arg5[%swap3A, %swap3A_8] : memref<640x128xf32, #tpu.memory_space<vmem>>, vector<640x128xf32>
    tpu.vector_store %arg5[%swap3A, %swap3A_8], %rsqrt3A {strides = array<i32>} : memref<640x128xf32, #tpu.memory_space<vmem>>, vector<640x128xf32>,
    %get3A_10 = arith.constant 0 : index
    %get3A_11 = arith.constant 0 : index
    %get3A_12 = vector.load %arg1[%get3A_10, %get3A_11] : memref<2560x256xf32, #tpu.memory_space<vmem>>, vector<2560x256xf32>
    %get3A_13 = arith.constant 0 : index
    %get3A_14 = arith.constant 0 : index
    %get3A_15 = vector.load %arg2[%get3A_13, %get3A_14] : memref<256x128xf32, #tpu.memory_space<vmem>>, vector<256x128xf32>
    %dot_general3A = arith.constant dense<0.000000e+00> : vector<2560x128xf32>
    %dot_general3A_16 = tpu.matmul %get3A_12, %get3A_15, %dot_general3A {dimension_numbers = #tpu.dot_dimension_numbers<[1], [0], [0], [1], [0, 0, 1, 1], [], []>, transpose_lhs_hint = false} : vector<2560x256xf32>, vector<256x128xf32>, vector<2560x128xf32> -> vector<2560x128xf32>
    %swap3A_17 = arith.constant 0 : index
    %swap3A_18 = arith.constant 0 : index
    %swap3A_19 = vector.load %arg4[%swap3A_17, %swap3A_18] : memref<2560x128xf32, #tpu.memory_space<vmem>>, vector<2560x128xf32>
    tpu.vector_store %arg4[%swap3A_17, %swap3A_18], %dot_general3A_16 {strides = array<i32>} : memref<2560x128xf32, #tpu.memory_space<vmem>>, vector<2560x128xf32>,
    return
  }
  func.func @transform_0(%arg0: i32) -> (i32, i32) {
    %c0_i32 = arith.constant 0 : i32
    %c0_i32_0 = arith.constant 0 : i32
    return %arg0, %c0_i32 : i32, i32
  }
  func.func @transform_1(%arg0: i32) -> (i32, i32) {
    %c0_i32 = arith.constant 0 : i32
    %c0_i32_0 = arith.constant 0 : i32
    %c0_i32_1 = arith.constant 0 : i32
    return %c0_i32, %c0_i32_0 : i32, i32
  }
  func.func @transform_2(%arg0: i32) -> (i32, i32, i32) {
    %c0_i32 = arith.constant 0 : i32
    %c0_i32_0 = arith.constant 0 : i32
    %c0_i32_1 = arith.constant 0 : i32
    return %c0_i32, %arg0, %c0_i32_0 : i32, i32, i32
  }
  func.func @transform_3(%arg0: i32) -> (i32, i32) {
    %c0_i32 = arith.constant 0 : i32
    %c0_i32_0 = arith.constant 0 : i32
    return %arg0, %c0_i32 : i32, i32
  }
  func.func @transform_4(%arg0: i32) -> (i32, i32) {
    %c0_i32 = arith.constant 0 : i32
    %c0_i32_0 = arith.constant 0 : i32
    return %arg0, %c0_i32 : i32, i32
  }
}

module attributes {stable_mosaic.version = 14 : i64} {
  func.func @_t3_body(%arg0: i32, %arg1: memref<2x2560x128xf32, #tpu.memory_space<vmem>>, %arg2: memref<2560x128xf32, #tpu.memory_space<vmem>>, %arg3: memref<1x128xf32, #tpu.memory_space<vmem>>, %arg4: memref<128x128xf32, #tpu.memory_space<vmem>>, %arg5: memref<1x128xf32, #tpu.memory_space<vmem>>, %arg6: memref<128x128xf32, #tpu.memory_space<vmem>>, %arg7: memref<1x128xf32, #tpu.memory_space<vmem>>, %arg8: memref<128x8xf32, #tpu.memory_space<vmem>>, %arg9: memref<8x1xf32, #tpu.memory_space<vmem>>, %arg10: memref<8x2560xf32, #tpu.memory_space<vmem>>) attributes {dimension_semantics = [#tpu.dimension_semantics<arbitrary>], iteration_bounds = array<i64: 2>, scalar_prefetch = 0 : i64, scratch_operands = 0 : i64, tpu.core_type = #tpu.core_type<tc>, window_params = [{transform_indices = @transform_0, window_bounds = array<i64: 2, 2560, 128>}, {transform_indices = @transform_1, window_bounds = array<i64: 2560, 128>}, {pipeline_mode = #tpu.pipeline_mode<synchronous>, transform_indices = @transform_2, window_bounds = array<i64: 1, 128>}, {pipeline_mode = #tpu.pipeline_mode<synchronous>, transform_indices = @transform_3, window_bounds = array<i64: 128, 128>}, {pipeline_mode = #tpu.pipeline_mode<synchronous>, transform_indices = @transform_4, window_bounds = array<i64: 1, 128>}, {pipeline_mode = #tpu.pipeline_mode<synchronous>, transform_indices = @transform_5, window_bounds = array<i64: 128, 128>}, {pipeline_mode = #tpu.pipeline_mode<synchronous>, transform_indices = @transform_6, window_bounds = array<i64: 1, 128>}, {pipeline_mode = #tpu.pipeline_mode<synchronous>, transform_indices = @transform_7, window_bounds = array<i64: 128, 8>}, {pipeline_mode = #tpu.pipeline_mode<synchronous>, transform_indices = @transform_8, window_bounds = array<i64: 8, 1>}, {transform_indices = @transform_9, window_bounds = array<i64: 8, 2560>}]} {
    %get3A = arith.constant 0 : index
    %get3A_0 = arith.constant 0 : index
    %get3A_1 = arith.constant 0 : index
    %get3A_2 = vector.load %arg1[%get3A, %get3A_0, %get3A_1] : memref<2x2560x128xf32, #tpu.memory_space<vmem>>, vector<2x2560x128xf32>
    %slice3A = vector.extract_strided_slice %get3A_2 {offsets = [0, 0, 0], sizes = [1, 2560, 128], strides = [1, 1, 1]} : vector<2x2560x128xf32> to vector<1x2560x128xf32>
    %squeeze3A = vector.shape_cast %slice3A : vector<1x2560x128xf32> to vector<2560x128xf32>
    %slice3A_3 = vector.extract_strided_slice %get3A_2 {offsets = [1, 0, 0], sizes = [1, 2560, 128], strides = [1, 1, 1]} : vector<2x2560x128xf32> to vector<1x2560x128xf32>
    %squeeze3A_4 = vector.shape_cast %slice3A_3 : vector<1x2560x128xf32> to vector<2560x128xf32>
    %add3A = arith.addf %squeeze3A, %squeeze3A_4 : vector<2560x128xf32>
    %get3A_5 = arith.constant 0 : index
    %get3A_6 = arith.constant 0 : index
    %get3A_7 = vector.load %arg2[%get3A_5, %get3A_6] : memref<2560x128xf32, #tpu.memory_space<vmem>>, vector<2560x128xf32>
    %mul3A = arith.mulf %add3A, %get3A_7 : vector<2560x128xf32>
    %get3A_8 = arith.constant 0 : index
    %get3A_9 = arith.constant 0 : index
    %get3A_10 = vector.load %arg3[%get3A_8, %get3A_9] : memref<1x128xf32, #tpu.memory_space<vmem>>, vector<1x128xf32>
    %add3A_11 = vector.broadcast %get3A_10 : vector<1x128xf32> to vector<2560x128xf32>
    %add3A_12 = arith.addf %mul3A, %add3A_11 : vector<2560x128xf32>
    %max3A = arith.constant 0.000000e+00 : f32
    %max3A_13 = vector.broadcast %max3A : f32 to vector<2560x128xf32>
    %max3A_14 = arith.maximumf %add3A_12, %max3A_13 : vector<2560x128xf32>
    %get3A_15 = arith.constant 0 : index
    %get3A_16 = arith.constant 0 : index
    %get3A_17 = vector.load %arg4[%get3A_15, %get3A_16] : memref<128x128xf32, #tpu.memory_space<vmem>>, vector<128x128xf32>
    %dot_general3A = arith.constant dense<0.000000e+00> : vector<2560x128xf32>
    %dot_general3A_18 = tpu.matmul %max3A_14, %get3A_17, %dot_general3A {dimension_numbers = #tpu.dot_dimension_numbers<[1], [0], [0], [1], [0, 0, 1, 1], [], []>, transpose_lhs_hint = false} : vector<2560x128xf32>, vector<128x128xf32>, vector<2560x128xf32> -> vector<2560x128xf32>
    %get3A_19 = arith.constant 0 : index
    %get3A_20 = arith.constant 0 : index
    %get3A_21 = vector.load %arg5[%get3A_19, %get3A_20] : memref<1x128xf32, #tpu.memory_space<vmem>>, vector<1x128xf32>
    %add3A_22 = vector.broadcast %get3A_21 : vector<1x128xf32> to vector<2560x128xf32>
    %add3A_23 = arith.addf %dot_general3A_18, %add3A_22 : vector<2560x128xf32>
    %max3A_24 = arith.constant 0.000000e+00 : f32
    %max3A_25 = vector.broadcast %max3A_24 : f32 to vector<2560x128xf32>
    %max3A_26 = arith.maximumf %add3A_23, %max3A_25 : vector<2560x128xf32>
    %get3A_27 = arith.constant 0 : index
    %get3A_28 = arith.constant 0 : index
    %get3A_29 = vector.load %arg6[%get3A_27, %get3A_28] : memref<128x128xf32, #tpu.memory_space<vmem>>, vector<128x128xf32>
    %dot_general3A_30 = arith.constant dense<0.000000e+00> : vector<2560x128xf32>
    %dot_general3A_31 = tpu.matmul %max3A_26, %get3A_29, %dot_general3A_30 {dimension_numbers = #tpu.dot_dimension_numbers<[1], [0], [0], [1], [0, 0, 1, 1], [], []>, transpose_lhs_hint = false} : vector<2560x128xf32>, vector<128x128xf32>, vector<2560x128xf32> -> vector<2560x128xf32>
    %get3A_32 = arith.constant 0 : index
    %get3A_33 = arith.constant 0 : index
    %get3A_34 = vector.load %arg7[%get3A_32, %get3A_33] : memref<1x128xf32, #tpu.memory_space<vmem>>, vector<1x128xf32>
    %add3A_35 = vector.broadcast %get3A_34 : vector<1x128xf32> to vector<2560x128xf32>
    %add3A_36 = arith.addf %dot_general3A_31, %add3A_35 : vector<2560x128xf32>
    %max3A_37 = arith.constant 0.000000e+00 : f32
    %max3A_38 = vector.broadcast %max3A_37 : f32 to vector<2560x128xf32>
    %max3A_39 = arith.maximumf %add3A_36, %max3A_38 : vector<2560x128xf32>
    %get3A_40 = arith.constant 0 : index
    %get3A_41 = arith.constant 0 : index
    %get3A_42 = vector.load %arg8[%get3A_40, %get3A_41] : memref<128x8xf32, #tpu.memory_space<vmem>>, vector<128x8xf32>
    %dot_general3A_43 = arith.constant dense<0.000000e+00> : vector<8x2560xf32>
    %dot_general3A_44 = tpu.matmul %get3A_42, %max3A_39, %dot_general3A_43 {dimension_numbers = #tpu.dot_dimension_numbers<[0], [1], [1], [0], [0, 1, 1, 0], [], []>, transpose_lhs_hint = false} : vector<128x8xf32>, vector<2560x128xf32>, vector<8x2560xf32> -> vector<8x2560xf32>
    %get3A_45 = arith.constant 0 : index
    %get3A_46 = arith.constant 0 : index
    %get3A_47 = vector.load %arg9[%get3A_45, %get3A_46] : memref<8x1xf32, #tpu.memory_space<vmem>>, vector<8x1xf32>
    %add3A_48 = vector.broadcast %get3A_47 : vector<8x1xf32> to vector<8x2560xf32>
    %add3A_49 = arith.addf %dot_general3A_44, %add3A_48 : vector<8x2560xf32>
    %swap3A = arith.constant 0 : index
    %swap3A_50 = arith.constant 0 : index
    %swap3A_51 = vector.load %arg10[%swap3A, %swap3A_50] : memref<8x2560xf32, #tpu.memory_space<vmem>>, vector<8x2560xf32>
    tpu.vector_store %arg10[%swap3A, %swap3A_50], %add3A_49 {strides = array<i32>} : memref<8x2560xf32, #tpu.memory_space<vmem>>, vector<8x2560xf32>,
    return
  }
  func.func @transform_0(%arg0: i32) -> (i32, i32, i32) {
    %c0_i32 = arith.constant 0 : i32
    %c0_i32_0 = arith.constant 0 : i32
    %c0_i32_1 = arith.constant 0 : i32
    return %c0_i32, %arg0, %c0_i32_0 : i32, i32, i32
  }
  func.func @transform_1(%arg0: i32) -> (i32, i32) {
    %c0_i32 = arith.constant 0 : i32
    %c0_i32_0 = arith.constant 0 : i32
    return %arg0, %c0_i32 : i32, i32
  }
  func.func @transform_2(%arg0: i32) -> (i32, i32) {
    %c0_i32 = arith.constant 0 : i32
    %c0_i32_0 = arith.constant 0 : i32
    %c0_i32_1 = arith.constant 0 : i32
    return %c0_i32, %c0_i32_0 : i32, i32
  }
  func.func @transform_3(%arg0: i32) -> (i32, i32) {
    %c0_i32 = arith.constant 0 : i32
    %c0_i32_0 = arith.constant 0 : i32
    %c0_i32_1 = arith.constant 0 : i32
    return %c0_i32, %c0_i32_0 : i32, i32
  }
  func.func @transform_4(%arg0: i32) -> (i32, i32) {
    %c0_i32 = arith.constant 0 : i32
    %c0_i32_0 = arith.constant 0 : i32
    %c0_i32_1 = arith.constant 0 : i32
    return %c0_i32, %c0_i32_0 : i32, i32
  }
  func.func @transform_5(%arg0: i32) -> (i32, i32) {
    %c0_i32 = arith.constant 0 : i32
    %c0_i32_0 = arith.constant 0 : i32
    %c0_i32_1 = arith.constant 0 : i32
    return %c0_i32, %c0_i32_0 : i32, i32
  }
  func.func @transform_6(%arg0: i32) -> (i32, i32) {
    %c0_i32 = arith.constant 0 : i32
    %c0_i32_0 = arith.constant 0 : i32
    %c0_i32_1 = arith.constant 0 : i32
    return %c0_i32, %c0_i32_0 : i32, i32
  }
  func.func @transform_7(%arg0: i32) -> (i32, i32) {
    %c0_i32 = arith.constant 0 : i32
    %c0_i32_0 = arith.constant 0 : i32
    %c0_i32_1 = arith.constant 0 : i32
    return %c0_i32, %c0_i32_0 : i32, i32
  }
  func.func @transform_8(%arg0: i32) -> (i32, i32) {
    %c0_i32 = arith.constant 0 : i32
    %c0_i32_0 = arith.constant 0 : i32
    %c0_i32_1 = arith.constant 0 : i32
    return %c0_i32, %c0_i32_0 : i32, i32
  }
  func.func @transform_9(%arg0: i32) -> (i32, i32) {
    %c0_i32 = arith.constant 0 : i32
    %c0_i32_0 = arith.constant 0 : i32
    return %c0_i32, %arg0 : i32, i32
  }
}

</mosaic_0001>

<sc_bundles>
// kernel: kernel.11.cloned.1.call-start
scs
__scs_entry_jumppad:
0x0: {  	(pc) =	sbr.rel $0x88, $3  }
0x1: {  	(tag) =	ssettag $0x0;
	lr =	simm.s32 $0x1  }
0x2: {  	[smem:$0x3F95] =	sst lr;
	_ =	strace $0xD0000000  }
0x3: {  	_ = 	snop  }
0x4: {  	_ = 	snop  }
0x5: {  	_ = 	snop  }
0x6: {  	_ = 	snop  }
0x7: {  	_ = 	snop  }
__scs_overlays_trampoline_lowered:
0x8: {  	[smem:$0x3FA4] =	sst s0  }
0x9: {  	[smem:$0x3FA5] =	sst s1  }
0xa: {  	[smem:$0x3FA6] =	sst s2  }
0xb: {  	[smem:$0x3FA7] =	sst s3  }
0xc: {  	[smem:$0x3FA8] =	sst s4  }
0xd: {  	[smem:$0x3FA9] =	sst s5  }
0xe: {  	[smem:$0x3FAA] =	sst s6  }
0xf: {  	[smem:$0x3FAB] =	sst s7  }
0x10: {  	[smem:$0x3FAC] =	sst s8  }
0x11: {  	[smem:$0x3FAD] =	sst s9;
	s0 =	simm.s32 @!p0 $0x0  }
0x12: {  	s1 =	sld [smem:$0x3F93];
	s0 =	simm.s32 @p0 $0x1  }
0x13: {  	[smem:$0x3FAE] =	sst s0;
	s0 =	simm.s32 @!p1 $0x0  }
0x14: {  	s2 =	sld [smem:$0x3F92];
	s0 =	simm.s32 @p1 $0x1  }
0x15: {  	[smem:$0x3FAF] =	sst s0;
	s0 =	simm.s32 @!p2 $0x0  }
0x16: {  	s3 =	sld [smem:$0x3FDB];
	s0 =	simm.s32 @p2 $0x1  }
0x17: {  	s4 =	simm.s32 $0x1BF5;
	[smem:$0x3FB1] =	sst s0  }
0x18: {  	s0 =	sld [smem:$0x3F94];
	_ =	swait.ge [sflag:s4], $0x0  }
0x19: {  	s7 =	sld [smem:$0x3F95]  }
0x1a: {  	s8 =	sadd.s32 $0xFFFFE003, lr  }
0x1b: {  	s9 =	sadd.s32 $0xFFFFFEF7, lr;
	s5 =	simm.s32 $0xFFFFFFFF;
	p2 =	slt.u32 s8, $0xFFFFF086  }
0x1c: {  	p1 =	slt.u32 s9, $0xF7A;
	s5 =	simm.s32 @!p2 $0x0  }
0x1d: {  	s5 =	simm.s32 @p1 $0x1;
	p0 =	seq.s32 s7, s2  }
0x1e: {  	s7 =	smul.u32 @!p0 $0xF7A, s2;
	p2 =	seq.s32 @!p0 s5, $0x0  }
0x1f: {  	s9 =	smul.u32 $0xF7A, s1;
	s8 =	simm.s32 @!p0 $0x1BF5;
	p2 =	por !p2, p0  }
0x20: {  	[sflag:s8] =	ssyncset.s32 @!p0 $0xFFFFF086;
	s6 =	sadd.s32 @!p0 s3, s7;
	s7 =	simm.s32 @!p0 $0x108  }
0x21: {  	s3 =	sadd.s32 s3, s9;
	s6 =	sadd.s32 @!p0 $0x88, s6;
	s7 =	simm.s32 @p2 $0x1082  }
0x22: {  	[simem:s7], [sflag:s8] =	dma.local @!p0 [hbm:s6], $0xF7A  }
0x23: {  	s9 =	sor.u32 $0xD0000000, s2;
	s6 =	simm.s32 $0x108;
	_ =	swait.ge @!p0 [sflag:s8], $0x0  }
0x24: {  	s3 =	sadd.s32 $0x88, s3;
	s6 =	simm.s32 @!p1 $0x1082;
	[sflag:s4] =	ssyncset.s32 $0xFFFFF086  }
0x25: {  	[simem:s6], [sflag:s4] =	dma.local [hbm:s3], $0xF7A  }
0x26: {  	[smem:$0x3F95] =	sst s1;
	(tag) =	ssettag s2;
	_ =	strace s9  }
0x27: {  	s1 =	sld [smem:$0x3FA5]  }
0x28: {  	s2 =	sld [smem:$0x3FA6]  }
0x29: {  	s4 =	sld [smem:$0x3FA8]  }
0x2a: {  	p0 =	seq.s32 s5, $0x0;
	s5 =	sld [smem:$0x3FA9]  }
0x2b: {  	s6 =	sld [smem:$0x3FAA]  }
0x2c: {  	s7 =	sld [smem:$0x3FAB]  }
0x2d: {  	s3 =	simm.s32 $0x108;
	s8 =	sld [smem:$0x3FAC]  }
0x2e: {  	s3 =	simm.s32 @!p0 $0x1082;
	s9 =	sld [smem:$0x3FAD]  }
0x2f: {  	lr =	sadd.s32 s0, s3;
	s0 =	sld [smem:$0x3FA4]  }
0x30: {  	s3 =	sld [smem:$0x3FA7]  }
0x31: {  	[smem:$0x3FB0] =	sst s10  }
0x32: {  	s10 =	sld [smem:$0x3FAE];
	_ =	sdelay $0x3  }
0x33: {  	p0 =	seq.s32 s10, $0x1;
	s10 =	sld [smem:$0x3FB0];
	_ =	sdelay $0x3  }
0x34: {  	[smem:$0x3FB0] =	sst s10  }
0x35: {  	s10 =	sld [smem:$0x3FAF];
	_ =	sdelay $0x3  }
0x36: {  	p1 =	seq.s32 s10, $0x1;
	s10 =	sld [smem:$0x3FB0];
	_ =	sdelay $0x3  }
0x37: {  	[smem:$0x3FB0] =	sst s10  }
0x38: {  	s10 =	sld [smem:$0x3FB1]  }
0x39: {  	_ = 	snop;
	(pc) =	sbr.ind lr, $3  }
0x3a: {  	_ = 	snop  }
0x3b: {  	_ = 	snop  }
0x3c: {  	p2 =	seq.s32 s10, $0x1;
	s10 =	sld [smem:$0x3FB0]  }
0x3d: {  	_ =	shalt  }
0x3e: {  	_ =	shalt  }
0x3f: {  	_ =	shalt  }
0x40: {  	_ =	shalt  }
0x41: {  	_ =	shalt  }
0x42: {  	_ =	shalt  }
0x43: {  	_ =	shalt  }
0x44: {  	_ =	shalt  }
0x45: {  	_ =	shalt  }
0x46: {  	_ =	shalt  }
0x47: {  	_ =	shalt  }
0x48: {  	_ =	shalt  }
0x49: {  	_ =	shalt  }
0x4a: {  	_ =	shalt  }
0x4b: {  	_ =	shalt  }
0x4c: {  	_ =	shalt  }
0x4d: {  	_ =	shalt  }
0x4e: {  	_ =	shalt  }
0x4f: {  	_ =	shalt  }
0x50: {  	_ =	shalt  }
0x51: {  	_ =	shalt  }
0x52: {  	_ =	shalt  }
0x53: {  	_ =	shalt  }
0x54: {  	_ =	shalt  }
0x55: {  	_ =	shalt  }
0x56: {  	_ =	shalt  }
0x57: {  	_ =	shalt  }
0x58: {  	_ =	shalt  }
0x59: {  	_ =	shalt  }
0x5a: {  	_ =	shalt  }
0x5b: {  	_ =	shalt  }
0x5c: {  	_ =	shalt  }
0x5d: {  	_ =	shalt  }
0x5e: {  	_ =	shalt  }
0x5f: {  	_ =	shalt  }
0x60: {  	_ =	shalt  }
0x61: {  	_ =	shalt  }
0x62: {  	_ =	shalt  }
0x63: {  	_ =	shalt  }
0x64: {  	_ =	shalt  }
0x65: {  	_ =	shalt  }
0x66: {  	_ =	shalt  }
0x67: {  	_ =	shalt  }
0x68: {  	_ =	shalt  }
0x69: {  	_ =	shalt  }
0x6a: {  	_ =	shalt  }
0x6b: {  	_ =	shalt  }
0x6c: {  	_ =	shalt  }
0x6d: {  	_ =	shalt  }
0x6e: {  	_ =	shalt  }
0x6f: {  	_ =	shalt  }
0x70: {  	_ =	shalt  }
0x71: {  	_ =	shalt  }
0x72: {  	_ =	shalt  }
0x73: {  	_ =	shalt  }
0x74: {  	_ =	shalt  }
0x75: {  	_ =	shalt  }
0x76: {  	_ =	shalt  }
0x77: {  	_ =	shalt  }
0x78: {  	_ =	shalt  }
0x79: {  	_ =	shalt  }
0x7a: {  	_ =	shalt  }
0x7b: {  	_ =	shalt  }
0x7c: {  	_ =	shalt  }
0x7d: {  	_ =	shalt  }
0x7e: {  	_ =	shalt  }
0x7f: {  	_ =	shalt  }
0x80: {  	_ =	shalt  }
0x81: {  	_ =	shalt  }
0x82: {  	_ =	shalt  }
0x83: {  	_ =	shalt  }
0x84: {  	_ =	shalt  }
0x85: {  	_ =	shalt  }
0x86: {  	_ =	shalt  }
0x87: {  	_ =	shalt  }
.Lfunc_end0:
.L_simem_size_0:
called_computation.1_lowered:
.L_overlay_start_0:
0x88: {  	s2 =	sld [smem:$0x3FD9]  }
0x89: {  	s3 =	sld [smem:$0x3FFE];
	_ =	sdelay $0x1  }
0x8a: {  	s1 =	srdreg.scid  }
0x8b: {  	s0 =	sand.u32 $0x1, s1  }
0x8c: {  	s16 =	sshll.u32 s0, $0xA;
	s2 =	sadd.s32 s3, s2  }
0x8d: {  	s2 =	sadd.s32 s2, s16  }
0x8e: {  	[smem:$0x3FBC] =	sst s2  }
0x8f: {  	_ = 	snop  }
0x90: {  	(tm) =	ssettm $0x1  }
0x91: {  	s17 =	sld [smem:$0x3FFB];
	_ =	sdelay $0x3  }
0x92: {  	_ =	strace s17  }
0x93: {  	s2 =	sld [smem:$0x3FFC];
	_ =	sdelay $0x3  }
0x94: {  	_ =	strace s2  }
0x95: {  	s2 =	sld [smem:$0x3FFD];
	_ =	sdelay $0x3  }
0x96: {  	_ =	strace s2  }
0x97: {  	_ =	strace $0x8FFFFFFF  }
0x98: {  	s18 =	sld [smem:$0x3FDB];
	_ =	sdelay $0x1  }
0x99: {  	s19 =	simm.s32 $_scs_section_size  }
0x9a: {  	s4 =	simm.s32 $_size__tile_overlayer_lowered;
	s5 =	simm.s32 $_tile_overlayer_lowered  }
0x9b: {  	s22 =	simm.s32 $0x1BFF;
	s21 =	sshll.u32 s5, $0x1;
	s2 =	sadd.s32 s19, s18  }
0x9c: {  	s6 =	simm.s32 $0x0;
	s20 =	sshll.u32 s4, $0x1;
	s4 =	sadd.s32 s21, s2  }
0x9d: {  	[timem:s6], [sflag:s22] =	dma.local [hbm:s4], s20  }
0x9e: {  	_ =	swait.ge [sflag:s22], s20  }
0x9f: {  	s3 =	ssub.s32 $0x0, s20;
	[sflag:s22] =	ssyncset.done $0x0  }
0xa0: {  	[sflag:s22] =	ssyncadd.s32 s3;
	_ =	sdelay $0x1  }
0xa1: {  	s23 =	simm.s32 $0x1B8B  }
0xa2: {  	_ =	swait.ge [sflag:s23], $0x1  }
0xa3: {  	[sflag:s23] =	ssyncset.done $0x0  }
0xa4: {  	s25 =	simm.s32 $0x1B8E;
	s24 =	sld [smem:$0x3FFE];
	[sflag:s23] =	ssyncadd.s32 $0xFFFFFFFF  }
0xa5: {  	s26 =	simm.s32 $execute0_lowered;
	[smem:$0x3FD2] =	sst s25  }
0xa6: {  	s4 =	sshll.u32 s26, $0x1;
	_ =	strace $0x80000049;
	[dreg:$0x1] =	wrdreg $0xFFFFFFFF  }
0xa7: {  	s28 =	simm.s32 $_size_execute0_lowered;
	s2 =	sadd.s32 s2, s4;
	[dreg:$0x0] =	wrdreg $0x0  }
0xa8: {  	s4 =	sshll.u32 s28, $0x1;
	[dreg:$0x2] =	wrdreg s2  }
0xa9: {  	[dreg:$0x3] =	wrdreg s4  }
0xaa: {  	[dreg:$0x4] =	wrdreg $0xC0  }
0xab: {  	_ =	task [dreg:s6], $0x5FFFF  }
0xac: {  	[dreg:$0x1] =	wrdreg $0xFFFFFFFF  }
0xad: {  	[dreg:$0x0] =	wrdreg $0x60  }
0xae: {  	[dreg:$0x2] =	wrdreg s24  }
0xaf: {  	[dreg:$0x3] =	wrdreg $0x11F000  }
0xb0: {  	[dreg:$0x4] =	wrdreg $0x9  }
0xb1: {  	_ =	task.clear_ibuf [dreg:s6], $0x5FFFF;
	_ =	strace $0x90000049  }
0xb2: {  	s29 =	simm.s32 $0x9;
	_ =	strace $0x8000004B  }
0xb3: {  	_ =	swait.ge [sflag:s29], $0x1  }
0xb4: {  	[sflag:s29] =	ssyncadd.s32 $0xFFFFFFFF  }
0xb5: {  	_ =	strace $0x9000004B  }
0xb6: {  	_ =	sfence  }
0xb7: {  	s30 =	sld [smem:$0x0];
	_ =	sdelay $0x2  }
0xb8: {  	s31 =	sshll.u32 s1, $0xD;
	s1 =	sshrl.u32 s1, $0x2  }
0xb9: {  	s3 =	sand.u32 $0x4000, s31;
	s1 =	sadd.s32 s1, s30  }
0xba: {  	s0 =	sor.u32 s3, s0;
	s1 =	sshll.u32 s1, $0x11  }
0xbb: {  	s0 =	sor.u32 s1, s0  }
0xbc: {  	s0 =	sadd.s32 $0x8F2B, s0  }
0xbd: {  	[sflag:s0] =	ssyncadd.remote.s32 $0x1  }
0xbe: {  	_ =	sfence.sel $0xFFFF  }
0xbf: {  	[dreg:$0x0] =	wrdreg $0xFFFFFFFF;
	(pc) =	sbr.abs _section_cstart, $3  }
0xc0: {  	[dreg:$0x1] =	wrdreg $0xFFFFFFFF  }
0xc1: {  	_ =	task.clear_ibuf [dreg:s6], $0x2FFFF;
	_ =	strace $0x9FFFFFFF  }
0xc2: {  	(tm) =	ssettm $0x7FFFFFFF  }
0xc3: {  	_ =	shalt  }
tec
execute0_lowered:
.L_overlay_start_1:
0x0: {  	(tag) =	ssettag $0x1  }
0x1: {  	s2 =	rddreg [dreg:$0x0];
	s0 =	simm.s32 $0x0;
	s1 =	srdreg.scid  }
0x2: {  	s28 =	stileid.u32;
	[smem:$0x7FF] =	sst s0  }
0x3: {  	s4 =	sand.u32 $0x1, s1;
	s5 =	sadd.s32 $0x18000, s2;
	s3 =	smul.u32 $0xA000, s28  }
0x4: {  	s8 =	sadd.s32 $0x2C000, s2;
	s10 =	sadd.s32 $0x82400, s2;
	s17 =	smul.u32 $0x280, s28  }
0x5: {  	s11 =	smul.u32 $0x500, s28;
	s1 =	sshll.u32 s4, $0x4;
	s6 =	ssub.s32 $0x2, s4  }
0x6: {  	p0 =	sne.s32 s4, $0x0;
	s7 =	sor.u32 s28, s1;
	s16 =	sshrl.u32 s6, $0x1  }
0x7: {  	s18 =	sshrl.u32 s3, $0x3;
	s12 =	sadd.s32 $0x80, s17;
	s11 =	sadd.s32 s8, s11  }
0x8: {  	s14 =	sadd.s32 $0x100, s17;
	s26 =	sadd.s32 $0x180, s17;
	s9 =	smul.u32 $0x4E, s7  }
0x9: {  	s1 =	ssub.s32 s6, s16;
	p1 =	sgt.u32 s7, $0x1B;
	s7 =	smax.u32 s7, $0x1C  }
0xa: {  	s13 =	sadd.s32 s5, s18;
	[dreg:$0x4] =	wrdreg s11;
	s19 =	sshll.u32 s12, $0x3  }
0xb: {  	s21 =	sshll.u32 s12, $0x1;
	s22 =	sshll.u32 s14, $0x3;
	[dreg:$0x3] =	wrdreg s13  }
0xc: {  	s20 =	sadd.s32 s5, s19;
	s25 =	sadd.s32 s10, s19;
	s19 =	rddreg [dreg:$0x1]  }
0xd: {  	s15 =	sshll.u32 s14, $0x1;
	s13 =	sadd.s32 s8, s21;
	[dreg:$0x5] =	wrdreg s20  }
0xe: {  	s6 =	sadd.s32 $0x200, s17;
	s23 =	sadd.s32 s5, s22;
	[dreg:$0x6] =	wrdreg s13  }
0xf: {  	s29 =	sshll.u32 s26, $0x3;
	s24 =	sadd.s32 s8, s15;
	[dreg:$0x8] =	wrdreg s23  }
0x10: {  	s31 =	sshll.u32 s26, $0x1;
	s16 =	sshll.u32 s6, $0x1;
	[dreg:$0x9] =	wrdreg s24  }
0x11: {  	s15 =	sadd.s32 s8, s31;
	s17 =	sadd.s32 s10, s29;
	[dreg:$0xa] =	wrdreg s25  }
0x12: {  	s7 =	sadd.s32 s9, s7;
	s9 =	sadd.s32 s10, s18;
	[dreg:$0xb] =	wrdreg s15  }
0x13: {  	s8 =	sadd.s32 s8, s16;
	s15 =	sshll.u32 s6, $0x3;
	[dreg:$0x10] =	wrdreg s17  }
0x14: {  	s13 =	sadd.s32 s10, s22;
	s16 =	sadd.s32 s5, s29;
	[dreg:$0x7] =	wrdreg s9  }
0x15: {  	s18 =	smul.u32 $0xA0000, s4;
	s20 =	sshll.u32 s12, $0x6;
	[dreg:$0xc] =	wrdreg s8  }
0x16: {  	s22 =	sshll.u32 s14, $0x6;
	s23 =	sadd.s32 $0x32400, s2;
	[dreg:$0xd] =	wrdreg s13  }
0x17: {  	s6 =	sshll.u32 s6, $0x6;
	s30 =	sadd.s32 s3, s19;
	[dreg:$0xe] =	wrdreg s16  }
0x18: {  	s5 =	sadd.s32 s5, s15;
	s16 =	simm.s32 $0x258000;
	s8 =	sadd.s32 s10, s15  }
0x19: {  	s10 =	simm.s32 $0x4E;
	s7 =	sshll.u32 s7, $0x4;
	s9 =	sshll.u32 s26, $0x6  }
0x1a: {  	s13 =	simm.s32 $0x11700;
	[dreg:$0xf] =	wrdreg s5;
	s5 =	simm.s32 $0x4D  }
0x1b: {  	[dreg:$0x11] =	wrdreg s8;
	s16 =	simm.s32 @!p1 $0x250000;
	s10 =	simm.s32 @!p1 $0x4D  }
0x1c: {  	s21 =	sadd.s32 s3, s18;
	s12 =	sadd.s32 s18, s20;
	s24 =	sadd.s32 s18, s22  }
0x1d: {  	s25 =	sadd.s32 s18, s9;
	s29 =	sadd.s32 s18, s6;
	s8 =	sshrl.u32 s18, $0x3  }
0x1e: {  	s7 =	sadd.s32 s2, s7;
	s18 =	sadd.s32 s20, s19;
	s20 =	sadd.s32 s22, s19  }
0x1f: {  	s22 =	sadd.s32 s9, s19;
	s9 =	smax.u32 s1, $0x1;
	s1 =	simm.s32 $0xCF00  }
0x20: {  	s5 =	simm.s32 @!p1 $0x4C;
	_ =	strace $0x8000004A;
	s11 =	sshrl.u32 s21, $0x3  }
0x21: {  	s12 =	sshrl.u32 s12, $0x3;
	s26 =	sshrl.u32 s25, $0x3;
	[dreg:$0x1a] =	wrdreg s18  }
0x22: {  	s31 =	sshrl.u32 s29, $0x3;
	s15 =	sadd.s32 $0x4440, s7;
	[dreg:$0x1b] =	wrdreg s20  }
0x23: {  	s17 =	sadd.s32 $0xE080, s7;
	[dreg:$0x1c] =	wrdreg s22;
	s20 =	simm.s32 $0x4F00  }
0x24: {  	s22 =	simm.s32 $0x2;
	s12 =	sadd.s32 s23, s12;
	[dreg:$0x18] =	wrdreg s15  }
0x25: {  	s14 =	sadd.s32 s11, s2;
	s2 =	sadd.s32 $0x31000, s2;
	[dreg:$0x19] =	wrdreg s17  }
0x26: {  	s21 =	sshll.u32 s5, $0xD;
	s25 =	sshll.u32 s5, $0x7;
	s15 =	simm.s32 $0x10F00  }
0x27: {  	s17 =	simm.s32 $0x80;
	[dreg:$0x12] =	wrdreg s12;
	s12 =	sshrl.u32 s24, $0x3  }
0x28: {  	s24 =	sadd.s32 s23, s8;
	[dreg:$0x17] =	wrdreg s2;
	s2 =	sand.u32 $0x2000, s21  }
0x29: {  	s5 =	sadd.s32 $0x2780, s25;
	s8 =	sadd.s32 $0x5A400, s14;
	s14 =	simm.s32 $0x1  }
0x2a: {  	s21 =	simm.s32 $0x6F00;
	s12 =	sadd.s32 s23, s12;
	s4 =	sor.u32 $0x4F00, s2  }
0x2b: {  	[dreg:$0x13] =	wrdreg s12;
	s12 =	sadd.s32 s23, s26;
	s26 =	sshll.u32 s10, $0xD  }
0x2c: {  	[dreg:$0x14] =	wrdreg s12;
	s12 =	sadd.s32 s23, s31;
	s29 =	sand.u32 $0x6000, s26  }
0x2d: {  	s31 =	sshll.u32 s10, $0x7;
	s10 =	simm.s32 $0x3;
	[dreg:$0x15] =	wrdreg s12  }
0x2e: {  	s12 =	sadd.s32 s23, s11;
	s23 =	sadd.s32 s6, s19;
	s6 =	sadd.s32 $0x4F00, s29  }
0x2f: {  	s7 =	sadd.s32 $0x2780, s31;
	s11 =	simm.s32 $0x2780;
	[dreg:$0x16] =	wrdreg s12  }
0x30: {  	[dreg:$0x1d] =	wrdreg s23;
	s12 =	simm.s32 $0xEF00;
	s23 =	simm.s32 $0x0  }
.LBB2_1:
0x31: {  	s2 =	rddreg [dreg:$0x18]  }
0x32: {  	[tilespmem:s0], [sflag:$0x3] =	stream.linear.gather [hbm4b:s2+s0], $0x2780, $0x38;
	[tilespmem:$0x1DF00] =	vst v63  }
0x33: {  	_ =	swait.ge [sflag:s10], $0x2780  }
0x34: {  	[sflag:s10] =	ssyncset.done $0x0  }
0x35: {  	s18 =	rddreg [dreg:$0x19];
	[sflag:s10] =	ssyncadd.s32 $0xFFFFD880  }
0x36: {  	[tilespmem:s11], [sflag:$0x3] =	stream.linear.gather [hbm4b:s18+s0], $0x2780, $0x38;
	[tilespmem:$0x1DF00] =	vst v63  }
0x37: {  	_ =	swait.ge [sflag:s10], $0x2780  }
0x38: {  	[sflag:s10] =	ssyncset.done $0x0  }
0x39: {  	s25 =	rddreg [dreg:$0x3];
	[sflag:s10] =	ssyncadd.s32 $0xFFFFD880  }
0x3a: {  	[tilespmem:s1], [sflag:$0x1] =	stream.linear.gather [hbm4b:s25+s0], $0x2000, $0x38;
	[tilespmem:$0x1DF00] =	vst v63  }
0x3b: {  	s26 =	rddreg [dreg:$0x4]  }
0x3c: {  	[tilespmem:s15], [sflag:$0x1] =	stream.linear.gather [hbm4b:s26+s0], $0x800, $0x38;
	[tilespmem:$0x1DF00] =	vst v63  }
0x3d: {  	s29 =	rddreg [dreg:$0x5]  }
0x3e: {  	[tilespmem:s12], [sflag:$0x1] =	stream.linear.gather [hbm4b:s29+s0], $0x2000, $0x38;
	[tilespmem:$0x1DF00] =	vst v63  }
0x3f: {  	s31 =	rddreg [dreg:$0x6]  }
0x40: {  	[tilespmem:s13], [sflag:$0x1] =	stream.linear.gather [hbm4b:s31+s0], $0x800, $0x38;
	[tilespmem:$0x1DF00] =	vst v63  }
0x41: {  	_ =	swait.ge [sflag:s14], $0x2000  }
0x42: {  	[sflag:s14] =	ssyncset.done $0x0  }
0x43: {  	[sflag:s14] =	ssyncadd.s32 $0xFFFFE000  }
0x44: {  	_ =	swait.ge [sflag:s14], $0x800  }
0x45: {  	[sflag:s14] =	ssyncset.done $0x0  }
0x46: {  	[sflag:s14] =	ssyncadd.s32 $0xFFFFF800  }
0x47: {  	s25 =	simm.s32 $0x0;
	v0 =	vld [tilespmem:s15+$0x0]  }
0x48: {  	v3 =	vld [tilespmem:s25+$0xCF30]  }
0x49: {  	v4 =	vld [tilespmem:s25+$0xCF20];
	_ =	sdelay $0x1  }
0x4a: {  	v1 =	vld [tilespmem:s25+$0xCF00]  }
0x4b: {  	v2 =	vld [tilespmem:s25+$0xCF10];
	[tilespmem:s25+$0x1BF00] =	vst v0  }
0x4c: {  	[tilespmem:s25+$0x1BF10] =	vst v0  }
0x4d: {  	s2 =	simm.s32 $0x10F00;
	s18 =	simm.s32 $0x100;
	v3 =	vmul.f32 v3, v0;
	v4 =	vmul.f32 v4, v0;
	[tilespmem:s25+$0x1BF20] =	vst v0  }
.LBB2_2:
0x4e: {  	p1 =	sne.s32 s18, $0x7F00  }
0x4f: {  	[tilespmem:s25+$0x1BF30] =	vst v0;
	s2 =	sadd.s32 $0x10, s2;
	s3 =	smov.u32 s18;
	s18 =	sadd.s32 $0x100, s18  }
0x50: {  	v1 =	vmul.f32 v1, v0;
	v0 =	vmul.f32 v2, v0;
	[tilespmem:s25+$0xCF20] =	vst v4  }
0x51: {  	[tilespmem:s25+$0xCF30] =	vst v3  }
0x52: {  	[tilespmem:s25+$0xCF10] =	vst v0  }
0x53: {  	[tilespmem:s25+$0xCF00] =	vst v1  }
0x54: {  	s25 =	sshra.s32 s3, $0x2;
	v0 =	vld [tilespmem:s2+$0x0]  }
0x55: {  	v3 =	vld [tilespmem:s25+$0xCF30]  }
0x56: {  	v4 =	vld [tilespmem:s25+$0xCF20]  }
.Ltmp0:
0x57: {  	v1 =	vld [tilespmem:s25+$0xCF00];
	(pc) =	sbr.rel @p1 .LBB2_2-.Ltmp0, $4  }
0x58: {  	v2 =	vld [tilespmem:s25+$0xCF10]  }
0x59: {  	[tilespmem:s25+$0x1BF00] =	vst v0  }
0x5a: {  	[tilespmem:s25+$0x1BF10] =	vst v0;
	v3 =	vmul.f32 v3, v0  }
0x5b: {  	v4 =	vmul.f32 v4, v0;
	[tilespmem:s25+$0x1BF20] =	vst v0  }
0x5c: {  	[tilespmem:s25+$0x1BF30] =	vst v0  }
0x5d: {  	[tilespmem:s25+$0xCF30] =	vst v3;
	v2 =	vmul.f32 v2, v0  }
0x5e: {  	[tilespmem:s25+$0xCF20] =	vst v4;
	v0 =	vmul.f32 v1, v0  }
0x5f: {  	[tilespmem:s25+$0xCF10] =	vst v2  }
0x60: {  	s2 =	rddreg [dreg:$0x16];
	[tilespmem:s25+$0xCF00] =	vst v0  }
0x61: {  	[hbm4b:s2+s0] =	stream.linear.scatter [tilespmem:s1], [sflag:$0x3], $0x2000, $0x38;
	[tilespmem:$0x1DF00] =	vst v63  }
0x62: {  	_ =	swait.ge [sflag:s10], $0x2000  }
0x63: {  	[sflag:s10] =	ssyncset.done $0x0  }
0x64: {  	s2 =	simm.s32 @!p0 $0xCF00;
	[sflag:s10] =	ssyncadd.s32 $0xFFFFE000  }
0x65: {  	[spmem:s30] =	stream.linear.scatter @!p0 [tilespmem:s2], [sflag:$0x3], $0x2000, $0x38;
	[tilespmem:$0x1DF00] =	vst v63  }
0x66: {  	s2 =	simm.s32 @!p0 $0x3  }
0x67: {  	_ =	swait.ge @!p0 [sflag:s2], $0x2000  }
0x68: {  	s3 =	simm.s32 @!p0 $0x0;
	[sflag:s2] =	ssyncset.done @!p0 $0x0  }
0x69: {  	s18 =	simm.s32 @!p0 $0x1BF00;
	s25 =	rddreg [dreg:$0x7];
	[sflag:s2] =	ssyncadd.s32 @!p0 $0xFFFFE000  }
0x6a: {  	[hbm4b:s25+s3] =	stream.linear.scatter @!p0 [tilespmem:s18], [sflag:$0x3], $0x2000, $0x38;
	[tilespmem:$0x1DF00] =	vst v63  }
0x6b: {  	_ =	swait.ge @!p0 [sflag:s2], $0x2000  }
0x6c: {  	[sflag:s2] =	ssyncset.done @!p0 $0x0  }
0x6d: {  	s26 =	simm.s32 $0x0;
	s29 =	rddreg [dreg:$0x8];
	[sflag:s2] =	ssyncadd.s32 @!p0 $0xFFFFE000  }
0x6e: {  	[tilespmem:s1], [sflag:$0x1] =	stream.linear.gather [hbm4b:s29+s26], $0x2000, $0x38;
	[tilespmem:$0x1DF00] =	vst v63  }
0x6f: {  	s31 =	rddreg [dreg:$0x9]  }
0x70: {  	[tilespmem:s15], [sflag:$0x1] =	stream.linear.gather [hbm4b:s31+s26], $0x800, $0x38;
	[tilespmem:$0x1DF00] =	vst v63  }
0x71: {  	_ =	swait.ge [sflag:s14], $0x2000  }
0x72: {  	[sflag:s14] =	ssyncset.done $0x0  }
0x73: {  	[sflag:s14] =	ssyncadd.s32 $0xFFFFE000  }
0x74: {  	_ =	swait.ge [sflag:s14], $0x800  }
0x75: {  	[sflag:s14] =	ssyncset.done $0x0  }
0x76: {  	s26 =	simm.s32 $0x11700;
	[sflag:s14] =	ssyncadd.s32 $0xFFFFF800  }
0x77: {  	s25 =	simm.s32 $0x0;
	v0 =	vld [tilespmem:s26+$0x0]  }
0x78: {  	v3 =	vld [tilespmem:s25+$0xEF30]  }
0x79: {  	v4 =	vld [tilespmem:s25+$0xEF20];
	_ =	sdelay $0x1  }
0x7a: {  	v1 =	vld [tilespmem:s25+$0xEF00]  }
0x7b: {  	v2 =	vld [tilespmem:s25+$0xEF10];
	[tilespmem:s25+$0x1BF00] =	vst v0  }
0x7c: {  	[tilespmem:s25+$0x1BF10] =	vst v0  }
0x7d: {  	s18 =	simm.s32 $0x100;
	v3 =	vmul.f32 v3, v0;
	v4 =	vmul.f32 v4, v0;
	[tilespmem:s25+$0x1BF20] =	vst v0  }
.LBB2_4:
0x7e: {  	p1 =	sne.s32 s18, $0x7F00  }
0x7f: {  	[tilespmem:s25+$0x1BF30] =	vst v0;
	s26 =	sadd.s32 $0x10, s26;
	s2 =	smov.u32 s18;
	s18 =	sadd.s32 $0x100, s18  }
0x80: {  	v1 =	vmul.f32 v1, v0;
	v0 =	vmul.f32 v2, v0;
	[tilespmem:s25+$0xEF20] =	vst v4  }
0x81: {  	[tilespmem:s25+$0xEF30] =	vst v3  }
0x82: {  	[tilespmem:s25+$0xEF10] =	vst v0  }
0x83: {  	[tilespmem:s25+$0xEF00] =	vst v1  }
0x84: {  	s25 =	sshra.s32 s2, $0x2;
	v0 =	vld [tilespmem:s26+$0x0]  }
0x85: {  	v3 =	vld [tilespmem:s25+$0xEF30]  }
0x86: {  	v4 =	vld [tilespmem:s25+$0xEF20]  }
.Ltmp1:
0x87: {  	v1 =	vld [tilespmem:s25+$0xEF00];
	(pc) =	sbr.rel @p1 .LBB2_4-.Ltmp1, $4  }
0x88: {  	v2 =	vld [tilespmem:s25+$0xEF10]  }
0x89: {  	[tilespmem:s25+$0x1BF00] =	vst v0  }
0x8a: {  	[tilespmem:s25+$0x1BF10] =	vst v0;
	v3 =	vmul.f32 v3, v0  }
0x8b: {  	v4 =	vmul.f32 v4, v0;
	[tilespmem:s25+$0x1BF20] =	vst v0  }
0x8c: {  	[tilespmem:s25+$0x1BF30] =	vst v0  }
0x8d: {  	[tilespmem:s25+$0xEF30] =	vst v3;
	v2 =	vmul.f32 v2, v0  }
0x8e: {  	[tilespmem:s25+$0xEF20] =	vst v4;
	v0 =	vmul.f32 v1, v0  }
0x8f: {  	[tilespmem:s25+$0xEF10] =	vst v2  }
0x90: {  	s2 =	rddreg [dreg:$0x12];
	[tilespmem:s25+$0xEF00] =	vst v0  }
0x91: {  	[hbm4b:s2+s0] =	stream.linear.scatter [tilespmem:s12], [sflag:$0x3], $0x2000, $0x38;
	[tilespmem:$0x1DF00] =	vst v63  }
0x92: {  	_ =	swait.ge [sflag:s10], $0x2000  }
0x93: {  	[sflag:s10] =	ssyncset.done $0x0  }
0x94: {  	s2 =	simm.s32 @!p0 $0xEF00;
	s3 =	rddreg [dreg:$0x1a];
	[sflag:s10] =	ssyncadd.s32 $0xFFFFE000  }
0x95: {  	[spmem:s3] =	stream.linear.scatter @!p0 [tilespmem:s2], [sflag:$0x3], $0x2000, $0x38;
	[tilespmem:$0x1DF00] =	vst v63  }
0x96: {  	s2 =	simm.s32 @!p0 $0x3  }
0x97: {  	_ =	swait.ge @!p0 [sflag:s2], $0x2000  }
0x98: {  	s18 =	simm.s32 @!p0 $0x1BF00;
	[sflag:s2] =	ssyncset.done @!p0 $0x0  }
0x99: {  	s3 =	simm.s32 @!p0 $0x0;
	s25 =	rddreg [dreg:$0xa];
	[sflag:s2] =	ssyncadd.s32 @!p0 $0xFFFFE000  }
0x9a: {  	[hbm4b:s25+s3] =	stream.linear.scatter @!p0 [tilespmem:s18], [sflag:$0x3], $0x2000, $0x38;
	[tilespmem:$0x1DF00] =	vst v63  }
0x9b: {  	_ =	swait.ge @!p0 [sflag:s2], $0x2000  }
0x9c: {  	[sflag:s2] =	ssyncset.done @!p0 $0x0  }
0x9d: {  	s26 =	simm.s32 $0x0;
	s29 =	rddreg [dreg:$0xe];
	[sflag:s2] =	ssyncadd.s32 @!p0 $0xFFFFE000  }
0x9e: {  	[tilespmem:s12], [sflag:$0x1] =	stream.linear.gather [hbm4b:s29+s26], $0x2000, $0x38;
	[tilespmem:$0x1DF00] =	vst v63  }
0x9f: {  	s31 =	rddreg [dreg:$0xb]  }
0xa0: {  	[tilespmem:s13], [sflag:$0x1] =	stream.linear.gather [hbm4b:s31+s26], $0x800, $0x38;
	[tilespmem:$0x1DF00] =	vst v63  }
0xa1: {  	_ =	swait.ge [sflag:s14], $0x2000  }
0xa2: {  	[sflag:s14] =	ssyncset.done $0x0  }
0xa3: {  	[sflag:s14] =	ssyncadd.s32 $0xFFFFE000  }
0xa4: {  	_ =	swait.ge [sflag:s14], $0x800  }
0xa5: {  	[sflag:s14] =	ssyncset.done $0x0  }
0xa6: {  	s26 =	simm.s32 $0x10F00;
	[sflag:s14] =	ssyncadd.s32 $0xFFFFF800  }
0xa7: {  	s25 =	simm.s32 $0x0;
	v0 =	vld [tilespmem:s26+$0x0]  }
0xa8: {  	v3 =	vld [tilespmem:s25+$0xCF30]  }
0xa9: {  	v4 =	vld [tilespmem:s25+$0xCF20];
	_ =	sdelay $0x1  }
0xaa: {  	v1 =	vld [tilespmem:s25+$0xCF00]  }
0xab: {  	v2 =	vld [tilespmem:s25+$0xCF10];
	[tilespmem:s25+$0x1BF00] =	vst v0  }
0xac: {  	[tilespmem:s25+$0x1BF10] =	vst v0  }
0xad: {  	s18 =	simm.s32 $0x100;
	v3 =	vmul.f32 v3, v0;
	v4 =	vmul.f32 v4, v0;
	[tilespmem:s25+$0x1BF20] =	vst v0  }
.LBB2_6:
0xae: {  	p1 =	sne.s32 s18, $0x7F00  }
0xaf: {  	[tilespmem:s25+$0x1BF30] =	vst v0;
	s26 =	sadd.s32 $0x10, s26;
	s2 =	smov.u32 s18;
	s18 =	sadd.s32 $0x100, s18  }
0xb0: {  	v1 =	vmul.f32 v1, v0;
	v0 =	vmul.f32 v2, v0;
	[tilespmem:s25+$0xCF20] =	vst v4  }
0xb1: {  	[tilespmem:s25+$0xCF30] =	vst v3  }
0xb2: {  	[tilespmem:s25+$0xCF10] =	vst v0  }
0xb3: {  	[tilespmem:s25+$0xCF00] =	vst v1  }
0xb4: {  	s25 =	sshra.s32 s2, $0x2;
	v0 =	vld [tilespmem:s26+$0x0]  }
0xb5: {  	v3 =	vld [tilespmem:s25+$0xCF30]  }
0xb6: {  	v4 =	vld [tilespmem:s25+$0xCF20]  }
.Ltmp2:
0xb7: {  	v1 =	vld [tilespmem:s25+$0xCF00];
	(pc) =	sbr.rel @p1 .LBB2_6-.Ltmp2, $4  }
0xb8: {  	v2 =	vld [tilespmem:s25+$0xCF10]  }
0xb9: {  	[tilespmem:s25+$0x1BF00] =	vst v0  }
0xba: {  	[tilespmem:s25+$0x1BF10] =	vst v0;
	v3 =	vmul.f32 v3, v0  }
0xbb: {  	v4 =	vmul.f32 v4, v0;
	[tilespmem:s25+$0x1BF20] =	vst v0  }
0xbc: {  	[tilespmem:s25+$0x1BF30] =	vst v0  }
0xbd: {  	[tilespmem:s25+$0xCF30] =	vst v3;
	v2 =	vmul.f32 v2, v0  }
0xbe: {  	[tilespmem:s25+$0xCF20] =	vst v4;
	v0 =	vmul.f32 v1, v0  }
0xbf: {  	[tilespmem:s25+$0xCF10] =	vst v2  }
0xc0: {  	s2 =	rddreg [dreg:$0x13];
	[tilespmem:s25+$0xCF00] =	vst v0  }
0xc1: {  	[hbm4b:s2+s0] =	stream.linear.scatter [tilespmem:s1], [sflag:$0x3], $0x2000, $0x38;
	[tilespmem:$0x1DF00] =	vst v63  }
0xc2: {  	_ =	swait.ge [sflag:s10], $0x2000  }
0xc3: {  	[sflag:s10] =	ssyncset.done $0x0  }
0xc4: {  	s2 =	simm.s32 @!p0 $0xCF00;
	s3 =	rddreg [dreg:$0x1b];
	[sflag:s10] =	ssyncadd.s32 $0xFFFFE000  }
0xc5: {  	[spmem:s3] =	stream.linear.scatter @!p0 [tilespmem:s2], [sflag:$0x3], $0x2000, $0x38;
	[tilespmem:$0x1DF00] =	vst v63  }
0xc6: {  	s2 =	simm.s32 @!p0 $0x3  }
0xc7: {  	_ =	swait.ge @!p0 [sflag:s2], $0x2000  }
0xc8: {  	s18 =	simm.s32 @!p0 $0x1BF00;
	[sflag:s2] =	ssyncset.done @!p0 $0x0  }
0xc9: {  	s3 =	simm.s32 @!p0 $0x0;
	s25 =	rddreg [dreg:$0xd];
	[sflag:s2] =	ssyncadd.s32 @!p0 $0xFFFFE000  }
0xca: {  	[hbm4b:s25+s3] =	stream.linear.scatter @!p0 [tilespmem:s18], [sflag:$0x3], $0x2000, $0x38;
	[tilespmem:$0x1DF00] =	vst v63  }
0xcb: {  	_ =	swait.ge @!p0 [sflag:s2], $0x2000  }
0xcc: {  	[sflag:s2] =	ssyncset.done @!p0 $0x0  }
0xcd: {  	s26 =	simm.s32 $0x0;
	s29 =	rddreg [dreg:$0xf];
	[sflag:s2] =	ssyncadd.s32 @!p0 $0xFFFFE000  }
0xce: {  	[tilespmem:s1], [sflag:$0x1] =	stream.linear.gather [hbm4b:s29+s26], $0x2000, $0x38;
	[tilespmem:$0x1DF00] =	vst v63  }
0xcf: {  	s31 =	rddreg [dreg:$0xc]  }
0xd0: {  	[tilespmem:s15], [sflag:$0x1] =	stream.linear.gather [hbm4b:s31+s26], $0x800, $0x38;
	[tilespmem:$0x1DF00] =	vst v63  }
0xd1: {  	_ =	swait.ge [sflag:s14], $0x2000  }
0xd2: {  	[sflag:s14] =	ssyncset.done $0x0  }
0xd3: {  	[sflag:s14] =	ssyncadd.s32 $0xFFFFE000  }
0xd4: {  	_ =	swait.ge [sflag:s14], $0x800  }
0xd5: {  	[sflag:s14] =	ssyncset.done $0x0  }
0xd6: {  	s26 =	simm.s32 $0x11700;
	[sflag:s14] =	ssyncadd.s32 $0xFFFFF800  }
0xd7: {  	s25 =	simm.s32 $0x0;
	v0 =	vld [tilespmem:s26+$0x0]  }
0xd8: {  	v3 =	vld [tilespmem:s25+$0xEF30]  }
0xd9: {  	v4 =	vld [tilespmem:s25+$0xEF20];
	_ =	sdelay $0x1  }
0xda: {  	v1 =	vld [tilespmem:s25+$0xEF00]  }
0xdb: {  	v2 =	vld [tilespmem:s25+$0xEF10];
	[tilespmem:s25+$0x1BF00] =	vst v0  }
0xdc: {  	[tilespmem:s25+$0x1BF10] =	vst v0  }
0xdd: {  	s18 =	simm.s32 $0x100;
	v3 =	vmul.f32 v3, v0;
	v4 =	vmul.f32 v4, v0;
	[tilespmem:s25+$0x1BF20] =	vst v0  }
.LBB2_8:
0xde: {  	p1 =	sne.s32 s18, $0x7F00  }
0xdf: {  	[tilespmem:s25+$0x1BF30] =	vst v0;
	s26 =	sadd.s32 $0x10, s26;
	s2 =	smov.u32 s18;
	s18 =	sadd.s32 $0x100, s18  }
0xe0: {  	v1 =	vmul.f32 v1, v0;
	v0 =	vmul.f32 v2, v0;
	[tilespmem:s25+$0xEF20] =	vst v4  }
0xe1: {  	[tilespmem:s25+$0xEF30] =	vst v3  }
0xe2: {  	[tilespmem:s25+$0xEF10] =	vst v0  }
0xe3: {  	[tilespmem:s25+$0xEF00] =	vst v1  }
0xe4: {  	s25 =	sshra.s32 s2, $0x2;
	v0 =	vld [tilespmem:s26+$0x0]  }
0xe5: {  	v3 =	vld [tilespmem:s25+$0xEF30]  }
0xe6: {  	v4 =	vld [tilespmem:s25+$0xEF20]  }
.Ltmp3:
0xe7: {  	v1 =	vld [tilespmem:s25+$0xEF00];
	(pc) =	sbr.rel @p1 .LBB2_8-.Ltmp3, $4  }
0xe8: {  	v2 =	vld [tilespmem:s25+$0xEF10]  }
0xe9: {  	[tilespmem:s25+$0x1BF00] =	vst v0  }
0xea: {  	[tilespmem:s25+$0x1BF10] =	vst v0;
	v3 =	vmul.f32 v3, v0  }
0xeb: {  	v4 =	vmul.f32 v4, v0;
	[tilespmem:s25+$0x1BF20] =	vst v0  }
0xec: {  	[tilespmem:s25+$0x1BF30] =	vst v0  }
0xed: {  	[tilespmem:s25+$0xEF30] =	vst v3;
	v2 =	vmul.f32 v2, v0  }
0xee: {  	[tilespmem:s25+$0xEF20] =	vst v4;
	v0 =	vmul.f32 v1, v0  }
0xef: {  	[tilespmem:s25+$0xEF10] =	vst v2  }
0xf0: {  	s2 =	rddreg [dreg:$0x14];
	[tilespmem:s25+$0xEF00] =	vst v0  }
0xf1: {  	[hbm4b:s2+s0] =	stream.linear.scatter [tilespmem:s12], [sflag:$0x3], $0x2000, $0x38;
	[tilespmem:$0x1DF00] =	vst v63  }
0xf2: {  	_ =	swait.ge [sflag:s10], $0x2000  }
0xf3: {  	[sflag:s10] =	ssyncset.done $0x0  }
0xf4: {  	s2 =	simm.s32 @!p0 $0xEF00;
	s3 =	rddreg [dreg:$0x1c];
	[sflag:s10] =	ssyncadd.s32 $0xFFFFE000  }
0xf5: {  	[spmem:s3] =	stream.linear.scatter @!p0 [tilespmem:s2], [sflag:$0x3], $0x2000, $0x38;
	[tilespmem:$0x1DF00] =	vst v63  }
0xf6: {  	s2 =	simm.s32 @!p0 $0x3  }
0xf7: {  	_ =	swait.ge @!p0 [sflag:s2], $0x2000  }
0xf8: {  	s18 =	simm.s32 @!p0 $0x1BF00;
	[sflag:s2] =	ssyncset.done @!p0 $0x0  }
0xf9: {  	s3 =	simm.s32 @!p0 $0x0;
	s25 =	rddreg [dreg:$0x10];
	[sflag:s2] =	ssyncadd.s32 @!p0 $0xFFFFE000  }
0xfa: {  	[hbm4b:s25+s3] =	stream.linear.scatter @!p0 [tilespmem:s18], [sflag:$0x3], $0x2000, $0x38;
	[tilespmem:$0x1DF00] =	vst v63  }
0xfb: {  	_ =	swait.ge @!p0 [sflag:s2], $0x2000  }
0xfc: {  	[sflag:s2] =	ssyncset.done @!p0 $0x0  }
0xfd: {  	[sflag:s2] =	ssyncadd.s32 @!p0 $0xFFFFE000  }
0xfe: {  	_ =	swait.ge [sflag:s14], $0x2000  }
0xff: {  	[sflag:s14] =	ssyncset.done $0x0  }
0x100: {  	[sflag:s14] =	ssyncadd.s32 $0xFFFFE000  }
0x101: {  	_ =	swait.ge [sflag:s14], $0x800  }
0x102: {  	[sflag:s14] =	ssyncset.done $0x0  }
0x103: {  	s26 =	simm.s32 $0x10F00;
	[sflag:s14] =	ssyncadd.s32 $0xFFFFF800  }
0x104: {  	s25 =	simm.s32 $0x0;
	v0 =	vld [tilespmem:s26+$0x0]  }
0x105: {  	v3 =	vld [tilespmem:s25+$0xCF30]  }
0x106: {  	v4 =	vld [tilespmem:s25+$0xCF20];
	_ =	sdelay $0x1  }
0x107: {  	v1 =	vld [tilespmem:s25+$0xCF00]  }
0x108: {  	v2 =	vld [tilespmem:s25+$0xCF10];
	[tilespmem:s25+$0x1BF00] =	vst v0  }
0x109: {  	[tilespmem:s25+$0x1BF10] =	vst v0  }
0x10a: {  	s18 =	simm.s32 $0x100;
	v3 =	vmul.f32 v3, v0;
	v4 =	vmul.f32 v4, v0;
	[tilespmem:s25+$0x1BF20] =	vst v0  }
.LBB2_10:
0x10b: {  	p1 =	sne.s32 s18, $0x7F00  }
0x10c: {  	[tilespmem:s25+$0x1BF30] =	vst v0;
	s26 =	sadd.s32 $0x10, s26;
	s2 =	smov.u32 s18;
	s18 =	sadd.s32 $0x100, s18  }
0x10d: {  	v1 =	vmul.f32 v1, v0;
	v0 =	vmul.f32 v2, v0;
	[tilespmem:s25+$0xCF20] =	vst v4  }
0x10e: {  	[tilespmem:s25+$0xCF30] =	vst v3  }
0x10f: {  	[tilespmem:s25+$0xCF10] =	vst v0  }
0x110: {  	[tilespmem:s25+$0xCF00] =	vst v1  }
0x111: {  	s25 =	sshra.s32 s2, $0x2;
	v0 =	vld [tilespmem:s26+$0x0]  }
0x112: {  	v3 =	vld [tilespmem:s25+$0xCF30]  }
0x113: {  	v4 =	vld [tilespmem:s25+$0xCF20]  }
.Ltmp4:
0x114: {  	v1 =	vld [tilespmem:s25+$0xCF00];
	(pc) =	sbr.rel @p1 .LBB2_10-.Ltmp4, $4  }
0x115: {  	v2 =	vld [tilespmem:s25+$0xCF10]  }
0x116: {  	[tilespmem:s25+$0x1BF00] =	vst v0  }
0x117: {  	[tilespmem:s25+$0x1BF10] =	vst v0;
	v3 =	vmul.f32 v3, v0  }
0x118: {  	v4 =	vmul.f32 v4, v0;
	[tilespmem:s25+$0x1BF20] =	vst v0  }
0x119: {  	[tilespmem:s25+$0x1BF30] =	vst v0  }
0x11a: {  	v63 =	vmul.f32 v1, v0;
	[tilespmem:s25+$0xCF30] =	vst v3  }
0x11b: {  	v2 =	vmul.f32 v2, v0;
	[tilespmem:s25+$0xCF20] =	vst v4  }
0x11c: {  	[tilespmem:s25+$0xCF00] =	vst v63  }
0x11d: {  	s2 =	rddreg [dreg:$0x15];
	[tilespmem:s25+$0xCF10] =	vst v2  }
0x11e: {  	[hbm4b:s2+s0] =	stream.linear.scatter [tilespmem:s1], [sflag:$0x3], $0x2000, $0x38;
	[tilespmem:$0x1DF00] =	vst v63  }
0x11f: {  	_ =	swait.ge [sflag:s10], $0x2000  }
0x120: {  	s3 =	sshrl.u32 @p0 s30, $0x3;
	s2 =	sshll.u32 @p0 s28, $0x6;
	[sflag:s10] =	ssyncset.done $0x0  }
0x121: {  	s2 =	sor.u32 @p0 $0x1C03, s2;
	s18 =	rddreg [dreg:$0x17];
	[sflag:s10] =	ssyncadd.s32 $0xFFFFE000  }
0x122: {  	[spmem:s3], [sflag:s2] =	dma.local @p0 [hbm:s18], $0x1400  }
0x123: {  	s2 =	simm.s32 @p0 $0x3  }
0x124: {  	_ =	swait.ge @p0 [sflag:s2], $0x1400  }
0x125: {  	[sflag:s2] =	ssyncset.done @p0 $0x0  }
0x126: {  	s3 =	rddreg [dreg:$0x1d];
	[sflag:s2] =	ssyncadd.s32 @p0 $0xFFFFEC00;
	s2 =	simm.s32 @!p0 $0xCF00  }
0x127: {  	[spmem:s3] =	stream.linear.scatter @!p0 [tilespmem:s2], [sflag:$0x3], $0x2000, $0x38;
	[tilespmem:$0x1DF00] =	vst v63  }
0x128: {  	s2 =	simm.s32 @!p0 $0x3  }
0x129: {  	_ =	swait.ge @!p0 [sflag:s2], $0x2000  }
0x12a: {  	s18 =	simm.s32 @!p0 $0x1BF00;
	[sflag:s2] =	ssyncset.done @!p0 $0x0  }
0x12b: {  	s3 =	simm.s32 @!p0 $0x0;
	s25 =	rddreg [dreg:$0x11];
	[sflag:s2] =	ssyncadd.s32 @!p0 $0xFFFFE000  }
0x12c: {  	[hbm4b:s25+s3] =	stream.linear.scatter @!p0 [tilespmem:s18], [sflag:$0x3], $0x2000, $0x38;
	[tilespmem:$0x1DF00] =	vst v63  }
0x12d: {  	_ =	swait.ge @!p0 [sflag:s2], $0x2000  }
0x12e: {  	[sflag:s2] =	ssyncset.done @!p0 $0x0  }
0x12f: {  	[sflag:s2] =	ssyncadd.s32 @!p0 $0xFFFFE000  }
0x130: {  	s29 =	simm.s32 $0x0;
	[bflag:$0x0] =	sbarrier.arrive $0xFFFF  }
0x131: {  	[tilespmem:s20], [sflag:$0x1] =	stream.indirect.gather [hbm4b:s24+s17], $0x40, s29, s17, $0xb8;
	[tilespmem:$0x1DF00] =	vst v63  }
0x132: {  	_ = 	snop  }
0x133: {  	[tilespmem:s21], [sflag:$0x1] =	stream.indirect.gather [hbm4b:s24+s17], $0x40, s17, s17, $0xb8;
	[tilespmem:$0x1DF00] =	vst v63  }
0x134: {  	_ =	swait.ge [sflag:s14], $0x2000  }
0x135: {  	[sflag:s14] =	ssyncset.done $0x0  }
0x136: {  	[sflag:s14] =	ssyncadd.s32 $0xFFFFE000  }
0x137: {  	[spmem:s19] =	stream.indirect.scatter.add.f32 [tilespmem:s20], [sflag:$0x2], $0x40, s11, s17, $0xb8;
	[tilespmem:$0x1DF00] =	vst v63  }
0x138: {  	s26 =	simm.s32 $0x8F00;
	s25 =	simm.s32 $0x100  }
0x139: {  	[tilespmem:s26], [sflag:$0x1] =	stream.indirect.gather [hbm4b:s24+s17], $0x40, s25, s17, $0xb8;
	[tilespmem:$0x1DF00] =	vst v63  }
0x13a: {  	_ =	swait.ge [sflag:s14], $0x2000  }
0x13b: {  	p2 =	sne.s32 s16, $0x8000;
	s31 =	simm.s32 $0x10000;
	[sflag:s14] =	ssyncset.done $0x0  }
.Ltmp5:
0x13c: {  	s18 =	simm.s32 $0x2800;
	[sflag:s14] =	ssyncadd.s32 $0xFFFFE000;
	(pc) =	sbr.rel @!p2 .LBB2_12-.Ltmp5, $4  }
0x13d: {  	[spmem:s19] =	stream.indirect.scatter.add.f32 [tilespmem:s21], [sflag:$0x2], $0x40, s18, s17, $0xb8;
	[tilespmem:$0x1DF00] =	vst v63  }
0x13e: {  	p1 =	por $0x0, $0x0;
	s25 =	simm.s32 $0x180;
	s26 =	simm.s32 $0xAF00  }
0x13f: {  	[tilespmem:s26], [sflag:$0x1] =	stream.indirect.gather [hbm4b:s24+s17], $0x40, s25, s17, $0xb8;
	[tilespmem:$0x1DF00] =	vst v63  }
0x140: {  	s28 =	simm.s32 $0x8000;
	s2 =	simm.s32 $0x200;
	s26 =	simm.s32 $0x2880  }
0x141: {  	s3 =	sand.u32 $0x18000, s31  }
0x142: {  	_ =	swait.ge [sflag:s14], $0x2000;
	s31 =	simm.s32 $0x18000;
	s18 =	simm.s32 $0x10000  }
0x143: {  	p2 =	sne.s32 s16, $0x10000;
	s3 =	sshrl.u32 s3, $0x2;
	[sflag:s14] =	ssyncset.done $0x0  }
.Ltmp6:
0x144: {  	s3 =	sadd.s32 $0x4F00, s3;
	[sflag:s14] =	ssyncadd.s32 $0xFFFFE000;
	(pc) =	sbr.rel @!p2 .LBB2_14-.Ltmp6, $4  }
0x145: {  	[spmem:s19] =	stream.indirect.scatter.add.f32 [tilespmem:s3], [sflag:$0x2], $0x40, s26, s17, $0xb8;
	[tilespmem:$0x1DF00] =	vst v63  }
0x146: {  	s29 =	sand.u32 $0x18000, s29;
	s25 =	simm.s32 $0x280;
	_ =	swait.ge [sflag:s22], $0x2000  }
0x147: {  	p1 =	por $0x1, $0x1;
	s3 =	sshrl.u32 s29, $0x2;
	[sflag:s22] =	ssyncset.done $0x0  }
0x148: {  	s26 =	simm.s32 $0x2900;
	s3 =	sadd.s32 $0x4F00, s3;
	[sflag:s22] =	ssyncadd.s32 $0xFFFFE000  }
.LBB2_15:
0x149: {  	[tilespmem:s3], [sflag:$0x1] =	stream.indirect.gather [hbm4b:s24+s17], $0x40, s2, s17, $0xb8;
	[tilespmem:$0x1DF00] =	vst v63  }
0x14a: {  	s3 =	smov.u32 s28  }
0x14b: {  	s28 =	smov.u32 s18;
	s2 =	smov.u32 s25;
	s29 =	sand.u32 $0x18000, s31  }
0x14c: {  	s31 =	sadd.s32 $0x10000, s18;
	s18 =	sadd.s32 $0x8000, s18;
	_ =	swait.ge [sflag:s14], $0x2000  }
0x14d: {  	s29 =	sshrl.u32 s29, $0x2;
	p2 =	sne.s32 s16, s18;
	[sflag:s14] =	ssyncset.done $0x0  }
.Ltmp7:
0x14e: {  	s29 =	sadd.s32 $0x4F00, s29;
	[sflag:s14] =	ssyncadd.s32 $0xFFFFE000;
	(pc) =	sbr.rel @p2 .LBB2_15-.Ltmp7, $4  }
0x14f: {  	[spmem:s19] =	stream.indirect.scatter.add.f32 [tilespmem:s29], [sflag:$0x2], $0x40, s26, s17, $0xb8;
	[tilespmem:$0x1DF00] =	vst v63  }
0x150: {  	s3 =	sand.u32 $0x18000, s3;
	_ =	swait.ge [sflag:s22], $0x2000  }
0x151: {  	s25 =	sadd.s32 $0x80, s25;
	s3 =	sshrl.u32 s3, $0x2;
	[sflag:s22] =	ssyncset.done $0x0  }
0x152: {  	s3 =	sadd.s32 $0x4F00, s3;
	s26 =	sadd.s32 $0x80, s26;
	[sflag:s22] =	ssyncadd.s32 $0xFFFFE000  }
0x153: {  	s18 =	smov.u32 s2;
	s29 =	smov.u32 s28;
	s2 =	smov.u32 s25  }
.LBB2_17:
0x154: {  	[tilespmem:s3], [sflag:$0x1] =	stream.indirect.gather @p1 [hbm4b:s24+s17], $0x40, s18, s17, $0xb8;
	[tilespmem:$0x1DF00] =	vst v63  }
0x155: {  	s25 =	sand.u32 $0x18000, s31;
	_ =	swait.ge [sflag:s14], $0x2000  }
0x156: {  	s3 =	sshrl.u32 s25, $0x2;
	[sflag:s14] =	ssyncset.done $0x0  }
0x157: {  	s3 =	sadd.s32 $0x4F00, s3;
	[sflag:s14] =	ssyncadd.s32 $0xFFFFE000  }
0x158: {  	[spmem:s19] =	stream.indirect.scatter.add.f32 [tilespmem:s3], [sflag:$0x2], $0x40, s26, s17, $0xb8;
	[tilespmem:$0x1DF00] =	vst v63  }
0x159: {  	s26 =	sand.u32 $0x18000, s29;
	_ =	swait.ge [sflag:s22], $0x2000  }
0x15a: {  	s3 =	sshrl.u32 s26, $0x2;
	[sflag:s22] =	ssyncset.done $0x0  }
0x15b: {  	s3 =	sadd.s32 $0x4F00, s3;
	[sflag:s22] =	ssyncadd.s32 $0xFFFFE000  }
0x15c: {  	[tilespmem:s3], [sflag:$0x1] =	stream.indirect.gather [hbm4b:s24+s17], $0x40, s2, s17, $0xb8;
	[tilespmem:$0x1DF00] =	vst v63  }
0x15d: {  	_ =	swait.ge [sflag:s14], $0x2000  }
0x15e: {  	[sflag:s14] =	ssyncset.done $0x0  }
0x15f: {  	[sflag:s14] =	ssyncadd.s32 $0xFFFFE000  }
0x160: {  	[spmem:s19] =	stream.indirect.scatter.add.f32 [tilespmem:s4], [sflag:$0x2], $0x40, s5, s17, $0xb8;
	[tilespmem:$0x1DF00] =	vst v63  }
0x161: {  	_ =	swait.ge [sflag:s22], $0x2000  }
0x162: {  	[sflag:s22] =	ssyncset.done $0x0  }
0x163: {  	[sflag:s22] =	ssyncadd.s32 $0xFFFFE000  }
0x164: {  	_ =	swait.ge [sflag:s14], $0x2000  }
0x165: {  	[sflag:s14] =	ssyncset.done $0x0  }
0x166: {  	[sflag:s14] =	ssyncadd.s32 $0xFFFFE000  }
0x167: {  	[spmem:s19] =	stream.indirect.scatter.add.f32 [tilespmem:s6], [sflag:$0x2], $0x40, s7, s17, $0xb8;
	[tilespmem:$0x1DF00] =	vst v63  }
0x168: {  	_ =	swait.ge [sflag:s22], $0x2000  }
0x169: {  	[sflag:s22] =	ssyncset.done $0x0  }
0x16a: {  	[sflag:s22] =	ssyncadd.s32 $0xFFFFE000  }
0x16b: {  	_ =	swait.ge [sflag:s22], $0x2000  }
0x16c: {  	[sflag:s22] =	ssyncset.done $0x0  }
0x16d: {  	[sflag:s22] =	ssyncadd.s32 $0xFFFFE000  }
0x16e: {  	_ =	swait.ge [sflag:s22], $0x2000  }
0x16f: {  	s28 =	stileid.u32;
	s31 =	sshrl.u32 s30, $0x3;
	[sflag:s22] =	ssyncset.done $0x0  }
0x170: {  	s23 =	sadd.s32 $0x1, s23;
	s29 =	sshll.u32 s28, $0x6;
	[sflag:s22] =	ssyncadd.s32 $0xFFFFE000  }
0x171: {  	p1 =	sne.s32 s23, s9;
	s2 =	sor.u32 $0x1C03, s29;
	[bflag:$0x0] =	sbarrier.arrive $0xFFFF  }
0x172: {  	[hbm:s8], [sflag:s2] =	dma.local [spmem:s31], $0x1400  }
.Ltmp8:
0x173: {  	_ = 	snop;
	(pc) =	sbr.rel @p1 .LBB2_1-.Ltmp8, $4  }
.Ltmp9:
0x174: {  	_ = 	snop;
	(pc) =	sbr.rel @!p1 .LBB2_18-.Ltmp9, $4  }
0x175: {  	_ =	swait.ge [sflag:s10], $0x1400  }
0x176: {  	[sflag:s10] =	ssyncset.done $0x0  }
0x177: {  	[sflag:s10] =	ssyncadd.s32 $0xFFFFEC00  }
0x178: {  	_ = 	snop  }
.LBB2_12:
.Ltmp10:
0x179: {  	(pc) =	sbr.rel .LBB2_17-.Ltmp10, $2  }
0x17a: {  	_ =	sdelay $0x2  }
0x17b: {  	_ = 	snop  }
.LBB2_14:
.Ltmp11:
0x17c: {  	(pc) =	sbr.rel .LBB2_17-.Ltmp11, $3  }
0x17d: {  	_ =	sdelay $0x1  }
0x17e: {  	s18 =	simm.s32 $0x200  }
0x17f: {  	s29 =	simm.s32 $0x8000;
	s2 =	simm.s32 $0x280;
	s31 =	simm.s32 $0x18000  }
.LBB2_18:
0x180: {  	_ =	sfence.sel $0x180000  }
0x181: {  	[bflag:$0x0] =	sbarrier.arrive $0xFFFF  }
0x182: {  	_ =	strace $0x9000004A  }
0x183: {  	[bflag:$0x2] =	sbarrier.arrive $0xFFFF  }
0x184: {  	p0 =	sne.s32 s28, $0x0;
	s0 =	rddreg [dreg:$0x2]  }
0x185: {  	s0 =	sadd.s32 @!p0 $0x100000, s0  }
0x186: {  	[sflag:s0] =	ssyncadd.tile.s32 @!p0 $0x1;
	_ =	shalt  }
.Lfunc_end2:
_tile_overlayer_lowered:
.L_overlay_start_2:
0x187: {  	(tag) =	ssettag $0x2  }
0x188: {  	s0 =	rddreg [dreg:$0x0];
	s2 =	stileid.u32  }
0x189: {  	s1 =	rddreg [dreg:$0x1];
	p0 =	sne.s32 s2, $0x0  }
0x18a: {  	s3 =	rddreg [dreg:$0x2];
	[bflag:$0x3] =	sbarrier.arrive $0xFFFF;
	s2 =	simm.s32 @!p0 $0x1C03  }
0x18b: {  	[timem:s3], [sflag:s2] =	dma.local @!p0 [hbm:s0], s1  }
0x18c: {  	s0 =	simm.s32 @!p0 $0x3  }
0x18d: {  	_ =	swait.ge @!p0 [sflag:s0], s1  }
0x18e: {  	s1 =	ssub.s32 @!p0 $0x0, s1;
	[sflag:s0] =	ssyncset.done @!p0 $0x0  }
0x18f: {  	[sflag:s0] =	ssyncadd.s32 @!p0 s1  }
0x190: {  	[bflag:$0x3] =	sbarrier.arrive $0xFFFF  }
0x191: {  	_ =	shalt  }

// kernel: kernel.14.cloned.1.call-start
scs
__scs_entry_jumppad:
0x0: {  	(pc) =	sbr.rel $0x88, $3  }
0x1: {  	(tag) =	ssettag $0x0;
	lr =	simm.s32 $0x1  }
0x2: {  	[smem:$0x3F95] =	sst lr;
	_ =	strace $0xD0000000  }
0x3: {  	_ = 	snop  }
0x4: {  	_ = 	snop  }
0x5: {  	_ = 	snop  }
0x6: {  	_ = 	snop  }
0x7: {  	_ = 	snop  }
__scs_overlays_trampoline_lowered:
0x8: {  	[smem:$0x3FA4] =	sst s0  }
0x9: {  	[smem:$0x3FA5] =	sst s1  }
0xa: {  	[smem:$0x3FA6] =	sst s2  }
0xb: {  	[smem:$0x3FA7] =	sst s3  }
0xc: {  	[smem:$0x3FA8] =	sst s4  }
0xd: {  	[smem:$0x3FA9] =	sst s5  }
0xe: {  	[smem:$0x3FAA] =	sst s6  }
0xf: {  	[smem:$0x3FAB] =	sst s7  }
0x10: {  	[smem:$0x3FAC] =	sst s8  }
0x11: {  	[smem:$0x3FAD] =	sst s9;
	s0 =	simm.s32 @!p0 $0x0  }
0x12: {  	s1 =	sld [smem:$0x3F93];
	s0 =	simm.s32 @p0 $0x1  }
0x13: {  	[smem:$0x3FAE] =	sst s0;
	s0 =	simm.s32 @!p1 $0x0  }
0x14: {  	s2 =	sld [smem:$0x3F92];
	s0 =	simm.s32 @p1 $0x1  }
0x15: {  	[smem:$0x3FAF] =	sst s0;
	s0 =	simm.s32 @!p2 $0x0  }
0x16: {  	s3 =	sld [smem:$0x3FDB];
	s0 =	simm.s32 @p2 $0x1  }
0x17: {  	s4 =	simm.s32 $0x1BF5;
	[smem:$0x3FB1] =	sst s0  }
0x18: {  	s0 =	sld [smem:$0x3F94];
	_ =	swait.ge [sflag:s4], $0x0  }
0x19: {  	s7 =	sld [smem:$0x3F95]  }
0x1a: {  	s8 =	sadd.s32 $0xFFFFE003, lr  }
0x1b: {  	s9 =	sadd.s32 $0xFFFFFEF7, lr;
	s5 =	simm.s32 $0xFFFFFFFF;
	p2 =	slt.u32 s8, $0xFFFFF086  }
0x1c: {  	p1 =	slt.u32 s9, $0xF7A;
	s5 =	simm.s32 @!p2 $0x0  }
0x1d: {  	s5 =	simm.s32 @p1 $0x1;
	p0 =	seq.s32 s7, s2  }
0x1e: {  	s7 =	smul.u32 @!p0 $0xF7A, s2;
	p2 =	seq.s32 @!p0 s5, $0x0  }
0x1f: {  	s9 =	smul.u32 $0xF7A, s1;
	s8 =	simm.s32 @!p0 $0x1BF5;
	p2 =	por !p2, p0  }
0x20: {  	[sflag:s8] =	ssyncset.s32 @!p0 $0xFFFFF086;
	s6 =	sadd.s32 @!p0 s3, s7;
	s7 =	simm.s32 @!p0 $0x108  }
0x21: {  	s3 =	sadd.s32 s3, s9;
	s6 =	sadd.s32 @!p0 $0x88, s6;
	s7 =	simm.s32 @p2 $0x1082  }
0x22: {  	[simem:s7], [sflag:s8] =	dma.local @!p0 [hbm:s6], $0xF7A  }
0x23: {  	s9 =	sor.u32 $0xD0000000, s2;
	s6 =	simm.s32 $0x108;
	_ =	swait.ge @!p0 [sflag:s8], $0x0  }
0x24: {  	s3 =	sadd.s32 $0x88, s3;
	s6 =	simm.s32 @!p1 $0x1082;
	[sflag:s4] =	ssyncset.s32 $0xFFFFF086  }
0x25: {  	[simem:s6], [sflag:s4] =	dma.local [hbm:s3], $0xF7A  }
0x26: {  	[smem:$0x3F95] =	sst s1;
	(tag) =	ssettag s2;
	_ =	strace s9  }
0x27: {  	s1 =	sld [smem:$0x3FA5]  }
0x28: {  	s2 =	sld [smem:$0x3FA6]  }
0x29: {  	s4 =	sld [smem:$0x3FA8]  }
0x2a: {  	p0 =	seq.s32 s5, $0x0;
	s5 =	sld [smem:$0x3FA9]  }
0x2b: {  	s6 =	sld [smem:$0x3FAA]  }
0x2c: {  	s7 =	sld [smem:$0x3FAB]  }
0x2d: {  	s3 =	simm.s32 $0x108;
	s8 =	sld [smem:$0x3FAC]  }
0x2e: {  	s3 =	simm.s32 @!p0 $0x1082;
	s9 =	sld [smem:$0x3FAD]  }
0x2f: {  	lr =	sadd.s32 s0, s3;
	s0 =	sld [smem:$0x3FA4]  }
0x30: {  	s3 =	sld [smem:$0x3FA7]  }
0x31: {  	[smem:$0x3FB0] =	sst s10  }
0x32: {  	s10 =	sld [smem:$0x3FAE];
	_ =	sdelay $0x3  }
0x33: {  	p0 =	seq.s32 s10, $0x1;
	s10 =	sld [smem:$0x3FB0];
	_ =	sdelay $0x3  }
0x34: {  	[smem:$0x3FB0] =	sst s10  }
0x35: {  	s10 =	sld [smem:$0x3FAF];
	_ =	sdelay $0x3  }
0x36: {  	p1 =	seq.s32 s10, $0x1;
	s10 =	sld [smem:$0x3FB0];
	_ =	sdelay $0x3  }
0x37: {  	[smem:$0x3FB0] =	sst s10  }
0x38: {  	s10 =	sld [smem:$0x3FB1]  }
0x39: {  	_ = 	snop;
	(pc) =	sbr.ind lr, $3  }
0x3a: {  	_ = 	snop  }
0x3b: {  	_ = 	snop  }
0x3c: {  	p2 =	seq.s32 s10, $0x1;
	s10 =	sld [smem:$0x3FB0]  }
0x3d: {  	_ =	shalt  }
0x3e: {  	_ =	shalt  }
0x3f: {  	_ =	shalt  }
0x40: {  	_ =	shalt  }
0x41: {  	_ =	shalt  }
0x42: {  	_ =	shalt  }
0x43: {  	_ =	shalt  }
0x44: {  	_ =	shalt  }
0x45: {  	_ =	shalt  }
0x46: {  	_ =	shalt  }
0x47: {  	_ =	shalt  }
0x48: {  	_ =	shalt  }
0x49: {  	_ =	shalt  }
0x4a: {  	_ =	shalt  }
0x4b: {  	_ =	shalt  }
0x4c: {  	_ =	shalt  }
0x4d: {  	_ =	shalt  }
0x4e: {  	_ =	shalt  }
0x4f: {  	_ =	shalt  }
0x50: {  	_ =	shalt  }
0x51: {  	_ =	shalt  }
0x52: {  	_ =	shalt  }
0x53: {  	_ =	shalt  }
0x54: {  	_ =	shalt  }
0x55: {  	_ =	shalt  }
0x56: {  	_ =	shalt  }
0x57: {  	_ =	shalt  }
0x58: {  	_ =	shalt  }
0x59: {  	_ =	shalt  }
0x5a: {  	_ =	shalt  }
0x5b: {  	_ =	shalt  }
0x5c: {  	_ =	shalt  }
0x5d: {  	_ =	shalt  }
0x5e: {  	_ =	shalt  }
0x5f: {  	_ =	shalt  }
0x60: {  	_ =	shalt  }
0x61: {  	_ =	shalt  }
0x62: {  	_ =	shalt  }
0x63: {  	_ =	shalt  }
0x64: {  	_ =	shalt  }
0x65: {  	_ =	shalt  }
0x66: {  	_ =	shalt  }
0x67: {  	_ =	shalt  }
0x68: {  	_ =	shalt  }
0x69: {  	_ =	shalt  }
0x6a: {  	_ =	shalt  }
0x6b: {  	_ =	shalt  }
0x6c: {  	_ =	shalt  }
0x6d: {  	_ =	shalt  }
0x6e: {  	_ =	shalt  }
0x6f: {  	_ =	shalt  }
0x70: {  	_ =	shalt  }
0x71: {  	_ =	shalt  }
0x72: {  	_ =	shalt  }
0x73: {  	_ =	shalt  }
0x74: {  	_ =	shalt  }
0x75: {  	_ =	shalt  }
0x76: {  	_ =	shalt  }
0x77: {  	_ =	shalt  }
0x78: {  	_ =	shalt  }
0x79: {  	_ =	shalt  }
0x7a: {  	_ =	shalt  }
0x7b: {  	_ =	shalt  }
0x7c: {  	_ =	shalt  }
0x7d: {  	_ =	shalt  }
0x7e: {  	_ =	shalt  }
0x7f: {  	_ =	shalt  }
0x80: {  	_ =	shalt  }
0x81: {  	_ =	shalt  }
0x82: {  	_ =	shalt  }
0x83: {  	_ =	shalt  }
0x84: {  	_ =	shalt  }
0x85: {  	_ =	shalt  }
0x86: {  	_ =	shalt  }
0x87: {  	_ =	shalt  }
.Lfunc_end0:
.L_simem_size_0:
called_computation.2_lowered:
.L_overlay_start_0:
0x88: {  	s2 =	sld [smem:$0x3FD9]  }
0x89: {  	s3 =	sld [smem:$0x3FFE];
	_ =	sdelay $0x1  }
0x8a: {  	s1 =	srdreg.scid  }
0x8b: {  	s0 =	sand.u32 $0x1, s1  }
0x8c: {  	s16 =	sshll.u32 s0, $0xA;
	s2 =	sadd.s32 s3, s2  }
0x8d: {  	s2 =	sadd.s32 s2, s16  }
0x8e: {  	[smem:$0x3FBC] =	sst s2  }
0x8f: {  	_ = 	snop  }
0x90: {  	(tm) =	ssettm $0x1  }
0x91: {  	s17 =	sld [smem:$0x3FFB];
	_ =	sdelay $0x3  }
0x92: {  	_ =	strace s17  }
0x93: {  	s2 =	sld [smem:$0x3FFC];
	_ =	sdelay $0x3  }
0x94: {  	_ =	strace s2  }
0x95: {  	s2 =	sld [smem:$0x3FFD];
	_ =	sdelay $0x3  }
0x96: {  	_ =	strace s2  }
0x97: {  	_ =	strace $0x8FFFFFFF  }
0x98: {  	s18 =	sld [smem:$0x3FDB];
	_ =	sdelay $0x1  }
0x99: {  	s19 =	simm.s32 $_scs_section_size  }
0x9a: {  	s4 =	simm.s32 $_size__tile_overlayer_lowered;
	s5 =	simm.s32 $_tile_overlayer_lowered  }
0x9b: {  	s22 =	simm.s32 $0x1BFF;
	s21 =	sshll.u32 s5, $0x1;
	s2 =	sadd.s32 s19, s18  }
0x9c: {  	s6 =	simm.s32 $0x0;
	s20 =	sshll.u32 s4, $0x1;
	s4 =	sadd.s32 s21, s2  }
0x9d: {  	[timem:s6], [sflag:s22] =	dma.local [hbm:s4], s20  }
0x9e: {  	_ =	swait.ge [sflag:s22], s20  }
0x9f: {  	s3 =	ssub.s32 $0x0, s20;
	[sflag:s22] =	ssyncset.done $0x0  }
0xa0: {  	[sflag:s22] =	ssyncadd.s32 s3;
	_ =	sdelay $0x1  }
0xa1: {  	s23 =	simm.s32 $0x1B8B  }
0xa2: {  	_ =	swait.ge [sflag:s23], $0x1  }
0xa3: {  	[sflag:s23] =	ssyncset.done $0x0  }
0xa4: {  	s25 =	simm.s32 $0x1B8E;
	s24 =	sld [smem:$0x3FFE];
	[sflag:s23] =	ssyncadd.s32 $0xFFFFFFFF  }
0xa5: {  	s26 =	simm.s32 $execute0_lowered;
	[smem:$0x3FD2] =	sst s25  }
0xa6: {  	s4 =	sshll.u32 s26, $0x1;
	_ =	strace $0x8000004C;
	[dreg:$0x1] =	wrdreg $0xFFFFFFFF  }
0xa7: {  	s28 =	simm.s32 $_size_execute0_lowered;
	s2 =	sadd.s32 s2, s4;
	[dreg:$0x0] =	wrdreg $0x0  }
0xa8: {  	s4 =	sshll.u32 s28, $0x1;
	[dreg:$0x2] =	wrdreg s2  }
0xa9: {  	[dreg:$0x3] =	wrdreg s4  }
0xaa: {  	[dreg:$0x4] =	wrdreg $0xC0  }
0xab: {  	_ =	task [dreg:s6], $0x5FFFF  }
0xac: {  	[dreg:$0x1] =	wrdreg $0xFFFFFFFF  }
0xad: {  	[dreg:$0x0] =	wrdreg $0x60  }
0xae: {  	[dreg:$0x2] =	wrdreg s24  }
0xaf: {  	[dreg:$0x3] =	wrdreg $0x11F000  }
0xb0: {  	[dreg:$0x4] =	wrdreg $0x9  }
0xb1: {  	_ =	task.clear_ibuf [dreg:s6], $0x5FFFF;
	_ =	strace $0x9000004C  }
0xb2: {  	s29 =	simm.s32 $0x9;
	_ =	strace $0x8000004E  }
0xb3: {  	_ =	swait.ge [sflag:s29], $0x1  }
0xb4: {  	[sflag:s29] =	ssyncadd.s32 $0xFFFFFFFF  }
0xb5: {  	_ =	strace $0x9000004E  }
0xb6: {  	_ =	sfence  }
0xb7: {  	s30 =	sld [smem:$0x0];
	_ =	sdelay $0x2  }
0xb8: {  	s31 =	sshll.u32 s1, $0xD;
	s1 =	sshrl.u32 s1, $0x2  }
0xb9: {  	s3 =	sand.u32 $0x4000, s31;
	s1 =	sadd.s32 s1, s30  }
0xba: {  	s0 =	sor.u32 s3, s0;
	s1 =	sshll.u32 s1, $0x11  }
0xbb: {  	s0 =	sor.u32 s1, s0  }
0xbc: {  	s0 =	sadd.s32 $0x8F2B, s0  }
0xbd: {  	[sflag:s0] =	ssyncadd.remote.s32 $0x1  }
0xbe: {  	_ =	sfence.sel $0xFFFF  }
0xbf: {  	[dreg:$0x0] =	wrdreg $0xFFFFFFFF;
	(pc) =	sbr.abs _section_cstart, $3  }
0xc0: {  	[dreg:$0x1] =	wrdreg $0xFFFFFFFF  }
0xc1: {  	_ =	task.clear_ibuf [dreg:s6], $0x2FFFF;
	_ =	strace $0x9FFFFFFF  }
0xc2: {  	(tm) =	ssettm $0x7FFFFFFF  }
0xc3: {  	_ =	shalt  }
tec
execute0_lowered:
.L_overlay_start_1:
0x0: {  	(tag) =	ssettag $0x1  }
0x1: {  	s0 =	rddreg [dreg:$0x0]  }
0x2: {  	s1 =	srdreg.scid;
	s25 =	stileid.u32  }
0x3: {  	s2 =	rddreg [dreg:$0x1];
	s3 =	simm.s32 $0x0;
	s4 =	smul.u32 $0xA000, s25  }
0x4: {  	s6 =	sand.u32 $0x1, s1;
	s8 =	sadd.s32 $0x18000, s0;
	s12 =	smul.u32 $0x280, s25  }
0x5: {  	s10 =	sadd.s32 $0x2C000, s0;
	s13 =	smul.u32 $0x500, s25;
	[smem:$0x7FF] =	sst s3  }
0x6: {  	s1 =	sshll.u32 s6, $0x4;
	s5 =	smul.u32 $0xA0000, s6;
	s17 =	ssub.s32 $0x2, s6  }
0x7: {  	p0 =	sne.s32 s6, $0x0;
	s7 =	sor.u32 s25, s1;
	s11 =	sshrl.u32 s17, $0x1  }
0x8: {  	s19 =	sshrl.u32 s4, $0x3;
	s20 =	sadd.s32 s10, s13;
	s21 =	sadd.s32 $0x80, s12  }
0x9: {  	s15 =	sadd.s32 $0x100, s12;
	s29 =	sadd.s32 $0x180, s12;
	s12 =	sadd.s32 $0x200, s12  }
0xa: {  	s9 =	smul.u32 $0x4E, s7;
	s1 =	ssub.s32 s17, s11;
	s18 =	smax.u32 s7, $0x1C  }
0xb: {  	p1 =	sgt.u32 s7, $0x1B;
	[dreg:$0x4] =	wrdreg s20;
	s22 =	sshll.u32 s21, $0x3  }
0xc: {  	s23 =	sshll.u32 s21, $0x1;
	s26 =	sshll.u32 s15, $0x3;
	s28 =	sshll.u32 s15, $0x1  }
0xd: {  	s14 =	sshll.u32 s29, $0x3;
	s16 =	sshll.u32 s29, $0x1;
	s17 =	sshll.u32 s12, $0x1  }
0xe: {  	s20 =	sadd.s32 s4, s5;
	s15 =	sshll.u32 s15, $0x6;
	s11 =	sadd.s32 s8, s22  }
0xf: {  	s24 =	sadd.s32 s10, s23;
	s22 =	sshll.u32 s29, $0x6;
	s23 =	sadd.s32 s5, s15  }
0x10: {  	s6 =	smax.u32 s1, $0x1;
	s1 =	simm.s32 $0x10F00;
	[dreg:$0x5] =	wrdreg s11  }
0x11: {  	s7 =	sadd.s32 s9, s18;
	s9 =	sadd.s32 s8, s19;
	[dreg:$0x6] =	wrdreg s24  }
0x12: {  	s11 =	sadd.s32 s8, s26;
	s18 =	sshll.u32 s21, $0x6;
	[dreg:$0x3] =	wrdreg s9  }
0x13: {  	s13 =	sshrl.u32 s23, $0x3;
	[dreg:$0x7] =	wrdreg s11;
	s11 =	sadd.s32 s10, s28  }
0x14: {  	s9 =	sshrl.u32 s20, $0x3;
	s7 =	sshll.u32 s7, $0x4;
	s21 =	sadd.s32 s5, s18  }
0x15: {  	[dreg:$0x8] =	wrdreg s11;
	s11 =	sadd.s32 s8, s14;
	s14 =	sshll.u32 s12, $0x3  }
0x16: {  	s12 =	sshll.u32 s12, $0x6;
	s7 =	sadd.s32 s0, s7;
	[dreg:$0x9] =	wrdreg s11  }
0x17: {  	s11 =	sadd.s32 s10, s16;
	s8 =	sadd.s32 s8, s14;
	s14 =	simm.s32 $0x258000  }
0x18: {  	s16 =	sadd.s32 $0x32400, s0;
	s26 =	sadd.s32 s5, s12;
	[dreg:$0xa] =	wrdreg s11  }
0x19: {  	[dreg:$0xb] =	wrdreg s8;
	s8 =	sadd.s32 s10, s17;
	s14 =	simm.s32 @!p1 $0x250000  }
0x1a: {  	s10 =	simm.s32 $0x4E;
	s11 =	sshrl.u32 s21, $0x3;
	s17 =	sadd.s32 s5, s22  }
0x1b: {  	s13 =	sadd.s32 s16, s13;
	s28 =	sshrl.u32 s26, $0x3;
	s5 =	sshrl.u32 s5, $0x3  }
0x1c: {  	s29 =	sadd.s32 s16, s9;
	s9 =	sadd.s32 s9, s0;
	s0 =	sadd.s32 $0x31000, s0  }
0x1d: {  	s21 =	sadd.s32 s22, s2;
	[dreg:$0xc] =	wrdreg s8;
	s11 =	sadd.s32 s16, s11  }
0x1e: {  	s22 =	sadd.s32 s12, s2;
	_ =	strace $0x8000004D;
	[dreg:$0xd] =	wrdreg s11  }
0x1f: {  	s12 =	simm.s32 $0x1;
	s8 =	simm.s32 $0x4D;
	[dreg:$0xe] =	wrdreg s13  }
0x20: {  	s10 =	simm.s32 @!p1 $0x4D;
	s24 =	sshrl.u32 s17, $0x3;
	[dreg:$0x11] =	wrdreg s29  }
0x21: {  	s19 =	sadd.s32 s16, s5;
	s17 =	sadd.s32 s18, s2;
	[dreg:$0x12] =	wrdreg s0  }
0x22: {  	s18 =	sadd.s32 s15, s2;
	s5 =	sadd.s32 $0x5A400, s9;
	[dreg:$0x15] =	wrdreg s17  }
0x23: {  	s9 =	simm.s32 $0xCF00;
	s15 =	simm.s32 $0x4F00;
	[dreg:$0x16] =	wrdreg s18  }
0x24: {  	s8 =	simm.s32 @!p1 $0x4C;
	s13 =	sadd.s32 s16, s24;
	[dreg:$0x17] =	wrdreg s21  }
0x25: {  	s24 =	sadd.s32 s4, s2;
	[dreg:$0x18] =	wrdreg s22;
	s26 =	sshll.u32 s10, $0xD  }
0x26: {  	s29 =	sshll.u32 s10, $0x7;
	s10 =	simm.s32 $0xEF00;
	s11 =	simm.s32 $0x11700  }
0x27: {  	s17 =	simm.s32 $0x2;
	s18 =	simm.s32 $0x0;
	[dreg:$0xf] =	wrdreg s13  }
0x28: {  	s13 =	sadd.s32 s16, s28;
	s16 =	sadd.s32 $0xE080, s7;
	s20 =	sshll.u32 s8, $0xD  }
0x29: {  	s23 =	sshll.u32 s8, $0x7;
	s28 =	sand.u32 $0x6000, s26;
	s4 =	sadd.s32 $0x2780, s29  }
0x2a: {  	s8 =	simm.s32 $0x2780;
	[dreg:$0x10] =	wrdreg s13;
	s13 =	sadd.s32 $0x4440, s7  }
0x2b: {  	[dreg:$0x14] =	wrdreg s16;
	s0 =	sand.u32 $0x2000, s20;
	s31 =	sadd.s32 $0x2780, s23  }
0x2c: {  	s7 =	simm.s32 $0x3;
	s16 =	simm.s32 $0x6F00;
	[dreg:$0x13] =	wrdreg s13  }
0x2d: {  	s30 =	sor.u32 $0x4F00, s0;
	s0 =	sadd.s32 $0x4F00, s28;
	s13 =	simm.s32 $0x80  }
.LBB2_1:
0x2e: {  	s20 =	rddreg [dreg:$0x13]  }
0x2f: {  	[tilespmem:s3], [sflag:$0x3] =	stream.linear.gather [hbm4b:s20+s3], $0x2780, $0x38;
	[tilespmem:$0x1BF00] =	vst v63  }
0x30: {  	_ =	swait.ge [sflag:s7], $0x2780  }
0x31: {  	[sflag:s7] =	ssyncset.done $0x0  }
0x32: {  	s22 =	rddreg [dreg:$0x14];
	[sflag:s7] =	ssyncadd.s32 $0xFFFFD880  }
0x33: {  	[tilespmem:s8], [sflag:$0x3] =	stream.linear.gather [hbm4b:s22+s3], $0x2780, $0x38;
	[tilespmem:$0x1BF00] =	vst v63  }
0x34: {  	_ =	swait.ge [sflag:s7], $0x2780  }
0x35: {  	[sflag:s7] =	ssyncset.done $0x0  }
0x36: {  	s23 =	rddreg [dreg:$0x3];
	[sflag:s7] =	ssyncadd.s32 $0xFFFFD880  }
0x37: {  	[tilespmem:s9], [sflag:$0x1] =	stream.linear.gather [hbm4b:s23+s3], $0x2000, $0x38;
	[tilespmem:$0x1BF00] =	vst v63  }
0x38: {  	s26 =	rddreg [dreg:$0x4]  }
0x39: {  	[tilespmem:s1], [sflag:$0x1] =	stream.linear.gather [hbm4b:s26+s3], $0x800, $0x38;
	[tilespmem:$0x1BF00] =	vst v63  }
0x3a: {  	s28 =	rddreg [dreg:$0x5]  }
0x3b: {  	[tilespmem:s10], [sflag:$0x1] =	stream.linear.gather [hbm4b:s28+s3], $0x2000, $0x38;
	[tilespmem:$0x1BF00] =	vst v63  }
0x3c: {  	s29 =	rddreg [dreg:$0x6]  }
0x3d: {  	[tilespmem:s11], [sflag:$0x1] =	stream.linear.gather [hbm4b:s29+s3], $0x800, $0x38;
	[tilespmem:$0x1BF00] =	vst v63  }
0x3e: {  	_ =	swait.ge [sflag:s12], $0x2000  }
0x3f: {  	[sflag:s12] =	ssyncset.done $0x0  }
0x40: {  	[sflag:s12] =	ssyncadd.s32 $0xFFFFE000  }
0x41: {  	_ =	swait.ge [sflag:s12], $0x800  }
0x42: {  	[sflag:s12] =	ssyncset.done $0x0  }
0x43: {  	s20 =	simm.s32 $0xCF20;
	[sflag:s12] =	ssyncadd.s32 $0xFFFFF800  }
0x44: {  	v0 =	vld [tilespmem:s20+$0xFFFFFFF0]  }
0x45: {  	v2 =	vld [tilespmem:s20+$0x10]  }
0x46: {  	s21 =	simm.s32 $0x0;
	v1 =	vld [tilespmem:s20+$0xFFFFFFE0]  }
0x47: {  	v4 =	vld [tilespmem:s21+$0x10F00]  }
0x48: {  	v5 =	vld [tilespmem:s20+$0x0];
	_ =	sdelay $0x3  }
0x49: {  	v1 =	vmul.f32 v1, v4;
	v3 =	vmul.f32 v2, v4  }
0x4a: {  	s22 =	simm.s32 $0xCF20;
	s21 =	simm.s32 $0x40;
	v2 =	vmul.f32 v0, v4;
	v0 =	vmul.f32 v5, v4  }
.LBB2_2:
0x4b: {  	p1 =	sne.s32 s21, $0x1FC0  }
0x4c: {  	[tilespmem:s20+$0x10] =	vst v3;
	s22 =	sadd.s32 $0x40, s22;
	s23 =	smov.u32 s21;
	s21 =	sadd.s32 $0x40, s21  }
0x4d: {  	v4 =	vld [tilespmem:s22+$0xFFFFFFF0];
	[tilespmem:s20+$0xFFFFFFE0] =	vst v1  }
0x4e: {  	v3 =	vld [tilespmem:s22+$0x10];
	[tilespmem:s20+$0xFFFFFFF0] =	vst v2  }
0x4f: {  	s23 =	sshra.s32 s23, $0x2;
	v1 =	vld [tilespmem:s22+$0xFFFFFFE0];
	[tilespmem:s20+$0x0] =	vst v0;
	s20 =	smov.u32 s22  }
0x50: {  	v0 =	vld [tilespmem:s23+$0x10F00]  }
0x51: {  	v5 =	vld [tilespmem:s22+$0x0]  }
.Ltmp0:
0x52: {  	(pc) =	sbr.rel @p1 .LBB2_2-.Ltmp0, $3  }
0x53: {  	_ =	sdelay $0x1  }
0x54: {  	v1 =	vmul.f32 v1, v0;
	v3 =	vmul.f32 v3, v0  }
0x55: {  	v2 =	vmul.f32 v4, v0;
	v0 =	vmul.f32 v5, v0  }
0x56: {  	[tilespmem:s20+$0x10] =	vst v3  }
0x57: {  	[tilespmem:s20+$0xFFFFFFE0] =	vst v1  }
0x58: {  	[tilespmem:s20+$0xFFFFFFF0] =	vst v2  }
0x59: {  	s26 =	rddreg [dreg:$0x11];
	[tilespmem:s20+$0x0] =	vst v0  }
0x5a: {  	[hbm4b:s26+s3] =	stream.linear.scatter [tilespmem:s9], [sflag:$0x3], $0x2000, $0x38;
	[tilespmem:$0x1BF00] =	vst v63  }
0x5b: {  	_ =	swait.ge [sflag:s7], $0x2000  }
0x5c: {  	[sflag:s7] =	ssyncset.done $0x0  }
0x5d: {  	s20 =	simm.s32 @!p0 $0xCF00;
	[sflag:s7] =	ssyncadd.s32 $0xFFFFE000  }
0x5e: {  	[spmem:s24] =	stream.linear.scatter @!p0 [tilespmem:s20], [sflag:$0x3], $0x2000, $0x38;
	[tilespmem:$0x1BF00] =	vst v63  }
0x5f: {  	s20 =	simm.s32 @!p0 $0x3  }
0x60: {  	_ =	swait.ge @!p0 [sflag:s20], $0x2000  }
0x61: {  	[sflag:s20] =	ssyncset.done @!p0 $0x0  }
0x62: {  	s28 =	simm.s32 $0x0;
	s21 =	rddreg [dreg:$0x7];
	[sflag:s20] =	ssyncadd.s32 @!p0 $0xFFFFE000  }
0x63: {  	[tilespmem:s9], [sflag:$0x1] =	stream.linear.gather [hbm4b:s21+s28], $0x2000, $0x38;
	[tilespmem:$0x1BF00] =	vst v63  }
0x64: {  	s29 =	rddreg [dreg:$0x8]  }
0x65: {  	[tilespmem:s1], [sflag:$0x1] =	stream.linear.gather [hbm4b:s29+s28], $0x800, $0x38;
	[tilespmem:$0x1BF00] =	vst v63  }
0x66: {  	_ =	swait.ge [sflag:s12], $0x2000  }
0x67: {  	[sflag:s12] =	ssyncset.done $0x0  }
0x68: {  	[sflag:s12] =	ssyncadd.s32 $0xFFFFE000  }
0x69: {  	_ =	swait.ge [sflag:s12], $0x800  }
0x6a: {  	[sflag:s12] =	ssyncset.done $0x0  }
0x6b: {  	s21 =	simm.s32 $0xEF30;
	[sflag:s12] =	ssyncadd.s32 $0xFFFFF800  }
0x6c: {  	v0 =	vld [tilespmem:s21+$0xFFFFFFF0]  }
0x6d: {  	v1 =	vld [tilespmem:s21+$0xFFFFFFE0]  }
0x6e: {  	s23 =	simm.s32 $0x0;
	s22 =	simm.s32 $0x40;
	s20 =	simm.s32 $0xEF30;
	v2 =	vld [tilespmem:s21+$0xFFFFFFD0]  }
.LBB2_4:
0x6f: {  	p1 =	sne.s32 s22, $0x1FC0;
	v3 =	vld [tilespmem:s23+$0x11700]  }
0x70: {  	v4 =	vld [tilespmem:s21+$0x0];
	_ =	sdelay $0x3  }
0x71: {  	v2 =	vmul.f32 v2, v3;
	v1 =	vmul.f32 v1, v3  }
.Ltmp1:
0x72: {  	v5 =	vmul.f32 v0, v3;
	v3 =	vmul.f32 v4, v3;
	(pc) =	sbr.rel @p1 .LBB2_4-.Ltmp1, $4  }
0x73: {  	s21 =	sadd.s32 $0x40, s21;
	[tilespmem:s20+$0xFFFFFFD0] =	vst v2  }
0x74: {  	v0 =	vld [tilespmem:s21+$0xFFFFFFF0];
	[tilespmem:s20+$0xFFFFFFE0] =	vst v1  }
0x75: {  	v1 =	vld [tilespmem:s21+$0xFFFFFFE0];
	[tilespmem:s20+$0xFFFFFFF0] =	vst v5  }
0x76: {  	s23 =	sshra.s32 s22, $0x2;
	s22 =	sadd.s32 $0x40, s22;
	v2 =	vld [tilespmem:s21+$0xFFFFFFD0];
	[tilespmem:s20+$0x0] =	vst v3;
	s20 =	smov.u32 s21  }
0x77: {  	v3 =	vld [tilespmem:s23+$0x11700];
	_ =	sdelay $0x2  }
0x78: {  	v4 =	vld [tilespmem:s21+$0x0];
	_ =	sdelay $0x1  }
0x79: {  	v2 =	vmul.f32 v2, v3  }
0x7a: {  	v1 =	vmul.f32 v1, v3  }
0x7b: {  	v0 =	vmul.f32 v0, v3;
	[tilespmem:s20+$0xFFFFFFD0] =	vst v2  }
0x7c: {  	v2 =	vmul.f32 v4, v3;
	[tilespmem:s20+$0xFFFFFFE0] =	vst v1  }
0x7d: {  	[tilespmem:s20+$0xFFFFFFF0] =	vst v0  }
0x7e: {  	s22 =	rddreg [dreg:$0xd];
	[tilespmem:s20+$0x0] =	vst v2  }
0x7f: {  	[hbm4b:s22+s3] =	stream.linear.scatter [tilespmem:s10], [sflag:$0x3], $0x2000, $0x38;
	[tilespmem:$0x1BF00] =	vst v63  }
0x80: {  	_ =	swait.ge [sflag:s7], $0x2000  }
0x81: {  	[sflag:s7] =	ssyncset.done $0x0  }
0x82: {  	s20 =	simm.s32 @!p0 $0xEF00;
	s21 =	rddreg [dreg:$0x15];
	[sflag:s7] =	ssyncadd.s32 $0xFFFFE000  }
0x83: {  	[spmem:s21] =	stream.linear.scatter @!p0 [tilespmem:s20], [sflag:$0x3], $0x2000, $0x38;
	[tilespmem:$0x1BF00] =	vst v63  }
0x84: {  	s20 =	simm.s32 @!p0 $0x3  }
0x85: {  	_ =	swait.ge @!p0 [sflag:s20], $0x2000  }
0x86: {  	[sflag:s20] =	ssyncset.done @!p0 $0x0  }
0x87: {  	s23 =	simm.s32 $0x0;
	s26 =	rddreg [dreg:$0x9];
	[sflag:s20] =	ssyncadd.s32 @!p0 $0xFFFFE000  }
0x88: {  	[tilespmem:s10], [sflag:$0x1] =	stream.linear.gather [hbm4b:s26+s23], $0x2000, $0x38;
	[tilespmem:$0x1BF00] =	vst v63  }
0x89: {  	s28 =	rddreg [dreg:$0xa]  }
0x8a: {  	[tilespmem:s11], [sflag:$0x1] =	stream.linear.gather [hbm4b:s28+s23], $0x800, $0x38;
	[tilespmem:$0x1BF00] =	vst v63  }
0x8b: {  	_ =	swait.ge [sflag:s12], $0x2000  }
0x8c: {  	[sflag:s12] =	ssyncset.done $0x0  }
0x8d: {  	[sflag:s12] =	ssyncadd.s32 $0xFFFFE000  }
0x8e: {  	_ =	swait.ge [sflag:s12], $0x800  }
0x8f: {  	[sflag:s12] =	ssyncset.done $0x0  }
0x90: {  	s20 =	simm.s32 $0xCF20;
	[sflag:s12] =	ssyncadd.s32 $0xFFFFF800  }
0x91: {  	v0 =	vld [tilespmem:s20+$0xFFFFFFF0]  }
0x92: {  	v2 =	vld [tilespmem:s20+$0x10]  }
0x93: {  	s29 =	simm.s32 $0x0;
	v1 =	vld [tilespmem:s20+$0xFFFFFFE0]  }
0x94: {  	v4 =	vld [tilespmem:s29+$0x10F00]  }
0x95: {  	v5 =	vld [tilespmem:s20+$0x0];
	_ =	sdelay $0x3  }
0x96: {  	v1 =	vmul.f32 v1, v4;
	v3 =	vmul.f32 v2, v4  }
0x97: {  	s22 =	simm.s32 $0xCF20;
	s21 =	simm.s32 $0x40;
	v2 =	vmul.f32 v0, v4;
	v0 =	vmul.f32 v5, v4  }
.LBB2_6:
0x98: {  	p1 =	sne.s32 s21, $0x1FC0  }
0x99: {  	[tilespmem:s20+$0x10] =	vst v3;
	s22 =	sadd.s32 $0x40, s22;
	s23 =	smov.u32 s21;
	s21 =	sadd.s32 $0x40, s21  }
0x9a: {  	v4 =	vld [tilespmem:s22+$0xFFFFFFF0];
	[tilespmem:s20+$0xFFFFFFE0] =	vst v1  }
0x9b: {  	v3 =	vld [tilespmem:s22+$0x10];
	[tilespmem:s20+$0xFFFFFFF0] =	vst v2  }
0x9c: {  	s23 =	sshra.s32 s23, $0x2;
	v1 =	vld [tilespmem:s22+$0xFFFFFFE0];
	[tilespmem:s20+$0x0] =	vst v0;
	s20 =	smov.u32 s22  }
0x9d: {  	v0 =	vld [tilespmem:s23+$0x10F00]  }
0x9e: {  	v5 =	vld [tilespmem:s22+$0x0]  }
.Ltmp2:
0x9f: {  	(pc) =	sbr.rel @p1 .LBB2_6-.Ltmp2, $3  }
0xa0: {  	_ =	sdelay $0x1  }
0xa1: {  	v1 =	vmul.f32 v1, v0;
	v3 =	vmul.f32 v3, v0  }
0xa2: {  	v2 =	vmul.f32 v4, v0;
	v0 =	vmul.f32 v5, v0  }
0xa3: {  	[tilespmem:s20+$0x10] =	vst v3  }
0xa4: {  	[tilespmem:s20+$0xFFFFFFE0] =	vst v1  }
0xa5: {  	[tilespmem:s20+$0xFFFFFFF0] =	vst v2  }
0xa6: {  	s23 =	rddreg [dreg:$0xe];
	[tilespmem:s20+$0x0] =	vst v0  }
0xa7: {  	[hbm4b:s23+s3] =	stream.linear.scatter [tilespmem:s9], [sflag:$0x3], $0x2000, $0x38;
	[tilespmem:$0x1BF00] =	vst v63  }
0xa8: {  	_ =	swait.ge [sflag:s7], $0x2000  }
0xa9: {  	[sflag:s7] =	ssyncset.done $0x0  }
0xaa: {  	s20 =	simm.s32 @!p0 $0xCF00;
	s21 =	rddreg [dreg:$0x16];
	[sflag:s7] =	ssyncadd.s32 $0xFFFFE000  }
0xab: {  	[spmem:s21] =	stream.linear.scatter @!p0 [tilespmem:s20], [sflag:$0x3], $0x2000, $0x38;
	[tilespmem:$0x1BF00] =	vst v63  }
0xac: {  	s20 =	simm.s32 @!p0 $0x3  }
0xad: {  	_ =	swait.ge @!p0 [sflag:s20], $0x2000  }
0xae: {  	[sflag:s20] =	ssyncset.done @!p0 $0x0  }
0xaf: {  	s26 =	simm.s32 $0x0;
	s28 =	rddreg [dreg:$0xb];
	[sflag:s20] =	ssyncadd.s32 @!p0 $0xFFFFE000  }
0xb0: {  	[tilespmem:s9], [sflag:$0x1] =	stream.linear.gather [hbm4b:s28+s26], $0x2000, $0x38;
	[tilespmem:$0x1BF00] =	vst v63  }
0xb1: {  	s29 =	rddreg [dreg:$0xc]  }
0xb2: {  	[tilespmem:s1], [sflag:$0x1] =	stream.linear.gather [hbm4b:s29+s26], $0x800, $0x38;
	[tilespmem:$0x1BF00] =	vst v63  }
0xb3: {  	_ =	swait.ge [sflag:s12], $0x2000  }
0xb4: {  	[sflag:s12] =	ssyncset.done $0x0  }
0xb5: {  	[sflag:s12] =	ssyncadd.s32 $0xFFFFE000  }
0xb6: {  	_ =	swait.ge [sflag:s12], $0x800  }
0xb7: {  	[sflag:s12] =	ssyncset.done $0x0  }
0xb8: {  	s21 =	simm.s32 $0xEF30;
	[sflag:s12] =	ssyncadd.s32 $0xFFFFF800  }
0xb9: {  	v0 =	vld [tilespmem:s21+$0xFFFFFFF0]  }
0xba: {  	v1 =	vld [tilespmem:s21+$0xFFFFFFE0]  }
0xbb: {  	s22 =	simm.s32 $0x40;
	s23 =	simm.s32 $0x0;
	s20 =	simm.s32 $0xEF30;
	v2 =	vld [tilespmem:s21+$0xFFFFFFD0]  }
.LBB2_8:
0xbc: {  	p1 =	sne.s32 s22, $0x1FC0;
	v3 =	vld [tilespmem:s23+$0x11700]  }
0xbd: {  	v4 =	vld [tilespmem:s21+$0x0];
	_ =	sdelay $0x3  }
0xbe: {  	v2 =	vmul.f32 v2, v3;
	v1 =	vmul.f32 v1, v3  }
.Ltmp3:
0xbf: {  	v5 =	vmul.f32 v0, v3;
	v3 =	vmul.f32 v4, v3;
	(pc) =	sbr.rel @p1 .LBB2_8-.Ltmp3, $4  }
0xc0: {  	s21 =	sadd.s32 $0x40, s21;
	[tilespmem:s20+$0xFFFFFFD0] =	vst v2  }
0xc1: {  	v0 =	vld [tilespmem:s21+$0xFFFFFFF0];
	[tilespmem:s20+$0xFFFFFFE0] =	vst v1  }
0xc2: {  	v1 =	vld [tilespmem:s21+$0xFFFFFFE0];
	[tilespmem:s20+$0xFFFFFFF0] =	vst v5  }
0xc3: {  	s23 =	sshra.s32 s22, $0x2;
	s22 =	sadd.s32 $0x40, s22;
	v2 =	vld [tilespmem:s21+$0xFFFFFFD0];
	[tilespmem:s20+$0x0] =	vst v3;
	s20 =	smov.u32 s21  }
0xc4: {  	v3 =	vld [tilespmem:s23+$0x11700];
	_ =	sdelay $0x2  }
0xc5: {  	v4 =	vld [tilespmem:s21+$0x0];
	_ =	sdelay $0x1  }
0xc6: {  	v2 =	vmul.f32 v2, v3  }
0xc7: {  	v1 =	vmul.f32 v1, v3  }
0xc8: {  	v0 =	vmul.f32 v0, v3;
	[tilespmem:s20+$0xFFFFFFD0] =	vst v2  }
0xc9: {  	v2 =	vmul.f32 v4, v3;
	[tilespmem:s20+$0xFFFFFFE0] =	vst v1  }
0xca: {  	[tilespmem:s20+$0xFFFFFFF0] =	vst v0  }
0xcb: {  	s28 =	rddreg [dreg:$0xf];
	[tilespmem:s20+$0x0] =	vst v2  }
0xcc: {  	[hbm4b:s28+s3] =	stream.linear.scatter [tilespmem:s10], [sflag:$0x3], $0x2000, $0x38;
	[tilespmem:$0x1BF00] =	vst v63  }
0xcd: {  	_ =	swait.ge [sflag:s7], $0x2000  }
0xce: {  	[sflag:s7] =	ssyncset.done $0x0  }
0xcf: {  	s20 =	simm.s32 @!p0 $0xEF00;
	s21 =	rddreg [dreg:$0x17];
	[sflag:s7] =	ssyncadd.s32 $0xFFFFE000  }
0xd0: {  	[spmem:s21] =	stream.linear.scatter @!p0 [tilespmem:s20], [sflag:$0x3], $0x2000, $0x38;
	[tilespmem:$0x1BF00] =	vst v63  }
0xd1: {  	s20 =	simm.s32 @!p0 $0x3  }
0xd2: {  	_ =	swait.ge @!p0 [sflag:s20], $0x2000  }
0xd3: {  	[sflag:s20] =	ssyncset.done @!p0 $0x0  }
0xd4: {  	[sflag:s20] =	ssyncadd.s32 @!p0 $0xFFFFE000  }
0xd5: {  	_ =	swait.ge [sflag:s12], $0x2000  }
0xd6: {  	[sflag:s12] =	ssyncset.done $0x0  }
0xd7: {  	[sflag:s12] =	ssyncadd.s32 $0xFFFFE000  }
0xd8: {  	_ =	swait.ge [sflag:s12], $0x800  }
0xd9: {  	[sflag:s12] =	ssyncset.done $0x0  }
0xda: {  	s20 =	simm.s32 $0xCF20;
	[sflag:s12] =	ssyncadd.s32 $0xFFFFF800  }
0xdb: {  	v0 =	vld [tilespmem:s20+$0xFFFFFFF0]  }
0xdc: {  	v2 =	vld [tilespmem:s20+$0x10]  }
0xdd: {  	s29 =	simm.s32 $0x0;
	v1 =	vld [tilespmem:s20+$0xFFFFFFE0]  }
0xde: {  	v4 =	vld [tilespmem:s29+$0x10F00]  }
0xdf: {  	v5 =	vld [tilespmem:s20+$0x0];
	_ =	sdelay $0x3  }
0xe0: {  	v1 =	vmul.f32 v1, v4;
	v3 =	vmul.f32 v2, v4  }
0xe1: {  	s22 =	simm.s32 $0xCF20;
	s21 =	simm.s32 $0x40;
	v2 =	vmul.f32 v0, v4;
	v0 =	vmul.f32 v5, v4  }
.LBB2_10:
0xe2: {  	p1 =	sne.s32 s21, $0x1FC0  }
0xe3: {  	[tilespmem:s20+$0x10] =	vst v3;
	s22 =	sadd.s32 $0x40, s22;
	s23 =	smov.u32 s21;
	s21 =	sadd.s32 $0x40, s21  }
0xe4: {  	v4 =	vld [tilespmem:s22+$0xFFFFFFF0];
	[tilespmem:s20+$0xFFFFFFE0] =	vst v1  }
0xe5: {  	v3 =	vld [tilespmem:s22+$0x10];
	[tilespmem:s20+$0xFFFFFFF0] =	vst v2  }
0xe6: {  	s23 =	sshra.s32 s23, $0x2;
	v1 =	vld [tilespmem:s22+$0xFFFFFFE0];
	[tilespmem:s20+$0x0] =	vst v0;
	s20 =	smov.u32 s22  }
0xe7: {  	v0 =	vld [tilespmem:s23+$0x10F00]  }
0xe8: {  	v5 =	vld [tilespmem:s22+$0x0]  }
.Ltmp4:
0xe9: {  	(pc) =	sbr.rel @p1 .LBB2_10-.Ltmp4, $3  }
0xea: {  	_ =	sdelay $0x1  }
0xeb: {  	v1 =	vmul.f32 v1, v0;
	v3 =	vmul.f32 v3, v0  }
0xec: {  	v2 =	vmul.f32 v4, v0;
	v0 =	vmul.f32 v5, v0  }
0xed: {  	[tilespmem:s20+$0x10] =	vst v3  }
0xee: {  	[tilespmem:s20+$0xFFFFFFE0] =	vst v1  }
0xef: {  	[tilespmem:s20+$0xFFFFFFF0] =	vst v2  }
0xf0: {  	s29 =	rddreg [dreg:$0x10];
	[tilespmem:s20+$0x0] =	vst v0  }
0xf1: {  	[hbm4b:s29+s3] =	stream.linear.scatter [tilespmem:s9], [sflag:$0x3], $0x2000, $0x38;
	[tilespmem:$0x1BF00] =	vst v63  }
0xf2: {  	_ =	swait.ge [sflag:s7], $0x2000  }
0xf3: {  	s21 =	sshrl.u32 @p0 s24, $0x3;
	s20 =	sshll.u32 @p0 s25, $0x6;
	[sflag:s7] =	ssyncset.done $0x0  }
0xf4: {  	s20 =	sor.u32 @p0 $0x1C03, s20;
	s22 =	rddreg [dreg:$0x12];
	[sflag:s7] =	ssyncadd.s32 $0xFFFFE000  }
0xf5: {  	[spmem:s21], [sflag:s20] =	dma.local @p0 [hbm:s22], $0x1400  }
0xf6: {  	s20 =	simm.s32 @p0 $0x3  }
0xf7: {  	_ =	swait.ge @p0 [sflag:s20], $0x1400  }
0xf8: {  	[sflag:s20] =	ssyncset.done @p0 $0x0  }
0xf9: {  	s21 =	rddreg [dreg:$0x18];
	[sflag:s20] =	ssyncadd.s32 @p0 $0xFFFFEC00;
	s20 =	simm.s32 @!p0 $0xCF00  }
0xfa: {  	[spmem:s21] =	stream.linear.scatter @!p0 [tilespmem:s20], [sflag:$0x3], $0x2000, $0x38;
	[tilespmem:$0x1BF00] =	vst v63  }
0xfb: {  	s20 =	simm.s32 @!p0 $0x3  }
0xfc: {  	_ =	swait.ge @!p0 [sflag:s20], $0x2000  }
0xfd: {  	[sflag:s20] =	ssyncset.done @!p0 $0x0  }
0xfe: {  	[sflag:s20] =	ssyncadd.s32 @!p0 $0xFFFFE000  }
0xff: {  	s23 =	simm.s32 $0x0;
	[bflag:$0x0] =	sbarrier.arrive $0xFFFF  }
0x100: {  	[tilespmem:s15], [sflag:$0x1] =	stream.indirect.gather [hbm4b:s19+s13], $0x40, s23, s13, $0xb8;
	[tilespmem:$0x1BF00] =	vst v63  }
0x101: {  	_ = 	snop  }
0x102: {  	[tilespmem:s16], [sflag:$0x1] =	stream.indirect.gather [hbm4b:s19+s13], $0x40, s13, s13, $0xb8;
	[tilespmem:$0x1BF00] =	vst v63  }
0x103: {  	_ =	swait.ge [sflag:s12], $0x2000  }
0x104: {  	[sflag:s12] =	ssyncset.done $0x0  }
0x105: {  	[sflag:s12] =	ssyncadd.s32 $0xFFFFE000  }
0x106: {  	[spmem:s2] =	stream.indirect.scatter.add.f32 [tilespmem:s15], [sflag:$0x2], $0x40, s8, s13, $0xb8;
	[tilespmem:$0x1BF00] =	vst v63  }
0x107: {  	s26 =	simm.s32 $0x180;
	s22 =	simm.s32 $0x8F00;
	s21 =	simm.s32 $0x100  }
0x108: {  	[tilespmem:s22], [sflag:$0x1] =	stream.indirect.gather [hbm4b:s19+s13], $0x40, s21, s13, $0xb8;
	[tilespmem:$0x1BF00] =	vst v63  }
0x109: {  	s28 =	simm.s32 $0x200;
	p2 =	sne.s32 s14, $0x8000;
	_ =	swait.ge [sflag:s12], $0x2000  }
.Ltmp5:
0x10a: {  	p1 =	por $0x0, $0x0;
	[sflag:s12] =	ssyncset.done $0x0;
	(pc) =	sbr.rel @!p2 .LBB2_12-.Ltmp5, $4  }
0x10b: {  	s25 =	simm.s32 $0x2800;
	s29 =	simm.s32 $0xAF00;
	[sflag:s12] =	ssyncadd.s32 $0xFFFFE000  }
0x10c: {  	[spmem:s2] =	stream.indirect.scatter.add.f32 [tilespmem:s16], [sflag:$0x2], $0x40, s25, s13, $0xb8;
	[tilespmem:$0x1BF00] =	vst v63  }
0x10d: {  	s21 =	simm.s32 $0x2880;
	s22 =	simm.s32 $0x8000;
	s25 =	simm.s32 $0x10000  }
0x10e: {  	[tilespmem:s29], [sflag:$0x1] =	stream.indirect.gather [hbm4b:s19+s13], $0x40, s26, s13, $0xb8;
	[tilespmem:$0x1BF00] =	vst v63  }
0x10f: {  	s20 =	sand.u32 $0x18000, s25  }
0x110: {  	_ =	swait.ge [sflag:s12], $0x2000;
	s25 =	simm.s32 $0x18000;
	s26 =	simm.s32 $0x10000  }
0x111: {  	p2 =	sne.s32 s14, $0x10000;
	s20 =	sshrl.u32 s20, $0x2;
	[sflag:s12] =	ssyncset.done $0x0  }
.Ltmp6:
0x112: {  	s20 =	sadd.s32 $0x4F00, s20;
	[sflag:s12] =	ssyncadd.s32 $0xFFFFE000;
	(pc) =	sbr.rel @!p2 .LBB2_14-.Ltmp6, $4  }
0x113: {  	[spmem:s2] =	stream.indirect.scatter.add.f32 [tilespmem:s20], [sflag:$0x2], $0x40, s21, s13, $0xb8;
	[tilespmem:$0x1BF00] =	vst v63  }
0x114: {  	p1 =	por $0x1, $0x1;
	s21 =	sand.u32 $0x18000, s23;
	_ =	swait.ge [sflag:s17], $0x2000  }
0x115: {  	s20 =	simm.s32 $0x280;
	s23 =	sshrl.u32 s21, $0x2;
	[sflag:s17] =	ssyncset.done $0x0  }
0x116: {  	s21 =	simm.s32 $0x2900;
	s29 =	sadd.s32 $0x4F00, s23;
	[sflag:s17] =	ssyncadd.s32 $0xFFFFE000  }
.LBB2_15:
0x117: {  	[tilespmem:s29], [sflag:$0x1] =	stream.indirect.gather [hbm4b:s19+s13], $0x40, s28, s13, $0xb8;
	[tilespmem:$0x1BF00] =	vst v63  }
0x118: {  	s23 =	smov.u32 s22  }
0x119: {  	s22 =	smov.u32 s26;
	s28 =	smov.u32 s20;
	s29 =	sand.u32 $0x18000, s25  }
0x11a: {  	s25 =	sadd.s32 $0x10000, s26;
	s26 =	sadd.s32 $0x8000, s26;
	_ =	swait.ge [sflag:s12], $0x2000  }
0x11b: {  	s29 =	sshrl.u32 s29, $0x2;
	p2 =	sne.s32 s14, s26;
	[sflag:s12] =	ssyncset.done $0x0  }
.Ltmp7:
0x11c: {  	s29 =	sadd.s32 $0x4F00, s29;
	[sflag:s12] =	ssyncadd.s32 $0xFFFFE000;
	(pc) =	sbr.rel @p2 .LBB2_15-.Ltmp7, $4  }
0x11d: {  	[spmem:s2] =	stream.indirect.scatter.add.f32 [tilespmem:s29], [sflag:$0x2], $0x40, s21, s13, $0xb8;
	[tilespmem:$0x1BF00] =	vst v63  }
0x11e: {  	s23 =	sand.u32 $0x18000, s23;
	_ =	swait.ge [sflag:s17], $0x2000  }
0x11f: {  	s20 =	sadd.s32 $0x80, s20;
	s23 =	sshrl.u32 s23, $0x2;
	[sflag:s17] =	ssyncset.done $0x0  }
0x120: {  	s29 =	sadd.s32 $0x4F00, s23;
	s21 =	sadd.s32 $0x80, s21;
	[sflag:s17] =	ssyncadd.s32 $0xFFFFE000  }
0x121: {  	s26 =	smov.u32 s28;
	s23 =	smov.u32 s22;
	s28 =	smov.u32 s20  }
.LBB2_17:
0x122: {  	[tilespmem:s29], [sflag:$0x1] =	stream.indirect.gather @p1 [hbm4b:s19+s13], $0x40, s26, s13, $0xb8;
	[tilespmem:$0x1BF00] =	vst v63  }
0x123: {  	s20 =	sand.u32 $0x18000, s25;
	_ =	swait.ge [sflag:s12], $0x2000  }
0x124: {  	s20 =	sshrl.u32 s20, $0x2;
	[sflag:s12] =	ssyncset.done $0x0  }
0x125: {  	s20 =	sadd.s32 $0x4F00, s20;
	[sflag:s12] =	ssyncadd.s32 $0xFFFFE000  }
0x126: {  	[spmem:s2] =	stream.indirect.scatter.add.f32 [tilespmem:s20], [sflag:$0x2], $0x40, s21, s13, $0xb8;
	[tilespmem:$0x1BF00] =	vst v63  }
0x127: {  	s26 =	sand.u32 $0x18000, s23;
	_ =	swait.ge [sflag:s17], $0x2000  }
0x128: {  	s20 =	sshrl.u32 s26, $0x2;
	[sflag:s17] =	ssyncset.done $0x0  }
0x129: {  	s20 =	sadd.s32 $0x4F00, s20;
	[sflag:s17] =	ssyncadd.s32 $0xFFFFE000  }
0x12a: {  	[tilespmem:s20], [sflag:$0x1] =	stream.indirect.gather [hbm4b:s19+s13], $0x40, s28, s13, $0xb8;
	[tilespmem:$0x1BF00] =	vst v63  }
0x12b: {  	_ =	swait.ge [sflag:s12], $0x2000  }
0x12c: {  	[sflag:s12] =	ssyncset.done $0x0  }
0x12d: {  	[sflag:s12] =	ssyncadd.s32 $0xFFFFE000  }
0x12e: {  	[spmem:s2] =	stream.indirect.scatter.add.f32 [tilespmem:s30], [sflag:$0x2], $0x40, s31, s13, $0xb8;
	[tilespmem:$0x1BF00] =	vst v63  }
0x12f: {  	_ =	swait.ge [sflag:s17], $0x2000  }
0x130: {  	[sflag:s17] =	ssyncset.done $0x0  }
0x131: {  	[sflag:s17] =	ssyncadd.s32 $0xFFFFE000  }
0x132: {  	_ =	swait.ge [sflag:s12], $0x2000  }
0x133: {  	[sflag:s12] =	ssyncset.done $0x0  }
0x134: {  	[sflag:s12] =	ssyncadd.s32 $0xFFFFE000  }
0x135: {  	[spmem:s2] =	stream.indirect.scatter.add.f32 [tilespmem:s0], [sflag:$0x2], $0x40, s4, s13, $0xb8;
	[tilespmem:$0x1BF00] =	vst v63  }
0x136: {  	_ =	swait.ge [sflag:s17], $0x2000  }
0x137: {  	[sflag:s17] =	ssyncset.done $0x0  }
0x138: {  	[sflag:s17] =	ssyncadd.s32 $0xFFFFE000  }
0x139: {  	_ =	swait.ge [sflag:s17], $0x2000  }
0x13a: {  	[sflag:s17] =	ssyncset.done $0x0  }
0x13b: {  	[sflag:s17] =	ssyncadd.s32 $0xFFFFE000  }
0x13c: {  	_ =	swait.ge [sflag:s17], $0x2000  }
0x13d: {  	s25 =	stileid.u32;
	s29 =	sshrl.u32 s24, $0x3;
	[sflag:s17] =	ssyncset.done $0x0  }
0x13e: {  	s18 =	sadd.s32 $0x1, s18;
	s28 =	sshll.u32 s25, $0x6;
	[sflag:s17] =	ssyncadd.s32 $0xFFFFE000  }
0x13f: {  	p1 =	sne.s32 s18, s6;
	s20 =	sor.u32 $0x1C03, s28;
	[bflag:$0x0] =	sbarrier.arrive $0xFFFF  }
0x140: {  	[hbm:s5], [sflag:s20] =	dma.local [spmem:s29], $0x1400  }
.Ltmp8:
0x141: {  	_ = 	snop;
	(pc) =	sbr.rel @p1 .LBB2_1-.Ltmp8, $4  }
.Ltmp9:
0x142: {  	_ = 	snop;
	(pc) =	sbr.rel @!p1 .LBB2_18-.Ltmp9, $4  }
0x143: {  	_ =	swait.ge [sflag:s7], $0x1400  }
0x144: {  	[sflag:s7] =	ssyncset.done $0x0  }
0x145: {  	[sflag:s7] =	ssyncadd.s32 $0xFFFFEC00  }
0x146: {  	_ = 	snop  }
.LBB2_12:
.Ltmp10:
0x147: {  	(pc) =	sbr.rel .LBB2_17-.Ltmp10, $2  }
0x148: {  	_ =	sdelay $0x2  }
0x149: {  	_ = 	snop  }
.LBB2_14:
.Ltmp11:
0x14a: {  	(pc) =	sbr.rel .LBB2_17-.Ltmp11, $3  }
0x14b: {  	_ =	sdelay $0x1  }
0x14c: {  	s26 =	simm.s32 $0x200  }
0x14d: {  	s23 =	simm.s32 $0x8000;
	s28 =	simm.s32 $0x280;
	s25 =	simm.s32 $0x18000  }
.LBB2_18:
0x14e: {  	_ =	sfence.sel $0x180000  }
0x14f: {  	[bflag:$0x0] =	sbarrier.arrive $0xFFFF  }
0x150: {  	_ =	strace $0x9000004D  }
0x151: {  	[bflag:$0x2] =	sbarrier.arrive $0xFFFF  }
0x152: {  	p0 =	sne.s32 s25, $0x0;
	s0 =	rddreg [dreg:$0x2]  }
0x153: {  	s0 =	sadd.s32 @!p0 $0x100000, s0  }
0x154: {  	[sflag:s0] =	ssyncadd.tile.s32 @!p0 $0x1;
	_ =	shalt  }
.Lfunc_end2:
_tile_overlayer_lowered:
.L_overlay_start_2:
0x155: {  	(tag) =	ssettag $0x2  }
0x156: {  	s0 =	rddreg [dreg:$0x0];
	s2 =	stileid.u32  }
0x157: {  	s1 =	rddreg [dreg:$0x1];
	p0 =	sne.s32 s2, $0x0  }
0x158: {  	s3 =	rddreg [dreg:$0x2];
	[bflag:$0x3] =	sbarrier.arrive $0xFFFF;
	s2 =	simm.s32 @!p0 $0x1C03  }
0x159: {  	[timem:s3], [sflag:s2] =	dma.local @!p0 [hbm:s0], s1  }
0x15a: {  	s0 =	simm.s32 @!p0 $0x3  }
0x15b: {  	_ =	swait.ge @!p0 [sflag:s0], s1  }
0x15c: {  	s1 =	ssub.s32 @!p0 $0x0, s1;
	[sflag:s0] =	ssyncset.done @!p0 $0x0  }
0x15d: {  	[sflag:s0] =	ssyncadd.s32 @!p0 s1  }
0x15e: {  	[bflag:$0x3] =	sbarrier.arrive $0xFFFF  }
0x15f: {  	_ =	shalt  }

// kernel: kernel.8.cloned.1.call-start
scs
__scs_entry_jumppad:
0x0: {  	(pc) =	sbr.rel $0x88, $3  }
0x1: {  	(tag) =	ssettag $0x0;
	lr =	simm.s32 $0x1  }
0x2: {  	[smem:$0x3F95] =	sst lr;
	_ =	strace $0xD0000000  }
0x3: {  	_ = 	snop  }
0x4: {  	_ = 	snop  }
0x5: {  	_ = 	snop  }
0x6: {  	_ = 	snop  }
0x7: {  	_ = 	snop  }
__scs_overlays_trampoline_lowered:
0x8: {  	[smem:$0x3FA4] =	sst s0  }
0x9: {  	[smem:$0x3FA5] =	sst s1  }
0xa: {  	[smem:$0x3FA6] =	sst s2  }
0xb: {  	[smem:$0x3FA7] =	sst s3  }
0xc: {  	[smem:$0x3FA8] =	sst s4  }
0xd: {  	[smem:$0x3FA9] =	sst s5  }
0xe: {  	[smem:$0x3FAA] =	sst s6  }
0xf: {  	[smem:$0x3FAB] =	sst s7  }
0x10: {  	[smem:$0x3FAC] =	sst s8  }
0x11: {  	[smem:$0x3FAD] =	sst s9;
	s0 =	simm.s32 @!p0 $0x0  }
0x12: {  	s1 =	sld [smem:$0x3F93];
	s0 =	simm.s32 @p0 $0x1  }
0x13: {  	[smem:$0x3FAE] =	sst s0;
	s0 =	simm.s32 @!p1 $0x0  }
0x14: {  	s2 =	sld [smem:$0x3F92];
	s0 =	simm.s32 @p1 $0x1  }
0x15: {  	[smem:$0x3FAF] =	sst s0;
	s0 =	simm.s32 @!p2 $0x0  }
0x16: {  	s3 =	sld [smem:$0x3FDB];
	s0 =	simm.s32 @p2 $0x1  }
0x17: {  	s4 =	simm.s32 $0x1BF5;
	[smem:$0x3FB1] =	sst s0  }
0x18: {  	s0 =	sld [smem:$0x3F94];
	_ =	swait.ge [sflag:s4], $0x0  }
0x19: {  	s7 =	sld [smem:$0x3F95]  }
0x1a: {  	s8 =	sadd.s32 $0xFFFFE003, lr  }
0x1b: {  	s9 =	sadd.s32 $0xFFFFFEF7, lr;
	s5 =	simm.s32 $0xFFFFFFFF;
	p2 =	slt.u32 s8, $0xFFFFF086  }
0x1c: {  	p1 =	slt.u32 s9, $0xF7A;
	s5 =	simm.s32 @!p2 $0x0  }
0x1d: {  	s5 =	simm.s32 @p1 $0x1;
	p0 =	seq.s32 s7, s2  }
0x1e: {  	s7 =	smul.u32 @!p0 $0xF7A, s2;
	p2 =	seq.s32 @!p0 s5, $0x0  }
0x1f: {  	s9 =	smul.u32 $0xF7A, s1;
	s8 =	simm.s32 @!p0 $0x1BF5;
	p2 =	por !p2, p0  }
0x20: {  	[sflag:s8] =	ssyncset.s32 @!p0 $0xFFFFF086;
	s6 =	sadd.s32 @!p0 s3, s7;
	s7 =	simm.s32 @!p0 $0x108  }
0x21: {  	s3 =	sadd.s32 s3, s9;
	s6 =	sadd.s32 @!p0 $0x88, s6;
	s7 =	simm.s32 @p2 $0x1082  }
0x22: {  	[simem:s7], [sflag:s8] =	dma.local @!p0 [hbm:s6], $0xF7A  }
0x23: {  	s9 =	sor.u32 $0xD0000000, s2;
	s6 =	simm.s32 $0x108;
	_ =	swait.ge @!p0 [sflag:s8], $0x0  }
0x24: {  	s3 =	sadd.s32 $0x88, s3;
	s6 =	simm.s32 @!p1 $0x1082;
	[sflag:s4] =	ssyncset.s32 $0xFFFFF086  }
0x25: {  	[simem:s6], [sflag:s4] =	dma.local [hbm:s3], $0xF7A  }
0x26: {  	[smem:$0x3F95] =	sst s1;
	(tag) =	ssettag s2;
	_ =	strace s9  }
0x27: {  	s1 =	sld [smem:$0x3FA5]  }
0x28: {  	s2 =	sld [smem:$0x3FA6]  }
0x29: {  	s4 =	sld [smem:$0x3FA8]  }
0x2a: {  	p0 =	seq.s32 s5, $0x0;
	s5 =	sld [smem:$0x3FA9]  }
0x2b: {  	s6 =	sld [smem:$0x3FAA]  }
0x2c: {  	s7 =	sld [smem:$0x3FAB]  }
0x2d: {  	s3 =	simm.s32 $0x108;
	s8 =	sld [smem:$0x3FAC]  }
0x2e: {  	s3 =	simm.s32 @!p0 $0x1082;
	s9 =	sld [smem:$0x3FAD]  }
0x2f: {  	lr =	sadd.s32 s0, s3;
	s0 =	sld [smem:$0x3FA4]  }
0x30: {  	s3 =	sld [smem:$0x3FA7]  }
0x31: {  	[smem:$0x3FB0] =	sst s10  }
0x32: {  	s10 =	sld [smem:$0x3FAE];
	_ =	sdelay $0x3  }
0x33: {  	p0 =	seq.s32 s10, $0x1;
	s10 =	sld [smem:$0x3FB0];
	_ =	sdelay $0x3  }
0x34: {  	[smem:$0x3FB0] =	sst s10  }
0x35: {  	s10 =	sld [smem:$0x3FAF];
	_ =	sdelay $0x3  }
0x36: {  	p1 =	seq.s32 s10, $0x1;
	s10 =	sld [smem:$0x3FB0];
	_ =	sdelay $0x3  }
0x37: {  	[smem:$0x3FB0] =	sst s10  }
0x38: {  	s10 =	sld [smem:$0x3FB1]  }
0x39: {  	_ = 	snop;
	(pc) =	sbr.ind lr, $3  }
0x3a: {  	_ = 	snop  }
0x3b: {  	_ = 	snop  }
0x3c: {  	p2 =	seq.s32 s10, $0x1;
	s10 =	sld [smem:$0x3FB0]  }
0x3d: {  	_ =	shalt  }
0x3e: {  	_ =	shalt  }
0x3f: {  	_ =	shalt  }
0x40: {  	_ =	shalt  }
0x41: {  	_ =	shalt  }
0x42: {  	_ =	shalt  }
0x43: {  	_ =	shalt  }
0x44: {  	_ =	shalt  }
0x45: {  	_ =	shalt  }
0x46: {  	_ =	shalt  }
0x47: {  	_ =	shalt  }
0x48: {  	_ =	shalt  }
0x49: {  	_ =	shalt  }
0x4a: {  	_ =	shalt  }
0x4b: {  	_ =	shalt  }
0x4c: {  	_ =	shalt  }
0x4d: {  	_ =	shalt  }
0x4e: {  	_ =	shalt  }
0x4f: {  	_ =	shalt  }
0x50: {  	_ =	shalt  }
0x51: {  	_ =	shalt  }
0x52: {  	_ =	shalt  }
0x53: {  	_ =	shalt  }
0x54: {  	_ =	shalt  }
0x55: {  	_ =	shalt  }
0x56: {  	_ =	shalt  }
0x57: {  	_ =	shalt  }
0x58: {  	_ =	shalt  }
0x59: {  	_ =	shalt  }
0x5a: {  	_ =	shalt  }
0x5b: {  	_ =	shalt  }
0x5c: {  	_ =	shalt  }
0x5d: {  	_ =	shalt  }
0x5e: {  	_ =	shalt  }
0x5f: {  	_ =	shalt  }
0x60: {  	_ =	shalt  }
0x61: {  	_ =	shalt  }
0x62: {  	_ =	shalt  }
0x63: {  	_ =	shalt  }
0x64: {  	_ =	shalt  }
0x65: {  	_ =	shalt  }
0x66: {  	_ =	shalt  }
0x67: {  	_ =	shalt  }
0x68: {  	_ =	shalt  }
0x69: {  	_ =	shalt  }
0x6a: {  	_ =	shalt  }
0x6b: {  	_ =	shalt  }
0x6c: {  	_ =	shalt  }
0x6d: {  	_ =	shalt  }
0x6e: {  	_ =	shalt  }
0x6f: {  	_ =	shalt  }
0x70: {  	_ =	shalt  }
0x71: {  	_ =	shalt  }
0x72: {  	_ =	shalt  }
0x73: {  	_ =	shalt  }
0x74: {  	_ =	shalt  }
0x75: {  	_ =	shalt  }
0x76: {  	_ =	shalt  }
0x77: {  	_ =	shalt  }
0x78: {  	_ =	shalt  }
0x79: {  	_ =	shalt  }
0x7a: {  	_ =	shalt  }
0x7b: {  	_ =	shalt  }
0x7c: {  	_ =	shalt  }
0x7d: {  	_ =	shalt  }
0x7e: {  	_ =	shalt  }
0x7f: {  	_ =	shalt  }
0x80: {  	_ =	shalt  }
0x81: {  	_ =	shalt  }
0x82: {  	_ =	shalt  }
0x83: {  	_ =	shalt  }
0x84: {  	_ =	shalt  }
0x85: {  	_ =	shalt  }
0x86: {  	_ =	shalt  }
0x87: {  	_ =	shalt  }
.Lfunc_end0:
.L_simem_size_0:
called_computation_lowered:
.L_overlay_start_0:
0x88: {  	s2 =	sld [smem:$0x3FD9]  }
0x89: {  	s3 =	sld [smem:$0x3FFE];
	_ =	sdelay $0x1  }
0x8a: {  	s1 =	srdreg.scid  }
0x8b: {  	s0 =	sand.u32 $0x1, s1  }
0x8c: {  	s17 =	sshll.u32 s0, $0xA;
	s2 =	sadd.s32 s3, s2  }
0x8d: {  	s2 =	sadd.s32 s2, s17  }
0x8e: {  	[smem:$0x3FBC] =	sst s2  }
0x8f: {  	_ = 	snop  }
0x90: {  	s2 =	sld [smem:$0x3FD0];
	(tm) =	ssettm $0x1  }
0x91: {  	s18 =	sld [smem:$0x3FFB];
	_ =	sdelay $0x3  }
0x92: {  	_ =	strace s18  }
0x93: {  	s3 =	sld [smem:$0x3FFC];
	_ =	sdelay $0x3  }
0x94: {  	_ =	strace s3  }
0x95: {  	s3 =	sld [smem:$0x3FFD];
	_ =	sdelay $0x3  }
0x96: {  	_ =	strace s3  }
0x97: {  	_ =	strace $0x8FFFFFFF  }
0x98: {  	s19 =	sld [smem:$0x3FDB];
	_ =	sdelay $0x1  }
0x99: {  	s4 =	simm.s32 $_scs_section_size  }
0x9a: {  	s5 =	simm.s32 $_size__tile_overlayer_lowered;
	s6 =	simm.s32 $_tile_overlayer_lowered  }
0x9b: {  	s22 =	simm.s32 $0x1BFF;
	s21 =	sshll.u32 s6, $0x1;
	s3 =	sadd.s32 s4, s19  }
0x9c: {  	s7 =	simm.s32 $0x0;
	s20 =	sshll.u32 s5, $0x1;
	s5 =	sadd.s32 s21, s3  }
0x9d: {  	[timem:s7], [sflag:s22] =	dma.local [hbm:s5], s20  }
0x9e: {  	_ =	swait.ge [sflag:s22], s20  }
0x9f: {  	s4 =	ssub.s32 $0x0, s20;
	[sflag:s22] =	ssyncset.done $0x0  }
0xa0: {  	[sflag:s22] =	ssyncadd.s32 s4;
	_ =	sdelay $0x1  }
0xa1: {  	s23 =	simm.s32 $0x1B8B  }
0xa2: {  	_ =	swait.ge [sflag:s23], $0x1  }
0xa3: {  	[sflag:s23] =	ssyncset.done $0x0  }
0xa4: {  	s25 =	simm.s32 $0x1B8E;
	s24 =	sld [smem:$0x3FFE];
	[sflag:s23] =	ssyncadd.s32 $0xFFFFFFFF  }
0xa5: {  	s26 =	simm.s32 $execute0_lowered;
	[smem:$0x3FD2] =	sst s25  }
0xa6: {  	s5 =	sshll.u32 s26, $0x1;
	_ =	strace $0x80000046;
	[dreg:$0x1] =	wrdreg $0xFFFFFFFF  }
0xa7: {  	s28 =	simm.s32 $_size_execute0_lowered;
	s3 =	sadd.s32 s3, s5;
	[dreg:$0x0] =	wrdreg $0x0  }
0xa8: {  	s5 =	sshll.u32 s28, $0x1;
	[dreg:$0x2] =	wrdreg s3  }
0xa9: {  	[dreg:$0x3] =	wrdreg s5  }
0xaa: {  	[dreg:$0x4] =	wrdreg $0xC0  }
0xab: {  	_ =	task [dreg:s7], $0x5FFFF  }
0xac: {  	[dreg:$0x1] =	wrdreg $0xFFFFFFFF  }
0xad: {  	[dreg:$0x0] =	wrdreg $0x60  }
0xae: {  	[dreg:$0x2] =	wrdreg s24  }
0xaf: {  	[dreg:$0x3] =	wrdreg s2  }
0xb0: {  	[dreg:$0x4] =	wrdreg $0x2F800  }
0xb1: {  	[dreg:$0x5] =	wrdreg $0x9  }
0xb2: {  	_ =	task.clear_ibuf [dreg:s7], $0x6FFFF;
	_ =	strace $0x90000046  }
0xb3: {  	s29 =	simm.s32 $0x9;
	_ =	strace $0x80000048  }
0xb4: {  	_ =	swait.ge [sflag:s29], $0x1  }
0xb5: {  	[sflag:s29] =	ssyncadd.s32 $0xFFFFFFFF  }
0xb6: {  	_ =	strace $0x90000048  }
0xb7: {  	_ =	sfence  }
0xb8: {  	s30 =	sld [smem:$0x0];
	_ =	sdelay $0x2  }
0xb9: {  	s31 =	sshll.u32 s1, $0xD;
	s1 =	sshrl.u32 s1, $0x2  }
0xba: {  	s3 =	sand.u32 $0x4000, s31;
	s1 =	sadd.s32 s1, s30  }
0xbb: {  	s0 =	sor.u32 s3, s0;
	s1 =	sshll.u32 s1, $0x11  }
0xbc: {  	s0 =	sor.u32 s1, s0  }
0xbd: {  	s0 =	sadd.s32 $0x8F2B, s0  }
0xbe: {  	[sflag:s0] =	ssyncadd.remote.s32 $0x1  }
0xbf: {  	_ =	sfence.sel $0xFFFF  }
0xc0: {  	[dreg:$0x0] =	wrdreg $0xFFFFFFFF;
	(pc) =	sbr.abs _section_cstart, $3  }
0xc1: {  	[dreg:$0x1] =	wrdreg $0xFFFFFFFF  }
0xc2: {  	_ =	task.clear_ibuf [dreg:s7], $0x2FFFF;
	_ =	strace $0x9FFFFFFF  }
0xc3: {  	(tm) =	ssettm $0x7FFFFFFF  }
tec
execute0_lowered:
.L_overlay_start_1:
0x0: {  	(tag) =	ssettag $0x1  }
0x1: {  	s0 =	rddreg [dreg:$0x0]  }
0x2: {  	s2 =	rddreg [dreg:$0x1]  }
0x3: {  	s3 =	rddreg [dreg:$0x2]  }
0x4: {  	s1 =	srdreg.scid;
	s12 =	stileid.u32;
	s4 =	simm.s32 $0x0  }
0x5: {  	s14 =	simm.s32 $0x80;
	s15 =	simm.s32 $0x100;
	s16 =	simm.s32 $0x180  }
0x6: {  	s17 =	simm.s32 $0x200;
	s18 =	simm.s32 $0x280;
	s19 =	simm.s32 $0x300  }
0x7: {  	s20 =	simm.s32 $0x380;
	s21 =	simm.s32 $0x400;
	s22 =	simm.s32 $0x480  }
0x8: {  	s28 =	simm.s32 $0x700;
	s29 =	simm.s32 $0x780;
	s30 =	simm.s32 $0x1  }
0x9: {  	s31 =	simm.s32 $0x0;
	s1 =	sand.u32 $0x1, s1;
	s8 =	smul.u32 $0x2800, s12  }
0xa: {  	[smem:$0x7FF] =	sst s4;
	s26 =	sshll.u32 s12, $0x6;
	s5 =	sshll.u32 s1, $0x4  }
0xb: {  	s6 =	smul.u32 $0x28000, s1;
	_ =	strace $0x80000047;
	s1 =	ssub.s32 $0x2, s1  }
0xc: {  	s7 =	sor.u32 s12, s5;
	s5 =	sadd.s32 $0x18000, s0;
	s11 =	sshrl.u32 s1, $0x1  }
0xd: {  	s25 =	sadd.s32 s8, s3;
	s12 =	sor.u32 $0x1C02, s26;
	s26 =	simm.s32 $0x680  }
0xe: {  	s9 =	smul.u32 $0x4E, s7;
	s6 =	sadd.s32 s8, s6;
	s10 =	smax.u32 s7, $0x1C  }
0xf: {  	s1 =	ssub.s32 s1, s11;
	p0 =	sgt.u32 s7, $0x1B;
	s11 =	simm.s32 $0x2780  }
0x10: {  	s13 =	sshrl.u32 s25, $0x3;
	s25 =	simm.s32 $0x600;
	s6 =	sshrl.u32 s6, $0x3  }
0x11: {  	s9 =	sadd.s32 s9, s10;
	s23 =	sadd.s32 s6, s0;
	s6 =	simm.s32 $0x3F  }
0x12: {  	s10 =	simm.s32 $0x2;
	s24 =	sshll.u32 s9, $0x4;
	s6 =	simm.s32 @!p0 $0x3E  }
0x13: {  	s8 =	sadd.s32 $0x18200, s23;
	s9 =	smax.u32 s1, $0x1;
	s0 =	sadd.s32 s0, s24  }
0x14: {  	s23 =	simm.s32 $0x500;
	s24 =	simm.s32 $0x580;
	s7 =	sadd.s32 $0xE080, s0  }
.LBB2_1:
0x15: {  	[tilespmem:s4], [sflag:$0x2] =	stream.linear.gather [hbm4b:s7+s4], $0x2780, $0x38;
	[tilespmem:$0x5780] =	vst v63  }
0x16: {  	_ =	swait.ge [sflag:s10], $0x2780  }
0x17: {  	[sflag:s10] =	ssyncset.done $0x0  }
0x18: {  	[sflag:s10] =	ssyncadd.s32 $0xFFFFD880  }
0x19: {  	[tilespmem:s11], [sflag:$0x2] =	stream.linear.gather [hbm4b:s5+s4], $0x800, $0x38;
	[tilespmem:$0x5780] =	vst v63  }
0x1a: {  	_ =	swait.ge [sflag:s10], $0x800  }
0x1b: {  	[sflag:s10] =	ssyncset.done $0x0  }
0x1c: {  	[sflag:s10] =	ssyncadd.s32 $0xFFFFF800  }
0x1d: {  	[spmem:s13], [sflag:s12] =	dma.local [hbm:s2], $0x500  }
0x1e: {  	_ =	swait.ge [sflag:s10], $0x500  }
0x1f: {  	[sflag:s10] =	ssyncset.done $0x0  }
0x20: {  	[sflag:s10] =	ssyncadd.s32 $0xFFFFFB00  }
0x21: {  	[bflag:$0x0] =	sbarrier.arrive $0xFFFF  }
0x22: {  	[spmem:s3] =	stream.indirect.scatter.add.f32 [tilespmem:s11], [sflag:$0x1], $0x10, s4, s14, $0xb8;
	[tilespmem:$0x5780] =	vst v63  }
0x23: {  	_ = 	snop  }
0x24: {  	[spmem:s3] =	stream.indirect.scatter.add.f32 [tilespmem:s11], [sflag:$0x1], $0x10, s14, s14, $0xb8;
	[tilespmem:$0x5780] =	vst v63  }
0x25: {  	_ = 	snop  }
0x26: {  	[spmem:s3] =	stream.indirect.scatter.add.f32 [tilespmem:s11], [sflag:$0x1], $0x10, s15, s14, $0xb8;
	[tilespmem:$0x5780] =	vst v63  }
0x27: {  	_ = 	snop  }
0x28: {  	[spmem:s3] =	stream.indirect.scatter.add.f32 [tilespmem:s11], [sflag:$0x1], $0x10, s16, s14, $0xb8;
	[tilespmem:$0x5780] =	vst v63  }
0x29: {  	_ = 	snop  }
0x2a: {  	[spmem:s3] =	stream.indirect.scatter.add.f32 [tilespmem:s11], [sflag:$0x1], $0x10, s17, s14, $0xb8;
	[tilespmem:$0x5780] =	vst v63  }
0x2b: {  	_ = 	snop  }
0x2c: {  	[spmem:s3] =	stream.indirect.scatter.add.f32 [tilespmem:s11], [sflag:$0x1], $0x10, s18, s14, $0xb8;
	[tilespmem:$0x5780] =	vst v63  }
0x2d: {  	_ = 	snop  }
0x2e: {  	[spmem:s3] =	stream.indirect.scatter.add.f32 [tilespmem:s11], [sflag:$0x1], $0x10, s19, s14, $0xb8;
	[tilespmem:$0x5780] =	vst v63  }
0x2f: {  	_ = 	snop  }
0x30: {  	[spmem:s3] =	stream.indirect.scatter.add.f32 [tilespmem:s11], [sflag:$0x1], $0x10, s20, s14, $0xb8;
	[tilespmem:$0x5780] =	vst v63  }
0x31: {  	_ = 	snop  }
0x32: {  	[spmem:s3] =	stream.indirect.scatter.add.f32 [tilespmem:s11], [sflag:$0x1], $0x10, s21, s14, $0xb8;
	[tilespmem:$0x5780] =	vst v63  }
0x33: {  	_ = 	snop  }
0x34: {  	[spmem:s3] =	stream.indirect.scatter.add.f32 [tilespmem:s11], [sflag:$0x1], $0x10, s22, s14, $0xb8;
	[tilespmem:$0x5780] =	vst v63  }
0x35: {  	_ = 	snop  }
0x36: {  	[spmem:s3] =	stream.indirect.scatter.add.f32 [tilespmem:s11], [sflag:$0x1], $0x10, s23, s14, $0xb8;
	[tilespmem:$0x5780] =	vst v63  }
0x37: {  	_ = 	snop  }
0x38: {  	[spmem:s3] =	stream.indirect.scatter.add.f32 [tilespmem:s11], [sflag:$0x1], $0x10, s24, s14, $0xb8;
	[tilespmem:$0x5780] =	vst v63  }
0x39: {  	_ = 	snop  }
0x3a: {  	[spmem:s3] =	stream.indirect.scatter.add.f32 [tilespmem:s11], [sflag:$0x1], $0x10, s25, s14, $0xb8;
	[tilespmem:$0x5780] =	vst v63  }
0x3b: {  	_ = 	snop  }
0x3c: {  	[spmem:s3] =	stream.indirect.scatter.add.f32 [tilespmem:s11], [sflag:$0x1], $0x10, s26, s14, $0xb8;
	[tilespmem:$0x5780] =	vst v63  }
0x3d: {  	_ = 	snop  }
0x3e: {  	[spmem:s3] =	stream.indirect.scatter.add.f32 [tilespmem:s11], [sflag:$0x1], $0x10, s28, s14, $0xb8;
	[tilespmem:$0x5780] =	vst v63  }
0x3f: {  	p0 =	sne.s32 s6, $0x1  }
0x40: {  	[spmem:s3] =	stream.indirect.scatter.add.f32 [tilespmem:s11], [sflag:$0x1], $0x10, s29, s14, $0xb8;
	[tilespmem:$0x5780] =	vst v63  }
.Ltmp0:
0x41: {  	_ = 	snop;
	(pc) =	sbr.rel @!p0 .LBB2_3-.Ltmp0, $4  }
0x42: {  	s0 =	simm.s32 $0x800  }
0x43: {  	[spmem:s3] =	stream.indirect.scatter.add.f32 [tilespmem:s11], [sflag:$0x1], $0x10, s0, s14, $0xb8;
	[tilespmem:$0x5780] =	vst v63  }
0x44: {  	_ =	swait.ge [sflag:s30], $0x800  }
0x45: {  	s1 =	sadd.s32 $0xFFFFFFFF, s6;
	[sflag:s30] =	ssyncset.done $0x0  }
.LBB2_2:
0x46: {  	p0 =	sne.s32 s1, $0x1;
	[sflag:s30] =	ssyncadd.s32 $0xFFFFF800;
	s0 =	sadd.s32 $0x80, s0  }
.Ltmp1:
0x47: {  	s1 =	sadd.s32 $0xFFFFFFFF, s1;
	(pc) =	sbr.rel @p0 .LBB2_2-.Ltmp1, $4  }
0x48: {  	_ = 	snop  }
0x49: {  	[spmem:s3] =	stream.indirect.scatter.add.f32 [tilespmem:s11], [sflag:$0x1], $0x10, s0, s14, $0xb8;
	[tilespmem:$0x5780] =	vst v63  }
0x4a: {  	_ =	swait.ge [sflag:s30], $0x800  }
0x4b: {  	[sflag:s30] =	ssyncset.done $0x0  }
.LBB2_3:
0x4c: {  	[sflag:s30] =	ssyncadd.s32 $0xFFFFF800  }
0x4d: {  	_ =	swait.ge [sflag:s30], $0x800  }
0x4e: {  	[sflag:s30] =	ssyncset.done $0x0  }
0x4f: {  	[sflag:s30] =	ssyncadd.s32 $0xFFFFF800  }
0x50: {  	_ =	swait.ge [sflag:s30], $0x800  }
0x51: {  	[sflag:s30] =	ssyncset.done $0x0  }
0x52: {  	[sflag:s30] =	ssyncadd.s32 $0xFFFFF800  }
0x53: {  	_ =	swait.ge [sflag:s30], $0x800  }
0x54: {  	[sflag:s30] =	ssyncset.done $0x0  }
0x55: {  	[sflag:s30] =	ssyncadd.s32 $0xFFFFF800  }
0x56: {  	_ =	swait.ge [sflag:s30], $0x800  }
0x57: {  	[sflag:s30] =	ssyncset.done $0x0  }
0x58: {  	[sflag:s30] =	ssyncadd.s32 $0xFFFFF800  }
0x59: {  	_ =	swait.ge [sflag:s30], $0x800  }
0x5a: {  	[sflag:s30] =	ssyncset.done $0x0  }
0x5b: {  	[sflag:s30] =	ssyncadd.s32 $0xFFFFF800  }
0x5c: {  	_ =	swait.ge [sflag:s30], $0x800  }
0x5d: {  	[sflag:s30] =	ssyncset.done $0x0  }
0x5e: {  	[sflag:s30] =	ssyncadd.s32 $0xFFFFF800  }
0x5f: {  	_ =	swait.ge [sflag:s30], $0x800  }
0x60: {  	[sflag:s30] =	ssyncset.done $0x0  }
0x61: {  	[sflag:s30] =	ssyncadd.s32 $0xFFFFF800  }
0x62: {  	_ =	swait.ge [sflag:s30], $0x800  }
0x63: {  	[sflag:s30] =	ssyncset.done $0x0  }
0x64: {  	[sflag:s30] =	ssyncadd.s32 $0xFFFFF800  }
0x65: {  	_ =	swait.ge [sflag:s30], $0x800  }
0x66: {  	[sflag:s30] =	ssyncset.done $0x0  }
0x67: {  	[sflag:s30] =	ssyncadd.s32 $0xFFFFF800  }
0x68: {  	_ =	swait.ge [sflag:s30], $0x800  }
0x69: {  	[sflag:s30] =	ssyncset.done $0x0  }
0x6a: {  	[sflag:s30] =	ssyncadd.s32 $0xFFFFF800  }
0x6b: {  	_ =	swait.ge [sflag:s30], $0x800  }
0x6c: {  	[sflag:s30] =	ssyncset.done $0x0  }
0x6d: {  	[sflag:s30] =	ssyncadd.s32 $0xFFFFF800  }
0x6e: {  	_ =	swait.ge [sflag:s30], $0x800  }
0x6f: {  	[sflag:s30] =	ssyncset.done $0x0  }
0x70: {  	[sflag:s30] =	ssyncadd.s32 $0xFFFFF800  }
0x71: {  	_ =	swait.ge [sflag:s30], $0x800  }
0x72: {  	[sflag:s30] =	ssyncset.done $0x0  }
0x73: {  	[sflag:s30] =	ssyncadd.s32 $0xFFFFF800  }
0x74: {  	_ =	swait.ge [sflag:s30], $0x800  }
0x75: {  	[sflag:s30] =	ssyncset.done $0x0  }
0x76: {  	[sflag:s30] =	ssyncadd.s32 $0xFFFFF800  }
0x77: {  	_ =	swait.ge [sflag:s30], $0x800  }
0x78: {  	[sflag:s30] =	ssyncset.done $0x0  }
0x79: {  	[sflag:s30] =	ssyncadd.s32 $0xFFFFF800  }
0x7a: {  	_ =	swait.ge [sflag:s30], $0x800  }
0x7b: {  	s31 =	sadd.s32 $0x1, s31;
	[sflag:s30] =	ssyncset.done $0x0  }
0x7c: {  	p0 =	sne.s32 s31, s9;
	[sflag:s30] =	ssyncadd.s32 $0xFFFFF800  }
.Ltmp2:
0x7d: {  	[bflag:$0x0] =	sbarrier.arrive $0xFFFF;
	(pc) =	sbr.rel @p0 .LBB2_1-.Ltmp2, $4  }
0x7e: {  	[hbm:s8], [sflag:s12] =	dma.local [spmem:s13], $0x500  }
0x7f: {  	_ =	swait.ge [sflag:s10], $0x500  }
0x80: {  	[sflag:s10] =	ssyncset.done $0x0  }
0x81: {  	[sflag:s10] =	ssyncadd.s32 $0xFFFFFB00  }
0x82: {  	_ =	sfence.sel $0x180000  }
0x83: {  	[bflag:$0x0] =	sbarrier.arrive $0xFFFF  }
0x84: {  	_ =	strace $0x90000047  }
0x85: {  	s0 =	stileid.u32;
	[bflag:$0x2] =	sbarrier.arrive $0xFFFF  }
0x86: {  	p0 =	sne.s32 s0, $0x0;
	s0 =	rddreg [dreg:$0x3]  }
0x87: {  	s0 =	sadd.s32 @!p0 $0x100000, s0  }
0x88: {  	[sflag:s0] =	ssyncadd.tile.s32 @!p0 $0x1;
	_ =	shalt  }
.Lfunc_end2:
_tile_overlayer_lowered:
.L_overlay_start_2:
0x89: {  	(tag) =	ssettag $0x2  }
0x8a: {  	s0 =	rddreg [dreg:$0x0];
	s2 =	stileid.u32  }
0x8b: {  	s1 =	rddreg [dreg:$0x1];
	p0 =	sne.s32 s2, $0x0  }
0x8c: {  	s3 =	rddreg [dreg:$0x2];
	[bflag:$0x3] =	sbarrier.arrive $0xFFFF;
	s2 =	simm.s32 @!p0 $0x1C02  }
0x8d: {  	[timem:s3], [sflag:s2] =	dma.local @!p0 [hbm:s0], s1  }
0x8e: {  	s0 =	simm.s32 @!p0 $0x2  }
0x8f: {  	_ =	swait.ge @!p0 [sflag:s0], s1  }
0x90: {  	s1 =	ssub.s32 @!p0 $0x0, s1;
	[sflag:s0] =	ssyncset.done @!p0 $0x0  }
0x91: {  	[sflag:s0] =	ssyncadd.s32 @!p0 s1  }
0x92: {  	[bflag:$0x3] =	sbarrier.arrive $0xFFFF  }
0x93: {  	_ =	shalt  }

</sc_bundles>
